<compile_context>
chip_gen: v7x
topology: tpu7x:2x2x1
jax: 0.10.2.dev20260603
libtpu: 0.0.44.dev20260713+nightly
codegen_flags: <defaults>
</compile_context>

<pallas_src>
import jax
import jax.numpy as jnp
from jax import lax
from jax.experimental import pallas as pl
from jax.experimental.pallas import tpu as pltpu
from jax.experimental.pallas import tpu_sc as plsc

N = 10000
K = 16
HIDDEN = 256
NHEADS = 8
HEAD_DIM = HIDDEN // NHEADS
SCALE = HEAD_DIM ** (-0.5)

NUM_CORES = 2
NUM_SUBCORES = 16
NUM_WORKERS = NUM_CORES * NUM_SUBCORES
GROUP = 8
PER_WORKER = 320
NPAD = NUM_WORKERS * PER_WORKER
GROUPS = PER_WORKER // GROUP
ROWS = GROUP * K
HALFK = K // 2
CROWS = GROUP * HALFK
PKD = HEAD_DIM // 2
PKW = HIDDEN // 2
IDXB = PER_WORKER * K


def _attn_body(k_h, v_h, q_h, idx_h, out_h,
               k_sp, idx0, idx1, kbuf, vbuf0, vbuf1, qb0, qb1, out_v, w_v,
               sem_k, sem_v, sem_o):
    cid = lax.axis_index("c")
    sid = lax.axis_index("s")
    wid = sid * NUM_CORES + cid
    iota = lax.iota(jnp.int32, 16)
    iota8 = iota & 7
    swap8 = iota ^ 8

    @pl.when(sid == 0)
    def _():
        pltpu.sync_copy(k_h, k_sp)

    plsc.subcore_barrier()

    def stage_idx(g, idxb):
        pltpu.sync_copy(idx_h.at[pl.ds(wid * IDXB + g * ROWS, ROWS)], idxb)

    def issue_v(g, idxb, vbuf, qb):
        pltpu.async_copy(v_h.at[idxb], vbuf, sem_v)
        node0 = wid * PER_WORKER + g * GROUP
        pltpu.async_copy(q_h.at[pl.ds(node0, GROUP)], qb, sem_v)

    def wait_v(vbuf, qb):
        pltpu.make_async_copy(v_h.at[pl.ds(0, ROWS)], vbuf, sem_v).wait()
        pltpu.make_async_copy(q_h.at[pl.ds(0, GROUP)], qb, sem_v).wait()

    stage_idx(0, idx0)
    issue_v(0, idx0, vbuf0, qb0)

    def do_group(g, idxb_cur, idxb_nxt, vbuf_cur, vbuf_nxt, q_v, qb_nxt):
        node0 = wid * PER_WORKER + g * GROUP

        @pl.when(g + 1 < GROUPS)
        def _():
            stage_idx(g + 1, idxb_nxt)
            issue_v(g + 1, idxb_nxt, vbuf_nxt, qb_nxt)

        wait_v(vbuf_cur, q_v)

        for half in range(2):
            pltpu.async_copy(
                k_sp.at[idxb_cur.at[pl.ds(half * CROWS, CROWS)]],
                kbuf, sem_k,
            ).wait()
            def hbody_s(h, carry1, half=half):
                def cbody(c, svecs):
                    colv = h * PKD + ((c + iota) & (PKD - 1))
                    qe = plsc.load_gather(q_v, [iota8, colv * 2])
                    qo = plsc.load_gather(q_v, [iota8, colv * 2 + 1])
                    new = []
                    for kk in range(HALFK):
                        kv = plsc.load_gather(kbuf, [iota8 + kk * GROUP, colv])
                        ke, ko = plsc.unpack(
                            plsc.bitcast(kv, jnp.bfloat16),
                            format=plsc.PackFormat.INTERLEAVED,
                        )
                        new.append(svecs[kk] + qe * ke + qo * ko)
                    return tuple(new)

                svecs = lax.fori_loop(
                    0, PKD // 2, cbody,
                    tuple(jnp.zeros((16,), jnp.float32) for _ in range(HALFK)),
                )
                for kk in range(HALFK):
                    slot = (h * K + half * HALFK + kk) * 16
                    w_v[pl.ds(slot, 16)] = svecs[kk]
                return carry1

            lax.fori_loop(0, NHEADS, hbody_s, 0)

        def hbody_m(h, carry1):
            m = None
            for kk in range(K):
                slot = (h * K + kk) * 16
                sv = w_v[pl.ds(slot, 16)]
                sv = (sv + plsc.load_gather(w_v, [slot + swap8])) * SCALE
                w_v[pl.ds(slot, 16)] = sv
                m = sv if m is None else jnp.maximum(m, sv)
            ssum = None
            for kk in range(K):
                slot = (h * K + kk) * 16
                e = jnp.exp(w_v[pl.ds(slot, 16)] - m)
                w_v[pl.ds(slot, 16)] = e
                ssum = e if ssum is None else ssum + e
            winv = 1.0 / ssum
            for kk in range(K):
                slot = (h * K + kk) * 16
                w_v[pl.ds(slot, 16)] = w_v[pl.ds(slot, 16)] * winv
            return carry1

        lax.fori_loop(0, NHEADS, hbody_m, 0)

        @pl.when(g > 0)
        def _():
            pltpu.make_async_copy(
                out_v, out_h.at[pl.ds(0, GROUP)], sem_o).wait()

        def hbody_o(h, carry1):
            def obody(c, carry2):
                colv = h * PKD + ((c + iota) & (PKD - 1))
                oe = jnp.zeros((16,), jnp.float32)
                oo = jnp.zeros((16,), jnp.float32)
                for kk in range(K):
                    wv = w_v[pl.ds((h * K + kk) * 16, 16)]
                    vv = plsc.load_gather(
                        vbuf_cur, [iota8 + kk * GROUP, colv])
                    ve, vo = plsc.unpack(
                        plsc.bitcast(vv, jnp.bfloat16),
                        format=plsc.PackFormat.INTERLEAVED,
                    )
                    oe = oe + wv * ve
                    oo = oo + wv * vo
                plsc.store_scatter(out_v, [iota8, colv * 2], oe)
                plsc.store_scatter(out_v, [iota8, colv * 2 + 1], oo)
                return carry2

            lax.fori_loop(0, PKD // 2, obody, 0)
            return carry1

        lax.fori_loop(0, NHEADS, hbody_o, 0)

        pltpu.async_copy(out_v, out_h.at[pl.ds(node0, GROUP)], sem_o)

    def pair_body(i, carry):
        g0 = i * 2
        do_group(g0, idx0, idx1, vbuf0, vbuf1, qb0, qb1)
        do_group(g0 + 1, idx1, idx0, vbuf1, vbuf0, qb1, qb0)
        return carry

    lax.fori_loop(0, GROUPS // 2, pair_body, 0)
    pltpu.make_async_copy(out_v, out_h.at[pl.ds(0, GROUP)], sem_o).wait()


def kernel(keys, queries, values, neighbor_idx):
    n, k = neighbor_idx.shape
    idx32 = neighbor_idx.astype(jnp.int32)
    qpad = jnp.pad(queries, ((0, NPAD - n), (0, 0)))
    idxpad = jnp.pad(idx32, ((0, NPAD - n), (0, 0)))
    idx_flat = (idxpad.reshape(NPAD // GROUP, GROUP, K)
                .transpose(0, 2, 1)
                .reshape(NPAD * K))
    k_i32 = jax.lax.bitcast_convert_type(
        keys.astype(jnp.bfloat16).reshape(n, PKW, 2), jnp.int32)
    v_i32 = jax.lax.bitcast_convert_type(
        values.astype(jnp.bfloat16).reshape(n, PKW, 2), jnp.int32)

    mesh = plsc.VectorSubcoreMesh(core_axis_name="c", subcore_axis_name="s")
    fn = pl.kernel(
        _attn_body,
        out_type=jax.ShapeDtypeStruct((NPAD, HIDDEN), jnp.float32),
        mesh=mesh,
        compiler_params=pltpu.CompilerParams(
            use_tc_tiling_on_sc=False,
            needs_layout_passes=False,
        ),
        scratch_types=[
            pltpu.VMEM_SHARED((N, PKW), jnp.int32),
            pltpu.VMEM((ROWS,), jnp.int32),
            pltpu.VMEM((ROWS,), jnp.int32),
            pltpu.VMEM((CROWS, PKW), jnp.int32),
            pltpu.VMEM((ROWS, PKW), jnp.int32),
            pltpu.VMEM((ROWS, PKW), jnp.int32),
            pltpu.VMEM((GROUP, HIDDEN), jnp.float32),
            pltpu.VMEM((GROUP, HIDDEN), jnp.float32),
            pltpu.VMEM((GROUP, HIDDEN), jnp.float32),
            pltpu.VMEM((NHEADS * K * 16,), jnp.float32),
            pltpu.SemaphoreType.DMA,
            pltpu.SemaphoreType.DMA,
            pltpu.SemaphoreType.DMA,
        ],
    )
    out = fn(k_i32, v_i32, qpad, idx_flat)
    return out[:n]

# --- scband reference (transcript-rebuilt; emitter-appended) ---
"""Pipeline reference for scband-attention-10342281249301 (READ-ONLY COPY).

The authoritative reference and input builder live on the scoring server;
editing this copy changes nothing except your own understanding.
"""

import jax, jax.numpy as jnp
import numpy as np

N = 10000
K = 16
HIDDEN = 256
NHEADS = 8
HEAD_DIM = HIDDEN // NHEADS
SCALE = HEAD_DIM ** (-0.5)


def setup_inputs(seed: int = 0) -> dict:
    key = jax.random.key(seed)
    k1, k2, k3, k4 = jax.random.split(key, 4)
    keys = jax.random.normal(k1, (N, HIDDEN), dtype=jnp.float32)
    queries = jax.random.normal(k2, (N, HIDDEN), dtype=jnp.float32)
    values = jax.random.normal(k3, (N, HIDDEN), dtype=jnp.float32)
    neighbor_idx = jax.random.randint(k4, (N, K), 0, N, dtype=jnp.int64)
    return {"keys": keys, "queries": queries, "values": values, "neighbor_idx": neighbor_idx}


def reference(keys, queries, values, neighbor_idx):
    n, k = neighbor_idx.shape
    q = queries.reshape(n, NHEADS, HEAD_DIM)
    kk = keys.reshape(n, NHEADS, HEAD_DIM)
    v = values.reshape(n, NHEADS, HEAD_DIM)
    # gather neighbor keys/values: (n, k, nheads, head_dim)
    neighbor_keys = jnp.take(kk, neighbor_idx, axis=0)
    neighbor_values = jnp.take(v, neighbor_idx, axis=0)
    # transpose to (n, nheads, k, head_dim)
    neighbor_keys = jnp.transpose(neighbor_keys, (0, 2, 1, 3))
    neighbor_values = jnp.transpose(neighbor_values, (0, 2, 1, 3))
    # scores: (n, nheads, k)
    scores = jnp.einsum('nhd,nhkd->nhk', q, neighbor_keys) * SCALE
    weights = jax.nn.softmax(scores, axis=-1)
    # dropout p=0.0 -> identity
    out = jnp.einsum('nhk,nhkd->nhd', weights, neighbor_values)
    return out.reshape(n, HIDDEN)

if __name__ == "__main__":
    import jax
    _d = setup_inputs()
    print(jax.jit(kernel)(*tuple(_d.values())))

</pallas_src>

<mosaic_0001>
#map = affine_map<(d0, d1) -> (0, 0)>
#map1 = affine_map<(d0, d1) -> (0)>
module attributes {stable_mosaic.version = 14 : i64} {
  func.func @_attn_body(%arg0: i32, %arg1: i32, %arg2: memref<10000x128xi32, #tpu.memory_space<hbm>>, %arg3: memref<10000x128xi32, #tpu.memory_space<hbm>>, %arg4: memref<10240x256xf32, #tpu.memory_space<hbm>>, %arg5: memref<163840xi32, #tpu.memory_space<hbm>>, %arg6: memref<10240x256xf32, #tpu.memory_space<hbm>>, %arg7: memref<10000x128xi32, #tpu.memory_space<vmem_shared>>, %arg8: memref<128xi32, #tpu.memory_space<vmem>>, %arg9: memref<128xi32, #tpu.memory_space<vmem>>, %arg10: memref<64x128xi32, #tpu.memory_space<vmem>>, %arg11: memref<128x128xi32, #tpu.memory_space<vmem>>, %arg12: memref<128x128xi32, #tpu.memory_space<vmem>>, %arg13: memref<8x256xf32, #tpu.memory_space<vmem>>, %arg14: memref<8x256xf32, #tpu.memory_space<vmem>>, %arg15: memref<8x256xf32, #tpu.memory_space<vmem>>, %arg16: memref<2048xf32, #tpu.memory_space<vmem>>, %arg17: memref<!tpu.dma_semaphore, #tpu.memory_space<semaphore_mem>>, %arg18: memref<!tpu.dma_semaphore, #tpu.memory_space<semaphore_mem>>, %arg19: memref<!tpu.dma_semaphore, #tpu.memory_space<semaphore_mem>>) attributes {dimension_semantics = [#tpu.dimension_semantics<core_parallel>, #tpu.dimension_semantics<subcore_parallel>], iteration_bounds = array<i64: 2, 16>, scalar_prefetch = 0 : i64, scratch_operands = 13 : i64, tpu.core_type = #tpu.core_type<sc_vector_subcore>, window_params = [{transform_indices = #map}, {transform_indices = #map}, {transform_indices = #map}, {transform_indices = #map1}, {transform_indices = #map}]} {
    %mul3A = arith.constant 2 : i32
    %mul3A_0 = arith.muli %arg1, %mul3A : i32
    %add3A = arith.addi %mul3A_0, %arg0 : i32
    %iota3A = tpu.iota {dimensions = array<i32: 0>} : vector<16xi32>
    %and3A = arith.constant 7 : i32
    %and3A_1 = vector.broadcast %and3A : i32 to vector<16xi32>
    %and3A_2 = arith.andi %iota3A, %and3A_1 : vector<16xi32>
    %xor3A = arith.constant 8 : i32
    %xor3A_3 = vector.broadcast %xor3A : i32 to vector<16xi32>
    %xor3A_4 = arith.xori %iota3A, %xor3A_3 : vector<16xi32>
    %eq3A = arith.constant 0 : i32
    %eq3A_5 = arith.cmpi eq, %arg1, %eq3A : i32
    %convert_element_type3A = arith.extui %eq3A_5 : i1 to i32
    %cond3A = arith.constant 0 : i32
    %cond3A_6 = arith.cmpi ne, %convert_element_type3A, %cond3A : i32
    scf.if %cond3A_6 {
      "tpu.region"() ({
        %run_scoped3A = tpu.sem_alloc : memref<!tpu.dma_semaphore, #tpu.memory_space<semaphore_mem>>
        tpu.enqueue_dma source(%arg2 : memref<10000x128xi32, #tpu.memory_space<hbm>>) target(%arg7 : memref<10000x128xi32, #tpu.memory_space<vmem_shared>>) target_semaphore(%run_scoped3A : memref<!tpu.dma_semaphore, #tpu.memory_space<semaphore_mem>>)
        tpu.wait_dma2 semaphore(%run_scoped3A : memref<!tpu.dma_semaphore, #tpu.memory_space<semaphore_mem>>) src(%arg2 : memref<10000x128xi32, #tpu.memory_space<hbm>>) dst(%arg7 : memref<10000x128xi32, #tpu.memory_space<vmem_shared>>)
        tpu.yield
      }) : () -> ()
    } else {
    }
    %barrier3A = arith.constant 0 : index
    tpu.barrier barrier_id(%barrier3A)
    %mul3A_7 = arith.constant 5120 : i32
    %mul3A_8 = arith.muli %add3A, %mul3A_7 : i32
    %add3A_9 = arith.constant 0 : i32
    %add3A_10 = arith.addi %mul3A_8, %add3A_9 : i32
    "tpu.region"() ({
      %run_scoped3A = tpu.sem_alloc : memref<!tpu.dma_semaphore, #tpu.memory_space<semaphore_mem>>
      %dma_start3A_31 = tpu.memref_slice %arg5[%add3A_10] : memref<163840xi32, #tpu.memory_space<hbm>> -> memref<128xi32, #tpu.memory_space<hbm>>
      %dma_start3A_32 = tpu.memref_slice %arg5[%add3A_10] : memref<163840xi32, #tpu.memory_space<hbm>> -> memref<128xi32, #tpu.memory_space<hbm>>
      tpu.enqueue_dma source(%dma_start3A_32 : memref<128xi32, #tpu.memory_space<hbm>>) target(%arg8 : memref<128xi32, #tpu.memory_space<vmem>>) target_semaphore(%run_scoped3A : memref<!tpu.dma_semaphore, #tpu.memory_space<semaphore_mem>>)
      %dma_wait3A_33 = tpu.memref_slice %arg5[%add3A_10] : memref<163840xi32, #tpu.memory_space<hbm>> -> memref<128xi32, #tpu.memory_space<hbm>>
      %dma_wait3A_34 = tpu.memref_slice %arg5[%add3A_10] : memref<163840xi32, #tpu.memory_space<hbm>> -> memref<128xi32, #tpu.memory_space<hbm>>
      tpu.wait_dma2 semaphore(%run_scoped3A : memref<!tpu.dma_semaphore, #tpu.memory_space<semaphore_mem>>) src(%dma_wait3A_34 : memref<128xi32, #tpu.memory_space<hbm>>) dst(%arg8 : memref<128xi32, #tpu.memory_space<vmem>>)
      tpu.yield
    }) : () -> ()
    %dma_start3A = arith.constant 0 : i32
    %dma_start3A_11 = arith.constant 0 : i32
    %dma_start3A_12 = tpu.memref_slice %arg3[%dma_start3A, %dma_start3A_11] : memref<10000x128xi32, #tpu.memory_space<hbm>> -> memref<10000x128xi32, #tpu.memory_space<hbm>>
    tpu.enqueue_indirect_dma source(%dma_start3A_12 : memref<10000x128xi32, #tpu.memory_space<hbm>>) target(%arg11 : memref<128x128xi32, #tpu.memory_space<vmem>>) offsets(%arg8 : memref<128xi32, #tpu.memory_space<vmem>>) semaphore(%arg18 : memref<!tpu.dma_semaphore, #tpu.memory_space<semaphore_mem>>)
    %mul3A_13 = arith.constant 320 : i32
    %mul3A_14 = arith.muli %add3A, %mul3A_13 : i32
    %add3A_15 = arith.constant 0 : i32
    %add3A_16 = arith.addi %mul3A_14, %add3A_15 : i32
    %dma_start3A_17 = arith.constant 0 : i32
    %dma_start3A_18 = tpu.memref_slice %arg4[%add3A_16, %dma_start3A_17] : memref<10240x256xf32, #tpu.memory_space<hbm>> -> memref<8x256xf32, #tpu.memory_space<hbm>>
    %dma_start3A_19 = arith.constant 0 : i32
    %dma_start3A_20 = tpu.memref_slice %arg4[%add3A_16, %dma_start3A_19] : memref<10240x256xf32, #tpu.memory_space<hbm>> -> memref<8x256xf32, #tpu.memory_space<hbm>>
    tpu.enqueue_dma source(%dma_start3A_20 : memref<8x256xf32, #tpu.memory_space<hbm>>) target(%arg13 : memref<8x256xf32, #tpu.memory_space<vmem>>) target_semaphore(%arg18 : memref<!tpu.dma_semaphore, #tpu.memory_space<semaphore_mem>>)
    %scan3A = arith.constant 0 : i32
    %scan3A_21 = arith.constant 0 : i32
    %scan3A_22 = arith.constant 20 : i32
    %scan3A_23 = arith.addi %scan3A_21, %scan3A_22 : i32
    %scan3A_24 = arith.constant 1 : i32
    scf.for %scan3A_31 = %scan3A_21 to %scan3A_23 step %scan3A_24  : i32 {
      %mul3A_32 = arith.constant 2 : i32
      %mul3A_33 = arith.muli %scan3A_31, %mul3A_32 : i32
      %mul3A_34 = arith.constant 320 : i32
      %mul3A_35 = arith.muli %add3A, %mul3A_34 : i32
      %mul3A_36 = arith.constant 8 : i32
      %mul3A_37 = arith.muli %mul3A_33, %mul3A_36 : i32
      %add3A_38 = arith.addi %mul3A_35, %mul3A_37 : i32
      %add3A_39 = arith.constant 1 : i32
      %add3A_40 = arith.addi %mul3A_33, %add3A_39 : i32
      %lt3A = arith.constant 40 : i32
      %lt3A_41 = arith.cmpi slt, %add3A_40, %lt3A : i32
      %convert_element_type3A_42 = arith.extui %lt3A_41 : i1 to i32
      %cond3A_43 = arith.constant 0 : i32
      %cond3A_44 = arith.cmpi ne, %convert_element_type3A_42, %cond3A_43 : i32
      scf.if %cond3A_44 {
        %add3A_188 = arith.constant 1 : i32
        %add3A_189 = arith.addi %mul3A_33, %add3A_188 : i32
        %mul3A_190 = arith.constant 5120 : i32
        %mul3A_191 = arith.muli %add3A, %mul3A_190 : i32
        %mul3A_192 = arith.constant 128 : i32
        %mul3A_193 = arith.muli %add3A_189, %mul3A_192 : i32
        %add3A_194 = arith.addi %mul3A_191, %mul3A_193 : i32
        "tpu.region"() ({
          %run_scoped3A = tpu.sem_alloc : memref<!tpu.dma_semaphore, #tpu.memory_space<semaphore_mem>>
          %dma_start3A_209 = tpu.memref_slice %arg5[%add3A_194] : memref<163840xi32, #tpu.memory_space<hbm>> -> memref<128xi32, #tpu.memory_space<hbm>>
          %dma_start3A_210 = tpu.memref_slice %arg5[%add3A_194] : memref<163840xi32, #tpu.memory_space<hbm>> -> memref<128xi32, #tpu.memory_space<hbm>>
          tpu.enqueue_dma source(%dma_start3A_210 : memref<128xi32, #tpu.memory_space<hbm>>) target(%arg9 : memref<128xi32, #tpu.memory_space<vmem>>) target_semaphore(%run_scoped3A : memref<!tpu.dma_semaphore, #tpu.memory_space<semaphore_mem>>)
          %dma_wait3A_211 = tpu.memref_slice %arg5[%add3A_194] : memref<163840xi32, #tpu.memory_space<hbm>> -> memref<128xi32, #tpu.memory_space<hbm>>
          %dma_wait3A_212 = tpu.memref_slice %arg5[%add3A_194] : memref<163840xi32, #tpu.memory_space<hbm>> -> memref<128xi32, #tpu.memory_space<hbm>>
          tpu.wait_dma2 semaphore(%run_scoped3A : memref<!tpu.dma_semaphore, #tpu.memory_space<semaphore_mem>>) src(%dma_wait3A_212 : memref<128xi32, #tpu.memory_space<hbm>>) dst(%arg9 : memref<128xi32, #tpu.memory_space<vmem>>)
          tpu.yield
        }) : () -> ()
        %add3A_195 = arith.constant 1 : i32
        %add3A_196 = arith.addi %mul3A_33, %add3A_195 : i32
        %dma_start3A_197 = arith.constant 0 : i32
        %dma_start3A_198 = arith.constant 0 : i32
        %dma_start3A_199 = tpu.memref_slice %arg3[%dma_start3A_197, %dma_start3A_198] : memref<10000x128xi32, #tpu.memory_space<hbm>> -> memref<10000x128xi32, #tpu.memory_space<hbm>>
        tpu.enqueue_indirect_dma source(%dma_start3A_199 : memref<10000x128xi32, #tpu.memory_space<hbm>>) target(%arg12 : memref<128x128xi32, #tpu.memory_space<vmem>>) offsets(%arg9 : memref<128xi32, #tpu.memory_space<vmem>>) semaphore(%arg18 : memref<!tpu.dma_semaphore, #tpu.memory_space<semaphore_mem>>)
        %mul3A_200 = arith.constant 320 : i32
        %mul3A_201 = arith.muli %add3A, %mul3A_200 : i32
        %mul3A_202 = arith.constant 8 : i32
        %mul3A_203 = arith.muli %add3A_196, %mul3A_202 : i32
        %add3A_204 = arith.addi %mul3A_201, %mul3A_203 : i32
        %dma_start3A_205 = arith.constant 0 : i32
        %dma_start3A_206 = tpu.memref_slice %arg4[%add3A_204, %dma_start3A_205] : memref<10240x256xf32, #tpu.memory_space<hbm>> -> memref<8x256xf32, #tpu.memory_space<hbm>>
        %dma_start3A_207 = arith.constant 0 : i32
        %dma_start3A_208 = tpu.memref_slice %arg4[%add3A_204, %dma_start3A_207] : memref<10240x256xf32, #tpu.memory_space<hbm>> -> memref<8x256xf32, #tpu.memory_space<hbm>>
        tpu.enqueue_dma source(%dma_start3A_208 : memref<8x256xf32, #tpu.memory_space<hbm>>) target(%arg14 : memref<8x256xf32, #tpu.memory_space<vmem>>) target_semaphore(%arg18 : memref<!tpu.dma_semaphore, #tpu.memory_space<semaphore_mem>>)
      } else {
      }
      %dma_wait3A_45 = arith.constant 0 : i32
      %dma_wait3A_46 = arith.constant 0 : i32
      %dma_wait3A_47 = tpu.memref_slice %arg3[%dma_wait3A_45, %dma_wait3A_46] : memref<10000x128xi32, #tpu.memory_space<hbm>> -> memref<128x128xi32, #tpu.memory_space<hbm>>
      %dma_wait3A_48 = arith.constant 0 : i32
      %dma_wait3A_49 = arith.constant 0 : i32
      %dma_wait3A_50 = tpu.memref_slice %arg3[%dma_wait3A_48, %dma_wait3A_49] : memref<10000x128xi32, #tpu.memory_space<hbm>> -> memref<128x128xi32, #tpu.memory_space<hbm>>
      tpu.wait_dma2 semaphore(%arg18 : memref<!tpu.dma_semaphore, #tpu.memory_space<semaphore_mem>>) src(%dma_wait3A_50 : memref<128x128xi32, #tpu.memory_space<hbm>>) dst(%arg11 : memref<128x128xi32, #tpu.memory_space<vmem>>)
      %dma_wait3A_51 = arith.constant 0 : i32
      %dma_wait3A_52 = arith.constant 0 : i32
      %dma_wait3A_53 = tpu.memref_slice %arg4[%dma_wait3A_51, %dma_wait3A_52] : memref<10240x256xf32, #tpu.memory_space<hbm>> -> memref<8x256xf32, #tpu.memory_space<hbm>>
      %dma_wait3A_54 = arith.constant 0 : i32
      %dma_wait3A_55 = arith.constant 0 : i32
      %dma_wait3A_56 = tpu.memref_slice %arg4[%dma_wait3A_54, %dma_wait3A_55] : memref<10240x256xf32, #tpu.memory_space<hbm>> -> memref<8x256xf32, #tpu.memory_space<hbm>>
      tpu.wait_dma2 semaphore(%arg18 : memref<!tpu.dma_semaphore, #tpu.memory_space<semaphore_mem>>) src(%dma_wait3A_56 : memref<8x256xf32, #tpu.memory_space<hbm>>) dst(%arg13 : memref<8x256xf32, #tpu.memory_space<vmem>>)
      %dma_start3A_57 = arith.constant 0 : i32
      %dma_start3A_58 = tpu.memref_slice %arg8[%dma_start3A_57] : memref<128xi32, #tpu.memory_space<vmem>> -> memref<64xi32, #tpu.memory_space<vmem>>
      %dma_start3A_59 = arith.constant 0 : i32
      %dma_start3A_60 = arith.constant 0 : i32
      %dma_start3A_61 = tpu.memref_slice %arg7[%dma_start3A_59, %dma_start3A_60] : memref<10000x128xi32, #tpu.memory_space<vmem_shared>> -> memref<10000x128xi32, #tpu.memory_space<vmem_shared>>
      tpu.enqueue_indirect_dma source(%dma_start3A_61 : memref<10000x128xi32, #tpu.memory_space<vmem_shared>>) target(%arg10 : memref<64x128xi32, #tpu.memory_space<vmem>>) offsets(%dma_start3A_58 : memref<64xi32, #tpu.memory_space<vmem>>) semaphore(%arg17 : memref<!tpu.dma_semaphore, #tpu.memory_space<semaphore_mem>>)
      %dma_wait3A_62 = arith.constant 0 : i32
      %dma_wait3A_63 = tpu.memref_slice %arg8[%dma_wait3A_62] : memref<128xi32, #tpu.memory_space<vmem>> -> memref<64xi32, #tpu.memory_space<vmem>>
      %dma_wait3A_64 = arith.constant 0 : i32
      %dma_wait3A_65 = arith.constant 0 : i32
      %dma_wait3A_66 = tpu.memref_slice %arg7[%dma_wait3A_64, %dma_wait3A_65] : memref<10000x128xi32, #tpu.memory_space<vmem_shared>> -> memref<10000x128xi32, #tpu.memory_space<vmem_shared>>
      tpu.wait_indirect_dma semaphore(%arg17 : memref<!tpu.dma_semaphore, #tpu.memory_space<semaphore_mem>>) src(%dma_wait3A_66 : memref<10000x128xi32, #tpu.memory_space<vmem_shared>>) dst(%arg10 : memref<64x128xi32, #tpu.memory_space<vmem>>)
      %scan3A_67 = arith.constant 0 : i32
      %scan3A_68 = arith.constant 0 : i32
      %scan3A_69 = arith.constant 8 : i32
      %scan3A_70 = arith.addi %scan3A_68, %scan3A_69 : i32
      %scan3A_71 = arith.constant 1 : i32
      scf.for %scan3A_188 = %scan3A_68 to %scan3A_70 step %scan3A_71  : i32 {
        %broadcast_in_dim3A = arith.constant 0.000000e+00 : f32
        %broadcast_in_dim3A_189 = vector.broadcast %broadcast_in_dim3A : f32 to vector<16xf32>
        %broadcast_in_dim3A_190 = arith.constant 0.000000e+00 : f32
        %broadcast_in_dim3A_191 = vector.broadcast %broadcast_in_dim3A_190 : f32 to vector<16xf32>
        %broadcast_in_dim3A_192 = arith.constant 0.000000e+00 : f32
        %broadcast_in_dim3A_193 = vector.broadcast %broadcast_in_dim3A_192 : f32 to vector<16xf32>
        %broadcast_in_dim3A_194 = arith.constant 0.000000e+00 : f32
        %broadcast_in_dim3A_195 = vector.broadcast %broadcast_in_dim3A_194 : f32 to vector<16xf32>
        %broadcast_in_dim3A_196 = arith.constant 0.000000e+00 : f32
        %broadcast_in_dim3A_197 = vector.broadcast %broadcast_in_dim3A_196 : f32 to vector<16xf32>
        %broadcast_in_dim3A_198 = arith.constant 0.000000e+00 : f32
        %broadcast_in_dim3A_199 = vector.broadcast %broadcast_in_dim3A_198 : f32 to vector<16xf32>
        %broadcast_in_dim3A_200 = arith.constant 0.000000e+00 : f32
        %broadcast_in_dim3A_201 = vector.broadcast %broadcast_in_dim3A_200 : f32 to vector<16xf32>
        %broadcast_in_dim3A_202 = arith.constant 0.000000e+00 : f32
        %broadcast_in_dim3A_203 = vector.broadcast %broadcast_in_dim3A_202 : f32 to vector<16xf32>
        %scan3A_204 = arith.constant 0 : i32
        %scan3A_205 = arith.constant 8 : i32
        %scan3A_206 = arith.addi %scan3A_204, %scan3A_205 : i32
        %scan3A_207 = arith.constant 1 : i32
        %scan3A_208:8 = scf.for %scan3A_289 = %scan3A_204 to %scan3A_206 step %scan3A_207 iter_args(%scan3A_290 = %broadcast_in_dim3A_189, %scan3A_291 = %broadcast_in_dim3A_191, %scan3A_292 = %broadcast_in_dim3A_193, %scan3A_293 = %broadcast_in_dim3A_195, %scan3A_294 = %broadcast_in_dim3A_197, %scan3A_295 = %broadcast_in_dim3A_199, %scan3A_296 = %broadcast_in_dim3A_201, %scan3A_297 = %broadcast_in_dim3A_203) -> (vector<16xf32>, vector<16xf32>, vector<16xf32>, vector<16xf32>, vector<16xf32>, vector<16xf32>, vector<16xf32>, vector<16xf32>)  : i32 {
          %mul3A_298 = arith.constant 16 : i32
          %mul3A_299 = arith.muli %scan3A_188, %mul3A_298 : i32
          %add3A_300 = vector.broadcast %scan3A_289 : i32 to vector<16xi32>
          %add3A_301 = arith.addi %add3A_300, %iota3A : vector<16xi32>
          %and3A_302 = arith.constant 15 : i32
          %and3A_303 = vector.broadcast %and3A_302 : i32 to vector<16xi32>
          %and3A_304 = arith.andi %add3A_301, %and3A_303 : vector<16xi32>
          %add3A_305 = vector.broadcast %mul3A_299 : i32 to vector<16xi32>
          %add3A_306 = arith.addi %add3A_305, %and3A_304 : vector<16xi32>
          %mul3A_307 = arith.constant 2 : i32
          %mul3A_308 = vector.broadcast %mul3A_307 : i32 to vector<16xi32>
          %mul3A_309 = arith.muli %add3A_306, %mul3A_308 : vector<16xi32>
          %gather3A = tpu.vector_load_idx %arg13[%and3A_2, %mul3A_309] : memref<8x256xf32, #tpu.memory_space<vmem>>[vector<16xi32>, vector<16xi32>], vector<16xf32>,
          %mul3A_310 = arith.constant 2 : i32
          %mul3A_311 = vector.broadcast %mul3A_310 : i32 to vector<16xi32>
          %mul3A_312 = arith.muli %add3A_306, %mul3A_311 : vector<16xi32>
          %add3A_313 = arith.constant 1 : i32
          %add3A_314 = vector.broadcast %add3A_313 : i32 to vector<16xi32>
          %add3A_315 = arith.addi %mul3A_312, %add3A_314 : vector<16xi32>
          %gather3A_316 = tpu.vector_load_idx %arg13[%and3A_2, %add3A_315] : memref<8x256xf32, #tpu.memory_space<vmem>>[vector<16xi32>, vector<16xi32>], vector<16xf32>,
          %add3A_317 = arith.constant 0 : i32
          %add3A_318 = vector.broadcast %add3A_317 : i32 to vector<16xi32>
          %add3A_319 = arith.addi %and3A_2, %add3A_318 : vector<16xi32>
          %gather3A_320 = tpu.vector_load_idx %arg10[%add3A_319, %add3A_306] : memref<64x128xi32, #tpu.memory_space<vmem>>[vector<16xi32>, vector<16xi32>], vector<16xi32>,
          %bitcast3A = vector.bitcast %gather3A_320 : vector<16xi32> to vector<32xbf16>
          %unpack3A = tpu.unpack_subelements %bitcast3A, 0 {pack_format = #tpu.pack_format<interleaved>} : vector<32xbf16> -> vector<16xf32>
          %unpack3A_321 = tpu.unpack_subelements %bitcast3A, 1 {pack_format = #tpu.pack_format<interleaved>} : vector<32xbf16> -> vector<16xf32>
          %mul3A_322 = arith.mulf %gather3A, %unpack3A : vector<16xf32>
          %add3A_323 = arith.addf %scan3A_290, %mul3A_322 : vector<16xf32>
          %mul3A_324 = arith.mulf %gather3A_316, %unpack3A_321 : vector<16xf32>
          %add3A_325 = arith.addf %add3A_323, %mul3A_324 : vector<16xf32>
          %add3A_326 = arith.constant 8 : i32
          %add3A_327 = vector.broadcast %add3A_326 : i32 to vector<16xi32>
          %add3A_328 = arith.addi %and3A_2, %add3A_327 : vector<16xi32>
          %gather3A_329 = tpu.vector_load_idx %arg10[%add3A_328, %add3A_306] : memref<64x128xi32, #tpu.memory_space<vmem>>[vector<16xi32>, vector<16xi32>], vector<16xi32>,
          %bitcast3A_330 = vector.bitcast %gather3A_329 : vector<16xi32> to vector<32xbf16>
          %unpack3A_331 = tpu.unpack_subelements %bitcast3A_330, 0 {pack_format = #tpu.pack_format<interleaved>} : vector<32xbf16> -> vector<16xf32>
          %unpack3A_332 = tpu.unpack_subelements %bitcast3A_330, 1 {pack_format = #tpu.pack_format<interleaved>} : vector<32xbf16> -> vector<16xf32>
          %mul3A_333 = arith.mulf %gather3A, %unpack3A_331 : vector<16xf32>
          %add3A_334 = arith.addf %scan3A_291, %mul3A_333 : vector<16xf32>
          %mul3A_335 = arith.mulf %gather3A_316, %unpack3A_332 : vector<16xf32>
          %add3A_336 = arith.addf %add3A_334, %mul3A_335 : vector<16xf32>
          %add3A_337 = arith.constant 16 : i32
          %add3A_338 = vector.broadcast %add3A_337 : i32 to vector<16xi32>
          %add3A_339 = arith.addi %and3A_2, %add3A_338 : vector<16xi32>
          %gather3A_340 = tpu.vector_load_idx %arg10[%add3A_339, %add3A_306] : memref<64x128xi32, #tpu.memory_space<vmem>>[vector<16xi32>, vector<16xi32>], vector<16xi32>,
          %bitcast3A_341 = vector.bitcast %gather3A_340 : vector<16xi32> to vector<32xbf16>
          %unpack3A_342 = tpu.unpack_subelements %bitcast3A_341, 0 {pack_format = #tpu.pack_format<interleaved>} : vector<32xbf16> -> vector<16xf32>
          %unpack3A_343 = tpu.unpack_subelements %bitcast3A_341, 1 {pack_format = #tpu.pack_format<interleaved>} : vector<32xbf16> -> vector<16xf32>
          %mul3A_344 = arith.mulf %gather3A, %unpack3A_342 : vector<16xf32>
          %add3A_345 = arith.addf %scan3A_292, %mul3A_344 : vector<16xf32>
          %mul3A_346 = arith.mulf %gather3A_316, %unpack3A_343 : vector<16xf32>
          %add3A_347 = arith.addf %add3A_345, %mul3A_346 : vector<16xf32>
          %add3A_348 = arith.constant 24 : i32
          %add3A_349 = vector.broadcast %add3A_348 : i32 to vector<16xi32>
          %add3A_350 = arith.addi %and3A_2, %add3A_349 : vector<16xi32>
          %gather3A_351 = tpu.vector_load_idx %arg10[%add3A_350, %add3A_306] : memref<64x128xi32, #tpu.memory_space<vmem>>[vector<16xi32>, vector<16xi32>], vector<16xi32>,
          %bitcast3A_352 = vector.bitcast %gather3A_351 : vector<16xi32> to vector<32xbf16>
          %unpack3A_353 = tpu.unpack_subelements %bitcast3A_352, 0 {pack_format = #tpu.pack_format<interleaved>} : vector<32xbf16> -> vector<16xf32>
          %unpack3A_354 = tpu.unpack_subelements %bitcast3A_352, 1 {pack_format = #tpu.pack_format<interleaved>} : vector<32xbf16> -> vector<16xf32>
          %mul3A_355 = arith.mulf %gather3A, %unpack3A_353 : vector<16xf32>
          %add3A_356 = arith.addf %scan3A_293, %mul3A_355 : vector<16xf32>
          %mul3A_357 = arith.mulf %gather3A_316, %unpack3A_354 : vector<16xf32>
          %add3A_358 = arith.addf %add3A_356, %mul3A_357 : vector<16xf32>
          %add3A_359 = arith.constant 32 : i32
          %add3A_360 = vector.broadcast %add3A_359 : i32 to vector<16xi32>
          %add3A_361 = arith.addi %and3A_2, %add3A_360 : vector<16xi32>
          %gather3A_362 = tpu.vector_load_idx %arg10[%add3A_361, %add3A_306] : memref<64x128xi32, #tpu.memory_space<vmem>>[vector<16xi32>, vector<16xi32>], vector<16xi32>,
          %bitcast3A_363 = vector.bitcast %gather3A_362 : vector<16xi32> to vector<32xbf16>
          %unpack3A_364 = tpu.unpack_subelements %bitcast3A_363, 0 {pack_format = #tpu.pack_format<interleaved>} : vector<32xbf16> -> vector<16xf32>
          %unpack3A_365 = tpu.unpack_subelements %bitcast3A_363, 1 {pack_format = #tpu.pack_format<interleaved>} : vector<32xbf16> -> vector<16xf32>
          %mul3A_366 = arith.mulf %gather3A, %unpack3A_364 : vector<16xf32>
          %add3A_367 = arith.addf %scan3A_294, %mul3A_366 : vector<16xf32>
          %mul3A_368 = arith.mulf %gather3A_316, %unpack3A_365 : vector<16xf32>
          %add3A_369 = arith.addf %add3A_367, %mul3A_368 : vector<16xf32>
          %add3A_370 = arith.constant 40 : i32
          %add3A_371 = vector.broadcast %add3A_370 : i32 to vector<16xi32>
          %add3A_372 = arith.addi %and3A_2, %add3A_371 : vector<16xi32>
          %gather3A_373 = tpu.vector_load_idx %arg10[%add3A_372, %add3A_306] : memref<64x128xi32, #tpu.memory_space<vmem>>[vector<16xi32>, vector<16xi32>], vector<16xi32>,
          %bitcast3A_374 = vector.bitcast %gather3A_373 : vector<16xi32> to vector<32xbf16>
          %unpack3A_375 = tpu.unpack_subelements %bitcast3A_374, 0 {pack_format = #tpu.pack_format<interleaved>} : vector<32xbf16> -> vector<16xf32>
          %unpack3A_376 = tpu.unpack_subelements %bitcast3A_374, 1 {pack_format = #tpu.pack_format<interleaved>} : vector<32xbf16> -> vector<16xf32>
          %mul3A_377 = arith.mulf %gather3A, %unpack3A_375 : vector<16xf32>
          %add3A_378 = arith.addf %scan3A_295, %mul3A_377 : vector<16xf32>
          %mul3A_379 = arith.mulf %gather3A_316, %unpack3A_376 : vector<16xf32>
          %add3A_380 = arith.addf %add3A_378, %mul3A_379 : vector<16xf32>
          %add3A_381 = arith.constant 48 : i32
          %add3A_382 = vector.broadcast %add3A_381 : i32 to vector<16xi32>
          %add3A_383 = arith.addi %and3A_2, %add3A_382 : vector<16xi32>
          %gather3A_384 = tpu.vector_load_idx %arg10[%add3A_383, %add3A_306] : memref<64x128xi32, #tpu.memory_space<vmem>>[vector<16xi32>, vector<16xi32>], vector<16xi32>,
          %bitcast3A_385 = vector.bitcast %gather3A_384 : vector<16xi32> to vector<32xbf16>
          %unpack3A_386 = tpu.unpack_subelements %bitcast3A_385, 0 {pack_format = #tpu.pack_format<interleaved>} : vector<32xbf16> -> vector<16xf32>
          %unpack3A_387 = tpu.unpack_subelements %bitcast3A_385, 1 {pack_format = #tpu.pack_format<interleaved>} : vector<32xbf16> -> vector<16xf32>
          %mul3A_388 = arith.mulf %gather3A, %unpack3A_386 : vector<16xf32>
          %add3A_389 = arith.addf %scan3A_296, %mul3A_388 : vector<16xf32>
          %mul3A_390 = arith.mulf %gather3A_316, %unpack3A_387 : vector<16xf32>
          %add3A_391 = arith.addf %add3A_389, %mul3A_390 : vector<16xf32>
          %add3A_392 = arith.constant 56 : i32
          %add3A_393 = vector.broadcast %add3A_392 : i32 to vector<16xi32>
          %add3A_394 = arith.addi %and3A_2, %add3A_393 : vector<16xi32>
          %gather3A_395 = tpu.vector_load_idx %arg10[%add3A_394, %add3A_306] : memref<64x128xi32, #tpu.memory_space<vmem>>[vector<16xi32>, vector<16xi32>], vector<16xi32>,
          %bitcast3A_396 = vector.bitcast %gather3A_395 : vector<16xi32> to vector<32xbf16>
          %unpack3A_397 = tpu.unpack_subelements %bitcast3A_396, 0 {pack_format = #tpu.pack_format<interleaved>} : vector<32xbf16> -> vector<16xf32>
          %unpack3A_398 = tpu.unpack_subelements %bitcast3A_396, 1 {pack_format = #tpu.pack_format<interleaved>} : vector<32xbf16> -> vector<16xf32>
          %mul3A_399 = arith.mulf %gather3A, %unpack3A_397 : vector<16xf32>
          %add3A_400 = arith.addf %scan3A_297, %mul3A_399 : vector<16xf32>
          %mul3A_401 = arith.mulf %gather3A_316, %unpack3A_398 : vector<16xf32>
          %add3A_402 = arith.addf %add3A_400, %mul3A_401 : vector<16xf32>
          scf.yield %add3A_325, %add3A_336, %add3A_347, %add3A_358, %add3A_369, %add3A_380, %add3A_391, %add3A_402 : vector<16xf32>, vector<16xf32>, vector<16xf32>, vector<16xf32>, vector<16xf32>, vector<16xf32>, vector<16xf32>, vector<16xf32>
        }
        %scan3A_209 = arith.constant 8 : i32
        %mul3A_210 = arith.constant 16 : i32
        %mul3A_211 = arith.muli %scan3A_188, %mul3A_210 : i32
        %add3A_212 = arith.constant 0 : i32
        %add3A_213 = arith.addi %mul3A_211, %add3A_212 : i32
        %add3A_214 = arith.constant 0 : i32
        %add3A_215 = arith.addi %add3A_213, %add3A_214 : i32
        %mul3A_216 = arith.constant 16 : i32
        %mul3A_217 = arith.muli %add3A_215, %mul3A_216 : i32
        %swap3A = arith.index_cast %mul3A_217 : i32 to index
        %swap3A_218 = tpu.vector_load %arg16[%swap3A] {strides = array<i32>} : memref<2048xf32, #tpu.memory_space<vmem>>, vector<16xf32>,
        tpu.vector_store %arg16[%swap3A], %scan3A_208#0 {strides = array<i32>} : memref<2048xf32, #tpu.memory_space<vmem>>, vector<16xf32>,
        %mul3A_219 = arith.constant 16 : i32
        %mul3A_220 = arith.muli %scan3A_188, %mul3A_219 : i32
        %add3A_221 = arith.constant 0 : i32
        %add3A_222 = arith.addi %mul3A_220, %add3A_221 : i32
        %add3A_223 = arith.constant 1 : i32
        %add3A_224 = arith.addi %add3A_222, %add3A_223 : i32
        %mul3A_225 = arith.constant 16 : i32
        %mul3A_226 = arith.muli %add3A_224, %mul3A_225 : i32
        %swap3A_227 = arith.index_cast %mul3A_226 : i32 to index
        %swap3A_228 = tpu.vector_load %arg16[%swap3A_227] {strides = array<i32>} : memref<2048xf32, #tpu.memory_space<vmem>>, vector<16xf32>,
        tpu.vector_store %arg16[%swap3A_227], %scan3A_208#1 {strides = array<i32>} : memref<2048xf32, #tpu.memory_space<vmem>>, vector<16xf32>,
        %mul3A_229 = arith.constant 16 : i32
        %mul3A_230 = arith.muli %scan3A_188, %mul3A_229 : i32
        %add3A_231 = arith.constant 0 : i32
        %add3A_232 = arith.addi %mul3A_230, %add3A_231 : i32
        %add3A_233 = arith.constant 2 : i32
        %add3A_234 = arith.addi %add3A_232, %add3A_233 : i32
        %mul3A_235 = arith.constant 16 : i32
        %mul3A_236 = arith.muli %add3A_234, %mul3A_235 : i32
        %swap3A_237 = arith.index_cast %mul3A_236 : i32 to index
        %swap3A_238 = tpu.vector_load %arg16[%swap3A_237] {strides = array<i32>} : memref<2048xf32, #tpu.memory_space<vmem>>, vector<16xf32>,
        tpu.vector_store %arg16[%swap3A_237], %scan3A_208#2 {strides = array<i32>} : memref<2048xf32, #tpu.memory_space<vmem>>, vector<16xf32>,
        %mul3A_239 = arith.constant 16 : i32
        %mul3A_240 = arith.muli %scan3A_188, %mul3A_239 : i32
        %add3A_241 = arith.constant 0 : i32
        %add3A_242 = arith.addi %mul3A_240, %add3A_241 : i32
        %add3A_243 = arith.constant 3 : i32
        %add3A_244 = arith.addi %add3A_242, %add3A_243 : i32
        %mul3A_245 = arith.constant 16 : i32
        %mul3A_246 = arith.muli %add3A_244, %mul3A_245 : i32
        %swap3A_247 = arith.index_cast %mul3A_246 : i32 to index
        %swap3A_248 = tpu.vector_load %arg16[%swap3A_247] {strides = array<i32>} : memref<2048xf32, #tpu.memory_space<vmem>>, vector<16xf32>,
        tpu.vector_store %arg16[%swap3A_247], %scan3A_208#3 {strides = array<i32>} : memref<2048xf32, #tpu.memory_space<vmem>>, vector<16xf32>,
        %mul3A_249 = arith.constant 16 : i32
        %mul3A_250 = arith.muli %scan3A_188, %mul3A_249 : i32
        %add3A_251 = arith.constant 0 : i32
        %add3A_252 = arith.addi %mul3A_250, %add3A_251 : i32
        %add3A_253 = arith.constant 4 : i32
        %add3A_254 = arith.addi %add3A_252, %add3A_253 : i32
        %mul3A_255 = arith.constant 16 : i32
        %mul3A_256 = arith.muli %add3A_254, %mul3A_255 : i32
        %swap3A_257 = arith.index_cast %mul3A_256 : i32 to index
        %swap3A_258 = tpu.vector_load %arg16[%swap3A_257] {strides = array<i32>} : memref<2048xf32, #tpu.memory_space<vmem>>, vector<16xf32>,
        tpu.vector_store %arg16[%swap3A_257], %scan3A_208#4 {strides = array<i32>} : memref<2048xf32, #tpu.memory_space<vmem>>, vector<16xf32>,
        %mul3A_259 = arith.constant 16 : i32
        %mul3A_260 = arith.muli %scan3A_188, %mul3A_259 : i32
        %add3A_261 = arith.constant 0 : i32
        %add3A_262 = arith.addi %mul3A_260, %add3A_261 : i32
        %add3A_263 = arith.constant 5 : i32
        %add3A_264 = arith.addi %add3A_262, %add3A_263 : i32
        %mul3A_265 = arith.constant 16 : i32
        %mul3A_266 = arith.muli %add3A_264, %mul3A_265 : i32
        %swap3A_267 = arith.index_cast %mul3A_266 : i32 to index
        %swap3A_268 = tpu.vector_load %arg16[%swap3A_267] {strides = array<i32>} : memref<2048xf32, #tpu.memory_space<vmem>>, vector<16xf32>,
        tpu.vector_store %arg16[%swap3A_267], %scan3A_208#5 {strides = array<i32>} : memref<2048xf32, #tpu.memory_space<vmem>>, vector<16xf32>,
        %mul3A_269 = arith.constant 16 : i32
        %mul3A_270 = arith.muli %scan3A_188, %mul3A_269 : i32
        %add3A_271 = arith.constant 0 : i32
        %add3A_272 = arith.addi %mul3A_270, %add3A_271 : i32
        %add3A_273 = arith.constant 6 : i32
        %add3A_274 = arith.addi %add3A_272, %add3A_273 : i32
        %mul3A_275 = arith.constant 16 : i32
        %mul3A_276 = arith.muli %add3A_274, %mul3A_275 : i32
        %swap3A_277 = arith.index_cast %mul3A_276 : i32 to index
        %swap3A_278 = tpu.vector_load %arg16[%swap3A_277] {strides = array<i32>} : memref<2048xf32, #tpu.memory_space<vmem>>, vector<16xf32>,
        tpu.vector_store %arg16[%swap3A_277], %scan3A_208#6 {strides = array<i32>} : memref<2048xf32, #tpu.memory_space<vmem>>, vector<16xf32>,
        %mul3A_279 = arith.constant 16 : i32
        %mul3A_280 = arith.muli %scan3A_188, %mul3A_279 : i32
        %add3A_281 = arith.constant 0 : i32
        %add3A_282 = arith.addi %mul3A_280, %add3A_281 : i32
        %add3A_283 = arith.constant 7 : i32
        %add3A_284 = arith.addi %add3A_282, %add3A_283 : i32
        %mul3A_285 = arith.constant 16 : i32
        %mul3A_286 = arith.muli %add3A_284, %mul3A_285 : i32
        %swap3A_287 = arith.index_cast %mul3A_286 : i32 to index
        %swap3A_288 = tpu.vector_load %arg16[%swap3A_287] {strides = array<i32>} : memref<2048xf32, #tpu.memory_space<vmem>>, vector<16xf32>,
        tpu.vector_store %arg16[%swap3A_287], %scan3A_208#7 {strides = array<i32>} : memref<2048xf32, #tpu.memory_space<vmem>>, vector<16xf32>,
      }
      %scan3A_72 = arith.constant 8 : i32
      %dma_start3A_73 = arith.constant 64 : i32
      %dma_start3A_74 = tpu.memref_slice %arg8[%dma_start3A_73] : memref<128xi32, #tpu.memory_space<vmem>> -> memref<64xi32, #tpu.memory_space<vmem>>
      %dma_start3A_75 = arith.constant 0 : i32
      %dma_start3A_76 = arith.constant 0 : i32
      %dma_start3A_77 = tpu.memref_slice %arg7[%dma_start3A_75, %dma_start3A_76] : memref<10000x128xi32, #tpu.memory_space<vmem_shared>> -> memref<10000x128xi32, #tpu.memory_space<vmem_shared>>
      tpu.enqueue_indirect_dma source(%dma_start3A_77 : memref<10000x128xi32, #tpu.memory_space<vmem_shared>>) target(%arg10 : memref<64x128xi32, #tpu.memory_space<vmem>>) offsets(%dma_start3A_74 : memref<64xi32, #tpu.memory_space<vmem>>) semaphore(%arg17 : memref<!tpu.dma_semaphore, #tpu.memory_space<semaphore_mem>>)
      %dma_wait3A_78 = arith.constant 64 : i32
      %dma_wait3A_79 = tpu.memref_slice %arg8[%dma_wait3A_78] : memref<128xi32, #tpu.memory_space<vmem>> -> memref<64xi32, #tpu.memory_space<vmem>>
      %dma_wait3A_80 = arith.constant 0 : i32
      %dma_wait3A_81 = arith.constant 0 : i32
      %dma_wait3A_82 = tpu.memref_slice %arg7[%dma_wait3A_80, %dma_wait3A_81] : memref<10000x128xi32, #tpu.memory_space<vmem_shared>> -> memref<10000x128xi32, #tpu.memory_space<vmem_shared>>
      tpu.wait_indirect_dma semaphore(%arg17 : memref<!tpu.dma_semaphore, #tpu.memory_space<semaphore_mem>>) src(%dma_wait3A_82 : memref<10000x128xi32, #tpu.memory_space<vmem_shared>>) dst(%arg10 : memref<64x128xi32, #tpu.memory_space<vmem>>)
      %scan3A_83 = arith.constant 0 : i32
      %scan3A_84 = arith.constant 0 : i32
      %scan3A_85 = arith.constant 8 : i32
      %scan3A_86 = arith.addi %scan3A_84, %scan3A_85 : i32
      %scan3A_87 = arith.constant 1 : i32
      scf.for %scan3A_188 = %scan3A_84 to %scan3A_86 step %scan3A_87  : i32 {
        %broadcast_in_dim3A = arith.constant 0.000000e+00 : f32
        %broadcast_in_dim3A_189 = vector.broadcast %broadcast_in_dim3A : f32 to vector<16xf32>
        %broadcast_in_dim3A_190 = arith.constant 0.000000e+00 : f32
        %broadcast_in_dim3A_191 = vector.broadcast %broadcast_in_dim3A_190 : f32 to vector<16xf32>
        %broadcast_in_dim3A_192 = arith.constant 0.000000e+00 : f32
        %broadcast_in_dim3A_193 = vector.broadcast %broadcast_in_dim3A_192 : f32 to vector<16xf32>
        %broadcast_in_dim3A_194 = arith.constant 0.000000e+00 : f32
        %broadcast_in_dim3A_195 = vector.broadcast %broadcast_in_dim3A_194 : f32 to vector<16xf32>
        %broadcast_in_dim3A_196 = arith.constant 0.000000e+00 : f32
        %broadcast_in_dim3A_197 = vector.broadcast %broadcast_in_dim3A_196 : f32 to vector<16xf32>
        %broadcast_in_dim3A_198 = arith.constant 0.000000e+00 : f32
        %broadcast_in_dim3A_199 = vector.broadcast %broadcast_in_dim3A_198 : f32 to vector<16xf32>
        %broadcast_in_dim3A_200 = arith.constant 0.000000e+00 : f32
        %broadcast_in_dim3A_201 = vector.broadcast %broadcast_in_dim3A_200 : f32 to vector<16xf32>
        %broadcast_in_dim3A_202 = arith.constant 0.000000e+00 : f32
        %broadcast_in_dim3A_203 = vector.broadcast %broadcast_in_dim3A_202 : f32 to vector<16xf32>
        %scan3A_204 = arith.constant 0 : i32
        %scan3A_205 = arith.constant 8 : i32
        %scan3A_206 = arith.addi %scan3A_204, %scan3A_205 : i32
        %scan3A_207 = arith.constant 1 : i32
        %scan3A_208:8 = scf.for %scan3A_289 = %scan3A_204 to %scan3A_206 step %scan3A_207 iter_args(%scan3A_290 = %broadcast_in_dim3A_189, %scan3A_291 = %broadcast_in_dim3A_191, %scan3A_292 = %broadcast_in_dim3A_193, %scan3A_293 = %broadcast_in_dim3A_195, %scan3A_294 = %broadcast_in_dim3A_197, %scan3A_295 = %broadcast_in_dim3A_199, %scan3A_296 = %broadcast_in_dim3A_201, %scan3A_297 = %broadcast_in_dim3A_203) -> (vector<16xf32>, vector<16xf32>, vector<16xf32>, vector<16xf32>, vector<16xf32>, vector<16xf32>, vector<16xf32>, vector<16xf32>)  : i32 {
          %mul3A_298 = arith.constant 16 : i32
          %mul3A_299 = arith.muli %scan3A_188, %mul3A_298 : i32
          %add3A_300 = vector.broadcast %scan3A_289 : i32 to vector<16xi32>
          %add3A_301 = arith.addi %add3A_300, %iota3A : vector<16xi32>
          %and3A_302 = arith.constant 15 : i32
          %and3A_303 = vector.broadcast %and3A_302 : i32 to vector<16xi32>
          %and3A_304 = arith.andi %add3A_301, %and3A_303 : vector<16xi32>
          %add3A_305 = vector.broadcast %mul3A_299 : i32 to vector<16xi32>
          %add3A_306 = arith.addi %add3A_305, %and3A_304 : vector<16xi32>
          %mul3A_307 = arith.constant 2 : i32
          %mul3A_308 = vector.broadcast %mul3A_307 : i32 to vector<16xi32>
          %mul3A_309 = arith.muli %add3A_306, %mul3A_308 : vector<16xi32>
          %gather3A = tpu.vector_load_idx %arg13[%and3A_2, %mul3A_309] : memref<8x256xf32, #tpu.memory_space<vmem>>[vector<16xi32>, vector<16xi32>], vector<16xf32>,
          %mul3A_310 = arith.constant 2 : i32
          %mul3A_311 = vector.broadcast %mul3A_310 : i32 to vector<16xi32>
          %mul3A_312 = arith.muli %add3A_306, %mul3A_311 : vector<16xi32>
          %add3A_313 = arith.constant 1 : i32
          %add3A_314 = vector.broadcast %add3A_313 : i32 to vector<16xi32>
          %add3A_315 = arith.addi %mul3A_312, %add3A_314 : vector<16xi32>
          %gather3A_316 = tpu.vector_load_idx %arg13[%and3A_2, %add3A_315] : memref<8x256xf32, #tpu.memory_space<vmem>>[vector<16xi32>, vector<16xi32>], vector<16xf32>,
          %add3A_317 = arith.constant 0 : i32
          %add3A_318 = vector.broadcast %add3A_317 : i32 to vector<16xi32>
          %add3A_319 = arith.addi %and3A_2, %add3A_318 : vector<16xi32>
          %gather3A_320 = tpu.vector_load_idx %arg10[%add3A_319, %add3A_306] : memref<64x128xi32, #tpu.memory_space<vmem>>[vector<16xi32>, vector<16xi32>], vector<16xi32>,
          %bitcast3A = vector.bitcast %gather3A_320 : vector<16xi32> to vector<32xbf16>
          %unpack3A = tpu.unpack_subelements %bitcast3A, 0 {pack_format = #tpu.pack_format<interleaved>} : vector<32xbf16> -> vector<16xf32>
          %unpack3A_321 = tpu.unpack_subelements %bitcast3A, 1 {pack_format = #tpu.pack_format<interleaved>} : vector<32xbf16> -> vector<16xf32>
          %mul3A_322 = arith.mulf %gather3A, %unpack3A : vector<16xf32>
          %add3A_323 = arith.addf %scan3A_290, %mul3A_322 : vector<16xf32>
          %mul3A_324 = arith.mulf %gather3A_316, %unpack3A_321 : vector<16xf32>
          %add3A_325 = arith.addf %add3A_323, %mul3A_324 : vector<16xf32>
          %add3A_326 = arith.constant 8 : i32
          %add3A_327 = vector.broadcast %add3A_326 : i32 to vector<16xi32>
          %add3A_328 = arith.addi %and3A_2, %add3A_327 : vector<16xi32>
          %gather3A_329 = tpu.vector_load_idx %arg10[%add3A_328, %add3A_306] : memref<64x128xi32, #tpu.memory_space<vmem>>[vector<16xi32>, vector<16xi32>], vector<16xi32>,
          %bitcast3A_330 = vector.bitcast %gather3A_329 : vector<16xi32> to vector<32xbf16>
          %unpack3A_331 = tpu.unpack_subelements %bitcast3A_330, 0 {pack_format = #tpu.pack_format<interleaved>} : vector<32xbf16> -> vector<16xf32>
          %unpack3A_332 = tpu.unpack_subelements %bitcast3A_330, 1 {pack_format = #tpu.pack_format<interleaved>} : vector<32xbf16> -> vector<16xf32>
          %mul3A_333 = arith.mulf %gather3A, %unpack3A_331 : vector<16xf32>
          %add3A_334 = arith.addf %scan3A_291, %mul3A_333 : vector<16xf32>
          %mul3A_335 = arith.mulf %gather3A_316, %unpack3A_332 : vector<16xf32>
          %add3A_336 = arith.addf %add3A_334, %mul3A_335 : vector<16xf32>
          %add3A_337 = arith.constant 16 : i32
          %add3A_338 = vector.broadcast %add3A_337 : i32 to vector<16xi32>
          %add3A_339 = arith.addi %and3A_2, %add3A_338 : vector<16xi32>
          %gather3A_340 = tpu.vector_load_idx %arg10[%add3A_339, %add3A_306] : memref<64x128xi32, #tpu.memory_space<vmem>>[vector<16xi32>, vector<16xi32>], vector<16xi32>,
          %bitcast3A_341 = vector.bitcast %gather3A_340 : vector<16xi32> to vector<32xbf16>
          %unpack3A_342 = tpu.unpack_subelements %bitcast3A_341, 0 {pack_format = #tpu.pack_format<interleaved>} : vector<32xbf16> -> vector<16xf32>
          %unpack3A_343 = tpu.unpack_subelements %bitcast3A_341, 1 {pack_format = #tpu.pack_format<interleaved>} : vector<32xbf16> -> vector<16xf32>
          %mul3A_344 = arith.mulf %gather3A, %unpack3A_342 : vector<16xf32>
          %add3A_345 = arith.addf %scan3A_292, %mul3A_344 : vector<16xf32>
          %mul3A_346 = arith.mulf %gather3A_316, %unpack3A_343 : vector<16xf32>
          %add3A_347 = arith.addf %add3A_345, %mul3A_346 : vector<16xf32>
          %add3A_348 = arith.constant 24 : i32
          %add3A_349 = vector.broadcast %add3A_348 : i32 to vector<16xi32>
          %add3A_350 = arith.addi %and3A_2, %add3A_349 : vector<16xi32>
          %gather3A_351 = tpu.vector_load_idx %arg10[%add3A_350, %add3A_306] : memref<64x128xi32, #tpu.memory_space<vmem>>[vector<16xi32>, vector<16xi32>], vector<16xi32>,
          %bitcast3A_352 = vector.bitcast %gather3A_351 : vector<16xi32> to vector<32xbf16>
          %unpack3A_353 = tpu.unpack_subelements %bitcast3A_352, 0 {pack_format = #tpu.pack_format<interleaved>} : vector<32xbf16> -> vector<16xf32>
          %unpack3A_354 = tpu.unpack_subelements %bitcast3A_352, 1 {pack_format = #tpu.pack_format<interleaved>} : vector<32xbf16> -> vector<16xf32>
          %mul3A_355 = arith.mulf %gather3A, %unpack3A_353 : vector<16xf32>
          %add3A_356 = arith.addf %scan3A_293, %mul3A_355 : vector<16xf32>
          %mul3A_357 = arith.mulf %gather3A_316, %unpack3A_354 : vector<16xf32>
          %add3A_358 = arith.addf %add3A_356, %mul3A_357 : vector<16xf32>
          %add3A_359 = arith.constant 32 : i32
          %add3A_360 = vector.broadcast %add3A_359 : i32 to vector<16xi32>
          %add3A_361 = arith.addi %and3A_2, %add3A_360 : vector<16xi32>
          %gather3A_362 = tpu.vector_load_idx %arg10[%add3A_361, %add3A_306] : memref<64x128xi32, #tpu.memory_space<vmem>>[vector<16xi32>, vector<16xi32>], vector<16xi32>,
          %bitcast3A_363 = vector.bitcast %gather3A_362 : vector<16xi32> to vector<32xbf16>
          %unpack3A_364 = tpu.unpack_subelements %bitcast3A_363, 0 {pack_format = #tpu.pack_format<interleaved>} : vector<32xbf16> -> vector<16xf32>
          %unpack3A_365 = tpu.unpack_subelements %bitcast3A_363, 1 {pack_format = #tpu.pack_format<interleaved>} : vector<32xbf16> -> vector<16xf32>
          %mul3A_366 = arith.mulf %gather3A, %unpack3A_364 : vector<16xf32>
          %add3A_367 = arith.addf %scan3A_294, %mul3A_366 : vector<16xf32>
          %mul3A_368 = arith.mulf %gather3A_316, %unpack3A_365 : vector<16xf32>
          %add3A_369 = arith.addf %add3A_367, %mul3A_368 : vector<16xf32>
          %add3A_370 = arith.constant 40 : i32
          %add3A_371 = vector.broadcast %add3A_370 : i32 to vector<16xi32>
          %add3A_372 = arith.addi %and3A_2, %add3A_371 : vector<16xi32>
          %gather3A_373 = tpu.vector_load_idx %arg10[%add3A_372, %add3A_306] : memref<64x128xi32, #tpu.memory_space<vmem>>[vector<16xi32>, vector<16xi32>], vector<16xi32>,
          %bitcast3A_374 = vector.bitcast %gather3A_373 : vector<16xi32> to vector<32xbf16>
          %unpack3A_375 = tpu.unpack_subelements %bitcast3A_374, 0 {pack_format = #tpu.pack_format<interleaved>} : vector<32xbf16> -> vector<16xf32>
          %unpack3A_376 = tpu.unpack_subelements %bitcast3A_374, 1 {pack_format = #tpu.pack_format<interleaved>} : vector<32xbf16> -> vector<16xf32>
          %mul3A_377 = arith.mulf %gather3A, %unpack3A_375 : vector<16xf32>
          %add3A_378 = arith.addf %scan3A_295, %mul3A_377 : vector<16xf32>
          %mul3A_379 = arith.mulf %gather3A_316, %unpack3A_376 : vector<16xf32>
          %add3A_380 = arith.addf %add3A_378, %mul3A_379 : vector<16xf32>
          %add3A_381 = arith.constant 48 : i32
          %add3A_382 = vector.broadcast %add3A_381 : i32 to vector<16xi32>
          %add3A_383 = arith.addi %and3A_2, %add3A_382 : vector<16xi32>
          %gather3A_384 = tpu.vector_load_idx %arg10[%add3A_383, %add3A_306] : memref<64x128xi32, #tpu.memory_space<vmem>>[vector<16xi32>, vector<16xi32>], vector<16xi32>,
          %bitcast3A_385 = vector.bitcast %gather3A_384 : vector<16xi32> to vector<32xbf16>
          %unpack3A_386 = tpu.unpack_subelements %bitcast3A_385, 0 {pack_format = #tpu.pack_format<interleaved>} : vector<32xbf16> -> vector<16xf32>
          %unpack3A_387 = tpu.unpack_subelements %bitcast3A_385, 1 {pack_format = #tpu.pack_format<interleaved>} : vector<32xbf16> -> vector<16xf32>
          %mul3A_388 = arith.mulf %gather3A, %unpack3A_386 : vector<16xf32>
          %add3A_389 = arith.addf %scan3A_296, %mul3A_388 : vector<16xf32>
          %mul3A_390 = arith.mulf %gather3A_316, %unpack3A_387 : vector<16xf32>
          %add3A_391 = arith.addf %add3A_389, %mul3A_390 : vector<16xf32>
          %add3A_392 = arith.constant 56 : i32
          %add3A_393 = vector.broadcast %add3A_392 : i32 to vector<16xi32>
          %add3A_394 = arith.addi %and3A_2, %add3A_393 : vector<16xi32>
          %gather3A_395 = tpu.vector_load_idx %arg10[%add3A_394, %add3A_306] : memref<64x128xi32, #tpu.memory_space<vmem>>[vector<16xi32>, vector<16xi32>], vector<16xi32>,
          %bitcast3A_396 = vector.bitcast %gather3A_395 : vector<16xi32> to vector<32xbf16>
          %unpack3A_397 = tpu.unpack_subelements %bitcast3A_396, 0 {pack_format = #tpu.pack_format<interleaved>} : vector<32xbf16> -> vector<16xf32>
          %unpack3A_398 = tpu.unpack_subelements %bitcast3A_396, 1 {pack_format = #tpu.pack_format<interleaved>} : vector<32xbf16> -> vector<16xf32>
          %mul3A_399 = arith.mulf %gather3A, %unpack3A_397 : vector<16xf32>
          %add3A_400 = arith.addf %scan3A_297, %mul3A_399 : vector<16xf32>
          %mul3A_401 = arith.mulf %gather3A_316, %unpack3A_398 : vector<16xf32>
          %add3A_402 = arith.addf %add3A_400, %mul3A_401 : vector<16xf32>
          scf.yield %add3A_325, %add3A_336, %add3A_347, %add3A_358, %add3A_369, %add3A_380, %add3A_391, %add3A_402 : vector<16xf32>, vector<16xf32>, vector<16xf32>, vector<16xf32>, vector<16xf32>, vector<16xf32>, vector<16xf32>, vector<16xf32>
        }
        %scan3A_209 = arith.constant 8 : i32
        %mul3A_210 = arith.constant 16 : i32
        %mul3A_211 = arith.muli %scan3A_188, %mul3A_210 : i32
        %add3A_212 = arith.constant 8 : i32
        %add3A_213 = arith.addi %mul3A_211, %add3A_212 : i32
        %add3A_214 = arith.constant 0 : i32
        %add3A_215 = arith.addi %add3A_213, %add3A_214 : i32
        %mul3A_216 = arith.constant 16 : i32
        %mul3A_217 = arith.muli %add3A_215, %mul3A_216 : i32
        %swap3A = arith.index_cast %mul3A_217 : i32 to index
        %swap3A_218 = tpu.vector_load %arg16[%swap3A] {strides = array<i32>} : memref<2048xf32, #tpu.memory_space<vmem>>, vector<16xf32>,
        tpu.vector_store %arg16[%swap3A], %scan3A_208#0 {strides = array<i32>} : memref<2048xf32, #tpu.memory_space<vmem>>, vector<16xf32>,
        %mul3A_219 = arith.constant 16 : i32
        %mul3A_220 = arith.muli %scan3A_188, %mul3A_219 : i32
        %add3A_221 = arith.constant 8 : i32
        %add3A_222 = arith.addi %mul3A_220, %add3A_221 : i32
        %add3A_223 = arith.constant 1 : i32
        %add3A_224 = arith.addi %add3A_222, %add3A_223 : i32
        %mul3A_225 = arith.constant 16 : i32
        %mul3A_226 = arith.muli %add3A_224, %mul3A_225 : i32
        %swap3A_227 = arith.index_cast %mul3A_226 : i32 to index
        %swap3A_228 = tpu.vector_load %arg16[%swap3A_227] {strides = array<i32>} : memref<2048xf32, #tpu.memory_space<vmem>>, vector<16xf32>,
        tpu.vector_store %arg16[%swap3A_227], %scan3A_208#1 {strides = array<i32>} : memref<2048xf32, #tpu.memory_space<vmem>>, vector<16xf32>,
        %mul3A_229 = arith.constant 16 : i32
        %mul3A_230 = arith.muli %scan3A_188, %mul3A_229 : i32
        %add3A_231 = arith.constant 8 : i32
        %add3A_232 = arith.addi %mul3A_230, %add3A_231 : i32
        %add3A_233 = arith.constant 2 : i32
        %add3A_234 = arith.addi %add3A_232, %add3A_233 : i32
        %mul3A_235 = arith.constant 16 : i32
        %mul3A_236 = arith.muli %add3A_234, %mul3A_235 : i32
        %swap3A_237 = arith.index_cast %mul3A_236 : i32 to index
        %swap3A_238 = tpu.vector_load %arg16[%swap3A_237] {strides = array<i32>} : memref<2048xf32, #tpu.memory_space<vmem>>, vector<16xf32>,
        tpu.vector_store %arg16[%swap3A_237], %scan3A_208#2 {strides = array<i32>} : memref<2048xf32, #tpu.memory_space<vmem>>, vector<16xf32>,
        %mul3A_239 = arith.constant 16 : i32
        %mul3A_240 = arith.muli %scan3A_188, %mul3A_239 : i32
        %add3A_241 = arith.constant 8 : i32
        %add3A_242 = arith.addi %mul3A_240, %add3A_241 : i32
        %add3A_243 = arith.constant 3 : i32
        %add3A_244 = arith.addi %add3A_242, %add3A_243 : i32
        %mul3A_245 = arith.constant 16 : i32
        %mul3A_246 = arith.muli %add3A_244, %mul3A_245 : i32
        %swap3A_247 = arith.index_cast %mul3A_246 : i32 to index
        %swap3A_248 = tpu.vector_load %arg16[%swap3A_247] {strides = array<i32>} : memref<2048xf32, #tpu.memory_space<vmem>>, vector<16xf32>,
        tpu.vector_store %arg16[%swap3A_247], %scan3A_208#3 {strides = array<i32>} : memref<2048xf32, #tpu.memory_space<vmem>>, vector<16xf32>,
        %mul3A_249 = arith.constant 16 : i32
        %mul3A_250 = arith.muli %scan3A_188, %mul3A_249 : i32
        %add3A_251 = arith.constant 8 : i32
        %add3A_252 = arith.addi %mul3A_250, %add3A_251 : i32
        %add3A_253 = arith.constant 4 : i32
        %add3A_254 = arith.addi %add3A_252, %add3A_253 : i32
        %mul3A_255 = arith.constant 16 : i32
        %mul3A_256 = arith.muli %add3A_254, %mul3A_255 : i32
        %swap3A_257 = arith.index_cast %mul3A_256 : i32 to index
        %swap3A_258 = tpu.vector_load %arg16[%swap3A_257] {strides = array<i32>} : memref<2048xf32, #tpu.memory_space<vmem>>, vector<16xf32>,
        tpu.vector_store %arg16[%swap3A_257], %scan3A_208#4 {strides = array<i32>} : memref<2048xf32, #tpu.memory_space<vmem>>, vector<16xf32>,
        %mul3A_259 = arith.constant 16 : i32
        %mul3A_260 = arith.muli %scan3A_188, %mul3A_259 : i32
        %add3A_261 = arith.constant 8 : i32
        %add3A_262 = arith.addi %mul3A_260, %add3A_261 : i32
        %add3A_263 = arith.constant 5 : i32
        %add3A_264 = arith.addi %add3A_262, %add3A_263 : i32
        %mul3A_265 = arith.constant 16 : i32
        %mul3A_266 = arith.muli %add3A_264, %mul3A_265 : i32
        %swap3A_267 = arith.index_cast %mul3A_266 : i32 to index
        %swap3A_268 = tpu.vector_load %arg16[%swap3A_267] {strides = array<i32>} : memref<2048xf32, #tpu.memory_space<vmem>>, vector<16xf32>,
        tpu.vector_store %arg16[%swap3A_267], %scan3A_208#5 {strides = array<i32>} : memref<2048xf32, #tpu.memory_space<vmem>>, vector<16xf32>,
        %mul3A_269 = arith.constant 16 : i32
        %mul3A_270 = arith.muli %scan3A_188, %mul3A_269 : i32
        %add3A_271 = arith.constant 8 : i32
        %add3A_272 = arith.addi %mul3A_270, %add3A_271 : i32
        %add3A_273 = arith.constant 6 : i32
        %add3A_274 = arith.addi %add3A_272, %add3A_273 : i32
        %mul3A_275 = arith.constant 16 : i32
        %mul3A_276 = arith.muli %add3A_274, %mul3A_275 : i32
        %swap3A_277 = arith.index_cast %mul3A_276 : i32 to index
        %swap3A_278 = tpu.vector_load %arg16[%swap3A_277] {strides = array<i32>} : memref<2048xf32, #tpu.memory_space<vmem>>, vector<16xf32>,
        tpu.vector_store %arg16[%swap3A_277], %scan3A_208#6 {strides = array<i32>} : memref<2048xf32, #tpu.memory_space<vmem>>, vector<16xf32>,
        %mul3A_279 = arith.constant 16 : i32
        %mul3A_280 = arith.muli %scan3A_188, %mul3A_279 : i32
        %add3A_281 = arith.constant 8 : i32
        %add3A_282 = arith.addi %mul3A_280, %add3A_281 : i32
        %add3A_283 = arith.constant 7 : i32
        %add3A_284 = arith.addi %add3A_282, %add3A_283 : i32
        %mul3A_285 = arith.constant 16 : i32
        %mul3A_286 = arith.muli %add3A_284, %mul3A_285 : i32
        %swap3A_287 = arith.index_cast %mul3A_286 : i32 to index
        %swap3A_288 = tpu.vector_load %arg16[%swap3A_287] {strides = array<i32>} : memref<2048xf32, #tpu.memory_space<vmem>>, vector<16xf32>,
        tpu.vector_store %arg16[%swap3A_287], %scan3A_208#7 {strides = array<i32>} : memref<2048xf32, #tpu.memory_space<vmem>>, vector<16xf32>,
      }
      %scan3A_88 = arith.constant 8 : i32
      %scan3A_89 = arith.constant 0 : i32
      %scan3A_90 = arith.constant 0 : i32
      %scan3A_91 = arith.constant 8 : i32
      %scan3A_92 = arith.addi %scan3A_90, %scan3A_91 : i32
      %scan3A_93 = arith.constant 1 : i32
      scf.for %scan3A_188 = %scan3A_90 to %scan3A_92 step %scan3A_93  : i32 {
        %mul3A_189 = arith.constant 16 : i32
        %mul3A_190 = arith.muli %scan3A_188, %mul3A_189 : i32
        %add3A_191 = arith.constant 0 : i32
        %add3A_192 = arith.addi %mul3A_190, %add3A_191 : i32
        %mul3A_193 = arith.constant 16 : i32
        %mul3A_194 = arith.muli %add3A_192, %mul3A_193 : i32
        %get3A = arith.index_cast %mul3A_194 : i32 to index
        %get3A_195 = tpu.vector_load %arg16[%get3A] {strides = array<i32>} : memref<2048xf32, #tpu.memory_space<vmem>>, vector<16xf32>,
        %add3A_196 = vector.broadcast %mul3A_194 : i32 to vector<16xi32>
        %add3A_197 = arith.addi %add3A_196, %xor3A_4 : vector<16xi32>
        %gather3A = tpu.vector_load_idx %arg16[%add3A_197] : memref<2048xf32, #tpu.memory_space<vmem>>[vector<16xi32>], vector<16xf32>,
        %add3A_198 = arith.addf %get3A_195, %gather3A : vector<16xf32>
        %mul3A_199 = arith.constant 0.176776692 : f32
        %mul3A_200 = vector.broadcast %mul3A_199 : f32 to vector<16xf32>
        %mul3A_201 = arith.mulf %add3A_198, %mul3A_200 : vector<16xf32>
        %swap3A = arith.index_cast %mul3A_194 : i32 to index
        %swap3A_202 = tpu.vector_load %arg16[%swap3A] {strides = array<i32>} : memref<2048xf32, #tpu.memory_space<vmem>>, vector<16xf32>,
        tpu.vector_store %arg16[%swap3A], %mul3A_201 {strides = array<i32>} : memref<2048xf32, #tpu.memory_space<vmem>>, vector<16xf32>,
        %mul3A_203 = arith.constant 16 : i32
        %mul3A_204 = arith.muli %scan3A_188, %mul3A_203 : i32
        %add3A_205 = arith.constant 1 : i32
        %add3A_206 = arith.addi %mul3A_204, %add3A_205 : i32
        %mul3A_207 = arith.constant 16 : i32
        %mul3A_208 = arith.muli %add3A_206, %mul3A_207 : i32
        %get3A_209 = arith.index_cast %mul3A_208 : i32 to index
        %get3A_210 = tpu.vector_load %arg16[%get3A_209] {strides = array<i32>} : memref<2048xf32, #tpu.memory_space<vmem>>, vector<16xf32>,
        %add3A_211 = vector.broadcast %mul3A_208 : i32 to vector<16xi32>
        %add3A_212 = arith.addi %add3A_211, %xor3A_4 : vector<16xi32>
        %gather3A_213 = tpu.vector_load_idx %arg16[%add3A_212] : memref<2048xf32, #tpu.memory_space<vmem>>[vector<16xi32>], vector<16xf32>,
        %add3A_214 = arith.addf %get3A_210, %gather3A_213 : vector<16xf32>
        %mul3A_215 = arith.constant 0.176776692 : f32
        %mul3A_216 = vector.broadcast %mul3A_215 : f32 to vector<16xf32>
        %mul3A_217 = arith.mulf %add3A_214, %mul3A_216 : vector<16xf32>
        %swap3A_218 = arith.index_cast %mul3A_208 : i32 to index
        %swap3A_219 = tpu.vector_load %arg16[%swap3A_218] {strides = array<i32>} : memref<2048xf32, #tpu.memory_space<vmem>>, vector<16xf32>,
        tpu.vector_store %arg16[%swap3A_218], %mul3A_217 {strides = array<i32>} : memref<2048xf32, #tpu.memory_space<vmem>>, vector<16xf32>,
        %max3A = arith.maximumf %mul3A_201, %mul3A_217 : vector<16xf32>
        %mul3A_220 = arith.constant 16 : i32
        %mul3A_221 = arith.muli %scan3A_188, %mul3A_220 : i32
        %add3A_222 = arith.constant 2 : i32
        %add3A_223 = arith.addi %mul3A_221, %add3A_222 : i32
        %mul3A_224 = arith.constant 16 : i32
        %mul3A_225 = arith.muli %add3A_223, %mul3A_224 : i32
        %get3A_226 = arith.index_cast %mul3A_225 : i32 to index
        %get3A_227 = tpu.vector_load %arg16[%get3A_226] {strides = array<i32>} : memref<2048xf32, #tpu.memory_space<vmem>>, vector<16xf32>,
        %add3A_228 = vector.broadcast %mul3A_225 : i32 to vector<16xi32>
        %add3A_229 = arith.addi %add3A_228, %xor3A_4 : vector<16xi32>
        %gather3A_230 = tpu.vector_load_idx %arg16[%add3A_229] : memref<2048xf32, #tpu.memory_space<vmem>>[vector<16xi32>], vector<16xf32>,
        %add3A_231 = arith.addf %get3A_227, %gather3A_230 : vector<16xf32>
        %mul3A_232 = arith.constant 0.176776692 : f32
        %mul3A_233 = vector.broadcast %mul3A_232 : f32 to vector<16xf32>
        %mul3A_234 = arith.mulf %add3A_231, %mul3A_233 : vector<16xf32>
        %swap3A_235 = arith.index_cast %mul3A_225 : i32 to index
        %swap3A_236 = tpu.vector_load %arg16[%swap3A_235] {strides = array<i32>} : memref<2048xf32, #tpu.memory_space<vmem>>, vector<16xf32>,
        tpu.vector_store %arg16[%swap3A_235], %mul3A_234 {strides = array<i32>} : memref<2048xf32, #tpu.memory_space<vmem>>, vector<16xf32>,
        %max3A_237 = arith.maximumf %max3A, %mul3A_234 : vector<16xf32>
        %mul3A_238 = arith.constant 16 : i32
        %mul3A_239 = arith.muli %scan3A_188, %mul3A_238 : i32
        %add3A_240 = arith.constant 3 : i32
        %add3A_241 = arith.addi %mul3A_239, %add3A_240 : i32
        %mul3A_242 = arith.constant 16 : i32
        %mul3A_243 = arith.muli %add3A_241, %mul3A_242 : i32
        %get3A_244 = arith.index_cast %mul3A_243 : i32 to index
        %get3A_245 = tpu.vector_load %arg16[%get3A_244] {strides = array<i32>} : memref<2048xf32, #tpu.memory_space<vmem>>, vector<16xf32>,
        %add3A_246 = vector.broadcast %mul3A_243 : i32 to vector<16xi32>
        %add3A_247 = arith.addi %add3A_246, %xor3A_4 : vector<16xi32>
        %gather3A_248 = tpu.vector_load_idx %arg16[%add3A_247] : memref<2048xf32, #tpu.memory_space<vmem>>[vector<16xi32>], vector<16xf32>,
        %add3A_249 = arith.addf %get3A_245, %gather3A_248 : vector<16xf32>
        %mul3A_250 = arith.constant 0.176776692 : f32
        %mul3A_251 = vector.broadcast %mul3A_250 : f32 to vector<16xf32>
        %mul3A_252 = arith.mulf %add3A_249, %mul3A_251 : vector<16xf32>
        %swap3A_253 = arith.index_cast %mul3A_243 : i32 to index
        %swap3A_254 = tpu.vector_load %arg16[%swap3A_253] {strides = array<i32>} : memref<2048xf32, #tpu.memory_space<vmem>>, vector<16xf32>,
        tpu.vector_store %arg16[%swap3A_253], %mul3A_252 {strides = array<i32>} : memref<2048xf32, #tpu.memory_space<vmem>>, vector<16xf32>,
        %max3A_255 = arith.maximumf %max3A_237, %mul3A_252 : vector<16xf32>
        %mul3A_256 = arith.constant 16 : i32
        %mul3A_257 = arith.muli %scan3A_188, %mul3A_256 : i32
        %add3A_258 = arith.constant 4 : i32
        %add3A_259 = arith.addi %mul3A_257, %add3A_258 : i32
        %mul3A_260 = arith.constant 16 : i32
        %mul3A_261 = arith.muli %add3A_259, %mul3A_260 : i32
        %get3A_262 = arith.index_cast %mul3A_261 : i32 to index
        %get3A_263 = tpu.vector_load %arg16[%get3A_262] {strides = array<i32>} : memref<2048xf32, #tpu.memory_space<vmem>>, vector<16xf32>,
        %add3A_264 = vector.broadcast %mul3A_261 : i32 to vector<16xi32>
        %add3A_265 = arith.addi %add3A_264, %xor3A_4 : vector<16xi32>
        %gather3A_266 = tpu.vector_load_idx %arg16[%add3A_265] : memref<2048xf32, #tpu.memory_space<vmem>>[vector<16xi32>], vector<16xf32>,
        %add3A_267 = arith.addf %get3A_263, %gather3A_266 : vector<16xf32>
        %mul3A_268 = arith.constant 0.176776692 : f32
        %mul3A_269 = vector.broadcast %mul3A_268 : f32 to vector<16xf32>
        %mul3A_270 = arith.mulf %add3A_267, %mul3A_269 : vector<16xf32>
        %swap3A_271 = arith.index_cast %mul3A_261 : i32 to index
        %swap3A_272 = tpu.vector_load %arg16[%swap3A_271] {strides = array<i32>} : memref<2048xf32, #tpu.memory_space<vmem>>, vector<16xf32>,
        tpu.vector_store %arg16[%swap3A_271], %mul3A_270 {strides = array<i32>} : memref<2048xf32, #tpu.memory_space<vmem>>, vector<16xf32>,
        %max3A_273 = arith.maximumf %max3A_255, %mul3A_270 : vector<16xf32>
        %mul3A_274 = arith.constant 16 : i32
        %mul3A_275 = arith.muli %scan3A_188, %mul3A_274 : i32
        %add3A_276 = arith.constant 5 : i32
        %add3A_277 = arith.addi %mul3A_275, %add3A_276 : i32
        %mul3A_278 = arith.constant 16 : i32
        %mul3A_279 = arith.muli %add3A_277, %mul3A_278 : i32
        %get3A_280 = arith.index_cast %mul3A_279 : i32 to index
        %get3A_281 = tpu.vector_load %arg16[%get3A_280] {strides = array<i32>} : memref<2048xf32, #tpu.memory_space<vmem>>, vector<16xf32>,
        %add3A_282 = vector.broadcast %mul3A_279 : i32 to vector<16xi32>
        %add3A_283 = arith.addi %add3A_282, %xor3A_4 : vector<16xi32>
        %gather3A_284 = tpu.vector_load_idx %arg16[%add3A_283] : memref<2048xf32, #tpu.memory_space<vmem>>[vector<16xi32>], vector<16xf32>,
        %add3A_285 = arith.addf %get3A_281, %gather3A_284 : vector<16xf32>
        %mul3A_286 = arith.constant 0.176776692 : f32
        %mul3A_287 = vector.broadcast %mul3A_286 : f32 to vector<16xf32>
        %mul3A_288 = arith.mulf %add3A_285, %mul3A_287 : vector<16xf32>
        %swap3A_289 = arith.index_cast %mul3A_279 : i32 to index
        %swap3A_290 = tpu.vector_load %arg16[%swap3A_289] {strides = array<i32>} : memref<2048xf32, #tpu.memory_space<vmem>>, vector<16xf32>,
        tpu.vector_store %arg16[%swap3A_289], %mul3A_288 {strides = array<i32>} : memref<2048xf32, #tpu.memory_space<vmem>>, vector<16xf32>,
        %max3A_291 = arith.maximumf %max3A_273, %mul3A_288 : vector<16xf32>
        %mul3A_292 = arith.constant 16 : i32
        %mul3A_293 = arith.muli %scan3A_188, %mul3A_292 : i32
        %add3A_294 = arith.constant 6 : i32
        %add3A_295 = arith.addi %mul3A_293, %add3A_294 : i32
        %mul3A_296 = arith.constant 16 : i32
        %mul3A_297 = arith.muli %add3A_295, %mul3A_296 : i32
        %get3A_298 = arith.index_cast %mul3A_297 : i32 to index
        %get3A_299 = tpu.vector_load %arg16[%get3A_298] {strides = array<i32>} : memref<2048xf32, #tpu.memory_space<vmem>>, vector<16xf32>,
        %add3A_300 = vector.broadcast %mul3A_297 : i32 to vector<16xi32>
        %add3A_301 = arith.addi %add3A_300, %xor3A_4 : vector<16xi32>
        %gather3A_302 = tpu.vector_load_idx %arg16[%add3A_301] : memref<2048xf32, #tpu.memory_space<vmem>>[vector<16xi32>], vector<16xf32>,
        %add3A_303 = arith.addf %get3A_299, %gather3A_302 : vector<16xf32>
        %mul3A_304 = arith.constant 0.176776692 : f32
        %mul3A_305 = vector.broadcast %mul3A_304 : f32 to vector<16xf32>
        %mul3A_306 = arith.mulf %add3A_303, %mul3A_305 : vector<16xf32>
        %swap3A_307 = arith.index_cast %mul3A_297 : i32 to index
        %swap3A_308 = tpu.vector_load %arg16[%swap3A_307] {strides = array<i32>} : memref<2048xf32, #tpu.memory_space<vmem>>, vector<16xf32>,
        tpu.vector_store %arg16[%swap3A_307], %mul3A_306 {strides = array<i32>} : memref<2048xf32, #tpu.memory_space<vmem>>, vector<16xf32>,
        %max3A_309 = arith.maximumf %max3A_291, %mul3A_306 : vector<16xf32>
        %mul3A_310 = arith.constant 16 : i32
        %mul3A_311 = arith.muli %scan3A_188, %mul3A_310 : i32
        %add3A_312 = arith.constant 7 : i32
        %add3A_313 = arith.addi %mul3A_311, %add3A_312 : i32
        %mul3A_314 = arith.constant 16 : i32
        %mul3A_315 = arith.muli %add3A_313, %mul3A_314 : i32
        %get3A_316 = arith.index_cast %mul3A_315 : i32 to index
        %get3A_317 = tpu.vector_load %arg16[%get3A_316] {strides = array<i32>} : memref<2048xf32, #tpu.memory_space<vmem>>, vector<16xf32>,
        %add3A_318 = vector.broadcast %mul3A_315 : i32 to vector<16xi32>
        %add3A_319 = arith.addi %add3A_318, %xor3A_4 : vector<16xi32>
        %gather3A_320 = tpu.vector_load_idx %arg16[%add3A_319] : memref<2048xf32, #tpu.memory_space<vmem>>[vector<16xi32>], vector<16xf32>,
        %add3A_321 = arith.addf %get3A_317, %gather3A_320 : vector<16xf32>
        %mul3A_322 = arith.constant 0.176776692 : f32
        %mul3A_323 = vector.broadcast %mul3A_322 : f32 to vector<16xf32>
        %mul3A_324 = arith.mulf %add3A_321, %mul3A_323 : vector<16xf32>
        %swap3A_325 = arith.index_cast %mul3A_315 : i32 to index
        %swap3A_326 = tpu.vector_load %arg16[%swap3A_325] {strides = array<i32>} : memref<2048xf32, #tpu.memory_space<vmem>>, vector<16xf32>,
        tpu.vector_store %arg16[%swap3A_325], %mul3A_324 {strides = array<i32>} : memref<2048xf32, #tpu.memory_space<vmem>>, vector<16xf32>,
        %max3A_327 = arith.maximumf %max3A_309, %mul3A_324 : vector<16xf32>
        %mul3A_328 = arith.constant 16 : i32
        %mul3A_329 = arith.muli %scan3A_188, %mul3A_328 : i32
        %add3A_330 = arith.constant 8 : i32
        %add3A_331 = arith.addi %mul3A_329, %add3A_330 : i32
        %mul3A_332 = arith.constant 16 : i32
        %mul3A_333 = arith.muli %add3A_331, %mul3A_332 : i32
        %get3A_334 = arith.index_cast %mul3A_333 : i32 to index
        %get3A_335 = tpu.vector_load %arg16[%get3A_334] {strides = array<i32>} : memref<2048xf32, #tpu.memory_space<vmem>>, vector<16xf32>,
        %add3A_336 = vector.broadcast %mul3A_333 : i32 to vector<16xi32>
        %add3A_337 = arith.addi %add3A_336, %xor3A_4 : vector<16xi32>
        %gather3A_338 = tpu.vector_load_idx %arg16[%add3A_337] : memref<2048xf32, #tpu.memory_space<vmem>>[vector<16xi32>], vector<16xf32>,
        %add3A_339 = arith.addf %get3A_335, %gather3A_338 : vector<16xf32>
        %mul3A_340 = arith.constant 0.176776692 : f32
        %mul3A_341 = vector.broadcast %mul3A_340 : f32 to vector<16xf32>
        %mul3A_342 = arith.mulf %add3A_339, %mul3A_341 : vector<16xf32>
        %swap3A_343 = arith.index_cast %mul3A_333 : i32 to index
        %swap3A_344 = tpu.vector_load %arg16[%swap3A_343] {strides = array<i32>} : memref<2048xf32, #tpu.memory_space<vmem>>, vector<16xf32>,
        tpu.vector_store %arg16[%swap3A_343], %mul3A_342 {strides = array<i32>} : memref<2048xf32, #tpu.memory_space<vmem>>, vector<16xf32>,
        %max3A_345 = arith.maximumf %max3A_327, %mul3A_342 : vector<16xf32>
        %mul3A_346 = arith.constant 16 : i32
        %mul3A_347 = arith.muli %scan3A_188, %mul3A_346 : i32
        %add3A_348 = arith.constant 9 : i32
        %add3A_349 = arith.addi %mul3A_347, %add3A_348 : i32
        %mul3A_350 = arith.constant 16 : i32
        %mul3A_351 = arith.muli %add3A_349, %mul3A_350 : i32
        %get3A_352 = arith.index_cast %mul3A_351 : i32 to index
        %get3A_353 = tpu.vector_load %arg16[%get3A_352] {strides = array<i32>} : memref<2048xf32, #tpu.memory_space<vmem>>, vector<16xf32>,
        %add3A_354 = vector.broadcast %mul3A_351 : i32 to vector<16xi32>
        %add3A_355 = arith.addi %add3A_354, %xor3A_4 : vector<16xi32>
        %gather3A_356 = tpu.vector_load_idx %arg16[%add3A_355] : memref<2048xf32, #tpu.memory_space<vmem>>[vector<16xi32>], vector<16xf32>,
        %add3A_357 = arith.addf %get3A_353, %gather3A_356 : vector<16xf32>
        %mul3A_358 = arith.constant 0.176776692 : f32
        %mul3A_359 = vector.broadcast %mul3A_358 : f32 to vector<16xf32>
        %mul3A_360 = arith.mulf %add3A_357, %mul3A_359 : vector<16xf32>
        %swap3A_361 = arith.index_cast %mul3A_351 : i32 to index
        %swap3A_362 = tpu.vector_load %arg16[%swap3A_361] {strides = array<i32>} : memref<2048xf32, #tpu.memory_space<vmem>>, vector<16xf32>,
        tpu.vector_store %arg16[%swap3A_361], %mul3A_360 {strides = array<i32>} : memref<2048xf32, #tpu.memory_space<vmem>>, vector<16xf32>,
        %max3A_363 = arith.maximumf %max3A_345, %mul3A_360 : vector<16xf32>
        %mul3A_364 = arith.constant 16 : i32
        %mul3A_365 = arith.muli %scan3A_188, %mul3A_364 : i32
        %add3A_366 = arith.constant 10 : i32
        %add3A_367 = arith.addi %mul3A_365, %add3A_366 : i32
        %mul3A_368 = arith.constant 16 : i32
        %mul3A_369 = arith.muli %add3A_367, %mul3A_368 : i32
        %get3A_370 = arith.index_cast %mul3A_369 : i32 to index
        %get3A_371 = tpu.vector_load %arg16[%get3A_370] {strides = array<i32>} : memref<2048xf32, #tpu.memory_space<vmem>>, vector<16xf32>,
        %add3A_372 = vector.broadcast %mul3A_369 : i32 to vector<16xi32>
        %add3A_373 = arith.addi %add3A_372, %xor3A_4 : vector<16xi32>
        %gather3A_374 = tpu.vector_load_idx %arg16[%add3A_373] : memref<2048xf32, #tpu.memory_space<vmem>>[vector<16xi32>], vector<16xf32>,
        %add3A_375 = arith.addf %get3A_371, %gather3A_374 : vector<16xf32>
        %mul3A_376 = arith.constant 0.176776692 : f32
        %mul3A_377 = vector.broadcast %mul3A_376 : f32 to vector<16xf32>
        %mul3A_378 = arith.mulf %add3A_375, %mul3A_377 : vector<16xf32>
        %swap3A_379 = arith.index_cast %mul3A_369 : i32 to index
        %swap3A_380 = tpu.vector_load %arg16[%swap3A_379] {strides = array<i32>} : memref<2048xf32, #tpu.memory_space<vmem>>, vector<16xf32>,
        tpu.vector_store %arg16[%swap3A_379], %mul3A_378 {strides = array<i32>} : memref<2048xf32, #tpu.memory_space<vmem>>, vector<16xf32>,
        %max3A_381 = arith.maximumf %max3A_363, %mul3A_378 : vector<16xf32>
        %mul3A_382 = arith.constant 16 : i32
        %mul3A_383 = arith.muli %scan3A_188, %mul3A_382 : i32
        %add3A_384 = arith.constant 11 : i32
        %add3A_385 = arith.addi %mul3A_383, %add3A_384 : i32
        %mul3A_386 = arith.constant 16 : i32
        %mul3A_387 = arith.muli %add3A_385, %mul3A_386 : i32
        %get3A_388 = arith.index_cast %mul3A_387 : i32 to index
        %get3A_389 = tpu.vector_load %arg16[%get3A_388] {strides = array<i32>} : memref<2048xf32, #tpu.memory_space<vmem>>, vector<16xf32>,
        %add3A_390 = vector.broadcast %mul3A_387 : i32 to vector<16xi32>
        %add3A_391 = arith.addi %add3A_390, %xor3A_4 : vector<16xi32>
        %gather3A_392 = tpu.vector_load_idx %arg16[%add3A_391] : memref<2048xf32, #tpu.memory_space<vmem>>[vector<16xi32>], vector<16xf32>,
        %add3A_393 = arith.addf %get3A_389, %gather3A_392 : vector<16xf32>
        %mul3A_394 = arith.constant 0.176776692 : f32
        %mul3A_395 = vector.broadcast %mul3A_394 : f32 to vector<16xf32>
        %mul3A_396 = arith.mulf %add3A_393, %mul3A_395 : vector<16xf32>
        %swap3A_397 = arith.index_cast %mul3A_387 : i32 to index
        %swap3A_398 = tpu.vector_load %arg16[%swap3A_397] {strides = array<i32>} : memref<2048xf32, #tpu.memory_space<vmem>>, vector<16xf32>,
        tpu.vector_store %arg16[%swap3A_397], %mul3A_396 {strides = array<i32>} : memref<2048xf32, #tpu.memory_space<vmem>>, vector<16xf32>,
        %max3A_399 = arith.maximumf %max3A_381, %mul3A_396 : vector<16xf32>
        %mul3A_400 = arith.constant 16 : i32
        %mul3A_401 = arith.muli %scan3A_188, %mul3A_400 : i32
        %add3A_402 = arith.constant 12 : i32
        %add3A_403 = arith.addi %mul3A_401, %add3A_402 : i32
        %mul3A_404 = arith.constant 16 : i32
        %mul3A_405 = arith.muli %add3A_403, %mul3A_404 : i32
        %get3A_406 = arith.index_cast %mul3A_405 : i32 to index
        %get3A_407 = tpu.vector_load %arg16[%get3A_406] {strides = array<i32>} : memref<2048xf32, #tpu.memory_space<vmem>>, vector<16xf32>,
        %add3A_408 = vector.broadcast %mul3A_405 : i32 to vector<16xi32>
        %add3A_409 = arith.addi %add3A_408, %xor3A_4 : vector<16xi32>
        %gather3A_410 = tpu.vector_load_idx %arg16[%add3A_409] : memref<2048xf32, #tpu.memory_space<vmem>>[vector<16xi32>], vector<16xf32>,
        %add3A_411 = arith.addf %get3A_407, %gather3A_410 : vector<16xf32>
        %mul3A_412 = arith.constant 0.176776692 : f32
        %mul3A_413 = vector.broadcast %mul3A_412 : f32 to vector<16xf32>
        %mul3A_414 = arith.mulf %add3A_411, %mul3A_413 : vector<16xf32>
        %swap3A_415 = arith.index_cast %mul3A_405 : i32 to index
        %swap3A_416 = tpu.vector_load %arg16[%swap3A_415] {strides = array<i32>} : memref<2048xf32, #tpu.memory_space<vmem>>, vector<16xf32>,
        tpu.vector_store %arg16[%swap3A_415], %mul3A_414 {strides = array<i32>} : memref<2048xf32, #tpu.memory_space<vmem>>, vector<16xf32>,
        %max3A_417 = arith.maximumf %max3A_399, %mul3A_414 : vector<16xf32>
        %mul3A_418 = arith.constant 16 : i32
        %mul3A_419 = arith.muli %scan3A_188, %mul3A_418 : i32
        %add3A_420 = arith.constant 13 : i32
        %add3A_421 = arith.addi %mul3A_419, %add3A_420 : i32
        %mul3A_422 = arith.constant 16 : i32
        %mul3A_423 = arith.muli %add3A_421, %mul3A_422 : i32
        %get3A_424 = arith.index_cast %mul3A_423 : i32 to index
        %get3A_425 = tpu.vector_load %arg16[%get3A_424] {strides = array<i32>} : memref<2048xf32, #tpu.memory_space<vmem>>, vector<16xf32>,
        %add3A_426 = vector.broadcast %mul3A_423 : i32 to vector<16xi32>
        %add3A_427 = arith.addi %add3A_426, %xor3A_4 : vector<16xi32>
        %gather3A_428 = tpu.vector_load_idx %arg16[%add3A_427] : memref<2048xf32, #tpu.memory_space<vmem>>[vector<16xi32>], vector<16xf32>,
        %add3A_429 = arith.addf %get3A_425, %gather3A_428 : vector<16xf32>
        %mul3A_430 = arith.constant 0.176776692 : f32
        %mul3A_431 = vector.broadcast %mul3A_430 : f32 to vector<16xf32>
        %mul3A_432 = arith.mulf %add3A_429, %mul3A_431 : vector<16xf32>
        %swap3A_433 = arith.index_cast %mul3A_423 : i32 to index
        %swap3A_434 = tpu.vector_load %arg16[%swap3A_433] {strides = array<i32>} : memref<2048xf32, #tpu.memory_space<vmem>>, vector<16xf32>,
        tpu.vector_store %arg16[%swap3A_433], %mul3A_432 {strides = array<i32>} : memref<2048xf32, #tpu.memory_space<vmem>>, vector<16xf32>,
        %max3A_435 = arith.maximumf %max3A_417, %mul3A_432 : vector<16xf32>
        %mul3A_436 = arith.constant 16 : i32
        %mul3A_437 = arith.muli %scan3A_188, %mul3A_436 : i32
        %add3A_438 = arith.constant 14 : i32
        %add3A_439 = arith.addi %mul3A_437, %add3A_438 : i32
        %mul3A_440 = arith.constant 16 : i32
        %mul3A_441 = arith.muli %add3A_439, %mul3A_440 : i32
        %get3A_442 = arith.index_cast %mul3A_441 : i32 to index
        %get3A_443 = tpu.vector_load %arg16[%get3A_442] {strides = array<i32>} : memref<2048xf32, #tpu.memory_space<vmem>>, vector<16xf32>,
        %add3A_444 = vector.broadcast %mul3A_441 : i32 to vector<16xi32>
        %add3A_445 = arith.addi %add3A_444, %xor3A_4 : vector<16xi32>
        %gather3A_446 = tpu.vector_load_idx %arg16[%add3A_445] : memref<2048xf32, #tpu.memory_space<vmem>>[vector<16xi32>], vector<16xf32>,
        %add3A_447 = arith.addf %get3A_443, %gather3A_446 : vector<16xf32>
        %mul3A_448 = arith.constant 0.176776692 : f32
        %mul3A_449 = vector.broadcast %mul3A_448 : f32 to vector<16xf32>
        %mul3A_450 = arith.mulf %add3A_447, %mul3A_449 : vector<16xf32>
        %swap3A_451 = arith.index_cast %mul3A_441 : i32 to index
        %swap3A_452 = tpu.vector_load %arg16[%swap3A_451] {strides = array<i32>} : memref<2048xf32, #tpu.memory_space<vmem>>, vector<16xf32>,
        tpu.vector_store %arg16[%swap3A_451], %mul3A_450 {strides = array<i32>} : memref<2048xf32, #tpu.memory_space<vmem>>, vector<16xf32>,
        %max3A_453 = arith.maximumf %max3A_435, %mul3A_450 : vector<16xf32>
        %mul3A_454 = arith.constant 16 : i32
        %mul3A_455 = arith.muli %scan3A_188, %mul3A_454 : i32
        %add3A_456 = arith.constant 15 : i32
        %add3A_457 = arith.addi %mul3A_455, %add3A_456 : i32
        %mul3A_458 = arith.constant 16 : i32
        %mul3A_459 = arith.muli %add3A_457, %mul3A_458 : i32
        %get3A_460 = arith.index_cast %mul3A_459 : i32 to index
        %get3A_461 = tpu.vector_load %arg16[%get3A_460] {strides = array<i32>} : memref<2048xf32, #tpu.memory_space<vmem>>, vector<16xf32>,
        %add3A_462 = vector.broadcast %mul3A_459 : i32 to vector<16xi32>
        %add3A_463 = arith.addi %add3A_462, %xor3A_4 : vector<16xi32>
        %gather3A_464 = tpu.vector_load_idx %arg16[%add3A_463] : memref<2048xf32, #tpu.memory_space<vmem>>[vector<16xi32>], vector<16xf32>,
        %add3A_465 = arith.addf %get3A_461, %gather3A_464 : vector<16xf32>
        %mul3A_466 = arith.constant 0.176776692 : f32
        %mul3A_467 = vector.broadcast %mul3A_466 : f32 to vector<16xf32>
        %mul3A_468 = arith.mulf %add3A_465, %mul3A_467 : vector<16xf32>
        %swap3A_469 = arith.index_cast %mul3A_459 : i32 to index
        %swap3A_470 = tpu.vector_load %arg16[%swap3A_469] {strides = array<i32>} : memref<2048xf32, #tpu.memory_space<vmem>>, vector<16xf32>,
        tpu.vector_store %arg16[%swap3A_469], %mul3A_468 {strides = array<i32>} : memref<2048xf32, #tpu.memory_space<vmem>>, vector<16xf32>,
        %max3A_471 = arith.maximumf %max3A_453, %mul3A_468 : vector<16xf32>
        %mul3A_472 = arith.constant 16 : i32
        %mul3A_473 = arith.muli %scan3A_188, %mul3A_472 : i32
        %add3A_474 = arith.constant 0 : i32
        %add3A_475 = arith.addi %mul3A_473, %add3A_474 : i32
        %mul3A_476 = arith.constant 16 : i32
        %mul3A_477 = arith.muli %add3A_475, %mul3A_476 : i32
        %get3A_478 = arith.index_cast %mul3A_477 : i32 to index
        %get3A_479 = tpu.vector_load %arg16[%get3A_478] {strides = array<i32>} : memref<2048xf32, #tpu.memory_space<vmem>>, vector<16xf32>,
        %sub3A = arith.subf %get3A_479, %max3A_471 : vector<16xf32>
        %exp3A = math.exp %sub3A : vector<16xf32>
        %swap3A_480 = arith.index_cast %mul3A_477 : i32 to index
        %swap3A_481 = tpu.vector_load %arg16[%swap3A_480] {strides = array<i32>} : memref<2048xf32, #tpu.memory_space<vmem>>, vector<16xf32>,
        tpu.vector_store %arg16[%swap3A_480], %exp3A {strides = array<i32>} : memref<2048xf32, #tpu.memory_space<vmem>>, vector<16xf32>,
        %mul3A_482 = arith.constant 16 : i32
        %mul3A_483 = arith.muli %scan3A_188, %mul3A_482 : i32
        %add3A_484 = arith.constant 1 : i32
        %add3A_485 = arith.addi %mul3A_483, %add3A_484 : i32
        %mul3A_486 = arith.constant 16 : i32
        %mul3A_487 = arith.muli %add3A_485, %mul3A_486 : i32
        %get3A_488 = arith.index_cast %mul3A_487 : i32 to index
        %get3A_489 = tpu.vector_load %arg16[%get3A_488] {strides = array<i32>} : memref<2048xf32, #tpu.memory_space<vmem>>, vector<16xf32>,
        %sub3A_490 = arith.subf %get3A_489, %max3A_471 : vector<16xf32>
        %exp3A_491 = math.exp %sub3A_490 : vector<16xf32>
        %swap3A_492 = arith.index_cast %mul3A_487 : i32 to index
        %swap3A_493 = tpu.vector_load %arg16[%swap3A_492] {strides = array<i32>} : memref<2048xf32, #tpu.memory_space<vmem>>, vector<16xf32>,
        tpu.vector_store %arg16[%swap3A_492], %exp3A_491 {strides = array<i32>} : memref<2048xf32, #tpu.memory_space<vmem>>, vector<16xf32>,
        %add3A_494 = arith.addf %exp3A, %exp3A_491 : vector<16xf32>
        %mul3A_495 = arith.constant 16 : i32
        %mul3A_496 = arith.muli %scan3A_188, %mul3A_495 : i32
        %add3A_497 = arith.constant 2 : i32
        %add3A_498 = arith.addi %mul3A_496, %add3A_497 : i32
        %mul3A_499 = arith.constant 16 : i32
        %mul3A_500 = arith.muli %add3A_498, %mul3A_499 : i32
        %get3A_501 = arith.index_cast %mul3A_500 : i32 to index
        %get3A_502 = tpu.vector_load %arg16[%get3A_501] {strides = array<i32>} : memref<2048xf32, #tpu.memory_space<vmem>>, vector<16xf32>,
        %sub3A_503 = arith.subf %get3A_502, %max3A_471 : vector<16xf32>
        %exp3A_504 = math.exp %sub3A_503 : vector<16xf32>
        %swap3A_505 = arith.index_cast %mul3A_500 : i32 to index
        %swap3A_506 = tpu.vector_load %arg16[%swap3A_505] {strides = array<i32>} : memref<2048xf32, #tpu.memory_space<vmem>>, vector<16xf32>,
        tpu.vector_store %arg16[%swap3A_505], %exp3A_504 {strides = array<i32>} : memref<2048xf32, #tpu.memory_space<vmem>>, vector<16xf32>,
        %add3A_507 = arith.addf %add3A_494, %exp3A_504 : vector<16xf32>
        %mul3A_508 = arith.constant 16 : i32
        %mul3A_509 = arith.muli %scan3A_188, %mul3A_508 : i32
        %add3A_510 = arith.constant 3 : i32
        %add3A_511 = arith.addi %mul3A_509, %add3A_510 : i32
        %mul3A_512 = arith.constant 16 : i32
        %mul3A_513 = arith.muli %add3A_511, %mul3A_512 : i32
        %get3A_514 = arith.index_cast %mul3A_513 : i32 to index
        %get3A_515 = tpu.vector_load %arg16[%get3A_514] {strides = array<i32>} : memref<2048xf32, #tpu.memory_space<vmem>>, vector<16xf32>,
        %sub3A_516 = arith.subf %get3A_515, %max3A_471 : vector<16xf32>
        %exp3A_517 = math.exp %sub3A_516 : vector<16xf32>
        %swap3A_518 = arith.index_cast %mul3A_513 : i32 to index
        %swap3A_519 = tpu.vector_load %arg16[%swap3A_518] {strides = array<i32>} : memref<2048xf32, #tpu.memory_space<vmem>>, vector<16xf32>,
        tpu.vector_store %arg16[%swap3A_518], %exp3A_517 {strides = array<i32>} : memref<2048xf32, #tpu.memory_space<vmem>>, vector<16xf32>,
        %add3A_520 = arith.addf %add3A_507, %exp3A_517 : vector<16xf32>
        %mul3A_521 = arith.constant 16 : i32
        %mul3A_522 = arith.muli %scan3A_188, %mul3A_521 : i32
        %add3A_523 = arith.constant 4 : i32
        %add3A_524 = arith.addi %mul3A_522, %add3A_523 : i32
        %mul3A_525 = arith.constant 16 : i32
        %mul3A_526 = arith.muli %add3A_524, %mul3A_525 : i32
        %get3A_527 = arith.index_cast %mul3A_526 : i32 to index
        %get3A_528 = tpu.vector_load %arg16[%get3A_527] {strides = array<i32>} : memref<2048xf32, #tpu.memory_space<vmem>>, vector<16xf32>,
        %sub3A_529 = arith.subf %get3A_528, %max3A_471 : vector<16xf32>
        %exp3A_530 = math.exp %sub3A_529 : vector<16xf32>
        %swap3A_531 = arith.index_cast %mul3A_526 : i32 to index
        %swap3A_532 = tpu.vector_load %arg16[%swap3A_531] {strides = array<i32>} : memref<2048xf32, #tpu.memory_space<vmem>>, vector<16xf32>,
        tpu.vector_store %arg16[%swap3A_531], %exp3A_530 {strides = array<i32>} : memref<2048xf32, #tpu.memory_space<vmem>>, vector<16xf32>,
        %add3A_533 = arith.addf %add3A_520, %exp3A_530 : vector<16xf32>
        %mul3A_534 = arith.constant 16 : i32
        %mul3A_535 = arith.muli %scan3A_188, %mul3A_534 : i32
        %add3A_536 = arith.constant 5 : i32
        %add3A_537 = arith.addi %mul3A_535, %add3A_536 : i32
        %mul3A_538 = arith.constant 16 : i32
        %mul3A_539 = arith.muli %add3A_537, %mul3A_538 : i32
        %get3A_540 = arith.index_cast %mul3A_539 : i32 to index
        %get3A_541 = tpu.vector_load %arg16[%get3A_540] {strides = array<i32>} : memref<2048xf32, #tpu.memory_space<vmem>>, vector<16xf32>,
        %sub3A_542 = arith.subf %get3A_541, %max3A_471 : vector<16xf32>
        %exp3A_543 = math.exp %sub3A_542 : vector<16xf32>
        %swap3A_544 = arith.index_cast %mul3A_539 : i32 to index
        %swap3A_545 = tpu.vector_load %arg16[%swap3A_544] {strides = array<i32>} : memref<2048xf32, #tpu.memory_space<vmem>>, vector<16xf32>,
        tpu.vector_store %arg16[%swap3A_544], %exp3A_543 {strides = array<i32>} : memref<2048xf32, #tpu.memory_space<vmem>>, vector<16xf32>,
        %add3A_546 = arith.addf %add3A_533, %exp3A_543 : vector<16xf32>
        %mul3A_547 = arith.constant 16 : i32
        %mul3A_548 = arith.muli %scan3A_188, %mul3A_547 : i32
        %add3A_549 = arith.constant 6 : i32
        %add3A_550 = arith.addi %mul3A_548, %add3A_549 : i32
        %mul3A_551 = arith.constant 16 : i32
        %mul3A_552 = arith.muli %add3A_550, %mul3A_551 : i32
        %get3A_553 = arith.index_cast %mul3A_552 : i32 to index
        %get3A_554 = tpu.vector_load %arg16[%get3A_553] {strides = array<i32>} : memref<2048xf32, #tpu.memory_space<vmem>>, vector<16xf32>,
        %sub3A_555 = arith.subf %get3A_554, %max3A_471 : vector<16xf32>
        %exp3A_556 = math.exp %sub3A_555 : vector<16xf32>
        %swap3A_557 = arith.index_cast %mul3A_552 : i32 to index
        %swap3A_558 = tpu.vector_load %arg16[%swap3A_557] {strides = array<i32>} : memref<2048xf32, #tpu.memory_space<vmem>>, vector<16xf32>,
        tpu.vector_store %arg16[%swap3A_557], %exp3A_556 {strides = array<i32>} : memref<2048xf32, #tpu.memory_space<vmem>>, vector<16xf32>,
        %add3A_559 = arith.addf %add3A_546, %exp3A_556 : vector<16xf32>
        %mul3A_560 = arith.constant 16 : i32
        %mul3A_561 = arith.muli %scan3A_188, %mul3A_560 : i32
        %add3A_562 = arith.constant 7 : i32
        %add3A_563 = arith.addi %mul3A_561, %add3A_562 : i32
        %mul3A_564 = arith.constant 16 : i32
        %mul3A_565 = arith.muli %add3A_563, %mul3A_564 : i32
        %get3A_566 = arith.index_cast %mul3A_565 : i32 to index
        %get3A_567 = tpu.vector_load %arg16[%get3A_566] {strides = array<i32>} : memref<2048xf32, #tpu.memory_space<vmem>>, vector<16xf32>,
        %sub3A_568 = arith.subf %get3A_567, %max3A_471 : vector<16xf32>
        %exp3A_569 = math.exp %sub3A_568 : vector<16xf32>
        %swap3A_570 = arith.index_cast %mul3A_565 : i32 to index
        %swap3A_571 = tpu.vector_load %arg16[%swap3A_570] {strides = array<i32>} : memref<2048xf32, #tpu.memory_space<vmem>>, vector<16xf32>,
        tpu.vector_store %arg16[%swap3A_570], %exp3A_569 {strides = array<i32>} : memref<2048xf32, #tpu.memory_space<vmem>>, vector<16xf32>,
        %add3A_572 = arith.addf %add3A_559, %exp3A_569 : vector<16xf32>
        %mul3A_573 = arith.constant 16 : i32
        %mul3A_574 = arith.muli %scan3A_188, %mul3A_573 : i32
        %add3A_575 = arith.constant 8 : i32
        %add3A_576 = arith.addi %mul3A_574, %add3A_575 : i32
        %mul3A_577 = arith.constant 16 : i32
        %mul3A_578 = arith.muli %add3A_576, %mul3A_577 : i32
        %get3A_579 = arith.index_cast %mul3A_578 : i32 to index
        %get3A_580 = tpu.vector_load %arg16[%get3A_579] {strides = array<i32>} : memref<2048xf32, #tpu.memory_space<vmem>>, vector<16xf32>,
        %sub3A_581 = arith.subf %get3A_580, %max3A_471 : vector<16xf32>
        %exp3A_582 = math.exp %sub3A_581 : vector<16xf32>
        %swap3A_583 = arith.index_cast %mul3A_578 : i32 to index
        %swap3A_584 = tpu.vector_load %arg16[%swap3A_583] {strides = array<i32>} : memref<2048xf32, #tpu.memory_space<vmem>>, vector<16xf32>,
        tpu.vector_store %arg16[%swap3A_583], %exp3A_582 {strides = array<i32>} : memref<2048xf32, #tpu.memory_space<vmem>>, vector<16xf32>,
        %add3A_585 = arith.addf %add3A_572, %exp3A_582 : vector<16xf32>
        %mul3A_586 = arith.constant 16 : i32
        %mul3A_587 = arith.muli %scan3A_188, %mul3A_586 : i32
        %add3A_588 = arith.constant 9 : i32
        %add3A_589 = arith.addi %mul3A_587, %add3A_588 : i32
        %mul3A_590 = arith.constant 16 : i32
        %mul3A_591 = arith.muli %add3A_589, %mul3A_590 : i32
        %get3A_592 = arith.index_cast %mul3A_591 : i32 to index
        %get3A_593 = tpu.vector_load %arg16[%get3A_592] {strides = array<i32>} : memref<2048xf32, #tpu.memory_space<vmem>>, vector<16xf32>,
        %sub3A_594 = arith.subf %get3A_593, %max3A_471 : vector<16xf32>
        %exp3A_595 = math.exp %sub3A_594 : vector<16xf32>
        %swap3A_596 = arith.index_cast %mul3A_591 : i32 to index
        %swap3A_597 = tpu.vector_load %arg16[%swap3A_596] {strides = array<i32>} : memref<2048xf32, #tpu.memory_space<vmem>>, vector<16xf32>,
        tpu.vector_store %arg16[%swap3A_596], %exp3A_595 {strides = array<i32>} : memref<2048xf32, #tpu.memory_space<vmem>>, vector<16xf32>,
        %add3A_598 = arith.addf %add3A_585, %exp3A_595 : vector<16xf32>
        %mul3A_599 = arith.constant 16 : i32
        %mul3A_600 = arith.muli %scan3A_188, %mul3A_599 : i32
        %add3A_601 = arith.constant 10 : i32
        %add3A_602 = arith.addi %mul3A_600, %add3A_601 : i32
        %mul3A_603 = arith.constant 16 : i32
        %mul3A_604 = arith.muli %add3A_602, %mul3A_603 : i32
        %get3A_605 = arith.index_cast %mul3A_604 : i32 to index
        %get3A_606 = tpu.vector_load %arg16[%get3A_605] {strides = array<i32>} : memref<2048xf32, #tpu.memory_space<vmem>>, vector<16xf32>,
        %sub3A_607 = arith.subf %get3A_606, %max3A_471 : vector<16xf32>
        %exp3A_608 = math.exp %sub3A_607 : vector<16xf32>
        %swap3A_609 = arith.index_cast %mul3A_604 : i32 to index
        %swap3A_610 = tpu.vector_load %arg16[%swap3A_609] {strides = array<i32>} : memref<2048xf32, #tpu.memory_space<vmem>>, vector<16xf32>,
        tpu.vector_store %arg16[%swap3A_609], %exp3A_608 {strides = array<i32>} : memref<2048xf32, #tpu.memory_space<vmem>>, vector<16xf32>,
        %add3A_611 = arith.addf %add3A_598, %exp3A_608 : vector<16xf32>
        %mul3A_612 = arith.constant 16 : i32
        %mul3A_613 = arith.muli %scan3A_188, %mul3A_612 : i32
        %add3A_614 = arith.constant 11 : i32
        %add3A_615 = arith.addi %mul3A_613, %add3A_614 : i32
        %mul3A_616 = arith.constant 16 : i32
        %mul3A_617 = arith.muli %add3A_615, %mul3A_616 : i32
        %get3A_618 = arith.index_cast %mul3A_617 : i32 to index
        %get3A_619 = tpu.vector_load %arg16[%get3A_618] {strides = array<i32>} : memref<2048xf32, #tpu.memory_space<vmem>>, vector<16xf32>,
        %sub3A_620 = arith.subf %get3A_619, %max3A_471 : vector<16xf32>
        %exp3A_621 = math.exp %sub3A_620 : vector<16xf32>
        %swap3A_622 = arith.index_cast %mul3A_617 : i32 to index
        %swap3A_623 = tpu.vector_load %arg16[%swap3A_622] {strides = array<i32>} : memref<2048xf32, #tpu.memory_space<vmem>>, vector<16xf32>,
        tpu.vector_store %arg16[%swap3A_622], %exp3A_621 {strides = array<i32>} : memref<2048xf32, #tpu.memory_space<vmem>>, vector<16xf32>,
        %add3A_624 = arith.addf %add3A_611, %exp3A_621 : vector<16xf32>
        %mul3A_625 = arith.constant 16 : i32
        %mul3A_626 = arith.muli %scan3A_188, %mul3A_625 : i32
        %add3A_627 = arith.constant 12 : i32
        %add3A_628 = arith.addi %mul3A_626, %add3A_627 : i32
        %mul3A_629 = arith.constant 16 : i32
        %mul3A_630 = arith.muli %add3A_628, %mul3A_629 : i32
        %get3A_631 = arith.index_cast %mul3A_630 : i32 to index
        %get3A_632 = tpu.vector_load %arg16[%get3A_631] {strides = array<i32>} : memref<2048xf32, #tpu.memory_space<vmem>>, vector<16xf32>,
        %sub3A_633 = arith.subf %get3A_632, %max3A_471 : vector<16xf32>
        %exp3A_634 = math.exp %sub3A_633 : vector<16xf32>
        %swap3A_635 = arith.index_cast %mul3A_630 : i32 to index
        %swap3A_636 = tpu.vector_load %arg16[%swap3A_635] {strides = array<i32>} : memref<2048xf32, #tpu.memory_space<vmem>>, vector<16xf32>,
        tpu.vector_store %arg16[%swap3A_635], %exp3A_634 {strides = array<i32>} : memref<2048xf32, #tpu.memory_space<vmem>>, vector<16xf32>,
        %add3A_637 = arith.addf %add3A_624, %exp3A_634 : vector<16xf32>
        %mul3A_638 = arith.constant 16 : i32
        %mul3A_639 = arith.muli %scan3A_188, %mul3A_638 : i32
        %add3A_640 = arith.constant 13 : i32
        %add3A_641 = arith.addi %mul3A_639, %add3A_640 : i32
        %mul3A_642 = arith.constant 16 : i32
        %mul3A_643 = arith.muli %add3A_641, %mul3A_642 : i32
        %get3A_644 = arith.index_cast %mul3A_643 : i32 to index
        %get3A_645 = tpu.vector_load %arg16[%get3A_644] {strides = array<i32>} : memref<2048xf32, #tpu.memory_space<vmem>>, vector<16xf32>,
        %sub3A_646 = arith.subf %get3A_645, %max3A_471 : vector<16xf32>
        %exp3A_647 = math.exp %sub3A_646 : vector<16xf32>
        %swap3A_648 = arith.index_cast %mul3A_643 : i32 to index
        %swap3A_649 = tpu.vector_load %arg16[%swap3A_648] {strides = array<i32>} : memref<2048xf32, #tpu.memory_space<vmem>>, vector<16xf32>,
        tpu.vector_store %arg16[%swap3A_648], %exp3A_647 {strides = array<i32>} : memref<2048xf32, #tpu.memory_space<vmem>>, vector<16xf32>,
        %add3A_650 = arith.addf %add3A_637, %exp3A_647 : vector<16xf32>
        %mul3A_651 = arith.constant 16 : i32
        %mul3A_652 = arith.muli %scan3A_188, %mul3A_651 : i32
        %add3A_653 = arith.constant 14 : i32
        %add3A_654 = arith.addi %mul3A_652, %add3A_653 : i32
        %mul3A_655 = arith.constant 16 : i32
        %mul3A_656 = arith.muli %add3A_654, %mul3A_655 : i32
        %get3A_657 = arith.index_cast %mul3A_656 : i32 to index
        %get3A_658 = tpu.vector_load %arg16[%get3A_657] {strides = array<i32>} : memref<2048xf32, #tpu.memory_space<vmem>>, vector<16xf32>,
        %sub3A_659 = arith.subf %get3A_658, %max3A_471 : vector<16xf32>
        %exp3A_660 = math.exp %sub3A_659 : vector<16xf32>
        %swap3A_661 = arith.index_cast %mul3A_656 : i32 to index
        %swap3A_662 = tpu.vector_load %arg16[%swap3A_661] {strides = array<i32>} : memref<2048xf32, #tpu.memory_space<vmem>>, vector<16xf32>,
        tpu.vector_store %arg16[%swap3A_661], %exp3A_660 {strides = array<i32>} : memref<2048xf32, #tpu.memory_space<vmem>>, vector<16xf32>,
        %add3A_663 = arith.addf %add3A_650, %exp3A_660 : vector<16xf32>
        %mul3A_664 = arith.constant 16 : i32
        %mul3A_665 = arith.muli %scan3A_188, %mul3A_664 : i32
        %add3A_666 = arith.constant 15 : i32
        %add3A_667 = arith.addi %mul3A_665, %add3A_666 : i32
        %mul3A_668 = arith.constant 16 : i32
        %mul3A_669 = arith.muli %add3A_667, %mul3A_668 : i32
        %get3A_670 = arith.index_cast %mul3A_669 : i32 to index
        %get3A_671 = tpu.vector_load %arg16[%get3A_670] {strides = array<i32>} : memref<2048xf32, #tpu.memory_space<vmem>>, vector<16xf32>,
        %sub3A_672 = arith.subf %get3A_671, %max3A_471 : vector<16xf32>
        %exp3A_673 = math.exp %sub3A_672 : vector<16xf32>
        %swap3A_674 = arith.index_cast %mul3A_669 : i32 to index
        %swap3A_675 = tpu.vector_load %arg16[%swap3A_674] {strides = array<i32>} : memref<2048xf32, #tpu.memory_space<vmem>>, vector<16xf32>,
        tpu.vector_store %arg16[%swap3A_674], %exp3A_673 {strides = array<i32>} : memref<2048xf32, #tpu.memory_space<vmem>>, vector<16xf32>,
        %add3A_676 = arith.addf %add3A_663, %exp3A_673 : vector<16xf32>
        %div3A = arith.constant 1.000000e+00 : f32
        %div3A_677 = vector.broadcast %div3A : f32 to vector<16xf32>
        %div3A_678 = arith.divf %div3A_677, %add3A_676 : vector<16xf32>
        %mul3A_679 = arith.constant 16 : i32
        %mul3A_680 = arith.muli %scan3A_188, %mul3A_679 : i32
        %add3A_681 = arith.constant 0 : i32
        %add3A_682 = arith.addi %mul3A_680, %add3A_681 : i32
        %mul3A_683 = arith.constant 16 : i32
        %mul3A_684 = arith.muli %add3A_682, %mul3A_683 : i32
        %get3A_685 = arith.index_cast %mul3A_684 : i32 to index
        %get3A_686 = tpu.vector_load %arg16[%get3A_685] {strides = array<i32>} : memref<2048xf32, #tpu.memory_space<vmem>>, vector<16xf32>,
        %mul3A_687 = arith.mulf %get3A_686, %div3A_678 : vector<16xf32>
        %swap3A_688 = arith.index_cast %mul3A_684 : i32 to index
        %swap3A_689 = tpu.vector_load %arg16[%swap3A_688] {strides = array<i32>} : memref<2048xf32, #tpu.memory_space<vmem>>, vector<16xf32>,
        tpu.vector_store %arg16[%swap3A_688], %mul3A_687 {strides = array<i32>} : memref<2048xf32, #tpu.memory_space<vmem>>, vector<16xf32>,
        %mul3A_690 = arith.constant 16 : i32
        %mul3A_691 = arith.muli %scan3A_188, %mul3A_690 : i32
        %add3A_692 = arith.constant 1 : i32
        %add3A_693 = arith.addi %mul3A_691, %add3A_692 : i32
        %mul3A_694 = arith.constant 16 : i32
        %mul3A_695 = arith.muli %add3A_693, %mul3A_694 : i32
        %get3A_696 = arith.index_cast %mul3A_695 : i32 to index
        %get3A_697 = tpu.vector_load %arg16[%get3A_696] {strides = array<i32>} : memref<2048xf32, #tpu.memory_space<vmem>>, vector<16xf32>,
        %mul3A_698 = arith.mulf %get3A_697, %div3A_678 : vector<16xf32>
        %swap3A_699 = arith.index_cast %mul3A_695 : i32 to index
        %swap3A_700 = tpu.vector_load %arg16[%swap3A_699] {strides = array<i32>} : memref<2048xf32, #tpu.memory_space<vmem>>, vector<16xf32>,
        tpu.vector_store %arg16[%swap3A_699], %mul3A_698 {strides = array<i32>} : memref<2048xf32, #tpu.memory_space<vmem>>, vector<16xf32>,
        %mul3A_701 = arith.constant 16 : i32
        %mul3A_702 = arith.muli %scan3A_188, %mul3A_701 : i32
        %add3A_703 = arith.constant 2 : i32
        %add3A_704 = arith.addi %mul3A_702, %add3A_703 : i32
        %mul3A_705 = arith.constant 16 : i32
        %mul3A_706 = arith.muli %add3A_704, %mul3A_705 : i32
        %get3A_707 = arith.index_cast %mul3A_706 : i32 to index
        %get3A_708 = tpu.vector_load %arg16[%get3A_707] {strides = array<i32>} : memref<2048xf32, #tpu.memory_space<vmem>>, vector<16xf32>,
        %mul3A_709 = arith.mulf %get3A_708, %div3A_678 : vector<16xf32>
        %swap3A_710 = arith.index_cast %mul3A_706 : i32 to index
        %swap3A_711 = tpu.vector_load %arg16[%swap3A_710] {strides = array<i32>} : memref<2048xf32, #tpu.memory_space<vmem>>, vector<16xf32>,
        tpu.vector_store %arg16[%swap3A_710], %mul3A_709 {strides = array<i32>} : memref<2048xf32, #tpu.memory_space<vmem>>, vector<16xf32>,
        %mul3A_712 = arith.constant 16 : i32
        %mul3A_713 = arith.muli %scan3A_188, %mul3A_712 : i32
        %add3A_714 = arith.constant 3 : i32
        %add3A_715 = arith.addi %mul3A_713, %add3A_714 : i32
        %mul3A_716 = arith.constant 16 : i32
        %mul3A_717 = arith.muli %add3A_715, %mul3A_716 : i32
        %get3A_718 = arith.index_cast %mul3A_717 : i32 to index
        %get3A_719 = tpu.vector_load %arg16[%get3A_718] {strides = array<i32>} : memref<2048xf32, #tpu.memory_space<vmem>>, vector<16xf32>,
        %mul3A_720 = arith.mulf %get3A_719, %div3A_678 : vector<16xf32>
        %swap3A_721 = arith.index_cast %mul3A_717 : i32 to index
        %swap3A_722 = tpu.vector_load %arg16[%swap3A_721] {strides = array<i32>} : memref<2048xf32, #tpu.memory_space<vmem>>, vector<16xf32>,
        tpu.vector_store %arg16[%swap3A_721], %mul3A_720 {strides = array<i32>} : memref<2048xf32, #tpu.memory_space<vmem>>, vector<16xf32>,
        %mul3A_723 = arith.constant 16 : i32
        %mul3A_724 = arith.muli %scan3A_188, %mul3A_723 : i32
        %add3A_725 = arith.constant 4 : i32
        %add3A_726 = arith.addi %mul3A_724, %add3A_725 : i32
        %mul3A_727 = arith.constant 16 : i32
        %mul3A_728 = arith.muli %add3A_726, %mul3A_727 : i32
        %get3A_729 = arith.index_cast %mul3A_728 : i32 to index
        %get3A_730 = tpu.vector_load %arg16[%get3A_729] {strides = array<i32>} : memref<2048xf32, #tpu.memory_space<vmem>>, vector<16xf32>,
        %mul3A_731 = arith.mulf %get3A_730, %div3A_678 : vector<16xf32>
        %swap3A_732 = arith.index_cast %mul3A_728 : i32 to index
        %swap3A_733 = tpu.vector_load %arg16[%swap3A_732] {strides = array<i32>} : memref<2048xf32, #tpu.memory_space<vmem>>, vector<16xf32>,
        tpu.vector_store %arg16[%swap3A_732], %mul3A_731 {strides = array<i32>} : memref<2048xf32, #tpu.memory_space<vmem>>, vector<16xf32>,
        %mul3A_734 = arith.constant 16 : i32
        %mul3A_735 = arith.muli %scan3A_188, %mul3A_734 : i32
        %add3A_736 = arith.constant 5 : i32
        %add3A_737 = arith.addi %mul3A_735, %add3A_736 : i32
        %mul3A_738 = arith.constant 16 : i32
        %mul3A_739 = arith.muli %add3A_737, %mul3A_738 : i32
        %get3A_740 = arith.index_cast %mul3A_739 : i32 to index
        %get3A_741 = tpu.vector_load %arg16[%get3A_740] {strides = array<i32>} : memref<2048xf32, #tpu.memory_space<vmem>>, vector<16xf32>,
        %mul3A_742 = arith.mulf %get3A_741, %div3A_678 : vector<16xf32>
        %swap3A_743 = arith.index_cast %mul3A_739 : i32 to index
        %swap3A_744 = tpu.vector_load %arg16[%swap3A_743] {strides = array<i32>} : memref<2048xf32, #tpu.memory_space<vmem>>, vector<16xf32>,
        tpu.vector_store %arg16[%swap3A_743], %mul3A_742 {strides = array<i32>} : memref<2048xf32, #tpu.memory_space<vmem>>, vector<16xf32>,
        %mul3A_745 = arith.constant 16 : i32
        %mul3A_746 = arith.muli %scan3A_188, %mul3A_745 : i32
        %add3A_747 = arith.constant 6 : i32
        %add3A_748 = arith.addi %mul3A_746, %add3A_747 : i32
        %mul3A_749 = arith.constant 16 : i32
        %mul3A_750 = arith.muli %add3A_748, %mul3A_749 : i32
        %get3A_751 = arith.index_cast %mul3A_750 : i32 to index
        %get3A_752 = tpu.vector_load %arg16[%get3A_751] {strides = array<i32>} : memref<2048xf32, #tpu.memory_space<vmem>>, vector<16xf32>,
        %mul3A_753 = arith.mulf %get3A_752, %div3A_678 : vector<16xf32>
        %swap3A_754 = arith.index_cast %mul3A_750 : i32 to index
        %swap3A_755 = tpu.vector_load %arg16[%swap3A_754] {strides = array<i32>} : memref<2048xf32, #tpu.memory_space<vmem>>, vector<16xf32>,
        tpu.vector_store %arg16[%swap3A_754], %mul3A_753 {strides = array<i32>} : memref<2048xf32, #tpu.memory_space<vmem>>, vector<16xf32>,
        %mul3A_756 = arith.constant 16 : i32
        %mul3A_757 = arith.muli %scan3A_188, %mul3A_756 : i32
        %add3A_758 = arith.constant 7 : i32
        %add3A_759 = arith.addi %mul3A_757, %add3A_758 : i32
        %mul3A_760 = arith.constant 16 : i32
        %mul3A_761 = arith.muli %add3A_759, %mul3A_760 : i32
        %get3A_762 = arith.index_cast %mul3A_761 : i32 to index
        %get3A_763 = tpu.vector_load %arg16[%get3A_762] {strides = array<i32>} : memref<2048xf32, #tpu.memory_space<vmem>>, vector<16xf32>,
        %mul3A_764 = arith.mulf %get3A_763, %div3A_678 : vector<16xf32>
        %swap3A_765 = arith.index_cast %mul3A_761 : i32 to index
        %swap3A_766 = tpu.vector_load %arg16[%swap3A_765] {strides = array<i32>} : memref<2048xf32, #tpu.memory_space<vmem>>, vector<16xf32>,
        tpu.vector_store %arg16[%swap3A_765], %mul3A_764 {strides = array<i32>} : memref<2048xf32, #tpu.memory_space<vmem>>, vector<16xf32>,
        %mul3A_767 = arith.constant 16 : i32
        %mul3A_768 = arith.muli %scan3A_188, %mul3A_767 : i32
        %add3A_769 = arith.constant 8 : i32
        %add3A_770 = arith.addi %mul3A_768, %add3A_769 : i32
        %mul3A_771 = arith.constant 16 : i32
        %mul3A_772 = arith.muli %add3A_770, %mul3A_771 : i32
        %get3A_773 = arith.index_cast %mul3A_772 : i32 to index
        %get3A_774 = tpu.vector_load %arg16[%get3A_773] {strides = array<i32>} : memref<2048xf32, #tpu.memory_space<vmem>>, vector<16xf32>,
        %mul3A_775 = arith.mulf %get3A_774, %div3A_678 : vector<16xf32>
        %swap3A_776 = arith.index_cast %mul3A_772 : i32 to index
        %swap3A_777 = tpu.vector_load %arg16[%swap3A_776] {strides = array<i32>} : memref<2048xf32, #tpu.memory_space<vmem>>, vector<16xf32>,
        tpu.vector_store %arg16[%swap3A_776], %mul3A_775 {strides = array<i32>} : memref<2048xf32, #tpu.memory_space<vmem>>, vector<16xf32>,
        %mul3A_778 = arith.constant 16 : i32
        %mul3A_779 = arith.muli %scan3A_188, %mul3A_778 : i32
        %add3A_780 = arith.constant 9 : i32
        %add3A_781 = arith.addi %mul3A_779, %add3A_780 : i32
        %mul3A_782 = arith.constant 16 : i32
        %mul3A_783 = arith.muli %add3A_781, %mul3A_782 : i32
        %get3A_784 = arith.index_cast %mul3A_783 : i32 to index
        %get3A_785 = tpu.vector_load %arg16[%get3A_784] {strides = array<i32>} : memref<2048xf32, #tpu.memory_space<vmem>>, vector<16xf32>,
        %mul3A_786 = arith.mulf %get3A_785, %div3A_678 : vector<16xf32>
        %swap3A_787 = arith.index_cast %mul3A_783 : i32 to index
        %swap3A_788 = tpu.vector_load %arg16[%swap3A_787] {strides = array<i32>} : memref<2048xf32, #tpu.memory_space<vmem>>, vector<16xf32>,
        tpu.vector_store %arg16[%swap3A_787], %mul3A_786 {strides = array<i32>} : memref<2048xf32, #tpu.memory_space<vmem>>, vector<16xf32>,
        %mul3A_789 = arith.constant 16 : i32
        %mul3A_790 = arith.muli %scan3A_188, %mul3A_789 : i32
        %add3A_791 = arith.constant 10 : i32
        %add3A_792 = arith.addi %mul3A_790, %add3A_791 : i32
        %mul3A_793 = arith.constant 16 : i32
        %mul3A_794 = arith.muli %add3A_792, %mul3A_793 : i32
        %get3A_795 = arith.index_cast %mul3A_794 : i32 to index
        %get3A_796 = tpu.vector_load %arg16[%get3A_795] {strides = array<i32>} : memref<2048xf32, #tpu.memory_space<vmem>>, vector<16xf32>,
        %mul3A_797 = arith.mulf %get3A_796, %div3A_678 : vector<16xf32>
        %swap3A_798 = arith.index_cast %mul3A_794 : i32 to index
        %swap3A_799 = tpu.vector_load %arg16[%swap3A_798] {strides = array<i32>} : memref<2048xf32, #tpu.memory_space<vmem>>, vector<16xf32>,
        tpu.vector_store %arg16[%swap3A_798], %mul3A_797 {strides = array<i32>} : memref<2048xf32, #tpu.memory_space<vmem>>, vector<16xf32>,
        %mul3A_800 = arith.constant 16 : i32
        %mul3A_801 = arith.muli %scan3A_188, %mul3A_800 : i32
        %add3A_802 = arith.constant 11 : i32
        %add3A_803 = arith.addi %mul3A_801, %add3A_802 : i32
        %mul3A_804 = arith.constant 16 : i32
        %mul3A_805 = arith.muli %add3A_803, %mul3A_804 : i32
        %get3A_806 = arith.index_cast %mul3A_805 : i32 to index
        %get3A_807 = tpu.vector_load %arg16[%get3A_806] {strides = array<i32>} : memref<2048xf32, #tpu.memory_space<vmem>>, vector<16xf32>,
        %mul3A_808 = arith.mulf %get3A_807, %div3A_678 : vector<16xf32>
        %swap3A_809 = arith.index_cast %mul3A_805 : i32 to index
        %swap3A_810 = tpu.vector_load %arg16[%swap3A_809] {strides = array<i32>} : memref<2048xf32, #tpu.memory_space<vmem>>, vector<16xf32>,
        tpu.vector_store %arg16[%swap3A_809], %mul3A_808 {strides = array<i32>} : memref<2048xf32, #tpu.memory_space<vmem>>, vector<16xf32>,
        %mul3A_811 = arith.constant 16 : i32
        %mul3A_812 = arith.muli %scan3A_188, %mul3A_811 : i32
        %add3A_813 = arith.constant 12 : i32
        %add3A_814 = arith.addi %mul3A_812, %add3A_813 : i32
        %mul3A_815 = arith.constant 16 : i32
        %mul3A_816 = arith.muli %add3A_814, %mul3A_815 : i32
        %get3A_817 = arith.index_cast %mul3A_816 : i32 to index
        %get3A_818 = tpu.vector_load %arg16[%get3A_817] {strides = array<i32>} : memref<2048xf32, #tpu.memory_space<vmem>>, vector<16xf32>,
        %mul3A_819 = arith.mulf %get3A_818, %div3A_678 : vector<16xf32>
        %swap3A_820 = arith.index_cast %mul3A_816 : i32 to index
        %swap3A_821 = tpu.vector_load %arg16[%swap3A_820] {strides = array<i32>} : memref<2048xf32, #tpu.memory_space<vmem>>, vector<16xf32>,
        tpu.vector_store %arg16[%swap3A_820], %mul3A_819 {strides = array<i32>} : memref<2048xf32, #tpu.memory_space<vmem>>, vector<16xf32>,
        %mul3A_822 = arith.constant 16 : i32
        %mul3A_823 = arith.muli %scan3A_188, %mul3A_822 : i32
        %add3A_824 = arith.constant 13 : i32
        %add3A_825 = arith.addi %mul3A_823, %add3A_824 : i32
        %mul3A_826 = arith.constant 16 : i32
        %mul3A_827 = arith.muli %add3A_825, %mul3A_826 : i32
        %get3A_828 = arith.index_cast %mul3A_827 : i32 to index
        %get3A_829 = tpu.vector_load %arg16[%get3A_828] {strides = array<i32>} : memref<2048xf32, #tpu.memory_space<vmem>>, vector<16xf32>,
        %mul3A_830 = arith.mulf %get3A_829, %div3A_678 : vector<16xf32>
        %swap3A_831 = arith.index_cast %mul3A_827 : i32 to index
        %swap3A_832 = tpu.vector_load %arg16[%swap3A_831] {strides = array<i32>} : memref<2048xf32, #tpu.memory_space<vmem>>, vector<16xf32>,
        tpu.vector_store %arg16[%swap3A_831], %mul3A_830 {strides = array<i32>} : memref<2048xf32, #tpu.memory_space<vmem>>, vector<16xf32>,
        %mul3A_833 = arith.constant 16 : i32
        %mul3A_834 = arith.muli %scan3A_188, %mul3A_833 : i32
        %add3A_835 = arith.constant 14 : i32
        %add3A_836 = arith.addi %mul3A_834, %add3A_835 : i32
        %mul3A_837 = arith.constant 16 : i32
        %mul3A_838 = arith.muli %add3A_836, %mul3A_837 : i32
        %get3A_839 = arith.index_cast %mul3A_838 : i32 to index
        %get3A_840 = tpu.vector_load %arg16[%get3A_839] {strides = array<i32>} : memref<2048xf32, #tpu.memory_space<vmem>>, vector<16xf32>,
        %mul3A_841 = arith.mulf %get3A_840, %div3A_678 : vector<16xf32>
        %swap3A_842 = arith.index_cast %mul3A_838 : i32 to index
        %swap3A_843 = tpu.vector_load %arg16[%swap3A_842] {strides = array<i32>} : memref<2048xf32, #tpu.memory_space<vmem>>, vector<16xf32>,
        tpu.vector_store %arg16[%swap3A_842], %mul3A_841 {strides = array<i32>} : memref<2048xf32, #tpu.memory_space<vmem>>, vector<16xf32>,
        %mul3A_844 = arith.constant 16 : i32
        %mul3A_845 = arith.muli %scan3A_188, %mul3A_844 : i32
        %add3A_846 = arith.constant 15 : i32
        %add3A_847 = arith.addi %mul3A_845, %add3A_846 : i32
        %mul3A_848 = arith.constant 16 : i32
        %mul3A_849 = arith.muli %add3A_847, %mul3A_848 : i32
        %get3A_850 = arith.index_cast %mul3A_849 : i32 to index
        %get3A_851 = tpu.vector_load %arg16[%get3A_850] {strides = array<i32>} : memref<2048xf32, #tpu.memory_space<vmem>>, vector<16xf32>,
        %mul3A_852 = arith.mulf %get3A_851, %div3A_678 : vector<16xf32>
        %swap3A_853 = arith.index_cast %mul3A_849 : i32 to index
        %swap3A_854 = tpu.vector_load %arg16[%swap3A_853] {strides = array<i32>} : memref<2048xf32, #tpu.memory_space<vmem>>, vector<16xf32>,
        tpu.vector_store %arg16[%swap3A_853], %mul3A_852 {strides = array<i32>} : memref<2048xf32, #tpu.memory_space<vmem>>, vector<16xf32>,
      }
      %scan3A_94 = arith.constant 8 : i32
      %gt3A = arith.constant 0 : i32
      %gt3A_95 = arith.cmpi sgt, %mul3A_33, %gt3A : i32
      %convert_element_type3A_96 = arith.extui %gt3A_95 : i1 to i32
      %cond3A_97 = arith.constant 0 : i32
      %cond3A_98 = arith.cmpi ne, %convert_element_type3A_96, %cond3A_97 : i32
      scf.if %cond3A_98 {
        %dma_wait3A_188 = arith.constant 0 : i32
        %dma_wait3A_189 = arith.constant 0 : i32
        %dma_wait3A_190 = tpu.memref_slice %arg6[%dma_wait3A_188, %dma_wait3A_189] : memref<10240x256xf32, #tpu.memory_space<hbm>> -> memref<8x256xf32, #tpu.memory_space<hbm>>
        %dma_wait3A_191 = arith.constant 0 : i32
        %dma_wait3A_192 = arith.constant 0 : i32
        %dma_wait3A_193 = tpu.memref_slice %arg6[%dma_wait3A_191, %dma_wait3A_192] : memref<10240x256xf32, #tpu.memory_space<hbm>> -> memref<8x256xf32, #tpu.memory_space<hbm>>
        tpu.wait_dma2 semaphore(%arg19 : memref<!tpu.dma_semaphore, #tpu.memory_space<semaphore_mem>>) src(%arg15 : memref<8x256xf32, #tpu.memory_space<vmem>>) dst(%dma_wait3A_193 : memref<8x256xf32, #tpu.memory_space<hbm>>)
      } else {
      }
      %scan3A_99 = arith.constant 0 : i32
      %scan3A_100 = arith.constant 0 : i32
      %scan3A_101 = arith.constant 8 : i32
      %scan3A_102 = arith.addi %scan3A_100, %scan3A_101 : i32
      %scan3A_103 = arith.constant 1 : i32
      scf.for %scan3A_188 = %scan3A_100 to %scan3A_102 step %scan3A_103  : i32 {
        %scan3A_189 = arith.constant 0 : i32
        %scan3A_190 = arith.constant 0 : i32
        %scan3A_191 = arith.constant 8 : i32
        %scan3A_192 = arith.addi %scan3A_190, %scan3A_191 : i32
        %scan3A_193 = arith.constant 1 : i32
        scf.for %scan3A_195 = %scan3A_190 to %scan3A_192 step %scan3A_193  : i32 {
          %mul3A_196 = arith.constant 16 : i32
          %mul3A_197 = arith.muli %scan3A_188, %mul3A_196 : i32
          %add3A_198 = vector.broadcast %scan3A_195 : i32 to vector<16xi32>
          %add3A_199 = arith.addi %add3A_198, %iota3A : vector<16xi32>
          %and3A_200 = arith.constant 15 : i32
          %and3A_201 = vector.broadcast %and3A_200 : i32 to vector<16xi32>
          %and3A_202 = arith.andi %add3A_199, %and3A_201 : vector<16xi32>
          %add3A_203 = vector.broadcast %mul3A_197 : i32 to vector<16xi32>
          %add3A_204 = arith.addi %add3A_203, %and3A_202 : vector<16xi32>
          %broadcast_in_dim3A = arith.constant 0.000000e+00 : f32
          %broadcast_in_dim3A_205 = vector.broadcast %broadcast_in_dim3A : f32 to vector<16xf32>
          %broadcast_in_dim3A_206 = arith.constant 0.000000e+00 : f32
          %broadcast_in_dim3A_207 = vector.broadcast %broadcast_in_dim3A_206 : f32 to vector<16xf32>
          %mul3A_208 = arith.constant 16 : i32
          %mul3A_209 = arith.muli %scan3A_188, %mul3A_208 : i32
          %add3A_210 = arith.constant 0 : i32
          %add3A_211 = arith.addi %mul3A_209, %add3A_210 : i32
          %mul3A_212 = arith.constant 16 : i32
          %mul3A_213 = arith.muli %add3A_211, %mul3A_212 : i32
          %get3A = arith.index_cast %mul3A_213 : i32 to index
          %get3A_214 = tpu.vector_load %arg16[%get3A] {strides = array<i32>} : memref<2048xf32, #tpu.memory_space<vmem>>, vector<16xf32>,
          %add3A_215 = arith.constant 0 : i32
          %add3A_216 = vector.broadcast %add3A_215 : i32 to vector<16xi32>
          %add3A_217 = arith.addi %and3A_2, %add3A_216 : vector<16xi32>
          %gather3A = tpu.vector_load_idx %arg11[%add3A_217, %add3A_204] : memref<128x128xi32, #tpu.memory_space<vmem>>[vector<16xi32>, vector<16xi32>], vector<16xi32>,
          %bitcast3A = vector.bitcast %gather3A : vector<16xi32> to vector<32xbf16>
          %unpack3A = tpu.unpack_subelements %bitcast3A, 0 {pack_format = #tpu.pack_format<interleaved>} : vector<32xbf16> -> vector<16xf32>
          %unpack3A_218 = tpu.unpack_subelements %bitcast3A, 1 {pack_format = #tpu.pack_format<interleaved>} : vector<32xbf16> -> vector<16xf32>
          %mul3A_219 = arith.mulf %get3A_214, %unpack3A : vector<16xf32>
          %add3A_220 = arith.addf %broadcast_in_dim3A_205, %mul3A_219 : vector<16xf32>
          %mul3A_221 = arith.mulf %get3A_214, %unpack3A_218 : vector<16xf32>
          %add3A_222 = arith.addf %broadcast_in_dim3A_207, %mul3A_221 : vector<16xf32>
          %mul3A_223 = arith.constant 16 : i32
          %mul3A_224 = arith.muli %scan3A_188, %mul3A_223 : i32
          %add3A_225 = arith.constant 1 : i32
          %add3A_226 = arith.addi %mul3A_224, %add3A_225 : i32
          %mul3A_227 = arith.constant 16 : i32
          %mul3A_228 = arith.muli %add3A_226, %mul3A_227 : i32
          %get3A_229 = arith.index_cast %mul3A_228 : i32 to index
          %get3A_230 = tpu.vector_load %arg16[%get3A_229] {strides = array<i32>} : memref<2048xf32, #tpu.memory_space<vmem>>, vector<16xf32>,
          %add3A_231 = arith.constant 8 : i32
          %add3A_232 = vector.broadcast %add3A_231 : i32 to vector<16xi32>
          %add3A_233 = arith.addi %and3A_2, %add3A_232 : vector<16xi32>
          %gather3A_234 = tpu.vector_load_idx %arg11[%add3A_233, %add3A_204] : memref<128x128xi32, #tpu.memory_space<vmem>>[vector<16xi32>, vector<16xi32>], vector<16xi32>,
          %bitcast3A_235 = vector.bitcast %gather3A_234 : vector<16xi32> to vector<32xbf16>
          %unpack3A_236 = tpu.unpack_subelements %bitcast3A_235, 0 {pack_format = #tpu.pack_format<interleaved>} : vector<32xbf16> -> vector<16xf32>
          %unpack3A_237 = tpu.unpack_subelements %bitcast3A_235, 1 {pack_format = #tpu.pack_format<interleaved>} : vector<32xbf16> -> vector<16xf32>
          %mul3A_238 = arith.mulf %get3A_230, %unpack3A_236 : vector<16xf32>
          %add3A_239 = arith.addf %add3A_220, %mul3A_238 : vector<16xf32>
          %mul3A_240 = arith.mulf %get3A_230, %unpack3A_237 : vector<16xf32>
          %add3A_241 = arith.addf %add3A_222, %mul3A_240 : vector<16xf32>
          %mul3A_242 = arith.constant 16 : i32
          %mul3A_243 = arith.muli %scan3A_188, %mul3A_242 : i32
          %add3A_244 = arith.constant 2 : i32
          %add3A_245 = arith.addi %mul3A_243, %add3A_244 : i32
          %mul3A_246 = arith.constant 16 : i32
          %mul3A_247 = arith.muli %add3A_245, %mul3A_246 : i32
          %get3A_248 = arith.index_cast %mul3A_247 : i32 to index
          %get3A_249 = tpu.vector_load %arg16[%get3A_248] {strides = array<i32>} : memref<2048xf32, #tpu.memory_space<vmem>>, vector<16xf32>,
          %add3A_250 = arith.constant 16 : i32
          %add3A_251 = vector.broadcast %add3A_250 : i32 to vector<16xi32>
          %add3A_252 = arith.addi %and3A_2, %add3A_251 : vector<16xi32>
          %gather3A_253 = tpu.vector_load_idx %arg11[%add3A_252, %add3A_204] : memref<128x128xi32, #tpu.memory_space<vmem>>[vector<16xi32>, vector<16xi32>], vector<16xi32>,
          %bitcast3A_254 = vector.bitcast %gather3A_253 : vector<16xi32> to vector<32xbf16>
          %unpack3A_255 = tpu.unpack_subelements %bitcast3A_254, 0 {pack_format = #tpu.pack_format<interleaved>} : vector<32xbf16> -> vector<16xf32>
          %unpack3A_256 = tpu.unpack_subelements %bitcast3A_254, 1 {pack_format = #tpu.pack_format<interleaved>} : vector<32xbf16> -> vector<16xf32>
          %mul3A_257 = arith.mulf %get3A_249, %unpack3A_255 : vector<16xf32>
          %add3A_258 = arith.addf %add3A_239, %mul3A_257 : vector<16xf32>
          %mul3A_259 = arith.mulf %get3A_249, %unpack3A_256 : vector<16xf32>
          %add3A_260 = arith.addf %add3A_241, %mul3A_259 : vector<16xf32>
          %mul3A_261 = arith.constant 16 : i32
          %mul3A_262 = arith.muli %scan3A_188, %mul3A_261 : i32
          %add3A_263 = arith.constant 3 : i32
          %add3A_264 = arith.addi %mul3A_262, %add3A_263 : i32
          %mul3A_265 = arith.constant 16 : i32
          %mul3A_266 = arith.muli %add3A_264, %mul3A_265 : i32
          %get3A_267 = arith.index_cast %mul3A_266 : i32 to index
          %get3A_268 = tpu.vector_load %arg16[%get3A_267] {strides = array<i32>} : memref<2048xf32, #tpu.memory_space<vmem>>, vector<16xf32>,
          %add3A_269 = arith.constant 24 : i32
          %add3A_270 = vector.broadcast %add3A_269 : i32 to vector<16xi32>
          %add3A_271 = arith.addi %and3A_2, %add3A_270 : vector<16xi32>
          %gather3A_272 = tpu.vector_load_idx %arg11[%add3A_271, %add3A_204] : memref<128x128xi32, #tpu.memory_space<vmem>>[vector<16xi32>, vector<16xi32>], vector<16xi32>,
          %bitcast3A_273 = vector.bitcast %gather3A_272 : vector<16xi32> to vector<32xbf16>
          %unpack3A_274 = tpu.unpack_subelements %bitcast3A_273, 0 {pack_format = #tpu.pack_format<interleaved>} : vector<32xbf16> -> vector<16xf32>
          %unpack3A_275 = tpu.unpack_subelements %bitcast3A_273, 1 {pack_format = #tpu.pack_format<interleaved>} : vector<32xbf16> -> vector<16xf32>
          %mul3A_276 = arith.mulf %get3A_268, %unpack3A_274 : vector<16xf32>
          %add3A_277 = arith.addf %add3A_258, %mul3A_276 : vector<16xf32>
          %mul3A_278 = arith.mulf %get3A_268, %unpack3A_275 : vector<16xf32>
          %add3A_279 = arith.addf %add3A_260, %mul3A_278 : vector<16xf32>
          %mul3A_280 = arith.constant 16 : i32
          %mul3A_281 = arith.muli %scan3A_188, %mul3A_280 : i32
          %add3A_282 = arith.constant 4 : i32
          %add3A_283 = arith.addi %mul3A_281, %add3A_282 : i32
          %mul3A_284 = arith.constant 16 : i32
          %mul3A_285 = arith.muli %add3A_283, %mul3A_284 : i32
          %get3A_286 = arith.index_cast %mul3A_285 : i32 to index
          %get3A_287 = tpu.vector_load %arg16[%get3A_286] {strides = array<i32>} : memref<2048xf32, #tpu.memory_space<vmem>>, vector<16xf32>,
          %add3A_288 = arith.constant 32 : i32
          %add3A_289 = vector.broadcast %add3A_288 : i32 to vector<16xi32>
          %add3A_290 = arith.addi %and3A_2, %add3A_289 : vector<16xi32>
          %gather3A_291 = tpu.vector_load_idx %arg11[%add3A_290, %add3A_204] : memref<128x128xi32, #tpu.memory_space<vmem>>[vector<16xi32>, vector<16xi32>], vector<16xi32>,
          %bitcast3A_292 = vector.bitcast %gather3A_291 : vector<16xi32> to vector<32xbf16>
          %unpack3A_293 = tpu.unpack_subelements %bitcast3A_292, 0 {pack_format = #tpu.pack_format<interleaved>} : vector<32xbf16> -> vector<16xf32>
          %unpack3A_294 = tpu.unpack_subelements %bitcast3A_292, 1 {pack_format = #tpu.pack_format<interleaved>} : vector<32xbf16> -> vector<16xf32>
          %mul3A_295 = arith.mulf %get3A_287, %unpack3A_293 : vector<16xf32>
          %add3A_296 = arith.addf %add3A_277, %mul3A_295 : vector<16xf32>
          %mul3A_297 = arith.mulf %get3A_287, %unpack3A_294 : vector<16xf32>
          %add3A_298 = arith.addf %add3A_279, %mul3A_297 : vector<16xf32>
          %mul3A_299 = arith.constant 16 : i32
          %mul3A_300 = arith.muli %scan3A_188, %mul3A_299 : i32
          %add3A_301 = arith.constant 5 : i32
          %add3A_302 = arith.addi %mul3A_300, %add3A_301 : i32
          %mul3A_303 = arith.constant 16 : i32
          %mul3A_304 = arith.muli %add3A_302, %mul3A_303 : i32
          %get3A_305 = arith.index_cast %mul3A_304 : i32 to index
          %get3A_306 = tpu.vector_load %arg16[%get3A_305] {strides = array<i32>} : memref<2048xf32, #tpu.memory_space<vmem>>, vector<16xf32>,
          %add3A_307 = arith.constant 40 : i32
          %add3A_308 = vector.broadcast %add3A_307 : i32 to vector<16xi32>
          %add3A_309 = arith.addi %and3A_2, %add3A_308 : vector<16xi32>
          %gather3A_310 = tpu.vector_load_idx %arg11[%add3A_309, %add3A_204] : memref<128x128xi32, #tpu.memory_space<vmem>>[vector<16xi32>, vector<16xi32>], vector<16xi32>,
          %bitcast3A_311 = vector.bitcast %gather3A_310 : vector<16xi32> to vector<32xbf16>
          %unpack3A_312 = tpu.unpack_subelements %bitcast3A_311, 0 {pack_format = #tpu.pack_format<interleaved>} : vector<32xbf16> -> vector<16xf32>
          %unpack3A_313 = tpu.unpack_subelements %bitcast3A_311, 1 {pack_format = #tpu.pack_format<interleaved>} : vector<32xbf16> -> vector<16xf32>
          %mul3A_314 = arith.mulf %get3A_306, %unpack3A_312 : vector<16xf32>
          %add3A_315 = arith.addf %add3A_296, %mul3A_314 : vector<16xf32>
          %mul3A_316 = arith.mulf %get3A_306, %unpack3A_313 : vector<16xf32>
          %add3A_317 = arith.addf %add3A_298, %mul3A_316 : vector<16xf32>
          %mul3A_318 = arith.constant 16 : i32
          %mul3A_319 = arith.muli %scan3A_188, %mul3A_318 : i32
          %add3A_320 = arith.constant 6 : i32
          %add3A_321 = arith.addi %mul3A_319, %add3A_320 : i32
          %mul3A_322 = arith.constant 16 : i32
          %mul3A_323 = arith.muli %add3A_321, %mul3A_322 : i32
          %get3A_324 = arith.index_cast %mul3A_323 : i32 to index
          %get3A_325 = tpu.vector_load %arg16[%get3A_324] {strides = array<i32>} : memref<2048xf32, #tpu.memory_space<vmem>>, vector<16xf32>,
          %add3A_326 = arith.constant 48 : i32
          %add3A_327 = vector.broadcast %add3A_326 : i32 to vector<16xi32>
          %add3A_328 = arith.addi %and3A_2, %add3A_327 : vector<16xi32>
          %gather3A_329 = tpu.vector_load_idx %arg11[%add3A_328, %add3A_204] : memref<128x128xi32, #tpu.memory_space<vmem>>[vector<16xi32>, vector<16xi32>], vector<16xi32>,
          %bitcast3A_330 = vector.bitcast %gather3A_329 : vector<16xi32> to vector<32xbf16>
          %unpack3A_331 = tpu.unpack_subelements %bitcast3A_330, 0 {pack_format = #tpu.pack_format<interleaved>} : vector<32xbf16> -> vector<16xf32>
          %unpack3A_332 = tpu.unpack_subelements %bitcast3A_330, 1 {pack_format = #tpu.pack_format<interleaved>} : vector<32xbf16> -> vector<16xf32>
          %mul3A_333 = arith.mulf %get3A_325, %unpack3A_331 : vector<16xf32>
          %add3A_334 = arith.addf %add3A_315, %mul3A_333 : vector<16xf32>
          %mul3A_335 = arith.mulf %get3A_325, %unpack3A_332 : vector<16xf32>
          %add3A_336 = arith.addf %add3A_317, %mul3A_335 : vector<16xf32>
          %mul3A_337 = arith.constant 16 : i32
          %mul3A_338 = arith.muli %scan3A_188, %mul3A_337 : i32
          %add3A_339 = arith.constant 7 : i32
          %add3A_340 = arith.addi %mul3A_338, %add3A_339 : i32
          %mul3A_341 = arith.constant 16 : i32
          %mul3A_342 = arith.muli %add3A_340, %mul3A_341 : i32
          %get3A_343 = arith.index_cast %mul3A_342 : i32 to index
          %get3A_344 = tpu.vector_load %arg16[%get3A_343] {strides = array<i32>} : memref<2048xf32, #tpu.memory_space<vmem>>, vector<16xf32>,
          %add3A_345 = arith.constant 56 : i32
          %add3A_346 = vector.broadcast %add3A_345 : i32 to vector<16xi32>
          %add3A_347 = arith.addi %and3A_2, %add3A_346 : vector<16xi32>
          %gather3A_348 = tpu.vector_load_idx %arg11[%add3A_347, %add3A_204] : memref<128x128xi32, #tpu.memory_space<vmem>>[vector<16xi32>, vector<16xi32>], vector<16xi32>,
          %bitcast3A_349 = vector.bitcast %gather3A_348 : vector<16xi32> to vector<32xbf16>
          %unpack3A_350 = tpu.unpack_subelements %bitcast3A_349, 0 {pack_format = #tpu.pack_format<interleaved>} : vector<32xbf16> -> vector<16xf32>
          %unpack3A_351 = tpu.unpack_subelements %bitcast3A_349, 1 {pack_format = #tpu.pack_format<interleaved>} : vector<32xbf16> -> vector<16xf32>
          %mul3A_352 = arith.mulf %get3A_344, %unpack3A_350 : vector<16xf32>
          %add3A_353 = arith.addf %add3A_334, %mul3A_352 : vector<16xf32>
          %mul3A_354 = arith.mulf %get3A_344, %unpack3A_351 : vector<16xf32>
          %add3A_355 = arith.addf %add3A_336, %mul3A_354 : vector<16xf32>
          %mul3A_356 = arith.constant 16 : i32
          %mul3A_357 = arith.muli %scan3A_188, %mul3A_356 : i32
          %add3A_358 = arith.constant 8 : i32
          %add3A_359 = arith.addi %mul3A_357, %add3A_358 : i32
          %mul3A_360 = arith.constant 16 : i32
          %mul3A_361 = arith.muli %add3A_359, %mul3A_360 : i32
          %get3A_362 = arith.index_cast %mul3A_361 : i32 to index
          %get3A_363 = tpu.vector_load %arg16[%get3A_362] {strides = array<i32>} : memref<2048xf32, #tpu.memory_space<vmem>>, vector<16xf32>,
          %add3A_364 = arith.constant 64 : i32
          %add3A_365 = vector.broadcast %add3A_364 : i32 to vector<16xi32>
          %add3A_366 = arith.addi %and3A_2, %add3A_365 : vector<16xi32>
          %gather3A_367 = tpu.vector_load_idx %arg11[%add3A_366, %add3A_204] : memref<128x128xi32, #tpu.memory_space<vmem>>[vector<16xi32>, vector<16xi32>], vector<16xi32>,
          %bitcast3A_368 = vector.bitcast %gather3A_367 : vector<16xi32> to vector<32xbf16>
          %unpack3A_369 = tpu.unpack_subelements %bitcast3A_368, 0 {pack_format = #tpu.pack_format<interleaved>} : vector<32xbf16> -> vector<16xf32>
          %unpack3A_370 = tpu.unpack_subelements %bitcast3A_368, 1 {pack_format = #tpu.pack_format<interleaved>} : vector<32xbf16> -> vector<16xf32>
          %mul3A_371 = arith.mulf %get3A_363, %unpack3A_369 : vector<16xf32>
          %add3A_372 = arith.addf %add3A_353, %mul3A_371 : vector<16xf32>
          %mul3A_373 = arith.mulf %get3A_363, %unpack3A_370 : vector<16xf32>
          %add3A_374 = arith.addf %add3A_355, %mul3A_373 : vector<16xf32>
          %mul3A_375 = arith.constant 16 : i32
          %mul3A_376 = arith.muli %scan3A_188, %mul3A_375 : i32
          %add3A_377 = arith.constant 9 : i32
          %add3A_378 = arith.addi %mul3A_376, %add3A_377 : i32
          %mul3A_379 = arith.constant 16 : i32
          %mul3A_380 = arith.muli %add3A_378, %mul3A_379 : i32
          %get3A_381 = arith.index_cast %mul3A_380 : i32 to index
          %get3A_382 = tpu.vector_load %arg16[%get3A_381] {strides = array<i32>} : memref<2048xf32, #tpu.memory_space<vmem>>, vector<16xf32>,
          %add3A_383 = arith.constant 72 : i32
          %add3A_384 = vector.broadcast %add3A_383 : i32 to vector<16xi32>
          %add3A_385 = arith.addi %and3A_2, %add3A_384 : vector<16xi32>
          %gather3A_386 = tpu.vector_load_idx %arg11[%add3A_385, %add3A_204] : memref<128x128xi32, #tpu.memory_space<vmem>>[vector<16xi32>, vector<16xi32>], vector<16xi32>,
          %bitcast3A_387 = vector.bitcast %gather3A_386 : vector<16xi32> to vector<32xbf16>
          %unpack3A_388 = tpu.unpack_subelements %bitcast3A_387, 0 {pack_format = #tpu.pack_format<interleaved>} : vector<32xbf16> -> vector<16xf32>
          %unpack3A_389 = tpu.unpack_subelements %bitcast3A_387, 1 {pack_format = #tpu.pack_format<interleaved>} : vector<32xbf16> -> vector<16xf32>
          %mul3A_390 = arith.mulf %get3A_382, %unpack3A_388 : vector<16xf32>
          %add3A_391 = arith.addf %add3A_372, %mul3A_390 : vector<16xf32>
          %mul3A_392 = arith.mulf %get3A_382, %unpack3A_389 : vector<16xf32>
          %add3A_393 = arith.addf %add3A_374, %mul3A_392 : vector<16xf32>
          %mul3A_394 = arith.constant 16 : i32
          %mul3A_395 = arith.muli %scan3A_188, %mul3A_394 : i32
          %add3A_396 = arith.constant 10 : i32
          %add3A_397 = arith.addi %mul3A_395, %add3A_396 : i32
          %mul3A_398 = arith.constant 16 : i32
          %mul3A_399 = arith.muli %add3A_397, %mul3A_398 : i32
          %get3A_400 = arith.index_cast %mul3A_399 : i32 to index
          %get3A_401 = tpu.vector_load %arg16[%get3A_400] {strides = array<i32>} : memref<2048xf32, #tpu.memory_space<vmem>>, vector<16xf32>,
          %add3A_402 = arith.constant 80 : i32
          %add3A_403 = vector.broadcast %add3A_402 : i32 to vector<16xi32>
          %add3A_404 = arith.addi %and3A_2, %add3A_403 : vector<16xi32>
          %gather3A_405 = tpu.vector_load_idx %arg11[%add3A_404, %add3A_204] : memref<128x128xi32, #tpu.memory_space<vmem>>[vector<16xi32>, vector<16xi32>], vector<16xi32>,
          %bitcast3A_406 = vector.bitcast %gather3A_405 : vector<16xi32> to vector<32xbf16>
          %unpack3A_407 = tpu.unpack_subelements %bitcast3A_406, 0 {pack_format = #tpu.pack_format<interleaved>} : vector<32xbf16> -> vector<16xf32>
          %unpack3A_408 = tpu.unpack_subelements %bitcast3A_406, 1 {pack_format = #tpu.pack_format<interleaved>} : vector<32xbf16> -> vector<16xf32>
          %mul3A_409 = arith.mulf %get3A_401, %unpack3A_407 : vector<16xf32>
          %add3A_410 = arith.addf %add3A_391, %mul3A_409 : vector<16xf32>
          %mul3A_411 = arith.mulf %get3A_401, %unpack3A_408 : vector<16xf32>
          %add3A_412 = arith.addf %add3A_393, %mul3A_411 : vector<16xf32>
          %mul3A_413 = arith.constant 16 : i32
          %mul3A_414 = arith.muli %scan3A_188, %mul3A_413 : i32
          %add3A_415 = arith.constant 11 : i32
          %add3A_416 = arith.addi %mul3A_414, %add3A_415 : i32
          %mul3A_417 = arith.constant 16 : i32
          %mul3A_418 = arith.muli %add3A_416, %mul3A_417 : i32
          %get3A_419 = arith.index_cast %mul3A_418 : i32 to index
          %get3A_420 = tpu.vector_load %arg16[%get3A_419] {strides = array<i32>} : memref<2048xf32, #tpu.memory_space<vmem>>, vector<16xf32>,
          %add3A_421 = arith.constant 88 : i32
          %add3A_422 = vector.broadcast %add3A_421 : i32 to vector<16xi32>
          %add3A_423 = arith.addi %and3A_2, %add3A_422 : vector<16xi32>
          %gather3A_424 = tpu.vector_load_idx %arg11[%add3A_423, %add3A_204] : memref<128x128xi32, #tpu.memory_space<vmem>>[vector<16xi32>, vector<16xi32>], vector<16xi32>,
          %bitcast3A_425 = vector.bitcast %gather3A_424 : vector<16xi32> to vector<32xbf16>
          %unpack3A_426 = tpu.unpack_subelements %bitcast3A_425, 0 {pack_format = #tpu.pack_format<interleaved>} : vector<32xbf16> -> vector<16xf32>
          %unpack3A_427 = tpu.unpack_subelements %bitcast3A_425, 1 {pack_format = #tpu.pack_format<interleaved>} : vector<32xbf16> -> vector<16xf32>
          %mul3A_428 = arith.mulf %get3A_420, %unpack3A_426 : vector<16xf32>
          %add3A_429 = arith.addf %add3A_410, %mul3A_428 : vector<16xf32>
          %mul3A_430 = arith.mulf %get3A_420, %unpack3A_427 : vector<16xf32>
          %add3A_431 = arith.addf %add3A_412, %mul3A_430 : vector<16xf32>
          %mul3A_432 = arith.constant 16 : i32
          %mul3A_433 = arith.muli %scan3A_188, %mul3A_432 : i32
          %add3A_434 = arith.constant 12 : i32
          %add3A_435 = arith.addi %mul3A_433, %add3A_434 : i32
          %mul3A_436 = arith.constant 16 : i32
          %mul3A_437 = arith.muli %add3A_435, %mul3A_436 : i32
          %get3A_438 = arith.index_cast %mul3A_437 : i32 to index
          %get3A_439 = tpu.vector_load %arg16[%get3A_438] {strides = array<i32>} : memref<2048xf32, #tpu.memory_space<vmem>>, vector<16xf32>,
          %add3A_440 = arith.constant 96 : i32
          %add3A_441 = vector.broadcast %add3A_440 : i32 to vector<16xi32>
          %add3A_442 = arith.addi %and3A_2, %add3A_441 : vector<16xi32>
          %gather3A_443 = tpu.vector_load_idx %arg11[%add3A_442, %add3A_204] : memref<128x128xi32, #tpu.memory_space<vmem>>[vector<16xi32>, vector<16xi32>], vector<16xi32>,
          %bitcast3A_444 = vector.bitcast %gather3A_443 : vector<16xi32> to vector<32xbf16>
          %unpack3A_445 = tpu.unpack_subelements %bitcast3A_444, 0 {pack_format = #tpu.pack_format<interleaved>} : vector<32xbf16> -> vector<16xf32>
          %unpack3A_446 = tpu.unpack_subelements %bitcast3A_444, 1 {pack_format = #tpu.pack_format<interleaved>} : vector<32xbf16> -> vector<16xf32>
          %mul3A_447 = arith.mulf %get3A_439, %unpack3A_445 : vector<16xf32>
          %add3A_448 = arith.addf %add3A_429, %mul3A_447 : vector<16xf32>
          %mul3A_449 = arith.mulf %get3A_439, %unpack3A_446 : vector<16xf32>
          %add3A_450 = arith.addf %add3A_431, %mul3A_449 : vector<16xf32>
          %mul3A_451 = arith.constant 16 : i32
          %mul3A_452 = arith.muli %scan3A_188, %mul3A_451 : i32
          %add3A_453 = arith.constant 13 : i32
          %add3A_454 = arith.addi %mul3A_452, %add3A_453 : i32
          %mul3A_455 = arith.constant 16 : i32
          %mul3A_456 = arith.muli %add3A_454, %mul3A_455 : i32
          %get3A_457 = arith.index_cast %mul3A_456 : i32 to index
          %get3A_458 = tpu.vector_load %arg16[%get3A_457] {strides = array<i32>} : memref<2048xf32, #tpu.memory_space<vmem>>, vector<16xf32>,
          %add3A_459 = arith.constant 104 : i32
          %add3A_460 = vector.broadcast %add3A_459 : i32 to vector<16xi32>
          %add3A_461 = arith.addi %and3A_2, %add3A_460 : vector<16xi32>
          %gather3A_462 = tpu.vector_load_idx %arg11[%add3A_461, %add3A_204] : memref<128x128xi32, #tpu.memory_space<vmem>>[vector<16xi32>, vector<16xi32>], vector<16xi32>,
          %bitcast3A_463 = vector.bitcast %gather3A_462 : vector<16xi32> to vector<32xbf16>
          %unpack3A_464 = tpu.unpack_subelements %bitcast3A_463, 0 {pack_format = #tpu.pack_format<interleaved>} : vector<32xbf16> -> vector<16xf32>
          %unpack3A_465 = tpu.unpack_subelements %bitcast3A_463, 1 {pack_format = #tpu.pack_format<interleaved>} : vector<32xbf16> -> vector<16xf32>
          %mul3A_466 = arith.mulf %get3A_458, %unpack3A_464 : vector<16xf32>
          %add3A_467 = arith.addf %add3A_448, %mul3A_466 : vector<16xf32>
          %mul3A_468 = arith.mulf %get3A_458, %unpack3A_465 : vector<16xf32>
          %add3A_469 = arith.addf %add3A_450, %mul3A_468 : vector<16xf32>
          %mul3A_470 = arith.constant 16 : i32
          %mul3A_471 = arith.muli %scan3A_188, %mul3A_470 : i32
          %add3A_472 = arith.constant 14 : i32
          %add3A_473 = arith.addi %mul3A_471, %add3A_472 : i32
          %mul3A_474 = arith.constant 16 : i32
          %mul3A_475 = arith.muli %add3A_473, %mul3A_474 : i32
          %get3A_476 = arith.index_cast %mul3A_475 : i32 to index
          %get3A_477 = tpu.vector_load %arg16[%get3A_476] {strides = array<i32>} : memref<2048xf32, #tpu.memory_space<vmem>>, vector<16xf32>,
          %add3A_478 = arith.constant 112 : i32
          %add3A_479 = vector.broadcast %add3A_478 : i32 to vector<16xi32>
          %add3A_480 = arith.addi %and3A_2, %add3A_479 : vector<16xi32>
          %gather3A_481 = tpu.vector_load_idx %arg11[%add3A_480, %add3A_204] : memref<128x128xi32, #tpu.memory_space<vmem>>[vector<16xi32>, vector<16xi32>], vector<16xi32>,
          %bitcast3A_482 = vector.bitcast %gather3A_481 : vector<16xi32> to vector<32xbf16>
          %unpack3A_483 = tpu.unpack_subelements %bitcast3A_482, 0 {pack_format = #tpu.pack_format<interleaved>} : vector<32xbf16> -> vector<16xf32>
          %unpack3A_484 = tpu.unpack_subelements %bitcast3A_482, 1 {pack_format = #tpu.pack_format<interleaved>} : vector<32xbf16> -> vector<16xf32>
          %mul3A_485 = arith.mulf %get3A_477, %unpack3A_483 : vector<16xf32>
          %add3A_486 = arith.addf %add3A_467, %mul3A_485 : vector<16xf32>
          %mul3A_487 = arith.mulf %get3A_477, %unpack3A_484 : vector<16xf32>
          %add3A_488 = arith.addf %add3A_469, %mul3A_487 : vector<16xf32>
          %mul3A_489 = arith.constant 16 : i32
          %mul3A_490 = arith.muli %scan3A_188, %mul3A_489 : i32
          %add3A_491 = arith.constant 15 : i32
          %add3A_492 = arith.addi %mul3A_490, %add3A_491 : i32
          %mul3A_493 = arith.constant 16 : i32
          %mul3A_494 = arith.muli %add3A_492, %mul3A_493 : i32
          %get3A_495 = arith.index_cast %mul3A_494 : i32 to index
          %get3A_496 = tpu.vector_load %arg16[%get3A_495] {strides = array<i32>} : memref<2048xf32, #tpu.memory_space<vmem>>, vector<16xf32>,
          %add3A_497 = arith.constant 120 : i32
          %add3A_498 = vector.broadcast %add3A_497 : i32 to vector<16xi32>
          %add3A_499 = arith.addi %and3A_2, %add3A_498 : vector<16xi32>
          %gather3A_500 = tpu.vector_load_idx %arg11[%add3A_499, %add3A_204] : memref<128x128xi32, #tpu.memory_space<vmem>>[vector<16xi32>, vector<16xi32>], vector<16xi32>,
          %bitcast3A_501 = vector.bitcast %gather3A_500 : vector<16xi32> to vector<32xbf16>
          %unpack3A_502 = tpu.unpack_subelements %bitcast3A_501, 0 {pack_format = #tpu.pack_format<interleaved>} : vector<32xbf16> -> vector<16xf32>
          %unpack3A_503 = tpu.unpack_subelements %bitcast3A_501, 1 {pack_format = #tpu.pack_format<interleaved>} : vector<32xbf16> -> vector<16xf32>
          %mul3A_504 = arith.mulf %get3A_496, %unpack3A_502 : vector<16xf32>
          %add3A_505 = arith.addf %add3A_486, %mul3A_504 : vector<16xf32>
          %mul3A_506 = arith.mulf %get3A_496, %unpack3A_503 : vector<16xf32>
          %add3A_507 = arith.addf %add3A_488, %mul3A_506 : vector<16xf32>
          %mul3A_508 = arith.constant 2 : i32
          %mul3A_509 = vector.broadcast %mul3A_508 : i32 to vector<16xi32>
          %mul3A_510 = arith.muli %add3A_204, %mul3A_509 : vector<16xi32>
          tpu.vector_store_idx %arg15[%and3A_2, %mul3A_510], %add3A_505 : memref<8x256xf32, #tpu.memory_space<vmem>>[vector<16xi32>, vector<16xi32>], vector<16xf32>,
          %mul3A_511 = arith.constant 2 : i32
          %mul3A_512 = vector.broadcast %mul3A_511 : i32 to vector<16xi32>
          %mul3A_513 = arith.muli %add3A_204, %mul3A_512 : vector<16xi32>
          %add3A_514 = arith.constant 1 : i32
          %add3A_515 = vector.broadcast %add3A_514 : i32 to vector<16xi32>
          %add3A_516 = arith.addi %mul3A_513, %add3A_515 : vector<16xi32>
          tpu.vector_store_idx %arg15[%and3A_2, %add3A_516], %add3A_507 : memref<8x256xf32, #tpu.memory_space<vmem>>[vector<16xi32>, vector<16xi32>], vector<16xf32>,
        }
        %scan3A_194 = arith.constant 8 : i32
      }
      %scan3A_104 = arith.constant 8 : i32
      %dma_start3A_105 = arith.constant 0 : i32
      %dma_start3A_106 = tpu.memref_slice %arg6[%add3A_38, %dma_start3A_105] : memref<10240x256xf32, #tpu.memory_space<hbm>> -> memref<8x256xf32, #tpu.memory_space<hbm>>
      %dma_start3A_107 = arith.constant 0 : i32
      %dma_start3A_108 = tpu.memref_slice %arg6[%add3A_38, %dma_start3A_107] : memref<10240x256xf32, #tpu.memory_space<hbm>> -> memref<8x256xf32, #tpu.memory_space<hbm>>
      tpu.enqueue_dma source(%arg15 : memref<8x256xf32, #tpu.memory_space<vmem>>) target(%dma_start3A_108 : memref<8x256xf32, #tpu.memory_space<hbm>>) target_semaphore(%arg19 : memref<!tpu.dma_semaphore, #tpu.memory_space<semaphore_mem>>)
      %add3A_109 = arith.constant 1 : i32
      %add3A_110 = arith.addi %mul3A_33, %add3A_109 : i32
      %mul3A_111 = arith.constant 320 : i32
      %mul3A_112 = arith.muli %add3A, %mul3A_111 : i32
      %mul3A_113 = arith.constant 8 : i32
      %mul3A_114 = arith.muli %add3A_110, %mul3A_113 : i32
      %add3A_115 = arith.addi %mul3A_112, %mul3A_114 : i32
      %add3A_116 = arith.constant 1 : i32
      %add3A_117 = arith.addi %add3A_110, %add3A_116 : i32
      %lt3A_118 = arith.constant 40 : i32
      %lt3A_119 = arith.cmpi slt, %add3A_117, %lt3A_118 : i32
      %convert_element_type3A_120 = arith.extui %lt3A_119 : i1 to i32
      %cond3A_121 = arith.constant 0 : i32
      %cond3A_122 = arith.cmpi ne, %convert_element_type3A_120, %cond3A_121 : i32
      scf.if %cond3A_122 {
        %add3A_188 = arith.constant 1 : i32
        %add3A_189 = arith.addi %add3A_110, %add3A_188 : i32
        %mul3A_190 = arith.constant 5120 : i32
        %mul3A_191 = arith.muli %add3A, %mul3A_190 : i32
        %mul3A_192 = arith.constant 128 : i32
        %mul3A_193 = arith.muli %add3A_189, %mul3A_192 : i32
        %add3A_194 = arith.addi %mul3A_191, %mul3A_193 : i32
        "tpu.region"() ({
          %run_scoped3A = tpu.sem_alloc : memref<!tpu.dma_semaphore, #tpu.memory_space<semaphore_mem>>
          %dma_start3A_209 = tpu.memref_slice %arg5[%add3A_194] : memref<163840xi32, #tpu.memory_space<hbm>> -> memref<128xi32, #tpu.memory_space<hbm>>
          %dma_start3A_210 = tpu.memref_slice %arg5[%add3A_194] : memref<163840xi32, #tpu.memory_space<hbm>> -> memref<128xi32, #tpu.memory_space<hbm>>
          tpu.enqueue_dma source(%dma_start3A_210 : memref<128xi32, #tpu.memory_space<hbm>>) target(%arg8 : memref<128xi32, #tpu.memory_space<vmem>>) target_semaphore(%run_scoped3A : memref<!tpu.dma_semaphore, #tpu.memory_space<semaphore_mem>>)
          %dma_wait3A_211 = tpu.memref_slice %arg5[%add3A_194] : memref<163840xi32, #tpu.memory_space<hbm>> -> memref<128xi32, #tpu.memory_space<hbm>>
          %dma_wait3A_212 = tpu.memref_slice %arg5[%add3A_194] : memref<163840xi32, #tpu.memory_space<hbm>> -> memref<128xi32, #tpu.memory_space<hbm>>
          tpu.wait_dma2 semaphore(%run_scoped3A : memref<!tpu.dma_semaphore, #tpu.memory_space<semaphore_mem>>) src(%dma_wait3A_212 : memref<128xi32, #tpu.memory_space<hbm>>) dst(%arg8 : memref<128xi32, #tpu.memory_space<vmem>>)
          tpu.yield
        }) : () -> ()
        %add3A_195 = arith.constant 1 : i32
        %add3A_196 = arith.addi %add3A_110, %add3A_195 : i32
        %dma_start3A_197 = arith.constant 0 : i32
        %dma_start3A_198 = arith.constant 0 : i32
        %dma_start3A_199 = tpu.memref_slice %arg3[%dma_start3A_197, %dma_start3A_198] : memref<10000x128xi32, #tpu.memory_space<hbm>> -> memref<10000x128xi32, #tpu.memory_space<hbm>>
        tpu.enqueue_indirect_dma source(%dma_start3A_199 : memref<10000x128xi32, #tpu.memory_space<hbm>>) target(%arg11 : memref<128x128xi32, #tpu.memory_space<vmem>>) offsets(%arg8 : memref<128xi32, #tpu.memory_space<vmem>>) semaphore(%arg18 : memref<!tpu.dma_semaphore, #tpu.memory_space<semaphore_mem>>)
        %mul3A_200 = arith.constant 320 : i32
        %mul3A_201 = arith.muli %add3A, %mul3A_200 : i32
        %mul3A_202 = arith.constant 8 : i32
        %mul3A_203 = arith.muli %add3A_196, %mul3A_202 : i32
        %add3A_204 = arith.addi %mul3A_201, %mul3A_203 : i32
        %dma_start3A_205 = arith.constant 0 : i32
        %dma_start3A_206 = tpu.memref_slice %arg4[%add3A_204, %dma_start3A_205] : memref<10240x256xf32, #tpu.memory_space<hbm>> -> memref<8x256xf32, #tpu.memory_space<hbm>>
        %dma_start3A_207 = arith.constant 0 : i32
        %dma_start3A_208 = tpu.memref_slice %arg4[%add3A_204, %dma_start3A_207] : memref<10240x256xf32, #tpu.memory_space<hbm>> -> memref<8x256xf32, #tpu.memory_space<hbm>>
        tpu.enqueue_dma source(%dma_start3A_208 : memref<8x256xf32, #tpu.memory_space<hbm>>) target(%arg13 : memref<8x256xf32, #tpu.memory_space<vmem>>) target_semaphore(%arg18 : memref<!tpu.dma_semaphore, #tpu.memory_space<semaphore_mem>>)
      } else {
      }
      %dma_wait3A_123 = arith.constant 0 : i32
      %dma_wait3A_124 = arith.constant 0 : i32
      %dma_wait3A_125 = tpu.memref_slice %arg3[%dma_wait3A_123, %dma_wait3A_124] : memref<10000x128xi32, #tpu.memory_space<hbm>> -> memref<128x128xi32, #tpu.memory_space<hbm>>
      %dma_wait3A_126 = arith.constant 0 : i32
      %dma_wait3A_127 = arith.constant 0 : i32
      %dma_wait3A_128 = tpu.memref_slice %arg3[%dma_wait3A_126, %dma_wait3A_127] : memref<10000x128xi32, #tpu.memory_space<hbm>> -> memref<128x128xi32, #tpu.memory_space<hbm>>
      tpu.wait_dma2 semaphore(%arg18 : memref<!tpu.dma_semaphore, #tpu.memory_space<semaphore_mem>>) src(%dma_wait3A_128 : memref<128x128xi32, #tpu.memory_space<hbm>>) dst(%arg12 : memref<128x128xi32, #tpu.memory_space<vmem>>)
      %dma_wait3A_129 = arith.constant 0 : i32
      %dma_wait3A_130 = arith.constant 0 : i32
      %dma_wait3A_131 = tpu.memref_slice %arg4[%dma_wait3A_129, %dma_wait3A_130] : memref<10240x256xf32, #tpu.memory_space<hbm>> -> memref<8x256xf32, #tpu.memory_space<hbm>>
      %dma_wait3A_132 = arith.constant 0 : i32
      %dma_wait3A_133 = arith.constant 0 : i32
      %dma_wait3A_134 = tpu.memref_slice %arg4[%dma_wait3A_132, %dma_wait3A_133] : memref<10240x256xf32, #tpu.memory_space<hbm>> -> memref<8x256xf32, #tpu.memory_space<hbm>>
      tpu.wait_dma2 semaphore(%arg18 : memref<!tpu.dma_semaphore, #tpu.memory_space<semaphore_mem>>) src(%dma_wait3A_134 : memref<8x256xf32, #tpu.memory_space<hbm>>) dst(%arg14 : memref<8x256xf32, #tpu.memory_space<vmem>>)
      %dma_start3A_135 = arith.constant 0 : i32
      %dma_start3A_136 = tpu.memref_slice %arg9[%dma_start3A_135] : memref<128xi32, #tpu.memory_space<vmem>> -> memref<64xi32, #tpu.memory_space<vmem>>
      %dma_start3A_137 = arith.constant 0 : i32
      %dma_start3A_138 = arith.constant 0 : i32
      %dma_start3A_139 = tpu.memref_slice %arg7[%dma_start3A_137, %dma_start3A_138] : memref<10000x128xi32, #tpu.memory_space<vmem_shared>> -> memref<10000x128xi32, #tpu.memory_space<vmem_shared>>
      tpu.enqueue_indirect_dma source(%dma_start3A_139 : memref<10000x128xi32, #tpu.memory_space<vmem_shared>>) target(%arg10 : memref<64x128xi32, #tpu.memory_space<vmem>>) offsets(%dma_start3A_136 : memref<64xi32, #tpu.memory_space<vmem>>) semaphore(%arg17 : memref<!tpu.dma_semaphore, #tpu.memory_space<semaphore_mem>>)
      %dma_wait3A_140 = arith.constant 0 : i32
      %dma_wait3A_141 = tpu.memref_slice %arg9[%dma_wait3A_140] : memref<128xi32, #tpu.memory_space<vmem>> -> memref<64xi32, #tpu.memory_space<vmem>>
      %dma_wait3A_142 = arith.constant 0 : i32
      %dma_wait3A_143 = arith.constant 0 : i32
      %dma_wait3A_144 = tpu.memref_slice %arg7[%dma_wait3A_142, %dma_wait3A_143] : memref<10000x128xi32, #tpu.memory_space<vmem_shared>> -> memref<10000x128xi32, #tpu.memory_space<vmem_shared>>
      tpu.wait_indirect_dma semaphore(%arg17 : memref<!tpu.dma_semaphore, #tpu.memory_space<semaphore_mem>>) src(%dma_wait3A_144 : memref<10000x128xi32, #tpu.memory_space<vmem_shared>>) dst(%arg10 : memref<64x128xi32, #tpu.memory_space<vmem>>)
      %scan3A_145 = arith.constant 0 : i32
      %scan3A_146 = arith.constant 0 : i32
      %scan3A_147 = arith.constant 8 : i32
      %scan3A_148 = arith.addi %scan3A_146, %scan3A_147 : i32
      %scan3A_149 = arith.constant 1 : i32
      scf.for %scan3A_188 = %scan3A_146 to %scan3A_148 step %scan3A_149  : i32 {
        %broadcast_in_dim3A = arith.constant 0.000000e+00 : f32
        %broadcast_in_dim3A_189 = vector.broadcast %broadcast_in_dim3A : f32 to vector<16xf32>
        %broadcast_in_dim3A_190 = arith.constant 0.000000e+00 : f32
        %broadcast_in_dim3A_191 = vector.broadcast %broadcast_in_dim3A_190 : f32 to vector<16xf32>
        %broadcast_in_dim3A_192 = arith.constant 0.000000e+00 : f32
        %broadcast_in_dim3A_193 = vector.broadcast %broadcast_in_dim3A_192 : f32 to vector<16xf32>
        %broadcast_in_dim3A_194 = arith.constant 0.000000e+00 : f32
        %broadcast_in_dim3A_195 = vector.broadcast %broadcast_in_dim3A_194 : f32 to vector<16xf32>
        %broadcast_in_dim3A_196 = arith.constant 0.000000e+00 : f32
        %broadcast_in_dim3A_197 = vector.broadcast %broadcast_in_dim3A_196 : f32 to vector<16xf32>
        %broadcast_in_dim3A_198 = arith.constant 0.000000e+00 : f32
        %broadcast_in_dim3A_199 = vector.broadcast %broadcast_in_dim3A_198 : f32 to vector<16xf32>
        %broadcast_in_dim3A_200 = arith.constant 0.000000e+00 : f32
        %broadcast_in_dim3A_201 = vector.broadcast %broadcast_in_dim3A_200 : f32 to vector<16xf32>
        %broadcast_in_dim3A_202 = arith.constant 0.000000e+00 : f32
        %broadcast_in_dim3A_203 = vector.broadcast %broadcast_in_dim3A_202 : f32 to vector<16xf32>
        %scan3A_204 = arith.constant 0 : i32
        %scan3A_205 = arith.constant 8 : i32
        %scan3A_206 = arith.addi %scan3A_204, %scan3A_205 : i32
        %scan3A_207 = arith.constant 1 : i32
        %scan3A_208:8 = scf.for %scan3A_289 = %scan3A_204 to %scan3A_206 step %scan3A_207 iter_args(%scan3A_290 = %broadcast_in_dim3A_189, %scan3A_291 = %broadcast_in_dim3A_191, %scan3A_292 = %broadcast_in_dim3A_193, %scan3A_293 = %broadcast_in_dim3A_195, %scan3A_294 = %broadcast_in_dim3A_197, %scan3A_295 = %broadcast_in_dim3A_199, %scan3A_296 = %broadcast_in_dim3A_201, %scan3A_297 = %broadcast_in_dim3A_203) -> (vector<16xf32>, vector<16xf32>, vector<16xf32>, vector<16xf32>, vector<16xf32>, vector<16xf32>, vector<16xf32>, vector<16xf32>)  : i32 {
          %mul3A_298 = arith.constant 16 : i32
          %mul3A_299 = arith.muli %scan3A_188, %mul3A_298 : i32
          %add3A_300 = vector.broadcast %scan3A_289 : i32 to vector<16xi32>
          %add3A_301 = arith.addi %add3A_300, %iota3A : vector<16xi32>
          %and3A_302 = arith.constant 15 : i32
          %and3A_303 = vector.broadcast %and3A_302 : i32 to vector<16xi32>
          %and3A_304 = arith.andi %add3A_301, %and3A_303 : vector<16xi32>
          %add3A_305 = vector.broadcast %mul3A_299 : i32 to vector<16xi32>
          %add3A_306 = arith.addi %add3A_305, %and3A_304 : vector<16xi32>
          %mul3A_307 = arith.constant 2 : i32
          %mul3A_308 = vector.broadcast %mul3A_307 : i32 to vector<16xi32>
          %mul3A_309 = arith.muli %add3A_306, %mul3A_308 : vector<16xi32>
          %gather3A = tpu.vector_load_idx %arg14[%and3A_2, %mul3A_309] : memref<8x256xf32, #tpu.memory_space<vmem>>[vector<16xi32>, vector<16xi32>], vector<16xf32>,
          %mul3A_310 = arith.constant 2 : i32
          %mul3A_311 = vector.broadcast %mul3A_310 : i32 to vector<16xi32>
          %mul3A_312 = arith.muli %add3A_306, %mul3A_311 : vector<16xi32>
          %add3A_313 = arith.constant 1 : i32
          %add3A_314 = vector.broadcast %add3A_313 : i32 to vector<16xi32>
          %add3A_315 = arith.addi %mul3A_312, %add3A_314 : vector<16xi32>
          %gather3A_316 = tpu.vector_load_idx %arg14[%and3A_2, %add3A_315] : memref<8x256xf32, #tpu.memory_space<vmem>>[vector<16xi32>, vector<16xi32>], vector<16xf32>,
          %add3A_317 = arith.constant 0 : i32
          %add3A_318 = vector.broadcast %add3A_317 : i32 to vector<16xi32>
          %add3A_319 = arith.addi %and3A_2, %add3A_318 : vector<16xi32>
          %gather3A_320 = tpu.vector_load_idx %arg10[%add3A_319, %add3A_306] : memref<64x128xi32, #tpu.memory_space<vmem>>[vector<16xi32>, vector<16xi32>], vector<16xi32>,
          %bitcast3A = vector.bitcast %gather3A_320 : vector<16xi32> to vector<32xbf16>
          %unpack3A = tpu.unpack_subelements %bitcast3A, 0 {pack_format = #tpu.pack_format<interleaved>} : vector<32xbf16> -> vector<16xf32>
          %unpack3A_321 = tpu.unpack_subelements %bitcast3A, 1 {pack_format = #tpu.pack_format<interleaved>} : vector<32xbf16> -> vector<16xf32>
          %mul3A_322 = arith.mulf %gather3A, %unpack3A : vector<16xf32>
          %add3A_323 = arith.addf %scan3A_290, %mul3A_322 : vector<16xf32>
          %mul3A_324 = arith.mulf %gather3A_316, %unpack3A_321 : vector<16xf32>
          %add3A_325 = arith.addf %add3A_323, %mul3A_324 : vector<16xf32>
          %add3A_326 = arith.constant 8 : i32
          %add3A_327 = vector.broadcast %add3A_326 : i32 to vector<16xi32>
          %add3A_328 = arith.addi %and3A_2, %add3A_327 : vector<16xi32>
          %gather3A_329 = tpu.vector_load_idx %arg10[%add3A_328, %add3A_306] : memref<64x128xi32, #tpu.memory_space<vmem>>[vector<16xi32>, vector<16xi32>], vector<16xi32>,
          %bitcast3A_330 = vector.bitcast %gather3A_329 : vector<16xi32> to vector<32xbf16>
          %unpack3A_331 = tpu.unpack_subelements %bitcast3A_330, 0 {pack_format = #tpu.pack_format<interleaved>} : vector<32xbf16> -> vector<16xf32>
          %unpack3A_332 = tpu.unpack_subelements %bitcast3A_330, 1 {pack_format = #tpu.pack_format<interleaved>} : vector<32xbf16> -> vector<16xf32>
          %mul3A_333 = arith.mulf %gather3A, %unpack3A_331 : vector<16xf32>
          %add3A_334 = arith.addf %scan3A_291, %mul3A_333 : vector<16xf32>
          %mul3A_335 = arith.mulf %gather3A_316, %unpack3A_332 : vector<16xf32>
          %add3A_336 = arith.addf %add3A_334, %mul3A_335 : vector<16xf32>
          %add3A_337 = arith.constant 16 : i32
          %add3A_338 = vector.broadcast %add3A_337 : i32 to vector<16xi32>
          %add3A_339 = arith.addi %and3A_2, %add3A_338 : vector<16xi32>
          %gather3A_340 = tpu.vector_load_idx %arg10[%add3A_339, %add3A_306] : memref<64x128xi32, #tpu.memory_space<vmem>>[vector<16xi32>, vector<16xi32>], vector<16xi32>,
          %bitcast3A_341 = vector.bitcast %gather3A_340 : vector<16xi32> to vector<32xbf16>
          %unpack3A_342 = tpu.unpack_subelements %bitcast3A_341, 0 {pack_format = #tpu.pack_format<interleaved>} : vector<32xbf16> -> vector<16xf32>
          %unpack3A_343 = tpu.unpack_subelements %bitcast3A_341, 1 {pack_format = #tpu.pack_format<interleaved>} : vector<32xbf16> -> vector<16xf32>
          %mul3A_344 = arith.mulf %gather3A, %unpack3A_342 : vector<16xf32>
          %add3A_345 = arith.addf %scan3A_292, %mul3A_344 : vector<16xf32>
          %mul3A_346 = arith.mulf %gather3A_316, %unpack3A_343 : vector<16xf32>
          %add3A_347 = arith.addf %add3A_345, %mul3A_346 : vector<16xf32>
          %add3A_348 = arith.constant 24 : i32
          %add3A_349 = vector.broadcast %add3A_348 : i32 to vector<16xi32>
          %add3A_350 = arith.addi %and3A_2, %add3A_349 : vector<16xi32>
          %gather3A_351 = tpu.vector_load_idx %arg10[%add3A_350, %add3A_306] : memref<64x128xi32, #tpu.memory_space<vmem>>[vector<16xi32>, vector<16xi32>], vector<16xi32>,
          %bitcast3A_352 = vector.bitcast %gather3A_351 : vector<16xi32> to vector<32xbf16>
          %unpack3A_353 = tpu.unpack_subelements %bitcast3A_352, 0 {pack_format = #tpu.pack_format<interleaved>} : vector<32xbf16> -> vector<16xf32>
          %unpack3A_354 = tpu.unpack_subelements %bitcast3A_352, 1 {pack_format = #tpu.pack_format<interleaved>} : vector<32xbf16> -> vector<16xf32>
          %mul3A_355 = arith.mulf %gather3A, %unpack3A_353 : vector<16xf32>
          %add3A_356 = arith.addf %scan3A_293, %mul3A_355 : vector<16xf32>
          %mul3A_357 = arith.mulf %gather3A_316, %unpack3A_354 : vector<16xf32>
          %add3A_358 = arith.addf %add3A_356, %mul3A_357 : vector<16xf32>
          %add3A_359 = arith.constant 32 : i32
          %add3A_360 = vector.broadcast %add3A_359 : i32 to vector<16xi32>
          %add3A_361 = arith.addi %and3A_2, %add3A_360 : vector<16xi32>
          %gather3A_362 = tpu.vector_load_idx %arg10[%add3A_361, %add3A_306] : memref<64x128xi32, #tpu.memory_space<vmem>>[vector<16xi32>, vector<16xi32>], vector<16xi32>,
          %bitcast3A_363 = vector.bitcast %gather3A_362 : vector<16xi32> to vector<32xbf16>
          %unpack3A_364 = tpu.unpack_subelements %bitcast3A_363, 0 {pack_format = #tpu.pack_format<interleaved>} : vector<32xbf16> -> vector<16xf32>
          %unpack3A_365 = tpu.unpack_subelements %bitcast3A_363, 1 {pack_format = #tpu.pack_format<interleaved>} : vector<32xbf16> -> vector<16xf32>
          %mul3A_366 = arith.mulf %gather3A, %unpack3A_364 : vector<16xf32>
          %add3A_367 = arith.addf %scan3A_294, %mul3A_366 : vector<16xf32>
          %mul3A_368 = arith.mulf %gather3A_316, %unpack3A_365 : vector<16xf32>
          %add3A_369 = arith.addf %add3A_367, %mul3A_368 : vector<16xf32>
          %add3A_370 = arith.constant 40 : i32
          %add3A_371 = vector.broadcast %add3A_370 : i32 to vector<16xi32>
          %add3A_372 = arith.addi %and3A_2, %add3A_371 : vector<16xi32>
          %gather3A_373 = tpu.vector_load_idx %arg10[%add3A_372, %add3A_306] : memref<64x128xi32, #tpu.memory_space<vmem>>[vector<16xi32>, vector<16xi32>], vector<16xi32>,
          %bitcast3A_374 = vector.bitcast %gather3A_373 : vector<16xi32> to vector<32xbf16>
          %unpack3A_375 = tpu.unpack_subelements %bitcast3A_374, 0 {pack_format = #tpu.pack_format<interleaved>} : vector<32xbf16> -> vector<16xf32>
          %unpack3A_376 = tpu.unpack_subelements %bitcast3A_374, 1 {pack_format = #tpu.pack_format<interleaved>} : vector<32xbf16> -> vector<16xf32>
          %mul3A_377 = arith.mulf %gather3A, %unpack3A_375 : vector<16xf32>
          %add3A_378 = arith.addf %scan3A_295, %mul3A_377 : vector<16xf32>
          %mul3A_379 = arith.mulf %gather3A_316, %unpack3A_376 : vector<16xf32>
          %add3A_380 = arith.addf %add3A_378, %mul3A_379 : vector<16xf32>
          %add3A_381 = arith.constant 48 : i32
          %add3A_382 = vector.broadcast %add3A_381 : i32 to vector<16xi32>
          %add3A_383 = arith.addi %and3A_2, %add3A_382 : vector<16xi32>
          %gather3A_384 = tpu.vector_load_idx %arg10[%add3A_383, %add3A_306] : memref<64x128xi32, #tpu.memory_space<vmem>>[vector<16xi32>, vector<16xi32>], vector<16xi32>,
          %bitcast3A_385 = vector.bitcast %gather3A_384 : vector<16xi32> to vector<32xbf16>
          %unpack3A_386 = tpu.unpack_subelements %bitcast3A_385, 0 {pack_format = #tpu.pack_format<interleaved>} : vector<32xbf16> -> vector<16xf32>
          %unpack3A_387 = tpu.unpack_subelements %bitcast3A_385, 1 {pack_format = #tpu.pack_format<interleaved>} : vector<32xbf16> -> vector<16xf32>
          %mul3A_388 = arith.mulf %gather3A, %unpack3A_386 : vector<16xf32>
          %add3A_389 = arith.addf %scan3A_296, %mul3A_388 : vector<16xf32>
          %mul3A_390 = arith.mulf %gather3A_316, %unpack3A_387 : vector<16xf32>
          %add3A_391 = arith.addf %add3A_389, %mul3A_390 : vector<16xf32>
          %add3A_392 = arith.constant 56 : i32
          %add3A_393 = vector.broadcast %add3A_392 : i32 to vector<16xi32>
          %add3A_394 = arith.addi %and3A_2, %add3A_393 : vector<16xi32>
          %gather3A_395 = tpu.vector_load_idx %arg10[%add3A_394, %add3A_306] : memref<64x128xi32, #tpu.memory_space<vmem>>[vector<16xi32>, vector<16xi32>], vector<16xi32>,
          %bitcast3A_396 = vector.bitcast %gather3A_395 : vector<16xi32> to vector<32xbf16>
          %unpack3A_397 = tpu.unpack_subelements %bitcast3A_396, 0 {pack_format = #tpu.pack_format<interleaved>} : vector<32xbf16> -> vector<16xf32>
          %unpack3A_398 = tpu.unpack_subelements %bitcast3A_396, 1 {pack_format = #tpu.pack_format<interleaved>} : vector<32xbf16> -> vector<16xf32>
          %mul3A_399 = arith.mulf %gather3A, %unpack3A_397 : vector<16xf32>
          %add3A_400 = arith.addf %scan3A_297, %mul3A_399 : vector<16xf32>
          %mul3A_401 = arith.mulf %gather3A_316, %unpack3A_398 : vector<16xf32>
          %add3A_402 = arith.addf %add3A_400, %mul3A_401 : vector<16xf32>
          scf.yield %add3A_325, %add3A_336, %add3A_347, %add3A_358, %add3A_369, %add3A_380, %add3A_391, %add3A_402 : vector<16xf32>, vector<16xf32>, vector<16xf32>, vector<16xf32>, vector<16xf32>, vector<16xf32>, vector<16xf32>, vector<16xf32>
        }
        %scan3A_209 = arith.constant 8 : i32
        %mul3A_210 = arith.constant 16 : i32
        %mul3A_211 = arith.muli %scan3A_188, %mul3A_210 : i32
        %add3A_212 = arith.constant 0 : i32
        %add3A_213 = arith.addi %mul3A_211, %add3A_212 : i32
        %add3A_214 = arith.constant 0 : i32
        %add3A_215 = arith.addi %add3A_213, %add3A_214 : i32
        %mul3A_216 = arith.constant 16 : i32
        %mul3A_217 = arith.muli %add3A_215, %mul3A_216 : i32
        %swap3A = arith.index_cast %mul3A_217 : i32 to index
        %swap3A_218 = tpu.vector_load %arg16[%swap3A] {strides = array<i32>} : memref<2048xf32, #tpu.memory_space<vmem>>, vector<16xf32>,
        tpu.vector_store %arg16[%swap3A], %scan3A_208#0 {strides = array<i32>} : memref<2048xf32, #tpu.memory_space<vmem>>, vector<16xf32>,
        %mul3A_219 = arith.constant 16 : i32
        %mul3A_220 = arith.muli %scan3A_188, %mul3A_219 : i32
        %add3A_221 = arith.constant 0 : i32
        %add3A_222 = arith.addi %mul3A_220, %add3A_221 : i32
        %add3A_223 = arith.constant 1 : i32
        %add3A_224 = arith.addi %add3A_222, %add3A_223 : i32
        %mul3A_225 = arith.constant 16 : i32
        %mul3A_226 = arith.muli %add3A_224, %mul3A_225 : i32
        %swap3A_227 = arith.index_cast %mul3A_226 : i32 to index
        %swap3A_228 = tpu.vector_load %arg16[%swap3A_227] {strides = array<i32>} : memref<2048xf32, #tpu.memory_space<vmem>>, vector<16xf32>,
        tpu.vector_store %arg16[%swap3A_227], %scan3A_208#1 {strides = array<i32>} : memref<2048xf32, #tpu.memory_space<vmem>>, vector<16xf32>,
        %mul3A_229 = arith.constant 16 : i32
        %mul3A_230 = arith.muli %scan3A_188, %mul3A_229 : i32
        %add3A_231 = arith.constant 0 : i32
        %add3A_232 = arith.addi %mul3A_230, %add3A_231 : i32
        %add3A_233 = arith.constant 2 : i32
        %add3A_234 = arith.addi %add3A_232, %add3A_233 : i32
        %mul3A_235 = arith.constant 16 : i32
        %mul3A_236 = arith.muli %add3A_234, %mul3A_235 : i32
        %swap3A_237 = arith.index_cast %mul3A_236 : i32 to index
        %swap3A_238 = tpu.vector_load %arg16[%swap3A_237] {strides = array<i32>} : memref<2048xf32, #tpu.memory_space<vmem>>, vector<16xf32>,
        tpu.vector_store %arg16[%swap3A_237], %scan3A_208#2 {strides = array<i32>} : memref<2048xf32, #tpu.memory_space<vmem>>, vector<16xf32>,
        %mul3A_239 = arith.constant 16 : i32
        %mul3A_240 = arith.muli %scan3A_188, %mul3A_239 : i32
        %add3A_241 = arith.constant 0 : i32
        %add3A_242 = arith.addi %mul3A_240, %add3A_241 : i32
        %add3A_243 = arith.constant 3 : i32
        %add3A_244 = arith.addi %add3A_242, %add3A_243 : i32
        %mul3A_245 = arith.constant 16 : i32
        %mul3A_246 = arith.muli %add3A_244, %mul3A_245 : i32
        %swap3A_247 = arith.index_cast %mul3A_246 : i32 to index
        %swap3A_248 = tpu.vector_load %arg16[%swap3A_247] {strides = array<i32>} : memref<2048xf32, #tpu.memory_space<vmem>>, vector<16xf32>,
        tpu.vector_store %arg16[%swap3A_247], %scan3A_208#3 {strides = array<i32>} : memref<2048xf32, #tpu.memory_space<vmem>>, vector<16xf32>,
        %mul3A_249 = arith.constant 16 : i32
        %mul3A_250 = arith.muli %scan3A_188, %mul3A_249 : i32
        %add3A_251 = arith.constant 0 : i32
        %add3A_252 = arith.addi %mul3A_250, %add3A_251 : i32
        %add3A_253 = arith.constant 4 : i32
        %add3A_254 = arith.addi %add3A_252, %add3A_253 : i32
        %mul3A_255 = arith.constant 16 : i32
        %mul3A_256 = arith.muli %add3A_254, %mul3A_255 : i32
        %swap3A_257 = arith.index_cast %mul3A_256 : i32 to index
        %swap3A_258 = tpu.vector_load %arg16[%swap3A_257] {strides = array<i32>} : memref<2048xf32, #tpu.memory_space<vmem>>, vector<16xf32>,
        tpu.vector_store %arg16[%swap3A_257], %scan3A_208#4 {strides = array<i32>} : memref<2048xf32, #tpu.memory_space<vmem>>, vector<16xf32>,
        %mul3A_259 = arith.constant 16 : i32
        %mul3A_260 = arith.muli %scan3A_188, %mul3A_259 : i32
        %add3A_261 = arith.constant 0 : i32
        %add3A_262 = arith.addi %mul3A_260, %add3A_261 : i32
        %add3A_263 = arith.constant 5 : i32
        %add3A_264 = arith.addi %add3A_262, %add3A_263 : i32
        %mul3A_265 = arith.constant 16 : i32
        %mul3A_266 = arith.muli %add3A_264, %mul3A_265 : i32
        %swap3A_267 = arith.index_cast %mul3A_266 : i32 to index
        %swap3A_268 = tpu.vector_load %arg16[%swap3A_267] {strides = array<i32>} : memref<2048xf32, #tpu.memory_space<vmem>>, vector<16xf32>,
        tpu.vector_store %arg16[%swap3A_267], %scan3A_208#5 {strides = array<i32>} : memref<2048xf32, #tpu.memory_space<vmem>>, vector<16xf32>,
        %mul3A_269 = arith.constant 16 : i32
        %mul3A_270 = arith.muli %scan3A_188, %mul3A_269 : i32
        %add3A_271 = arith.constant 0 : i32
        %add3A_272 = arith.addi %mul3A_270, %add3A_271 : i32
        %add3A_273 = arith.constant 6 : i32
        %add3A_274 = arith.addi %add3A_272, %add3A_273 : i32
        %mul3A_275 = arith.constant 16 : i32
        %mul3A_276 = arith.muli %add3A_274, %mul3A_275 : i32
        %swap3A_277 = arith.index_cast %mul3A_276 : i32 to index
        %swap3A_278 = tpu.vector_load %arg16[%swap3A_277] {strides = array<i32>} : memref<2048xf32, #tpu.memory_space<vmem>>, vector<16xf32>,
        tpu.vector_store %arg16[%swap3A_277], %scan3A_208#6 {strides = array<i32>} : memref<2048xf32, #tpu.memory_space<vmem>>, vector<16xf32>,
        %mul3A_279 = arith.constant 16 : i32
        %mul3A_280 = arith.muli %scan3A_188, %mul3A_279 : i32
        %add3A_281 = arith.constant 0 : i32
        %add3A_282 = arith.addi %mul3A_280, %add3A_281 : i32
        %add3A_283 = arith.constant 7 : i32
        %add3A_284 = arith.addi %add3A_282, %add3A_283 : i32
        %mul3A_285 = arith.constant 16 : i32
        %mul3A_286 = arith.muli %add3A_284, %mul3A_285 : i32
        %swap3A_287 = arith.index_cast %mul3A_286 : i32 to index
        %swap3A_288 = tpu.vector_load %arg16[%swap3A_287] {strides = array<i32>} : memref<2048xf32, #tpu.memory_space<vmem>>, vector<16xf32>,
        tpu.vector_store %arg16[%swap3A_287], %scan3A_208#7 {strides = array<i32>} : memref<2048xf32, #tpu.memory_space<vmem>>, vector<16xf32>,
      }
      %scan3A_150 = arith.constant 8 : i32
      %dma_start3A_151 = arith.constant 64 : i32
      %dma_start3A_152 = tpu.memref_slice %arg9[%dma_start3A_151] : memref<128xi32, #tpu.memory_space<vmem>> -> memref<64xi32, #tpu.memory_space<vmem>>
      %dma_start3A_153 = arith.constant 0 : i32
      %dma_start3A_154 = arith.constant 0 : i32
      %dma_start3A_155 = tpu.memref_slice %arg7[%dma_start3A_153, %dma_start3A_154] : memref<10000x128xi32, #tpu.memory_space<vmem_shared>> -> memref<10000x128xi32, #tpu.memory_space<vmem_shared>>
      tpu.enqueue_indirect_dma source(%dma_start3A_155 : memref<10000x128xi32, #tpu.memory_space<vmem_shared>>) target(%arg10 : memref<64x128xi32, #tpu.memory_space<vmem>>) offsets(%dma_start3A_152 : memref<64xi32, #tpu.memory_space<vmem>>) semaphore(%arg17 : memref<!tpu.dma_semaphore, #tpu.memory_space<semaphore_mem>>)
      %dma_wait3A_156 = arith.constant 64 : i32
      %dma_wait3A_157 = tpu.memref_slice %arg9[%dma_wait3A_156] : memref<128xi32, #tpu.memory_space<vmem>> -> memref<64xi32, #tpu.memory_space<vmem>>
      %dma_wait3A_158 = arith.constant 0 : i32
      %dma_wait3A_159 = arith.constant 0 : i32
      %dma_wait3A_160 = tpu.memref_slice %arg7[%dma_wait3A_158, %dma_wait3A_159] : memref<10000x128xi32, #tpu.memory_space<vmem_shared>> -> memref<10000x128xi32, #tpu.memory_space<vmem_shared>>
      tpu.wait_indirect_dma semaphore(%arg17 : memref<!tpu.dma_semaphore, #tpu.memory_space<semaphore_mem>>) src(%dma_wait3A_160 : memref<10000x128xi32, #tpu.memory_space<vmem_shared>>) dst(%arg10 : memref<64x128xi32, #tpu.memory_space<vmem>>)
      %scan3A_161 = arith.constant 0 : i32
      %scan3A_162 = arith.constant 0 : i32
      %scan3A_163 = arith.constant 8 : i32
      %scan3A_164 = arith.addi %scan3A_162, %scan3A_163 : i32
      %scan3A_165 = arith.constant 1 : i32
      scf.for %scan3A_188 = %scan3A_162 to %scan3A_164 step %scan3A_165  : i32 {
        %broadcast_in_dim3A = arith.constant 0.000000e+00 : f32
        %broadcast_in_dim3A_189 = vector.broadcast %broadcast_in_dim3A : f32 to vector<16xf32>
        %broadcast_in_dim3A_190 = arith.constant 0.000000e+00 : f32
        %broadcast_in_dim3A_191 = vector.broadcast %broadcast_in_dim3A_190 : f32 to vector<16xf32>
        %broadcast_in_dim3A_192 = arith.constant 0.000000e+00 : f32
        %broadcast_in_dim3A_193 = vector.broadcast %broadcast_in_dim3A_192 : f32 to vector<16xf32>
        %broadcast_in_dim3A_194 = arith.constant 0.000000e+00 : f32
        %broadcast_in_dim3A_195 = vector.broadcast %broadcast_in_dim3A_194 : f32 to vector<16xf32>
        %broadcast_in_dim3A_196 = arith.constant 0.000000e+00 : f32
        %broadcast_in_dim3A_197 = vector.broadcast %broadcast_in_dim3A_196 : f32 to vector<16xf32>
        %broadcast_in_dim3A_198 = arith.constant 0.000000e+00 : f32
        %broadcast_in_dim3A_199 = vector.broadcast %broadcast_in_dim3A_198 : f32 to vector<16xf32>
        %broadcast_in_dim3A_200 = arith.constant 0.000000e+00 : f32
        %broadcast_in_dim3A_201 = vector.broadcast %broadcast_in_dim3A_200 : f32 to vector<16xf32>
        %broadcast_in_dim3A_202 = arith.constant 0.000000e+00 : f32
        %broadcast_in_dim3A_203 = vector.broadcast %broadcast_in_dim3A_202 : f32 to vector<16xf32>
        %scan3A_204 = arith.constant 0 : i32
        %scan3A_205 = arith.constant 8 : i32
        %scan3A_206 = arith.addi %scan3A_204, %scan3A_205 : i32
        %scan3A_207 = arith.constant 1 : i32
        %scan3A_208:8 = scf.for %scan3A_289 = %scan3A_204 to %scan3A_206 step %scan3A_207 iter_args(%scan3A_290 = %broadcast_in_dim3A_189, %scan3A_291 = %broadcast_in_dim3A_191, %scan3A_292 = %broadcast_in_dim3A_193, %scan3A_293 = %broadcast_in_dim3A_195, %scan3A_294 = %broadcast_in_dim3A_197, %scan3A_295 = %broadcast_in_dim3A_199, %scan3A_296 = %broadcast_in_dim3A_201, %scan3A_297 = %broadcast_in_dim3A_203) -> (vector<16xf32>, vector<16xf32>, vector<16xf32>, vector<16xf32>, vector<16xf32>, vector<16xf32>, vector<16xf32>, vector<16xf32>)  : i32 {
          %mul3A_298 = arith.constant 16 : i32
          %mul3A_299 = arith.muli %scan3A_188, %mul3A_298 : i32
          %add3A_300 = vector.broadcast %scan3A_289 : i32 to vector<16xi32>
          %add3A_301 = arith.addi %add3A_300, %iota3A : vector<16xi32>
          %and3A_302 = arith.constant 15 : i32
          %and3A_303 = vector.broadcast %and3A_302 : i32 to vector<16xi32>
          %and3A_304 = arith.andi %add3A_301, %and3A_303 : vector<16xi32>
          %add3A_305 = vector.broadcast %mul3A_299 : i32 to vector<16xi32>
          %add3A_306 = arith.addi %add3A_305, %and3A_304 : vector<16xi32>
          %mul3A_307 = arith.constant 2 : i32
          %mul3A_308 = vector.broadcast %mul3A_307 : i32 to vector<16xi32>
          %mul3A_309 = arith.muli %add3A_306, %mul3A_308 : vector<16xi32>
          %gather3A = tpu.vector_load_idx %arg14[%and3A_2, %mul3A_309] : memref<8x256xf32, #tpu.memory_space<vmem>>[vector<16xi32>, vector<16xi32>], vector<16xf32>,
          %mul3A_310 = arith.constant 2 : i32
          %mul3A_311 = vector.broadcast %mul3A_310 : i32 to vector<16xi32>
          %mul3A_312 = arith.muli %add3A_306, %mul3A_311 : vector<16xi32>
          %add3A_313 = arith.constant 1 : i32
          %add3A_314 = vector.broadcast %add3A_313 : i32 to vector<16xi32>
          %add3A_315 = arith.addi %mul3A_312, %add3A_314 : vector<16xi32>
          %gather3A_316 = tpu.vector_load_idx %arg14[%and3A_2, %add3A_315] : memref<8x256xf32, #tpu.memory_space<vmem>>[vector<16xi32>, vector<16xi32>], vector<16xf32>,
          %add3A_317 = arith.constant 0 : i32
          %add3A_318 = vector.broadcast %add3A_317 : i32 to vector<16xi32>
          %add3A_319 = arith.addi %and3A_2, %add3A_318 : vector<16xi32>
          %gather3A_320 = tpu.vector_load_idx %arg10[%add3A_319, %add3A_306] : memref<64x128xi32, #tpu.memory_space<vmem>>[vector<16xi32>, vector<16xi32>], vector<16xi32>,
          %bitcast3A = vector.bitcast %gather3A_320 : vector<16xi32> to vector<32xbf16>
          %unpack3A = tpu.unpack_subelements %bitcast3A, 0 {pack_format = #tpu.pack_format<interleaved>} : vector<32xbf16> -> vector<16xf32>
          %unpack3A_321 = tpu.unpack_subelements %bitcast3A, 1 {pack_format = #tpu.pack_format<interleaved>} : vector<32xbf16> -> vector<16xf32>
          %mul3A_322 = arith.mulf %gather3A, %unpack3A : vector<16xf32>
          %add3A_323 = arith.addf %scan3A_290, %mul3A_322 : vector<16xf32>
          %mul3A_324 = arith.mulf %gather3A_316, %unpack3A_321 : vector<16xf32>
          %add3A_325 = arith.addf %add3A_323, %mul3A_324 : vector<16xf32>
          %add3A_326 = arith.constant 8 : i32
          %add3A_327 = vector.broadcast %add3A_326 : i32 to vector<16xi32>
          %add3A_328 = arith.addi %and3A_2, %add3A_327 : vector<16xi32>
          %gather3A_329 = tpu.vector_load_idx %arg10[%add3A_328, %add3A_306] : memref<64x128xi32, #tpu.memory_space<vmem>>[vector<16xi32>, vector<16xi32>], vector<16xi32>,
          %bitcast3A_330 = vector.bitcast %gather3A_329 : vector<16xi32> to vector<32xbf16>
          %unpack3A_331 = tpu.unpack_subelements %bitcast3A_330, 0 {pack_format = #tpu.pack_format<interleaved>} : vector<32xbf16> -> vector<16xf32>
          %unpack3A_332 = tpu.unpack_subelements %bitcast3A_330, 1 {pack_format = #tpu.pack_format<interleaved>} : vector<32xbf16> -> vector<16xf32>
          %mul3A_333 = arith.mulf %gather3A, %unpack3A_331 : vector<16xf32>
          %add3A_334 = arith.addf %scan3A_291, %mul3A_333 : vector<16xf32>
          %mul3A_335 = arith.mulf %gather3A_316, %unpack3A_332 : vector<16xf32>
          %add3A_336 = arith.addf %add3A_334, %mul3A_335 : vector<16xf32>
          %add3A_337 = arith.constant 16 : i32
          %add3A_338 = vector.broadcast %add3A_337 : i32 to vector<16xi32>
          %add3A_339 = arith.addi %and3A_2, %add3A_338 : vector<16xi32>
          %gather3A_340 = tpu.vector_load_idx %arg10[%add3A_339, %add3A_306] : memref<64x128xi32, #tpu.memory_space<vmem>>[vector<16xi32>, vector<16xi32>], vector<16xi32>,
          %bitcast3A_341 = vector.bitcast %gather3A_340 : vector<16xi32> to vector<32xbf16>
          %unpack3A_342 = tpu.unpack_subelements %bitcast3A_341, 0 {pack_format = #tpu.pack_format<interleaved>} : vector<32xbf16> -> vector<16xf32>
          %unpack3A_343 = tpu.unpack_subelements %bitcast3A_341, 1 {pack_format = #tpu.pack_format<interleaved>} : vector<32xbf16> -> vector<16xf32>
          %mul3A_344 = arith.mulf %gather3A, %unpack3A_342 : vector<16xf32>
          %add3A_345 = arith.addf %scan3A_292, %mul3A_344 : vector<16xf32>
          %mul3A_346 = arith.mulf %gather3A_316, %unpack3A_343 : vector<16xf32>
          %add3A_347 = arith.addf %add3A_345, %mul3A_346 : vector<16xf32>
          %add3A_348 = arith.constant 24 : i32
          %add3A_349 = vector.broadcast %add3A_348 : i32 to vector<16xi32>
          %add3A_350 = arith.addi %and3A_2, %add3A_349 : vector<16xi32>
          %gather3A_351 = tpu.vector_load_idx %arg10[%add3A_350, %add3A_306] : memref<64x128xi32, #tpu.memory_space<vmem>>[vector<16xi32>, vector<16xi32>], vector<16xi32>,
          %bitcast3A_352 = vector.bitcast %gather3A_351 : vector<16xi32> to vector<32xbf16>
          %unpack3A_353 = tpu.unpack_subelements %bitcast3A_352, 0 {pack_format = #tpu.pack_format<interleaved>} : vector<32xbf16> -> vector<16xf32>
          %unpack3A_354 = tpu.unpack_subelements %bitcast3A_352, 1 {pack_format = #tpu.pack_format<interleaved>} : vector<32xbf16> -> vector<16xf32>
          %mul3A_355 = arith.mulf %gather3A, %unpack3A_353 : vector<16xf32>
          %add3A_356 = arith.addf %scan3A_293, %mul3A_355 : vector<16xf32>
          %mul3A_357 = arith.mulf %gather3A_316, %unpack3A_354 : vector<16xf32>
          %add3A_358 = arith.addf %add3A_356, %mul3A_357 : vector<16xf32>
          %add3A_359 = arith.constant 32 : i32
          %add3A_360 = vector.broadcast %add3A_359 : i32 to vector<16xi32>
          %add3A_361 = arith.addi %and3A_2, %add3A_360 : vector<16xi32>
          %gather3A_362 = tpu.vector_load_idx %arg10[%add3A_361, %add3A_306] : memref<64x128xi32, #tpu.memory_space<vmem>>[vector<16xi32>, vector<16xi32>], vector<16xi32>,
          %bitcast3A_363 = vector.bitcast %gather3A_362 : vector<16xi32> to vector<32xbf16>
          %unpack3A_364 = tpu.unpack_subelements %bitcast3A_363, 0 {pack_format = #tpu.pack_format<interleaved>} : vector<32xbf16> -> vector<16xf32>
          %unpack3A_365 = tpu.unpack_subelements %bitcast3A_363, 1 {pack_format = #tpu.pack_format<interleaved>} : vector<32xbf16> -> vector<16xf32>
          %mul3A_366 = arith.mulf %gather3A, %unpack3A_364 : vector<16xf32>
          %add3A_367 = arith.addf %scan3A_294, %mul3A_366 : vector<16xf32>
          %mul3A_368 = arith.mulf %gather3A_316, %unpack3A_365 : vector<16xf32>
          %add3A_369 = arith.addf %add3A_367, %mul3A_368 : vector<16xf32>
          %add3A_370 = arith.constant 40 : i32
          %add3A_371 = vector.broadcast %add3A_370 : i32 to vector<16xi32>
          %add3A_372 = arith.addi %and3A_2, %add3A_371 : vector<16xi32>
          %gather3A_373 = tpu.vector_load_idx %arg10[%add3A_372, %add3A_306] : memref<64x128xi32, #tpu.memory_space<vmem>>[vector<16xi32>, vector<16xi32>], vector<16xi32>,
          %bitcast3A_374 = vector.bitcast %gather3A_373 : vector<16xi32> to vector<32xbf16>
          %unpack3A_375 = tpu.unpack_subelements %bitcast3A_374, 0 {pack_format = #tpu.pack_format<interleaved>} : vector<32xbf16> -> vector<16xf32>
          %unpack3A_376 = tpu.unpack_subelements %bitcast3A_374, 1 {pack_format = #tpu.pack_format<interleaved>} : vector<32xbf16> -> vector<16xf32>
          %mul3A_377 = arith.mulf %gather3A, %unpack3A_375 : vector<16xf32>
          %add3A_378 = arith.addf %scan3A_295, %mul3A_377 : vector<16xf32>
          %mul3A_379 = arith.mulf %gather3A_316, %unpack3A_376 : vector<16xf32>
          %add3A_380 = arith.addf %add3A_378, %mul3A_379 : vector<16xf32>
          %add3A_381 = arith.constant 48 : i32
          %add3A_382 = vector.broadcast %add3A_381 : i32 to vector<16xi32>
          %add3A_383 = arith.addi %and3A_2, %add3A_382 : vector<16xi32>
          %gather3A_384 = tpu.vector_load_idx %arg10[%add3A_383, %add3A_306] : memref<64x128xi32, #tpu.memory_space<vmem>>[vector<16xi32>, vector<16xi32>], vector<16xi32>,
          %bitcast3A_385 = vector.bitcast %gather3A_384 : vector<16xi32> to vector<32xbf16>
          %unpack3A_386 = tpu.unpack_subelements %bitcast3A_385, 0 {pack_format = #tpu.pack_format<interleaved>} : vector<32xbf16> -> vector<16xf32>
          %unpack3A_387 = tpu.unpack_subelements %bitcast3A_385, 1 {pack_format = #tpu.pack_format<interleaved>} : vector<32xbf16> -> vector<16xf32>
          %mul3A_388 = arith.mulf %gather3A, %unpack3A_386 : vector<16xf32>
          %add3A_389 = arith.addf %scan3A_296, %mul3A_388 : vector<16xf32>
          %mul3A_390 = arith.mulf %gather3A_316, %unpack3A_387 : vector<16xf32>
          %add3A_391 = arith.addf %add3A_389, %mul3A_390 : vector<16xf32>
          %add3A_392 = arith.constant 56 : i32
          %add3A_393 = vector.broadcast %add3A_392 : i32 to vector<16xi32>
          %add3A_394 = arith.addi %and3A_2, %add3A_393 : vector<16xi32>
          %gather3A_395 = tpu.vector_load_idx %arg10[%add3A_394, %add3A_306] : memref<64x128xi32, #tpu.memory_space<vmem>>[vector<16xi32>, vector<16xi32>], vector<16xi32>,
          %bitcast3A_396 = vector.bitcast %gather3A_395 : vector<16xi32> to vector<32xbf16>
          %unpack3A_397 = tpu.unpack_subelements %bitcast3A_396, 0 {pack_format = #tpu.pack_format<interleaved>} : vector<32xbf16> -> vector<16xf32>
          %unpack3A_398 = tpu.unpack_subelements %bitcast3A_396, 1 {pack_format = #tpu.pack_format<interleaved>} : vector<32xbf16> -> vector<16xf32>
          %mul3A_399 = arith.mulf %gather3A, %unpack3A_397 : vector<16xf32>
          %add3A_400 = arith.addf %scan3A_297, %mul3A_399 : vector<16xf32>
          %mul3A_401 = arith.mulf %gather3A_316, %unpack3A_398 : vector<16xf32>
          %add3A_402 = arith.addf %add3A_400, %mul3A_401 : vector<16xf32>
          scf.yield %add3A_325, %add3A_336, %add3A_347, %add3A_358, %add3A_369, %add3A_380, %add3A_391, %add3A_402 : vector<16xf32>, vector<16xf32>, vector<16xf32>, vector<16xf32>, vector<16xf32>, vector<16xf32>, vector<16xf32>, vector<16xf32>
        }
        %scan3A_209 = arith.constant 8 : i32
        %mul3A_210 = arith.constant 16 : i32
        %mul3A_211 = arith.muli %scan3A_188, %mul3A_210 : i32
        %add3A_212 = arith.constant 8 : i32
        %add3A_213 = arith.addi %mul3A_211, %add3A_212 : i32
        %add3A_214 = arith.constant 0 : i32
        %add3A_215 = arith.addi %add3A_213, %add3A_214 : i32
        %mul3A_216 = arith.constant 16 : i32
        %mul3A_217 = arith.muli %add3A_215, %mul3A_216 : i32
        %swap3A = arith.index_cast %mul3A_217 : i32 to index
        %swap3A_218 = tpu.vector_load %arg16[%swap3A] {strides = array<i32>} : memref<2048xf32, #tpu.memory_space<vmem>>, vector<16xf32>,
        tpu.vector_store %arg16[%swap3A], %scan3A_208#0 {strides = array<i32>} : memref<2048xf32, #tpu.memory_space<vmem>>, vector<16xf32>,
        %mul3A_219 = arith.constant 16 : i32
        %mul3A_220 = arith.muli %scan3A_188, %mul3A_219 : i32
        %add3A_221 = arith.constant 8 : i32
        %add3A_222 = arith.addi %mul3A_220, %add3A_221 : i32
        %add3A_223 = arith.constant 1 : i32
        %add3A_224 = arith.addi %add3A_222, %add3A_223 : i32
        %mul3A_225 = arith.constant 16 : i32
        %mul3A_226 = arith.muli %add3A_224, %mul3A_225 : i32
        %swap3A_227 = arith.index_cast %mul3A_226 : i32 to index
        %swap3A_228 = tpu.vector_load %arg16[%swap3A_227] {strides = array<i32>} : memref<2048xf32, #tpu.memory_space<vmem>>, vector<16xf32>,
        tpu.vector_store %arg16[%swap3A_227], %scan3A_208#1 {strides = array<i32>} : memref<2048xf32, #tpu.memory_space<vmem>>, vector<16xf32>,
        %mul3A_229 = arith.constant 16 : i32
        %mul3A_230 = arith.muli %scan3A_188, %mul3A_229 : i32
        %add3A_231 = arith.constant 8 : i32
        %add3A_232 = arith.addi %mul3A_230, %add3A_231 : i32
        %add3A_233 = arith.constant 2 : i32
        %add3A_234 = arith.addi %add3A_232, %add3A_233 : i32
        %mul3A_235 = arith.constant 16 : i32
        %mul3A_236 = arith.muli %add3A_234, %mul3A_235 : i32
        %swap3A_237 = arith.index_cast %mul3A_236 : i32 to index
        %swap3A_238 = tpu.vector_load %arg16[%swap3A_237] {strides = array<i32>} : memref<2048xf32, #tpu.memory_space<vmem>>, vector<16xf32>,
        tpu.vector_store %arg16[%swap3A_237], %scan3A_208#2 {strides = array<i32>} : memref<2048xf32, #tpu.memory_space<vmem>>, vector<16xf32>,
        %mul3A_239 = arith.constant 16 : i32
        %mul3A_240 = arith.muli %scan3A_188, %mul3A_239 : i32
        %add3A_241 = arith.constant 8 : i32
        %add3A_242 = arith.addi %mul3A_240, %add3A_241 : i32
        %add3A_243 = arith.constant 3 : i32
        %add3A_244 = arith.addi %add3A_242, %add3A_243 : i32
        %mul3A_245 = arith.constant 16 : i32
        %mul3A_246 = arith.muli %add3A_244, %mul3A_245 : i32
        %swap3A_247 = arith.index_cast %mul3A_246 : i32 to index
        %swap3A_248 = tpu.vector_load %arg16[%swap3A_247] {strides = array<i32>} : memref<2048xf32, #tpu.memory_space<vmem>>, vector<16xf32>,
        tpu.vector_store %arg16[%swap3A_247], %scan3A_208#3 {strides = array<i32>} : memref<2048xf32, #tpu.memory_space<vmem>>, vector<16xf32>,
        %mul3A_249 = arith.constant 16 : i32
        %mul3A_250 = arith.muli %scan3A_188, %mul3A_249 : i32
        %add3A_251 = arith.constant 8 : i32
        %add3A_252 = arith.addi %mul3A_250, %add3A_251 : i32
        %add3A_253 = arith.constant 4 : i32
        %add3A_254 = arith.addi %add3A_252, %add3A_253 : i32
        %mul3A_255 = arith.constant 16 : i32
        %mul3A_256 = arith.muli %add3A_254, %mul3A_255 : i32
        %swap3A_257 = arith.index_cast %mul3A_256 : i32 to index
        %swap3A_258 = tpu.vector_load %arg16[%swap3A_257] {strides = array<i32>} : memref<2048xf32, #tpu.memory_space<vmem>>, vector<16xf32>,
        tpu.vector_store %arg16[%swap3A_257], %scan3A_208#4 {strides = array<i32>} : memref<2048xf32, #tpu.memory_space<vmem>>, vector<16xf32>,
        %mul3A_259 = arith.constant 16 : i32
        %mul3A_260 = arith.muli %scan3A_188, %mul3A_259 : i32
        %add3A_261 = arith.constant 8 : i32
        %add3A_262 = arith.addi %mul3A_260, %add3A_261 : i32
        %add3A_263 = arith.constant 5 : i32
        %add3A_264 = arith.addi %add3A_262, %add3A_263 : i32
        %mul3A_265 = arith.constant 16 : i32
        %mul3A_266 = arith.muli %add3A_264, %mul3A_265 : i32
        %swap3A_267 = arith.index_cast %mul3A_266 : i32 to index
        %swap3A_268 = tpu.vector_load %arg16[%swap3A_267] {strides = array<i32>} : memref<2048xf32, #tpu.memory_space<vmem>>, vector<16xf32>,
        tpu.vector_store %arg16[%swap3A_267], %scan3A_208#5 {strides = array<i32>} : memref<2048xf32, #tpu.memory_space<vmem>>, vector<16xf32>,
        %mul3A_269 = arith.constant 16 : i32
        %mul3A_270 = arith.muli %scan3A_188, %mul3A_269 : i32
        %add3A_271 = arith.constant 8 : i32
        %add3A_272 = arith.addi %mul3A_270, %add3A_271 : i32
        %add3A_273 = arith.constant 6 : i32
        %add3A_274 = arith.addi %add3A_272, %add3A_273 : i32
        %mul3A_275 = arith.constant 16 : i32
        %mul3A_276 = arith.muli %add3A_274, %mul3A_275 : i32
        %swap3A_277 = arith.index_cast %mul3A_276 : i32 to index
        %swap3A_278 = tpu.vector_load %arg16[%swap3A_277] {strides = array<i32>} : memref<2048xf32, #tpu.memory_space<vmem>>, vector<16xf32>,
        tpu.vector_store %arg16[%swap3A_277], %scan3A_208#6 {strides = array<i32>} : memref<2048xf32, #tpu.memory_space<vmem>>, vector<16xf32>,
        %mul3A_279 = arith.constant 16 : i32
        %mul3A_280 = arith.muli %scan3A_188, %mul3A_279 : i32
        %add3A_281 = arith.constant 8 : i32
        %add3A_282 = arith.addi %mul3A_280, %add3A_281 : i32
        %add3A_283 = arith.constant 7 : i32
        %add3A_284 = arith.addi %add3A_282, %add3A_283 : i32
        %mul3A_285 = arith.constant 16 : i32
        %mul3A_286 = arith.muli %add3A_284, %mul3A_285 : i32
        %swap3A_287 = arith.index_cast %mul3A_286 : i32 to index
        %swap3A_288 = tpu.vector_load %arg16[%swap3A_287] {strides = array<i32>} : memref<2048xf32, #tpu.memory_space<vmem>>, vector<16xf32>,
        tpu.vector_store %arg16[%swap3A_287], %scan3A_208#7 {strides = array<i32>} : memref<2048xf32, #tpu.memory_space<vmem>>, vector<16xf32>,
      }
      %scan3A_166 = arith.constant 8 : i32
      %scan3A_167 = arith.constant 0 : i32
      %scan3A_168 = arith.constant 0 : i32
      %scan3A_169 = arith.constant 8 : i32
      %scan3A_170 = arith.addi %scan3A_168, %scan3A_169 : i32
      %scan3A_171 = arith.constant 1 : i32
      scf.for %scan3A_188 = %scan3A_168 to %scan3A_170 step %scan3A_171  : i32 {
        %mul3A_189 = arith.constant 16 : i32
        %mul3A_190 = arith.muli %scan3A_188, %mul3A_189 : i32
        %add3A_191 = arith.constant 0 : i32
        %add3A_192 = arith.addi %mul3A_190, %add3A_191 : i32
        %mul3A_193 = arith.constant 16 : i32
        %mul3A_194 = arith.muli %add3A_192, %mul3A_193 : i32
        %get3A = arith.index_cast %mul3A_194 : i32 to index
        %get3A_195 = tpu.vector_load %arg16[%get3A] {strides = array<i32>} : memref<2048xf32, #tpu.memory_space<vmem>>, vector<16xf32>,
        %add3A_196 = vector.broadcast %mul3A_194 : i32 to vector<16xi32>
        %add3A_197 = arith.addi %add3A_196, %xor3A_4 : vector<16xi32>
        %gather3A = tpu.vector_load_idx %arg16[%add3A_197] : memref<2048xf32, #tpu.memory_space<vmem>>[vector<16xi32>], vector<16xf32>,
        %add3A_198 = arith.addf %get3A_195, %gather3A : vector<16xf32>
        %mul3A_199 = arith.constant 0.176776692 : f32
        %mul3A_200 = vector.broadcast %mul3A_199 : f32 to vector<16xf32>
        %mul3A_201 = arith.mulf %add3A_198, %mul3A_200 : vector<16xf32>
        %swap3A = arith.index_cast %mul3A_194 : i32 to index
        %swap3A_202 = tpu.vector_load %arg16[%swap3A] {strides = array<i32>} : memref<2048xf32, #tpu.memory_space<vmem>>, vector<16xf32>,
        tpu.vector_store %arg16[%swap3A], %mul3A_201 {strides = array<i32>} : memref<2048xf32, #tpu.memory_space<vmem>>, vector<16xf32>,
        %mul3A_203 = arith.constant 16 : i32
        %mul3A_204 = arith.muli %scan3A_188, %mul3A_203 : i32
        %add3A_205 = arith.constant 1 : i32
        %add3A_206 = arith.addi %mul3A_204, %add3A_205 : i32
        %mul3A_207 = arith.constant 16 : i32
        %mul3A_208 = arith.muli %add3A_206, %mul3A_207 : i32
        %get3A_209 = arith.index_cast %mul3A_208 : i32 to index
        %get3A_210 = tpu.vector_load %arg16[%get3A_209] {strides = array<i32>} : memref<2048xf32, #tpu.memory_space<vmem>>, vector<16xf32>,
        %add3A_211 = vector.broadcast %mul3A_208 : i32 to vector<16xi32>
        %add3A_212 = arith.addi %add3A_211, %xor3A_4 : vector<16xi32>
        %gather3A_213 = tpu.vector_load_idx %arg16[%add3A_212] : memref<2048xf32, #tpu.memory_space<vmem>>[vector<16xi32>], vector<16xf32>,
        %add3A_214 = arith.addf %get3A_210, %gather3A_213 : vector<16xf32>
        %mul3A_215 = arith.constant 0.176776692 : f32
        %mul3A_216 = vector.broadcast %mul3A_215 : f32 to vector<16xf32>
        %mul3A_217 = arith.mulf %add3A_214, %mul3A_216 : vector<16xf32>
        %swap3A_218 = arith.index_cast %mul3A_208 : i32 to index
        %swap3A_219 = tpu.vector_load %arg16[%swap3A_218] {strides = array<i32>} : memref<2048xf32, #tpu.memory_space<vmem>>, vector<16xf32>,
        tpu.vector_store %arg16[%swap3A_218], %mul3A_217 {strides = array<i32>} : memref<2048xf32, #tpu.memory_space<vmem>>, vector<16xf32>,
        %max3A = arith.maximumf %mul3A_201, %mul3A_217 : vector<16xf32>
        %mul3A_220 = arith.constant 16 : i32
        %mul3A_221 = arith.muli %scan3A_188, %mul3A_220 : i32
        %add3A_222 = arith.constant 2 : i32
        %add3A_223 = arith.addi %mul3A_221, %add3A_222 : i32
        %mul3A_224 = arith.constant 16 : i32
        %mul3A_225 = arith.muli %add3A_223, %mul3A_224 : i32
        %get3A_226 = arith.index_cast %mul3A_225 : i32 to index
        %get3A_227 = tpu.vector_load %arg16[%get3A_226] {strides = array<i32>} : memref<2048xf32, #tpu.memory_space<vmem>>, vector<16xf32>,
        %add3A_228 = vector.broadcast %mul3A_225 : i32 to vector<16xi32>
        %add3A_229 = arith.addi %add3A_228, %xor3A_4 : vector<16xi32>
        %gather3A_230 = tpu.vector_load_idx %arg16[%add3A_229] : memref<2048xf32, #tpu.memory_space<vmem>>[vector<16xi32>], vector<16xf32>,
        %add3A_231 = arith.addf %get3A_227, %gather3A_230 : vector<16xf32>
        %mul3A_232 = arith.constant 0.176776692 : f32
        %mul3A_233 = vector.broadcast %mul3A_232 : f32 to vector<16xf32>
        %mul3A_234 = arith.mulf %add3A_231, %mul3A_233 : vector<16xf32>
        %swap3A_235 = arith.index_cast %mul3A_225 : i32 to index
        %swap3A_236 = tpu.vector_load %arg16[%swap3A_235] {strides = array<i32>} : memref<2048xf32, #tpu.memory_space<vmem>>, vector<16xf32>,
        tpu.vector_store %arg16[%swap3A_235], %mul3A_234 {strides = array<i32>} : memref<2048xf32, #tpu.memory_space<vmem>>, vector<16xf32>,
        %max3A_237 = arith.maximumf %max3A, %mul3A_234 : vector<16xf32>
        %mul3A_238 = arith.constant 16 : i32
        %mul3A_239 = arith.muli %scan3A_188, %mul3A_238 : i32
        %add3A_240 = arith.constant 3 : i32
        %add3A_241 = arith.addi %mul3A_239, %add3A_240 : i32
        %mul3A_242 = arith.constant 16 : i32
        %mul3A_243 = arith.muli %add3A_241, %mul3A_242 : i32
        %get3A_244 = arith.index_cast %mul3A_243 : i32 to index
        %get3A_245 = tpu.vector_load %arg16[%get3A_244] {strides = array<i32>} : memref<2048xf32, #tpu.memory_space<vmem>>, vector<16xf32>,
        %add3A_246 = vector.broadcast %mul3A_243 : i32 to vector<16xi32>
        %add3A_247 = arith.addi %add3A_246, %xor3A_4 : vector<16xi32>
        %gather3A_248 = tpu.vector_load_idx %arg16[%add3A_247] : memref<2048xf32, #tpu.memory_space<vmem>>[vector<16xi32>], vector<16xf32>,
        %add3A_249 = arith.addf %get3A_245, %gather3A_248 : vector<16xf32>
        %mul3A_250 = arith.constant 0.176776692 : f32
        %mul3A_251 = vector.broadcast %mul3A_250 : f32 to vector<16xf32>
        %mul3A_252 = arith.mulf %add3A_249, %mul3A_251 : vector<16xf32>
        %swap3A_253 = arith.index_cast %mul3A_243 : i32 to index
        %swap3A_254 = tpu.vector_load %arg16[%swap3A_253] {strides = array<i32>} : memref<2048xf32, #tpu.memory_space<vmem>>, vector<16xf32>,
        tpu.vector_store %arg16[%swap3A_253], %mul3A_252 {strides = array<i32>} : memref<2048xf32, #tpu.memory_space<vmem>>, vector<16xf32>,
        %max3A_255 = arith.maximumf %max3A_237, %mul3A_252 : vector<16xf32>
        %mul3A_256 = arith.constant 16 : i32
        %mul3A_257 = arith.muli %scan3A_188, %mul3A_256 : i32
        %add3A_258 = arith.constant 4 : i32
        %add3A_259 = arith.addi %mul3A_257, %add3A_258 : i32
        %mul3A_260 = arith.constant 16 : i32
        %mul3A_261 = arith.muli %add3A_259, %mul3A_260 : i32
        %get3A_262 = arith.index_cast %mul3A_261 : i32 to index
        %get3A_263 = tpu.vector_load %arg16[%get3A_262] {strides = array<i32>} : memref<2048xf32, #tpu.memory_space<vmem>>, vector<16xf32>,
        %add3A_264 = vector.broadcast %mul3A_261 : i32 to vector<16xi32>
        %add3A_265 = arith.addi %add3A_264, %xor3A_4 : vector<16xi32>
        %gather3A_266 = tpu.vector_load_idx %arg16[%add3A_265] : memref<2048xf32, #tpu.memory_space<vmem>>[vector<16xi32>], vector<16xf32>,
        %add3A_267 = arith.addf %get3A_263, %gather3A_266 : vector<16xf32>
        %mul3A_268 = arith.constant 0.176776692 : f32
        %mul3A_269 = vector.broadcast %mul3A_268 : f32 to vector<16xf32>
        %mul3A_270 = arith.mulf %add3A_267, %mul3A_269 : vector<16xf32>
        %swap3A_271 = arith.index_cast %mul3A_261 : i32 to index
        %swap3A_272 = tpu.vector_load %arg16[%swap3A_271] {strides = array<i32>} : memref<2048xf32, #tpu.memory_space<vmem>>, vector<16xf32>,
        tpu.vector_store %arg16[%swap3A_271], %mul3A_270 {strides = array<i32>} : memref<2048xf32, #tpu.memory_space<vmem>>, vector<16xf32>,
        %max3A_273 = arith.maximumf %max3A_255, %mul3A_270 : vector<16xf32>
        %mul3A_274 = arith.constant 16 : i32
        %mul3A_275 = arith.muli %scan3A_188, %mul3A_274 : i32
        %add3A_276 = arith.constant 5 : i32
        %add3A_277 = arith.addi %mul3A_275, %add3A_276 : i32
        %mul3A_278 = arith.constant 16 : i32
        %mul3A_279 = arith.muli %add3A_277, %mul3A_278 : i32
        %get3A_280 = arith.index_cast %mul3A_279 : i32 to index
        %get3A_281 = tpu.vector_load %arg16[%get3A_280] {strides = array<i32>} : memref<2048xf32, #tpu.memory_space<vmem>>, vector<16xf32>,
        %add3A_282 = vector.broadcast %mul3A_279 : i32 to vector<16xi32>
        %add3A_283 = arith.addi %add3A_282, %xor3A_4 : vector<16xi32>
        %gather3A_284 = tpu.vector_load_idx %arg16[%add3A_283] : memref<2048xf32, #tpu.memory_space<vmem>>[vector<16xi32>], vector<16xf32>,
        %add3A_285 = arith.addf %get3A_281, %gather3A_284 : vector<16xf32>
        %mul3A_286 = arith.constant 0.176776692 : f32
        %mul3A_287 = vector.broadcast %mul3A_286 : f32 to vector<16xf32>
        %mul3A_288 = arith.mulf %add3A_285, %mul3A_287 : vector<16xf32>
        %swap3A_289 = arith.index_cast %mul3A_279 : i32 to index
        %swap3A_290 = tpu.vector_load %arg16[%swap3A_289] {strides = array<i32>} : memref<2048xf32, #tpu.memory_space<vmem>>, vector<16xf32>,
        tpu.vector_store %arg16[%swap3A_289], %mul3A_288 {strides = array<i32>} : memref<2048xf32, #tpu.memory_space<vmem>>, vector<16xf32>,
        %max3A_291 = arith.maximumf %max3A_273, %mul3A_288 : vector<16xf32>
        %mul3A_292 = arith.constant 16 : i32
        %mul3A_293 = arith.muli %scan3A_188, %mul3A_292 : i32
        %add3A_294 = arith.constant 6 : i32
        %add3A_295 = arith.addi %mul3A_293, %add3A_294 : i32
        %mul3A_296 = arith.constant 16 : i32
        %mul3A_297 = arith.muli %add3A_295, %mul3A_296 : i32
        %get3A_298 = arith.index_cast %mul3A_297 : i32 to index
        %get3A_299 = tpu.vector_load %arg16[%get3A_298] {strides = array<i32>} : memref<2048xf32, #tpu.memory_space<vmem>>, vector<16xf32>,
        %add3A_300 = vector.broadcast %mul3A_297 : i32 to vector<16xi32>
        %add3A_301 = arith.addi %add3A_300, %xor3A_4 : vector<16xi32>
        %gather3A_302 = tpu.vector_load_idx %arg16[%add3A_301] : memref<2048xf32, #tpu.memory_space<vmem>>[vector<16xi32>], vector<16xf32>,
        %add3A_303 = arith.addf %get3A_299, %gather3A_302 : vector<16xf32>
        %mul3A_304 = arith.constant 0.176776692 : f32
        %mul3A_305 = vector.broadcast %mul3A_304 : f32 to vector<16xf32>
        %mul3A_306 = arith.mulf %add3A_303, %mul3A_305 : vector<16xf32>
        %swap3A_307 = arith.index_cast %mul3A_297 : i32 to index
        %swap3A_308 = tpu.vector_load %arg16[%swap3A_307] {strides = array<i32>} : memref<2048xf32, #tpu.memory_space<vmem>>, vector<16xf32>,
        tpu.vector_store %arg16[%swap3A_307], %mul3A_306 {strides = array<i32>} : memref<2048xf32, #tpu.memory_space<vmem>>, vector<16xf32>,
        %max3A_309 = arith.maximumf %max3A_291, %mul3A_306 : vector<16xf32>
        %mul3A_310 = arith.constant 16 : i32
        %mul3A_311 = arith.muli %scan3A_188, %mul3A_310 : i32
        %add3A_312 = arith.constant 7 : i32
        %add3A_313 = arith.addi %mul3A_311, %add3A_312 : i32
        %mul3A_314 = arith.constant 16 : i32
        %mul3A_315 = arith.muli %add3A_313, %mul3A_314 : i32
        %get3A_316 = arith.index_cast %mul3A_315 : i32 to index
        %get3A_317 = tpu.vector_load %arg16[%get3A_316] {strides = array<i32>} : memref<2048xf32, #tpu.memory_space<vmem>>, vector<16xf32>,
        %add3A_318 = vector.broadcast %mul3A_315 : i32 to vector<16xi32>
        %add3A_319 = arith.addi %add3A_318, %xor3A_4 : vector<16xi32>
        %gather3A_320 = tpu.vector_load_idx %arg16[%add3A_319] : memref<2048xf32, #tpu.memory_space<vmem>>[vector<16xi32>], vector<16xf32>,
        %add3A_321 = arith.addf %get3A_317, %gather3A_320 : vector<16xf32>
        %mul3A_322 = arith.constant 0.176776692 : f32
        %mul3A_323 = vector.broadcast %mul3A_322 : f32 to vector<16xf32>
        %mul3A_324 = arith.mulf %add3A_321, %mul3A_323 : vector<16xf32>
        %swap3A_325 = arith.index_cast %mul3A_315 : i32 to index
        %swap3A_326 = tpu.vector_load %arg16[%swap3A_325] {strides = array<i32>} : memref<2048xf32, #tpu.memory_space<vmem>>, vector<16xf32>,
        tpu.vector_store %arg16[%swap3A_325], %mul3A_324 {strides = array<i32>} : memref<2048xf32, #tpu.memory_space<vmem>>, vector<16xf32>,
        %max3A_327 = arith.maximumf %max3A_309, %mul3A_324 : vector<16xf32>
        %mul3A_328 = arith.constant 16 : i32
        %mul3A_329 = arith.muli %scan3A_188, %mul3A_328 : i32
        %add3A_330 = arith.constant 8 : i32
        %add3A_331 = arith.addi %mul3A_329, %add3A_330 : i32
        %mul3A_332 = arith.constant 16 : i32
        %mul3A_333 = arith.muli %add3A_331, %mul3A_332 : i32
        %get3A_334 = arith.index_cast %mul3A_333 : i32 to index
        %get3A_335 = tpu.vector_load %arg16[%get3A_334] {strides = array<i32>} : memref<2048xf32, #tpu.memory_space<vmem>>, vector<16xf32>,
        %add3A_336 = vector.broadcast %mul3A_333 : i32 to vector<16xi32>
        %add3A_337 = arith.addi %add3A_336, %xor3A_4 : vector<16xi32>
        %gather3A_338 = tpu.vector_load_idx %arg16[%add3A_337] : memref<2048xf32, #tpu.memory_space<vmem>>[vector<16xi32>], vector<16xf32>,
        %add3A_339 = arith.addf %get3A_335, %gather3A_338 : vector<16xf32>
        %mul3A_340 = arith.constant 0.176776692 : f32
        %mul3A_341 = vector.broadcast %mul3A_340 : f32 to vector<16xf32>
        %mul3A_342 = arith.mulf %add3A_339, %mul3A_341 : vector<16xf32>
        %swap3A_343 = arith.index_cast %mul3A_333 : i32 to index
        %swap3A_344 = tpu.vector_load %arg16[%swap3A_343] {strides = array<i32>} : memref<2048xf32, #tpu.memory_space<vmem>>, vector<16xf32>,
        tpu.vector_store %arg16[%swap3A_343], %mul3A_342 {strides = array<i32>} : memref<2048xf32, #tpu.memory_space<vmem>>, vector<16xf32>,
        %max3A_345 = arith.maximumf %max3A_327, %mul3A_342 : vector<16xf32>
        %mul3A_346 = arith.constant 16 : i32
        %mul3A_347 = arith.muli %scan3A_188, %mul3A_346 : i32
        %add3A_348 = arith.constant 9 : i32
        %add3A_349 = arith.addi %mul3A_347, %add3A_348 : i32
        %mul3A_350 = arith.constant 16 : i32
        %mul3A_351 = arith.muli %add3A_349, %mul3A_350 : i32
        %get3A_352 = arith.index_cast %mul3A_351 : i32 to index
        %get3A_353 = tpu.vector_load %arg16[%get3A_352] {strides = array<i32>} : memref<2048xf32, #tpu.memory_space<vmem>>, vector<16xf32>,
        %add3A_354 = vector.broadcast %mul3A_351 : i32 to vector<16xi32>
        %add3A_355 = arith.addi %add3A_354, %xor3A_4 : vector<16xi32>
        %gather3A_356 = tpu.vector_load_idx %arg16[%add3A_355] : memref<2048xf32, #tpu.memory_space<vmem>>[vector<16xi32>], vector<16xf32>,
        %add3A_357 = arith.addf %get3A_353, %gather3A_356 : vector<16xf32>
        %mul3A_358 = arith.constant 0.176776692 : f32
        %mul3A_359 = vector.broadcast %mul3A_358 : f32 to vector<16xf32>
        %mul3A_360 = arith.mulf %add3A_357, %mul3A_359 : vector<16xf32>
        %swap3A_361 = arith.index_cast %mul3A_351 : i32 to index
        %swap3A_362 = tpu.vector_load %arg16[%swap3A_361] {strides = array<i32>} : memref<2048xf32, #tpu.memory_space<vmem>>, vector<16xf32>,
        tpu.vector_store %arg16[%swap3A_361], %mul3A_360 {strides = array<i32>} : memref<2048xf32, #tpu.memory_space<vmem>>, vector<16xf32>,
        %max3A_363 = arith.maximumf %max3A_345, %mul3A_360 : vector<16xf32>
        %mul3A_364 = arith.constant 16 : i32
        %mul3A_365 = arith.muli %scan3A_188, %mul3A_364 : i32
        %add3A_366 = arith.constant 10 : i32
        %add3A_367 = arith.addi %mul3A_365, %add3A_366 : i32
        %mul3A_368 = arith.constant 16 : i32
        %mul3A_369 = arith.muli %add3A_367, %mul3A_368 : i32
        %get3A_370 = arith.index_cast %mul3A_369 : i32 to index
        %get3A_371 = tpu.vector_load %arg16[%get3A_370] {strides = array<i32>} : memref<2048xf32, #tpu.memory_space<vmem>>, vector<16xf32>,
        %add3A_372 = vector.broadcast %mul3A_369 : i32 to vector<16xi32>
        %add3A_373 = arith.addi %add3A_372, %xor3A_4 : vector<16xi32>
        %gather3A_374 = tpu.vector_load_idx %arg16[%add3A_373] : memref<2048xf32, #tpu.memory_space<vmem>>[vector<16xi32>], vector<16xf32>,
        %add3A_375 = arith.addf %get3A_371, %gather3A_374 : vector<16xf32>
        %mul3A_376 = arith.constant 0.176776692 : f32
        %mul3A_377 = vector.broadcast %mul3A_376 : f32 to vector<16xf32>
        %mul3A_378 = arith.mulf %add3A_375, %mul3A_377 : vector<16xf32>
        %swap3A_379 = arith.index_cast %mul3A_369 : i32 to index
        %swap3A_380 = tpu.vector_load %arg16[%swap3A_379] {strides = array<i32>} : memref<2048xf32, #tpu.memory_space<vmem>>, vector<16xf32>,
        tpu.vector_store %arg16[%swap3A_379], %mul3A_378 {strides = array<i32>} : memref<2048xf32, #tpu.memory_space<vmem>>, vector<16xf32>,
        %max3A_381 = arith.maximumf %max3A_363, %mul3A_378 : vector<16xf32>
        %mul3A_382 = arith.constant 16 : i32
        %mul3A_383 = arith.muli %scan3A_188, %mul3A_382 : i32
        %add3A_384 = arith.constant 11 : i32
        %add3A_385 = arith.addi %mul3A_383, %add3A_384 : i32
        %mul3A_386 = arith.constant 16 : i32
        %mul3A_387 = arith.muli %add3A_385, %mul3A_386 : i32
        %get3A_388 = arith.index_cast %mul3A_387 : i32 to index
        %get3A_389 = tpu.vector_load %arg16[%get3A_388] {strides = array<i32>} : memref<2048xf32, #tpu.memory_space<vmem>>, vector<16xf32>,
        %add3A_390 = vector.broadcast %mul3A_387 : i32 to vector<16xi32>
        %add3A_391 = arith.addi %add3A_390, %xor3A_4 : vector<16xi32>
        %gather3A_392 = tpu.vector_load_idx %arg16[%add3A_391] : memref<2048xf32, #tpu.memory_space<vmem>>[vector<16xi32>], vector<16xf32>,
        %add3A_393 = arith.addf %get3A_389, %gather3A_392 : vector<16xf32>
        %mul3A_394 = arith.constant 0.176776692 : f32
        %mul3A_395 = vector.broadcast %mul3A_394 : f32 to vector<16xf32>
        %mul3A_396 = arith.mulf %add3A_393, %mul3A_395 : vector<16xf32>
        %swap3A_397 = arith.index_cast %mul3A_387 : i32 to index
        %swap3A_398 = tpu.vector_load %arg16[%swap3A_397] {strides = array<i32>} : memref<2048xf32, #tpu.memory_space<vmem>>, vector<16xf32>,
        tpu.vector_store %arg16[%swap3A_397], %mul3A_396 {strides = array<i32>} : memref<2048xf32, #tpu.memory_space<vmem>>, vector<16xf32>,
        %max3A_399 = arith.maximumf %max3A_381, %mul3A_396 : vector<16xf32>
        %mul3A_400 = arith.constant 16 : i32
        %mul3A_401 = arith.muli %scan3A_188, %mul3A_400 : i32
        %add3A_402 = arith.constant 12 : i32
        %add3A_403 = arith.addi %mul3A_401, %add3A_402 : i32
        %mul3A_404 = arith.constant 16 : i32
        %mul3A_405 = arith.muli %add3A_403, %mul3A_404 : i32
        %get3A_406 = arith.index_cast %mul3A_405 : i32 to index
        %get3A_407 = tpu.vector_load %arg16[%get3A_406] {strides = array<i32>} : memref<2048xf32, #tpu.memory_space<vmem>>, vector<16xf32>,
        %add3A_408 = vector.broadcast %mul3A_405 : i32 to vector<16xi32>
        %add3A_409 = arith.addi %add3A_408, %xor3A_4 : vector<16xi32>
        %gather3A_410 = tpu.vector_load_idx %arg16[%add3A_409] : memref<2048xf32, #tpu.memory_space<vmem>>[vector<16xi32>], vector<16xf32>,
        %add3A_411 = arith.addf %get3A_407, %gather3A_410 : vector<16xf32>
        %mul3A_412 = arith.constant 0.176776692 : f32
        %mul3A_413 = vector.broadcast %mul3A_412 : f32 to vector<16xf32>
        %mul3A_414 = arith.mulf %add3A_411, %mul3A_413 : vector<16xf32>
        %swap3A_415 = arith.index_cast %mul3A_405 : i32 to index
        %swap3A_416 = tpu.vector_load %arg16[%swap3A_415] {strides = array<i32>} : memref<2048xf32, #tpu.memory_space<vmem>>, vector<16xf32>,
        tpu.vector_store %arg16[%swap3A_415], %mul3A_414 {strides = array<i32>} : memref<2048xf32, #tpu.memory_space<vmem>>, vector<16xf32>,
        %max3A_417 = arith.maximumf %max3A_399, %mul3A_414 : vector<16xf32>
        %mul3A_418 = arith.constant 16 : i32
        %mul3A_419 = arith.muli %scan3A_188, %mul3A_418 : i32
        %add3A_420 = arith.constant 13 : i32
        %add3A_421 = arith.addi %mul3A_419, %add3A_420 : i32
        %mul3A_422 = arith.constant 16 : i32
        %mul3A_423 = arith.muli %add3A_421, %mul3A_422 : i32
        %get3A_424 = arith.index_cast %mul3A_423 : i32 to index
        %get3A_425 = tpu.vector_load %arg16[%get3A_424] {strides = array<i32>} : memref<2048xf32, #tpu.memory_space<vmem>>, vector<16xf32>,
        %add3A_426 = vector.broadcast %mul3A_423 : i32 to vector<16xi32>
        %add3A_427 = arith.addi %add3A_426, %xor3A_4 : vector<16xi32>
        %gather3A_428 = tpu.vector_load_idx %arg16[%add3A_427] : memref<2048xf32, #tpu.memory_space<vmem>>[vector<16xi32>], vector<16xf32>,
        %add3A_429 = arith.addf %get3A_425, %gather3A_428 : vector<16xf32>
        %mul3A_430 = arith.constant 0.176776692 : f32
        %mul3A_431 = vector.broadcast %mul3A_430 : f32 to vector<16xf32>
        %mul3A_432 = arith.mulf %add3A_429, %mul3A_431 : vector<16xf32>
        %swap3A_433 = arith.index_cast %mul3A_423 : i32 to index
        %swap3A_434 = tpu.vector_load %arg16[%swap3A_433] {strides = array<i32>} : memref<2048xf32, #tpu.memory_space<vmem>>, vector<16xf32>,
        tpu.vector_store %arg16[%swap3A_433], %mul3A_432 {strides = array<i32>} : memref<2048xf32, #tpu.memory_space<vmem>>, vector<16xf32>,
        %max3A_435 = arith.maximumf %max3A_417, %mul3A_432 : vector<16xf32>
        %mul3A_436 = arith.constant 16 : i32
        %mul3A_437 = arith.muli %scan3A_188, %mul3A_436 : i32
        %add3A_438 = arith.constant 14 : i32
        %add3A_439 = arith.addi %mul3A_437, %add3A_438 : i32
        %mul3A_440 = arith.constant 16 : i32
        %mul3A_441 = arith.muli %add3A_439, %mul3A_440 : i32
        %get3A_442 = arith.index_cast %mul3A_441 : i32 to index
        %get3A_443 = tpu.vector_load %arg16[%get3A_442] {strides = array<i32>} : memref<2048xf32, #tpu.memory_space<vmem>>, vector<16xf32>,
        %add3A_444 = vector.broadcast %mul3A_441 : i32 to vector<16xi32>
        %add3A_445 = arith.addi %add3A_444, %xor3A_4 : vector<16xi32>
        %gather3A_446 = tpu.vector_load_idx %arg16[%add3A_445] : memref<2048xf32, #tpu.memory_space<vmem>>[vector<16xi32>], vector<16xf32>,
        %add3A_447 = arith.addf %get3A_443, %gather3A_446 : vector<16xf32>
        %mul3A_448 = arith.constant 0.176776692 : f32
        %mul3A_449 = vector.broadcast %mul3A_448 : f32 to vector<16xf32>
        %mul3A_450 = arith.mulf %add3A_447, %mul3A_449 : vector<16xf32>
        %swap3A_451 = arith.index_cast %mul3A_441 : i32 to index
        %swap3A_452 = tpu.vector_load %arg16[%swap3A_451] {strides = array<i32>} : memref<2048xf32, #tpu.memory_space<vmem>>, vector<16xf32>,
        tpu.vector_store %arg16[%swap3A_451], %mul3A_450 {strides = array<i32>} : memref<2048xf32, #tpu.memory_space<vmem>>, vector<16xf32>,
        %max3A_453 = arith.maximumf %max3A_435, %mul3A_450 : vector<16xf32>
        %mul3A_454 = arith.constant 16 : i32
        %mul3A_455 = arith.muli %scan3A_188, %mul3A_454 : i32
        %add3A_456 = arith.constant 15 : i32
        %add3A_457 = arith.addi %mul3A_455, %add3A_456 : i32
        %mul3A_458 = arith.constant 16 : i32
        %mul3A_459 = arith.muli %add3A_457, %mul3A_458 : i32
        %get3A_460 = arith.index_cast %mul3A_459 : i32 to index
        %get3A_461 = tpu.vector_load %arg16[%get3A_460] {strides = array<i32>} : memref<2048xf32, #tpu.memory_space<vmem>>, vector<16xf32>,
        %add3A_462 = vector.broadcast %mul3A_459 : i32 to vector<16xi32>
        %add3A_463 = arith.addi %add3A_462, %xor3A_4 : vector<16xi32>
        %gather3A_464 = tpu.vector_load_idx %arg16[%add3A_463] : memref<2048xf32, #tpu.memory_space<vmem>>[vector<16xi32>], vector<16xf32>,
        %add3A_465 = arith.addf %get3A_461, %gather3A_464 : vector<16xf32>
        %mul3A_466 = arith.constant 0.176776692 : f32
        %mul3A_467 = vector.broadcast %mul3A_466 : f32 to vector<16xf32>
        %mul3A_468 = arith.mulf %add3A_465, %mul3A_467 : vector<16xf32>
        %swap3A_469 = arith.index_cast %mul3A_459 : i32 to index
        %swap3A_470 = tpu.vector_load %arg16[%swap3A_469] {strides = array<i32>} : memref<2048xf32, #tpu.memory_space<vmem>>, vector<16xf32>,
        tpu.vector_store %arg16[%swap3A_469], %mul3A_468 {strides = array<i32>} : memref<2048xf32, #tpu.memory_space<vmem>>, vector<16xf32>,
        %max3A_471 = arith.maximumf %max3A_453, %mul3A_468 : vector<16xf32>
        %mul3A_472 = arith.constant 16 : i32
        %mul3A_473 = arith.muli %scan3A_188, %mul3A_472 : i32
        %add3A_474 = arith.constant 0 : i32
        %add3A_475 = arith.addi %mul3A_473, %add3A_474 : i32
        %mul3A_476 = arith.constant 16 : i32
        %mul3A_477 = arith.muli %add3A_475, %mul3A_476 : i32
        %get3A_478 = arith.index_cast %mul3A_477 : i32 to index
        %get3A_479 = tpu.vector_load %arg16[%get3A_478] {strides = array<i32>} : memref<2048xf32, #tpu.memory_space<vmem>>, vector<16xf32>,
        %sub3A = arith.subf %get3A_479, %max3A_471 : vector<16xf32>
        %exp3A = math.exp %sub3A : vector<16xf32>
        %swap3A_480 = arith.index_cast %mul3A_477 : i32 to index
        %swap3A_481 = tpu.vector_load %arg16[%swap3A_480] {strides = array<i32>} : memref<2048xf32, #tpu.memory_space<vmem>>, vector<16xf32>,
        tpu.vector_store %arg16[%swap3A_480], %exp3A {strides = array<i32>} : memref<2048xf32, #tpu.memory_space<vmem>>, vector<16xf32>,
        %mul3A_482 = arith.constant 16 : i32
        %mul3A_483 = arith.muli %scan3A_188, %mul3A_482 : i32
        %add3A_484 = arith.constant 1 : i32
        %add3A_485 = arith.addi %mul3A_483, %add3A_484 : i32
        %mul3A_486 = arith.constant 16 : i32
        %mul3A_487 = arith.muli %add3A_485, %mul3A_486 : i32
        %get3A_488 = arith.index_cast %mul3A_487 : i32 to index
        %get3A_489 = tpu.vector_load %arg16[%get3A_488] {strides = array<i32>} : memref<2048xf32, #tpu.memory_space<vmem>>, vector<16xf32>,
        %sub3A_490 = arith.subf %get3A_489, %max3A_471 : vector<16xf32>
        %exp3A_491 = math.exp %sub3A_490 : vector<16xf32>
        %swap3A_492 = arith.index_cast %mul3A_487 : i32 to index
        %swap3A_493 = tpu.vector_load %arg16[%swap3A_492] {strides = array<i32>} : memref<2048xf32, #tpu.memory_space<vmem>>, vector<16xf32>,
        tpu.vector_store %arg16[%swap3A_492], %exp3A_491 {strides = array<i32>} : memref<2048xf32, #tpu.memory_space<vmem>>, vector<16xf32>,
        %add3A_494 = arith.addf %exp3A, %exp3A_491 : vector<16xf32>
        %mul3A_495 = arith.constant 16 : i32
        %mul3A_496 = arith.muli %scan3A_188, %mul3A_495 : i32
        %add3A_497 = arith.constant 2 : i32
        %add3A_498 = arith.addi %mul3A_496, %add3A_497 : i32
        %mul3A_499 = arith.constant 16 : i32
        %mul3A_500 = arith.muli %add3A_498, %mul3A_499 : i32
        %get3A_501 = arith.index_cast %mul3A_500 : i32 to index
        %get3A_502 = tpu.vector_load %arg16[%get3A_501] {strides = array<i32>} : memref<2048xf32, #tpu.memory_space<vmem>>, vector<16xf32>,
        %sub3A_503 = arith.subf %get3A_502, %max3A_471 : vector<16xf32>
        %exp3A_504 = math.exp %sub3A_503 : vector<16xf32>
        %swap3A_505 = arith.index_cast %mul3A_500 : i32 to index
        %swap3A_506 = tpu.vector_load %arg16[%swap3A_505] {strides = array<i32>} : memref<2048xf32, #tpu.memory_space<vmem>>, vector<16xf32>,
        tpu.vector_store %arg16[%swap3A_505], %exp3A_504 {strides = array<i32>} : memref<2048xf32, #tpu.memory_space<vmem>>, vector<16xf32>,
        %add3A_507 = arith.addf %add3A_494, %exp3A_504 : vector<16xf32>
        %mul3A_508 = arith.constant 16 : i32
        %mul3A_509 = arith.muli %scan3A_188, %mul3A_508 : i32
        %add3A_510 = arith.constant 3 : i32
        %add3A_511 = arith.addi %mul3A_509, %add3A_510 : i32
        %mul3A_512 = arith.constant 16 : i32
        %mul3A_513 = arith.muli %add3A_511, %mul3A_512 : i32
        %get3A_514 = arith.index_cast %mul3A_513 : i32 to index
        %get3A_515 = tpu.vector_load %arg16[%get3A_514] {strides = array<i32>} : memref<2048xf32, #tpu.memory_space<vmem>>, vector<16xf32>,
        %sub3A_516 = arith.subf %get3A_515, %max3A_471 : vector<16xf32>
        %exp3A_517 = math.exp %sub3A_516 : vector<16xf32>
        %swap3A_518 = arith.index_cast %mul3A_513 : i32 to index
        %swap3A_519 = tpu.vector_load %arg16[%swap3A_518] {strides = array<i32>} : memref<2048xf32, #tpu.memory_space<vmem>>, vector<16xf32>,
        tpu.vector_store %arg16[%swap3A_518], %exp3A_517 {strides = array<i32>} : memref<2048xf32, #tpu.memory_space<vmem>>, vector<16xf32>,
        %add3A_520 = arith.addf %add3A_507, %exp3A_517 : vector<16xf32>
        %mul3A_521 = arith.constant 16 : i32
        %mul3A_522 = arith.muli %scan3A_188, %mul3A_521 : i32
        %add3A_523 = arith.constant 4 : i32
        %add3A_524 = arith.addi %mul3A_522, %add3A_523 : i32
        %mul3A_525 = arith.constant 16 : i32
        %mul3A_526 = arith.muli %add3A_524, %mul3A_525 : i32
        %get3A_527 = arith.index_cast %mul3A_526 : i32 to index
        %get3A_528 = tpu.vector_load %arg16[%get3A_527] {strides = array<i32>} : memref<2048xf32, #tpu.memory_space<vmem>>, vector<16xf32>,
        %sub3A_529 = arith.subf %get3A_528, %max3A_471 : vector<16xf32>
        %exp3A_530 = math.exp %sub3A_529 : vector<16xf32>
        %swap3A_531 = arith.index_cast %mul3A_526 : i32 to index
        %swap3A_532 = tpu.vector_load %arg16[%swap3A_531] {strides = array<i32>} : memref<2048xf32, #tpu.memory_space<vmem>>, vector<16xf32>,
        tpu.vector_store %arg16[%swap3A_531], %exp3A_530 {strides = array<i32>} : memref<2048xf32, #tpu.memory_space<vmem>>, vector<16xf32>,
        %add3A_533 = arith.addf %add3A_520, %exp3A_530 : vector<16xf32>
        %mul3A_534 = arith.constant 16 : i32
        %mul3A_535 = arith.muli %scan3A_188, %mul3A_534 : i32
        %add3A_536 = arith.constant 5 : i32
        %add3A_537 = arith.addi %mul3A_535, %add3A_536 : i32
        %mul3A_538 = arith.constant 16 : i32
        %mul3A_539 = arith.muli %add3A_537, %mul3A_538 : i32
        %get3A_540 = arith.index_cast %mul3A_539 : i32 to index
        %get3A_541 = tpu.vector_load %arg16[%get3A_540] {strides = array<i32>} : memref<2048xf32, #tpu.memory_space<vmem>>, vector<16xf32>,
        %sub3A_542 = arith.subf %get3A_541, %max3A_471 : vector<16xf32>
        %exp3A_543 = math.exp %sub3A_542 : vector<16xf32>
        %swap3A_544 = arith.index_cast %mul3A_539 : i32 to index
        %swap3A_545 = tpu.vector_load %arg16[%swap3A_544] {strides = array<i32>} : memref<2048xf32, #tpu.memory_space<vmem>>, vector<16xf32>,
        tpu.vector_store %arg16[%swap3A_544], %exp3A_543 {strides = array<i32>} : memref<2048xf32, #tpu.memory_space<vmem>>, vector<16xf32>,
        %add3A_546 = arith.addf %add3A_533, %exp3A_543 : vector<16xf32>
        %mul3A_547 = arith.constant 16 : i32
        %mul3A_548 = arith.muli %scan3A_188, %mul3A_547 : i32
        %add3A_549 = arith.constant 6 : i32
        %add3A_550 = arith.addi %mul3A_548, %add3A_549 : i32
        %mul3A_551 = arith.constant 16 : i32
        %mul3A_552 = arith.muli %add3A_550, %mul3A_551 : i32
        %get3A_553 = arith.index_cast %mul3A_552 : i32 to index
        %get3A_554 = tpu.vector_load %arg16[%get3A_553] {strides = array<i32>} : memref<2048xf32, #tpu.memory_space<vmem>>, vector<16xf32>,
        %sub3A_555 = arith.subf %get3A_554, %max3A_471 : vector<16xf32>
        %exp3A_556 = math.exp %sub3A_555 : vector<16xf32>
        %swap3A_557 = arith.index_cast %mul3A_552 : i32 to index
        %swap3A_558 = tpu.vector_load %arg16[%swap3A_557] {strides = array<i32>} : memref<2048xf32, #tpu.memory_space<vmem>>, vector<16xf32>,
        tpu.vector_store %arg16[%swap3A_557], %exp3A_556 {strides = array<i32>} : memref<2048xf32, #tpu.memory_space<vmem>>, vector<16xf32>,
        %add3A_559 = arith.addf %add3A_546, %exp3A_556 : vector<16xf32>
        %mul3A_560 = arith.constant 16 : i32
        %mul3A_561 = arith.muli %scan3A_188, %mul3A_560 : i32
        %add3A_562 = arith.constant 7 : i32
        %add3A_563 = arith.addi %mul3A_561, %add3A_562 : i32
        %mul3A_564 = arith.constant 16 : i32
        %mul3A_565 = arith.muli %add3A_563, %mul3A_564 : i32
        %get3A_566 = arith.index_cast %mul3A_565 : i32 to index
        %get3A_567 = tpu.vector_load %arg16[%get3A_566] {strides = array<i32>} : memref<2048xf32, #tpu.memory_space<vmem>>, vector<16xf32>,
        %sub3A_568 = arith.subf %get3A_567, %max3A_471 : vector<16xf32>
        %exp3A_569 = math.exp %sub3A_568 : vector<16xf32>
        %swap3A_570 = arith.index_cast %mul3A_565 : i32 to index
        %swap3A_571 = tpu.vector_load %arg16[%swap3A_570] {strides = array<i32>} : memref<2048xf32, #tpu.memory_space<vmem>>, vector<16xf32>,
        tpu.vector_store %arg16[%swap3A_570], %exp3A_569 {strides = array<i32>} : memref<2048xf32, #tpu.memory_space<vmem>>, vector<16xf32>,
        %add3A_572 = arith.addf %add3A_559, %exp3A_569 : vector<16xf32>
        %mul3A_573 = arith.constant 16 : i32
        %mul3A_574 = arith.muli %scan3A_188, %mul3A_573 : i32
        %add3A_575 = arith.constant 8 : i32
        %add3A_576 = arith.addi %mul3A_574, %add3A_575 : i32
        %mul3A_577 = arith.constant 16 : i32
        %mul3A_578 = arith.muli %add3A_576, %mul3A_577 : i32
        %get3A_579 = arith.index_cast %mul3A_578 : i32 to index
        %get3A_580 = tpu.vector_load %arg16[%get3A_579] {strides = array<i32>} : memref<2048xf32, #tpu.memory_space<vmem>>, vector<16xf32>,
        %sub3A_581 = arith.subf %get3A_580, %max3A_471 : vector<16xf32>
        %exp3A_582 = math.exp %sub3A_581 : vector<16xf32>
        %swap3A_583 = arith.index_cast %mul3A_578 : i32 to index
        %swap3A_584 = tpu.vector_load %arg16[%swap3A_583] {strides = array<i32>} : memref<2048xf32, #tpu.memory_space<vmem>>, vector<16xf32>,
        tpu.vector_store %arg16[%swap3A_583], %exp3A_582 {strides = array<i32>} : memref<2048xf32, #tpu.memory_space<vmem>>, vector<16xf32>,
        %add3A_585 = arith.addf %add3A_572, %exp3A_582 : vector<16xf32>
        %mul3A_586 = arith.constant 16 : i32
        %mul3A_587 = arith.muli %scan3A_188, %mul3A_586 : i32
        %add3A_588 = arith.constant 9 : i32
        %add3A_589 = arith.addi %mul3A_587, %add3A_588 : i32
        %mul3A_590 = arith.constant 16 : i32
        %mul3A_591 = arith.muli %add3A_589, %mul3A_590 : i32
        %get3A_592 = arith.index_cast %mul3A_591 : i32 to index
        %get3A_593 = tpu.vector_load %arg16[%get3A_592] {strides = array<i32>} : memref<2048xf32, #tpu.memory_space<vmem>>, vector<16xf32>,
        %sub3A_594 = arith.subf %get3A_593, %max3A_471 : vector<16xf32>
        %exp3A_595 = math.exp %sub3A_594 : vector<16xf32>
        %swap3A_596 = arith.index_cast %mul3A_591 : i32 to index
        %swap3A_597 = tpu.vector_load %arg16[%swap3A_596] {strides = array<i32>} : memref<2048xf32, #tpu.memory_space<vmem>>, vector<16xf32>,
        tpu.vector_store %arg16[%swap3A_596], %exp3A_595 {strides = array<i32>} : memref<2048xf32, #tpu.memory_space<vmem>>, vector<16xf32>,
        %add3A_598 = arith.addf %add3A_585, %exp3A_595 : vector<16xf32>
        %mul3A_599 = arith.constant 16 : i32
        %mul3A_600 = arith.muli %scan3A_188, %mul3A_599 : i32
        %add3A_601 = arith.constant 10 : i32
        %add3A_602 = arith.addi %mul3A_600, %add3A_601 : i32
        %mul3A_603 = arith.constant 16 : i32
        %mul3A_604 = arith.muli %add3A_602, %mul3A_603 : i32
        %get3A_605 = arith.index_cast %mul3A_604 : i32 to index
        %get3A_606 = tpu.vector_load %arg16[%get3A_605] {strides = array<i32>} : memref<2048xf32, #tpu.memory_space<vmem>>, vector<16xf32>,
        %sub3A_607 = arith.subf %get3A_606, %max3A_471 : vector<16xf32>
        %exp3A_608 = math.exp %sub3A_607 : vector<16xf32>
        %swap3A_609 = arith.index_cast %mul3A_604 : i32 to index
        %swap3A_610 = tpu.vector_load %arg16[%swap3A_609] {strides = array<i32>} : memref<2048xf32, #tpu.memory_space<vmem>>, vector<16xf32>,
        tpu.vector_store %arg16[%swap3A_609], %exp3A_608 {strides = array<i32>} : memref<2048xf32, #tpu.memory_space<vmem>>, vector<16xf32>,
        %add3A_611 = arith.addf %add3A_598, %exp3A_608 : vector<16xf32>
        %mul3A_612 = arith.constant 16 : i32
        %mul3A_613 = arith.muli %scan3A_188, %mul3A_612 : i32
        %add3A_614 = arith.constant 11 : i32
        %add3A_615 = arith.addi %mul3A_613, %add3A_614 : i32
        %mul3A_616 = arith.constant 16 : i32
        %mul3A_617 = arith.muli %add3A_615, %mul3A_616 : i32
        %get3A_618 = arith.index_cast %mul3A_617 : i32 to index
        %get3A_619 = tpu.vector_load %arg16[%get3A_618] {strides = array<i32>} : memref<2048xf32, #tpu.memory_space<vmem>>, vector<16xf32>,
        %sub3A_620 = arith.subf %get3A_619, %max3A_471 : vector<16xf32>
        %exp3A_621 = math.exp %sub3A_620 : vector<16xf32>
        %swap3A_622 = arith.index_cast %mul3A_617 : i32 to index
        %swap3A_623 = tpu.vector_load %arg16[%swap3A_622] {strides = array<i32>} : memref<2048xf32, #tpu.memory_space<vmem>>, vector<16xf32>,
        tpu.vector_store %arg16[%swap3A_622], %exp3A_621 {strides = array<i32>} : memref<2048xf32, #tpu.memory_space<vmem>>, vector<16xf32>,
        %add3A_624 = arith.addf %add3A_611, %exp3A_621 : vector<16xf32>
        %mul3A_625 = arith.constant 16 : i32
        %mul3A_626 = arith.muli %scan3A_188, %mul3A_625 : i32
        %add3A_627 = arith.constant 12 : i32
        %add3A_628 = arith.addi %mul3A_626, %add3A_627 : i32
        %mul3A_629 = arith.constant 16 : i32
        %mul3A_630 = arith.muli %add3A_628, %mul3A_629 : i32
        %get3A_631 = arith.index_cast %mul3A_630 : i32 to index
        %get3A_632 = tpu.vector_load %arg16[%get3A_631] {strides = array<i32>} : memref<2048xf32, #tpu.memory_space<vmem>>, vector<16xf32>,
        %sub3A_633 = arith.subf %get3A_632, %max3A_471 : vector<16xf32>
        %exp3A_634 = math.exp %sub3A_633 : vector<16xf32>
        %swap3A_635 = arith.index_cast %mul3A_630 : i32 to index
        %swap3A_636 = tpu.vector_load %arg16[%swap3A_635] {strides = array<i32>} : memref<2048xf32, #tpu.memory_space<vmem>>, vector<16xf32>,
        tpu.vector_store %arg16[%swap3A_635], %exp3A_634 {strides = array<i32>} : memref<2048xf32, #tpu.memory_space<vmem>>, vector<16xf32>,
        %add3A_637 = arith.addf %add3A_624, %exp3A_634 : vector<16xf32>
        %mul3A_638 = arith.constant 16 : i32
        %mul3A_639 = arith.muli %scan3A_188, %mul3A_638 : i32
        %add3A_640 = arith.constant 13 : i32
        %add3A_641 = arith.addi %mul3A_639, %add3A_640 : i32
        %mul3A_642 = arith.constant 16 : i32
        %mul3A_643 = arith.muli %add3A_641, %mul3A_642 : i32
        %get3A_644 = arith.index_cast %mul3A_643 : i32 to index
        %get3A_645 = tpu.vector_load %arg16[%get3A_644] {strides = array<i32>} : memref<2048xf32, #tpu.memory_space<vmem>>, vector<16xf32>,
        %sub3A_646 = arith.subf %get3A_645, %max3A_471 : vector<16xf32>
        %exp3A_647 = math.exp %sub3A_646 : vector<16xf32>
        %swap3A_648 = arith.index_cast %mul3A_643 : i32 to index
        %swap3A_649 = tpu.vector_load %arg16[%swap3A_648] {strides = array<i32>} : memref<2048xf32, #tpu.memory_space<vmem>>, vector<16xf32>,
        tpu.vector_store %arg16[%swap3A_648], %exp3A_647 {strides = array<i32>} : memref<2048xf32, #tpu.memory_space<vmem>>, vector<16xf32>,
        %add3A_650 = arith.addf %add3A_637, %exp3A_647 : vector<16xf32>
        %mul3A_651 = arith.constant 16 : i32
        %mul3A_652 = arith.muli %scan3A_188, %mul3A_651 : i32
        %add3A_653 = arith.constant 14 : i32
        %add3A_654 = arith.addi %mul3A_652, %add3A_653 : i32
        %mul3A_655 = arith.constant 16 : i32
        %mul3A_656 = arith.muli %add3A_654, %mul3A_655 : i32
        %get3A_657 = arith.index_cast %mul3A_656 : i32 to index
        %get3A_658 = tpu.vector_load %arg16[%get3A_657] {strides = array<i32>} : memref<2048xf32, #tpu.memory_space<vmem>>, vector<16xf32>,
        %sub3A_659 = arith.subf %get3A_658, %max3A_471 : vector<16xf32>
        %exp3A_660 = math.exp %sub3A_659 : vector<16xf32>
        %swap3A_661 = arith.index_cast %mul3A_656 : i32 to index
        %swap3A_662 = tpu.vector_load %arg16[%swap3A_661] {strides = array<i32>} : memref<2048xf32, #tpu.memory_space<vmem>>, vector<16xf32>,
        tpu.vector_store %arg16[%swap3A_661], %exp3A_660 {strides = array<i32>} : memref<2048xf32, #tpu.memory_space<vmem>>, vector<16xf32>,
        %add3A_663 = arith.addf %add3A_650, %exp3A_660 : vector<16xf32>
        %mul3A_664 = arith.constant 16 : i32
        %mul3A_665 = arith.muli %scan3A_188, %mul3A_664 : i32
        %add3A_666 = arith.constant 15 : i32
        %add3A_667 = arith.addi %mul3A_665, %add3A_666 : i32
        %mul3A_668 = arith.constant 16 : i32
        %mul3A_669 = arith.muli %add3A_667, %mul3A_668 : i32
        %get3A_670 = arith.index_cast %mul3A_669 : i32 to index
        %get3A_671 = tpu.vector_load %arg16[%get3A_670] {strides = array<i32>} : memref<2048xf32, #tpu.memory_space<vmem>>, vector<16xf32>,
        %sub3A_672 = arith.subf %get3A_671, %max3A_471 : vector<16xf32>
        %exp3A_673 = math.exp %sub3A_672 : vector<16xf32>
        %swap3A_674 = arith.index_cast %mul3A_669 : i32 to index
        %swap3A_675 = tpu.vector_load %arg16[%swap3A_674] {strides = array<i32>} : memref<2048xf32, #tpu.memory_space<vmem>>, vector<16xf32>,
        tpu.vector_store %arg16[%swap3A_674], %exp3A_673 {strides = array<i32>} : memref<2048xf32, #tpu.memory_space<vmem>>, vector<16xf32>,
        %add3A_676 = arith.addf %add3A_663, %exp3A_673 : vector<16xf32>
        %div3A = arith.constant 1.000000e+00 : f32
        %div3A_677 = vector.broadcast %div3A : f32 to vector<16xf32>
        %div3A_678 = arith.divf %div3A_677, %add3A_676 : vector<16xf32>
        %mul3A_679 = arith.constant 16 : i32
        %mul3A_680 = arith.muli %scan3A_188, %mul3A_679 : i32
        %add3A_681 = arith.constant 0 : i32
        %add3A_682 = arith.addi %mul3A_680, %add3A_681 : i32
        %mul3A_683 = arith.constant 16 : i32
        %mul3A_684 = arith.muli %add3A_682, %mul3A_683 : i32
        %get3A_685 = arith.index_cast %mul3A_684 : i32 to index
        %get3A_686 = tpu.vector_load %arg16[%get3A_685] {strides = array<i32>} : memref<2048xf32, #tpu.memory_space<vmem>>, vector<16xf32>,
        %mul3A_687 = arith.mulf %get3A_686, %div3A_678 : vector<16xf32>
        %swap3A_688 = arith.index_cast %mul3A_684 : i32 to index
        %swap3A_689 = tpu.vector_load %arg16[%swap3A_688] {strides = array<i32>} : memref<2048xf32, #tpu.memory_space<vmem>>, vector<16xf32>,
        tpu.vector_store %arg16[%swap3A_688], %mul3A_687 {strides = array<i32>} : memref<2048xf32, #tpu.memory_space<vmem>>, vector<16xf32>,
        %mul3A_690 = arith.constant 16 : i32
        %mul3A_691 = arith.muli %scan3A_188, %mul3A_690 : i32
        %add3A_692 = arith.constant 1 : i32
        %add3A_693 = arith.addi %mul3A_691, %add3A_692 : i32
        %mul3A_694 = arith.constant 16 : i32
        %mul3A_695 = arith.muli %add3A_693, %mul3A_694 : i32
        %get3A_696 = arith.index_cast %mul3A_695 : i32 to index
        %get3A_697 = tpu.vector_load %arg16[%get3A_696] {strides = array<i32>} : memref<2048xf32, #tpu.memory_space<vmem>>, vector<16xf32>,
        %mul3A_698 = arith.mulf %get3A_697, %div3A_678 : vector<16xf32>
        %swap3A_699 = arith.index_cast %mul3A_695 : i32 to index
        %swap3A_700 = tpu.vector_load %arg16[%swap3A_699] {strides = array<i32>} : memref<2048xf32, #tpu.memory_space<vmem>>, vector<16xf32>,
        tpu.vector_store %arg16[%swap3A_699], %mul3A_698 {strides = array<i32>} : memref<2048xf32, #tpu.memory_space<vmem>>, vector<16xf32>,
        %mul3A_701 = arith.constant 16 : i32
        %mul3A_702 = arith.muli %scan3A_188, %mul3A_701 : i32
        %add3A_703 = arith.constant 2 : i32
        %add3A_704 = arith.addi %mul3A_702, %add3A_703 : i32
        %mul3A_705 = arith.constant 16 : i32
        %mul3A_706 = arith.muli %add3A_704, %mul3A_705 : i32
        %get3A_707 = arith.index_cast %mul3A_706 : i32 to index
        %get3A_708 = tpu.vector_load %arg16[%get3A_707] {strides = array<i32>} : memref<2048xf32, #tpu.memory_space<vmem>>, vector<16xf32>,
        %mul3A_709 = arith.mulf %get3A_708, %div3A_678 : vector<16xf32>
        %swap3A_710 = arith.index_cast %mul3A_706 : i32 to index
        %swap3A_711 = tpu.vector_load %arg16[%swap3A_710] {strides = array<i32>} : memref<2048xf32, #tpu.memory_space<vmem>>, vector<16xf32>,
        tpu.vector_store %arg16[%swap3A_710], %mul3A_709 {strides = array<i32>} : memref<2048xf32, #tpu.memory_space<vmem>>, vector<16xf32>,
        %mul3A_712 = arith.constant 16 : i32
        %mul3A_713 = arith.muli %scan3A_188, %mul3A_712 : i32
        %add3A_714 = arith.constant 3 : i32
        %add3A_715 = arith.addi %mul3A_713, %add3A_714 : i32
        %mul3A_716 = arith.constant 16 : i32
        %mul3A_717 = arith.muli %add3A_715, %mul3A_716 : i32
        %get3A_718 = arith.index_cast %mul3A_717 : i32 to index
        %get3A_719 = tpu.vector_load %arg16[%get3A_718] {strides = array<i32>} : memref<2048xf32, #tpu.memory_space<vmem>>, vector<16xf32>,
        %mul3A_720 = arith.mulf %get3A_719, %div3A_678 : vector<16xf32>
        %swap3A_721 = arith.index_cast %mul3A_717 : i32 to index
        %swap3A_722 = tpu.vector_load %arg16[%swap3A_721] {strides = array<i32>} : memref<2048xf32, #tpu.memory_space<vmem>>, vector<16xf32>,
        tpu.vector_store %arg16[%swap3A_721], %mul3A_720 {strides = array<i32>} : memref<2048xf32, #tpu.memory_space<vmem>>, vector<16xf32>,
        %mul3A_723 = arith.constant 16 : i32
        %mul3A_724 = arith.muli %scan3A_188, %mul3A_723 : i32
        %add3A_725 = arith.constant 4 : i32
        %add3A_726 = arith.addi %mul3A_724, %add3A_725 : i32
        %mul3A_727 = arith.constant 16 : i32
        %mul3A_728 = arith.muli %add3A_726, %mul3A_727 : i32
        %get3A_729 = arith.index_cast %mul3A_728 : i32 to index
        %get3A_730 = tpu.vector_load %arg16[%get3A_729] {strides = array<i32>} : memref<2048xf32, #tpu.memory_space<vmem>>, vector<16xf32>,
        %mul3A_731 = arith.mulf %get3A_730, %div3A_678 : vector<16xf32>
        %swap3A_732 = arith.index_cast %mul3A_728 : i32 to index
        %swap3A_733 = tpu.vector_load %arg16[%swap3A_732] {strides = array<i32>} : memref<2048xf32, #tpu.memory_space<vmem>>, vector<16xf32>,
        tpu.vector_store %arg16[%swap3A_732], %mul3A_731 {strides = array<i32>} : memref<2048xf32, #tpu.memory_space<vmem>>, vector<16xf32>,
        %mul3A_734 = arith.constant 16 : i32
        %mul3A_735 = arith.muli %scan3A_188, %mul3A_734 : i32
        %add3A_736 = arith.constant 5 : i32
        %add3A_737 = arith.addi %mul3A_735, %add3A_736 : i32
        %mul3A_738 = arith.constant 16 : i32
        %mul3A_739 = arith.muli %add3A_737, %mul3A_738 : i32
        %get3A_740 = arith.index_cast %mul3A_739 : i32 to index
        %get3A_741 = tpu.vector_load %arg16[%get3A_740] {strides = array<i32>} : memref<2048xf32, #tpu.memory_space<vmem>>, vector<16xf32>,
        %mul3A_742 = arith.mulf %get3A_741, %div3A_678 : vector<16xf32>
        %swap3A_743 = arith.index_cast %mul3A_739 : i32 to index
        %swap3A_744 = tpu.vector_load %arg16[%swap3A_743] {strides = array<i32>} : memref<2048xf32, #tpu.memory_space<vmem>>, vector<16xf32>,
        tpu.vector_store %arg16[%swap3A_743], %mul3A_742 {strides = array<i32>} : memref<2048xf32, #tpu.memory_space<vmem>>, vector<16xf32>,
        %mul3A_745 = arith.constant 16 : i32
        %mul3A_746 = arith.muli %scan3A_188, %mul3A_745 : i32
        %add3A_747 = arith.constant 6 : i32
        %add3A_748 = arith.addi %mul3A_746, %add3A_747 : i32
        %mul3A_749 = arith.constant 16 : i32
        %mul3A_750 = arith.muli %add3A_748, %mul3A_749 : i32
        %get3A_751 = arith.index_cast %mul3A_750 : i32 to index
        %get3A_752 = tpu.vector_load %arg16[%get3A_751] {strides = array<i32>} : memref<2048xf32, #tpu.memory_space<vmem>>, vector<16xf32>,
        %mul3A_753 = arith.mulf %get3A_752, %div3A_678 : vector<16xf32>
        %swap3A_754 = arith.index_cast %mul3A_750 : i32 to index
        %swap3A_755 = tpu.vector_load %arg16[%swap3A_754] {strides = array<i32>} : memref<2048xf32, #tpu.memory_space<vmem>>, vector<16xf32>,
        tpu.vector_store %arg16[%swap3A_754], %mul3A_753 {strides = array<i32>} : memref<2048xf32, #tpu.memory_space<vmem>>, vector<16xf32>,
        %mul3A_756 = arith.constant 16 : i32
        %mul3A_757 = arith.muli %scan3A_188, %mul3A_756 : i32
        %add3A_758 = arith.constant 7 : i32
        %add3A_759 = arith.addi %mul3A_757, %add3A_758 : i32
        %mul3A_760 = arith.constant 16 : i32
        %mul3A_761 = arith.muli %add3A_759, %mul3A_760 : i32
        %get3A_762 = arith.index_cast %mul3A_761 : i32 to index
        %get3A_763 = tpu.vector_load %arg16[%get3A_762] {strides = array<i32>} : memref<2048xf32, #tpu.memory_space<vmem>>, vector<16xf32>,
        %mul3A_764 = arith.mulf %get3A_763, %div3A_678 : vector<16xf32>
        %swap3A_765 = arith.index_cast %mul3A_761 : i32 to index
        %swap3A_766 = tpu.vector_load %arg16[%swap3A_765] {strides = array<i32>} : memref<2048xf32, #tpu.memory_space<vmem>>, vector<16xf32>,
        tpu.vector_store %arg16[%swap3A_765], %mul3A_764 {strides = array<i32>} : memref<2048xf32, #tpu.memory_space<vmem>>, vector<16xf32>,
        %mul3A_767 = arith.constant 16 : i32
        %mul3A_768 = arith.muli %scan3A_188, %mul3A_767 : i32
        %add3A_769 = arith.constant 8 : i32
        %add3A_770 = arith.addi %mul3A_768, %add3A_769 : i32
        %mul3A_771 = arith.constant 16 : i32
        %mul3A_772 = arith.muli %add3A_770, %mul3A_771 : i32
        %get3A_773 = arith.index_cast %mul3A_772 : i32 to index
        %get3A_774 = tpu.vector_load %arg16[%get3A_773] {strides = array<i32>} : memref<2048xf32, #tpu.memory_space<vmem>>, vector<16xf32>,
        %mul3A_775 = arith.mulf %get3A_774, %div3A_678 : vector<16xf32>
        %swap3A_776 = arith.index_cast %mul3A_772 : i32 to index
        %swap3A_777 = tpu.vector_load %arg16[%swap3A_776] {strides = array<i32>} : memref<2048xf32, #tpu.memory_space<vmem>>, vector<16xf32>,
        tpu.vector_store %arg16[%swap3A_776], %mul3A_775 {strides = array<i32>} : memref<2048xf32, #tpu.memory_space<vmem>>, vector<16xf32>,
        %mul3A_778 = arith.constant 16 : i32
        %mul3A_779 = arith.muli %scan3A_188, %mul3A_778 : i32
        %add3A_780 = arith.constant 9 : i32
        %add3A_781 = arith.addi %mul3A_779, %add3A_780 : i32
        %mul3A_782 = arith.constant 16 : i32
        %mul3A_783 = arith.muli %add3A_781, %mul3A_782 : i32
        %get3A_784 = arith.index_cast %mul3A_783 : i32 to index
        %get3A_785 = tpu.vector_load %arg16[%get3A_784] {strides = array<i32>} : memref<2048xf32, #tpu.memory_space<vmem>>, vector<16xf32>,
        %mul3A_786 = arith.mulf %get3A_785, %div3A_678 : vector<16xf32>
        %swap3A_787 = arith.index_cast %mul3A_783 : i32 to index
        %swap3A_788 = tpu.vector_load %arg16[%swap3A_787] {strides = array<i32>} : memref<2048xf32, #tpu.memory_space<vmem>>, vector<16xf32>,
        tpu.vector_store %arg16[%swap3A_787], %mul3A_786 {strides = array<i32>} : memref<2048xf32, #tpu.memory_space<vmem>>, vector<16xf32>,
        %mul3A_789 = arith.constant 16 : i32
        %mul3A_790 = arith.muli %scan3A_188, %mul3A_789 : i32
        %add3A_791 = arith.constant 10 : i32
        %add3A_792 = arith.addi %mul3A_790, %add3A_791 : i32
        %mul3A_793 = arith.constant 16 : i32
        %mul3A_794 = arith.muli %add3A_792, %mul3A_793 : i32
        %get3A_795 = arith.index_cast %mul3A_794 : i32 to index
        %get3A_796 = tpu.vector_load %arg16[%get3A_795] {strides = array<i32>} : memref<2048xf32, #tpu.memory_space<vmem>>, vector<16xf32>,
        %mul3A_797 = arith.mulf %get3A_796, %div3A_678 : vector<16xf32>
        %swap3A_798 = arith.index_cast %mul3A_794 : i32 to index
        %swap3A_799 = tpu.vector_load %arg16[%swap3A_798] {strides = array<i32>} : memref<2048xf32, #tpu.memory_space<vmem>>, vector<16xf32>,
        tpu.vector_store %arg16[%swap3A_798], %mul3A_797 {strides = array<i32>} : memref<2048xf32, #tpu.memory_space<vmem>>, vector<16xf32>,
        %mul3A_800 = arith.constant 16 : i32
        %mul3A_801 = arith.muli %scan3A_188, %mul3A_800 : i32
        %add3A_802 = arith.constant 11 : i32
        %add3A_803 = arith.addi %mul3A_801, %add3A_802 : i32
        %mul3A_804 = arith.constant 16 : i32
        %mul3A_805 = arith.muli %add3A_803, %mul3A_804 : i32
        %get3A_806 = arith.index_cast %mul3A_805 : i32 to index
        %get3A_807 = tpu.vector_load %arg16[%get3A_806] {strides = array<i32>} : memref<2048xf32, #tpu.memory_space<vmem>>, vector<16xf32>,
        %mul3A_808 = arith.mulf %get3A_807, %div3A_678 : vector<16xf32>
        %swap3A_809 = arith.index_cast %mul3A_805 : i32 to index
        %swap3A_810 = tpu.vector_load %arg16[%swap3A_809] {strides = array<i32>} : memref<2048xf32, #tpu.memory_space<vmem>>, vector<16xf32>,
        tpu.vector_store %arg16[%swap3A_809], %mul3A_808 {strides = array<i32>} : memref<2048xf32, #tpu.memory_space<vmem>>, vector<16xf32>,
        %mul3A_811 = arith.constant 16 : i32
        %mul3A_812 = arith.muli %scan3A_188, %mul3A_811 : i32
        %add3A_813 = arith.constant 12 : i32
        %add3A_814 = arith.addi %mul3A_812, %add3A_813 : i32
        %mul3A_815 = arith.constant 16 : i32
        %mul3A_816 = arith.muli %add3A_814, %mul3A_815 : i32
        %get3A_817 = arith.index_cast %mul3A_816 : i32 to index
        %get3A_818 = tpu.vector_load %arg16[%get3A_817] {strides = array<i32>} : memref<2048xf32, #tpu.memory_space<vmem>>, vector<16xf32>,
        %mul3A_819 = arith.mulf %get3A_818, %div3A_678 : vector<16xf32>
        %swap3A_820 = arith.index_cast %mul3A_816 : i32 to index
        %swap3A_821 = tpu.vector_load %arg16[%swap3A_820] {strides = array<i32>} : memref<2048xf32, #tpu.memory_space<vmem>>, vector<16xf32>,
        tpu.vector_store %arg16[%swap3A_820], %mul3A_819 {strides = array<i32>} : memref<2048xf32, #tpu.memory_space<vmem>>, vector<16xf32>,
        %mul3A_822 = arith.constant 16 : i32
        %mul3A_823 = arith.muli %scan3A_188, %mul3A_822 : i32
        %add3A_824 = arith.constant 13 : i32
        %add3A_825 = arith.addi %mul3A_823, %add3A_824 : i32
        %mul3A_826 = arith.constant 16 : i32
        %mul3A_827 = arith.muli %add3A_825, %mul3A_826 : i32
        %get3A_828 = arith.index_cast %mul3A_827 : i32 to index
        %get3A_829 = tpu.vector_load %arg16[%get3A_828] {strides = array<i32>} : memref<2048xf32, #tpu.memory_space<vmem>>, vector<16xf32>,
        %mul3A_830 = arith.mulf %get3A_829, %div3A_678 : vector<16xf32>
        %swap3A_831 = arith.index_cast %mul3A_827 : i32 to index
        %swap3A_832 = tpu.vector_load %arg16[%swap3A_831] {strides = array<i32>} : memref<2048xf32, #tpu.memory_space<vmem>>, vector<16xf32>,
        tpu.vector_store %arg16[%swap3A_831], %mul3A_830 {strides = array<i32>} : memref<2048xf32, #tpu.memory_space<vmem>>, vector<16xf32>,
        %mul3A_833 = arith.constant 16 : i32
        %mul3A_834 = arith.muli %scan3A_188, %mul3A_833 : i32
        %add3A_835 = arith.constant 14 : i32
        %add3A_836 = arith.addi %mul3A_834, %add3A_835 : i32
        %mul3A_837 = arith.constant 16 : i32
        %mul3A_838 = arith.muli %add3A_836, %mul3A_837 : i32
        %get3A_839 = arith.index_cast %mul3A_838 : i32 to index
        %get3A_840 = tpu.vector_load %arg16[%get3A_839] {strides = array<i32>} : memref<2048xf32, #tpu.memory_space<vmem>>, vector<16xf32>,
        %mul3A_841 = arith.mulf %get3A_840, %div3A_678 : vector<16xf32>
        %swap3A_842 = arith.index_cast %mul3A_838 : i32 to index
        %swap3A_843 = tpu.vector_load %arg16[%swap3A_842] {strides = array<i32>} : memref<2048xf32, #tpu.memory_space<vmem>>, vector<16xf32>,
        tpu.vector_store %arg16[%swap3A_842], %mul3A_841 {strides = array<i32>} : memref<2048xf32, #tpu.memory_space<vmem>>, vector<16xf32>,
        %mul3A_844 = arith.constant 16 : i32
        %mul3A_845 = arith.muli %scan3A_188, %mul3A_844 : i32
        %add3A_846 = arith.constant 15 : i32
        %add3A_847 = arith.addi %mul3A_845, %add3A_846 : i32
        %mul3A_848 = arith.constant 16 : i32
        %mul3A_849 = arith.muli %add3A_847, %mul3A_848 : i32
        %get3A_850 = arith.index_cast %mul3A_849 : i32 to index
        %get3A_851 = tpu.vector_load %arg16[%get3A_850] {strides = array<i32>} : memref<2048xf32, #tpu.memory_space<vmem>>, vector<16xf32>,
        %mul3A_852 = arith.mulf %get3A_851, %div3A_678 : vector<16xf32>
        %swap3A_853 = arith.index_cast %mul3A_849 : i32 to index
        %swap3A_854 = tpu.vector_load %arg16[%swap3A_853] {strides = array<i32>} : memref<2048xf32, #tpu.memory_space<vmem>>, vector<16xf32>,
        tpu.vector_store %arg16[%swap3A_853], %mul3A_852 {strides = array<i32>} : memref<2048xf32, #tpu.memory_space<vmem>>, vector<16xf32>,
      }
      %scan3A_172 = arith.constant 8 : i32
      %gt3A_173 = arith.constant 0 : i32
      %gt3A_174 = arith.cmpi sgt, %add3A_110, %gt3A_173 : i32
      %convert_element_type3A_175 = arith.extui %gt3A_174 : i1 to i32
      %cond3A_176 = arith.constant 0 : i32
      %cond3A_177 = arith.cmpi ne, %convert_element_type3A_175, %cond3A_176 : i32
      scf.if %cond3A_177 {
        %dma_wait3A_188 = arith.constant 0 : i32
        %dma_wait3A_189 = arith.constant 0 : i32
        %dma_wait3A_190 = tpu.memref_slice %arg6[%dma_wait3A_188, %dma_wait3A_189] : memref<10240x256xf32, #tpu.memory_space<hbm>> -> memref<8x256xf32, #tpu.memory_space<hbm>>
        %dma_wait3A_191 = arith.constant 0 : i32
        %dma_wait3A_192 = arith.constant 0 : i32
        %dma_wait3A_193 = tpu.memref_slice %arg6[%dma_wait3A_191, %dma_wait3A_192] : memref<10240x256xf32, #tpu.memory_space<hbm>> -> memref<8x256xf32, #tpu.memory_space<hbm>>
        tpu.wait_dma2 semaphore(%arg19 : memref<!tpu.dma_semaphore, #tpu.memory_space<semaphore_mem>>) src(%arg15 : memref<8x256xf32, #tpu.memory_space<vmem>>) dst(%dma_wait3A_193 : memref<8x256xf32, #tpu.memory_space<hbm>>)
      } else {
      }
      %scan3A_178 = arith.constant 0 : i32
      %scan3A_179 = arith.constant 0 : i32
      %scan3A_180 = arith.constant 8 : i32
      %scan3A_181 = arith.addi %scan3A_179, %scan3A_180 : i32
      %scan3A_182 = arith.constant 1 : i32
      scf.for %scan3A_188 = %scan3A_179 to %scan3A_181 step %scan3A_182  : i32 {
        %scan3A_189 = arith.constant 0 : i32
        %scan3A_190 = arith.constant 0 : i32
        %scan3A_191 = arith.constant 8 : i32
        %scan3A_192 = arith.addi %scan3A_190, %scan3A_191 : i32
        %scan3A_193 = arith.constant 1 : i32
        scf.for %scan3A_195 = %scan3A_190 to %scan3A_192 step %scan3A_193  : i32 {
          %mul3A_196 = arith.constant 16 : i32
          %mul3A_197 = arith.muli %scan3A_188, %mul3A_196 : i32
          %add3A_198 = vector.broadcast %scan3A_195 : i32 to vector<16xi32>
          %add3A_199 = arith.addi %add3A_198, %iota3A : vector<16xi32>
          %and3A_200 = arith.constant 15 : i32
          %and3A_201 = vector.broadcast %and3A_200 : i32 to vector<16xi32>
          %and3A_202 = arith.andi %add3A_199, %and3A_201 : vector<16xi32>
          %add3A_203 = vector.broadcast %mul3A_197 : i32 to vector<16xi32>
          %add3A_204 = arith.addi %add3A_203, %and3A_202 : vector<16xi32>
          %broadcast_in_dim3A = arith.constant 0.000000e+00 : f32
          %broadcast_in_dim3A_205 = vector.broadcast %broadcast_in_dim3A : f32 to vector<16xf32>
          %broadcast_in_dim3A_206 = arith.constant 0.000000e+00 : f32
          %broadcast_in_dim3A_207 = vector.broadcast %broadcast_in_dim3A_206 : f32 to vector<16xf32>
          %mul3A_208 = arith.constant 16 : i32
          %mul3A_209 = arith.muli %scan3A_188, %mul3A_208 : i32
          %add3A_210 = arith.constant 0 : i32
          %add3A_211 = arith.addi %mul3A_209, %add3A_210 : i32
          %mul3A_212 = arith.constant 16 : i32
          %mul3A_213 = arith.muli %add3A_211, %mul3A_212 : i32
          %get3A = arith.index_cast %mul3A_213 : i32 to index
          %get3A_214 = tpu.vector_load %arg16[%get3A] {strides = array<i32>} : memref<2048xf32, #tpu.memory_space<vmem>>, vector<16xf32>,
          %add3A_215 = arith.constant 0 : i32
          %add3A_216 = vector.broadcast %add3A_215 : i32 to vector<16xi32>
          %add3A_217 = arith.addi %and3A_2, %add3A_216 : vector<16xi32>
          %gather3A = tpu.vector_load_idx %arg12[%add3A_217, %add3A_204] : memref<128x128xi32, #tpu.memory_space<vmem>>[vector<16xi32>, vector<16xi32>], vector<16xi32>,
          %bitcast3A = vector.bitcast %gather3A : vector<16xi32> to vector<32xbf16>
          %unpack3A = tpu.unpack_subelements %bitcast3A, 0 {pack_format = #tpu.pack_format<interleaved>} : vector<32xbf16> -> vector<16xf32>
          %unpack3A_218 = tpu.unpack_subelements %bitcast3A, 1 {pack_format = #tpu.pack_format<interleaved>} : vector<32xbf16> -> vector<16xf32>
          %mul3A_219 = arith.mulf %get3A_214, %unpack3A : vector<16xf32>
          %add3A_220 = arith.addf %broadcast_in_dim3A_205, %mul3A_219 : vector<16xf32>
          %mul3A_221 = arith.mulf %get3A_214, %unpack3A_218 : vector<16xf32>
          %add3A_222 = arith.addf %broadcast_in_dim3A_207, %mul3A_221 : vector<16xf32>
          %mul3A_223 = arith.constant 16 : i32
          %mul3A_224 = arith.muli %scan3A_188, %mul3A_223 : i32
          %add3A_225 = arith.constant 1 : i32
          %add3A_226 = arith.addi %mul3A_224, %add3A_225 : i32
          %mul3A_227 = arith.constant 16 : i32
          %mul3A_228 = arith.muli %add3A_226, %mul3A_227 : i32
          %get3A_229 = arith.index_cast %mul3A_228 : i32 to index
          %get3A_230 = tpu.vector_load %arg16[%get3A_229] {strides = array<i32>} : memref<2048xf32, #tpu.memory_space<vmem>>, vector<16xf32>,
          %add3A_231 = arith.constant 8 : i32
          %add3A_232 = vector.broadcast %add3A_231 : i32 to vector<16xi32>
          %add3A_233 = arith.addi %and3A_2, %add3A_232 : vector<16xi32>
          %gather3A_234 = tpu.vector_load_idx %arg12[%add3A_233, %add3A_204] : memref<128x128xi32, #tpu.memory_space<vmem>>[vector<16xi32>, vector<16xi32>], vector<16xi32>,
          %bitcast3A_235 = vector.bitcast %gather3A_234 : vector<16xi32> to vector<32xbf16>
          %unpack3A_236 = tpu.unpack_subelements %bitcast3A_235, 0 {pack_format = #tpu.pack_format<interleaved>} : vector<32xbf16> -> vector<16xf32>
          %unpack3A_237 = tpu.unpack_subelements %bitcast3A_235, 1 {pack_format = #tpu.pack_format<interleaved>} : vector<32xbf16> -> vector<16xf32>
          %mul3A_238 = arith.mulf %get3A_230, %unpack3A_236 : vector<16xf32>
          %add3A_239 = arith.addf %add3A_220, %mul3A_238 : vector<16xf32>
          %mul3A_240 = arith.mulf %get3A_230, %unpack3A_237 : vector<16xf32>
          %add3A_241 = arith.addf %add3A_222, %mul3A_240 : vector<16xf32>
          %mul3A_242 = arith.constant 16 : i32
          %mul3A_243 = arith.muli %scan3A_188, %mul3A_242 : i32
          %add3A_244 = arith.constant 2 : i32
          %add3A_245 = arith.addi %mul3A_243, %add3A_244 : i32
          %mul3A_246 = arith.constant 16 : i32
          %mul3A_247 = arith.muli %add3A_245, %mul3A_246 : i32
          %get3A_248 = arith.index_cast %mul3A_247 : i32 to index
          %get3A_249 = tpu.vector_load %arg16[%get3A_248] {strides = array<i32>} : memref<2048xf32, #tpu.memory_space<vmem>>, vector<16xf32>,
          %add3A_250 = arith.constant 16 : i32
          %add3A_251 = vector.broadcast %add3A_250 : i32 to vector<16xi32>
          %add3A_252 = arith.addi %and3A_2, %add3A_251 : vector<16xi32>
          %gather3A_253 = tpu.vector_load_idx %arg12[%add3A_252, %add3A_204] : memref<128x128xi32, #tpu.memory_space<vmem>>[vector<16xi32>, vector<16xi32>], vector<16xi32>,
          %bitcast3A_254 = vector.bitcast %gather3A_253 : vector<16xi32> to vector<32xbf16>
          %unpack3A_255 = tpu.unpack_subelements %bitcast3A_254, 0 {pack_format = #tpu.pack_format<interleaved>} : vector<32xbf16> -> vector<16xf32>
          %unpack3A_256 = tpu.unpack_subelements %bitcast3A_254, 1 {pack_format = #tpu.pack_format<interleaved>} : vector<32xbf16> -> vector<16xf32>
          %mul3A_257 = arith.mulf %get3A_249, %unpack3A_255 : vector<16xf32>
          %add3A_258 = arith.addf %add3A_239, %mul3A_257 : vector<16xf32>
          %mul3A_259 = arith.mulf %get3A_249, %unpack3A_256 : vector<16xf32>
          %add3A_260 = arith.addf %add3A_241, %mul3A_259 : vector<16xf32>
          %mul3A_261 = arith.constant 16 : i32
          %mul3A_262 = arith.muli %scan3A_188, %mul3A_261 : i32
          %add3A_263 = arith.constant 3 : i32
          %add3A_264 = arith.addi %mul3A_262, %add3A_263 : i32
          %mul3A_265 = arith.constant 16 : i32
          %mul3A_266 = arith.muli %add3A_264, %mul3A_265 : i32
          %get3A_267 = arith.index_cast %mul3A_266 : i32 to index
          %get3A_268 = tpu.vector_load %arg16[%get3A_267] {strides = array<i32>} : memref<2048xf32, #tpu.memory_space<vmem>>, vector<16xf32>,
          %add3A_269 = arith.constant 24 : i32
          %add3A_270 = vector.broadcast %add3A_269 : i32 to vector<16xi32>
          %add3A_271 = arith.addi %and3A_2, %add3A_270 : vector<16xi32>
          %gather3A_272 = tpu.vector_load_idx %arg12[%add3A_271, %add3A_204] : memref<128x128xi32, #tpu.memory_space<vmem>>[vector<16xi32>, vector<16xi32>], vector<16xi32>,
          %bitcast3A_273 = vector.bitcast %gather3A_272 : vector<16xi32> to vector<32xbf16>
          %unpack3A_274 = tpu.unpack_subelements %bitcast3A_273, 0 {pack_format = #tpu.pack_format<interleaved>} : vector<32xbf16> -> vector<16xf32>
          %unpack3A_275 = tpu.unpack_subelements %bitcast3A_273, 1 {pack_format = #tpu.pack_format<interleaved>} : vector<32xbf16> -> vector<16xf32>
          %mul3A_276 = arith.mulf %get3A_268, %unpack3A_274 : vector<16xf32>
          %add3A_277 = arith.addf %add3A_258, %mul3A_276 : vector<16xf32>
          %mul3A_278 = arith.mulf %get3A_268, %unpack3A_275 : vector<16xf32>
          %add3A_279 = arith.addf %add3A_260, %mul3A_278 : vector<16xf32>
          %mul3A_280 = arith.constant 16 : i32
          %mul3A_281 = arith.muli %scan3A_188, %mul3A_280 : i32
          %add3A_282 = arith.constant 4 : i32
          %add3A_283 = arith.addi %mul3A_281, %add3A_282 : i32
          %mul3A_284 = arith.constant 16 : i32
          %mul3A_285 = arith.muli %add3A_283, %mul3A_284 : i32
          %get3A_286 = arith.index_cast %mul3A_285 : i32 to index
          %get3A_287 = tpu.vector_load %arg16[%get3A_286] {strides = array<i32>} : memref<2048xf32, #tpu.memory_space<vmem>>, vector<16xf32>,
          %add3A_288 = arith.constant 32 : i32
          %add3A_289 = vector.broadcast %add3A_288 : i32 to vector<16xi32>
          %add3A_290 = arith.addi %and3A_2, %add3A_289 : vector<16xi32>
          %gather3A_291 = tpu.vector_load_idx %arg12[%add3A_290, %add3A_204] : memref<128x128xi32, #tpu.memory_space<vmem>>[vector<16xi32>, vector<16xi32>], vector<16xi32>,
          %bitcast3A_292 = vector.bitcast %gather3A_291 : vector<16xi32> to vector<32xbf16>
          %unpack3A_293 = tpu.unpack_subelements %bitcast3A_292, 0 {pack_format = #tpu.pack_format<interleaved>} : vector<32xbf16> -> vector<16xf32>
          %unpack3A_294 = tpu.unpack_subelements %bitcast3A_292, 1 {pack_format = #tpu.pack_format<interleaved>} : vector<32xbf16> -> vector<16xf32>
          %mul3A_295 = arith.mulf %get3A_287, %unpack3A_293 : vector<16xf32>
          %add3A_296 = arith.addf %add3A_277, %mul3A_295 : vector<16xf32>
          %mul3A_297 = arith.mulf %get3A_287, %unpack3A_294 : vector<16xf32>
          %add3A_298 = arith.addf %add3A_279, %mul3A_297 : vector<16xf32>
          %mul3A_299 = arith.constant 16 : i32
          %mul3A_300 = arith.muli %scan3A_188, %mul3A_299 : i32
          %add3A_301 = arith.constant 5 : i32
          %add3A_302 = arith.addi %mul3A_300, %add3A_301 : i32
          %mul3A_303 = arith.constant 16 : i32
          %mul3A_304 = arith.muli %add3A_302, %mul3A_303 : i32
          %get3A_305 = arith.index_cast %mul3A_304 : i32 to index
          %get3A_306 = tpu.vector_load %arg16[%get3A_305] {strides = array<i32>} : memref<2048xf32, #tpu.memory_space<vmem>>, vector<16xf32>,
          %add3A_307 = arith.constant 40 : i32
          %add3A_308 = vector.broadcast %add3A_307 : i32 to vector<16xi32>
          %add3A_309 = arith.addi %and3A_2, %add3A_308 : vector<16xi32>
          %gather3A_310 = tpu.vector_load_idx %arg12[%add3A_309, %add3A_204] : memref<128x128xi32, #tpu.memory_space<vmem>>[vector<16xi32>, vector<16xi32>], vector<16xi32>,
          %bitcast3A_311 = vector.bitcast %gather3A_310 : vector<16xi32> to vector<32xbf16>
          %unpack3A_312 = tpu.unpack_subelements %bitcast3A_311, 0 {pack_format = #tpu.pack_format<interleaved>} : vector<32xbf16> -> vector<16xf32>
          %unpack3A_313 = tpu.unpack_subelements %bitcast3A_311, 1 {pack_format = #tpu.pack_format<interleaved>} : vector<32xbf16> -> vector<16xf32>
          %mul3A_314 = arith.mulf %get3A_306, %unpack3A_312 : vector<16xf32>
          %add3A_315 = arith.addf %add3A_296, %mul3A_314 : vector<16xf32>
          %mul3A_316 = arith.mulf %get3A_306, %unpack3A_313 : vector<16xf32>
          %add3A_317 = arith.addf %add3A_298, %mul3A_316 : vector<16xf32>
          %mul3A_318 = arith.constant 16 : i32
          %mul3A_319 = arith.muli %scan3A_188, %mul3A_318 : i32
          %add3A_320 = arith.constant 6 : i32
          %add3A_321 = arith.addi %mul3A_319, %add3A_320 : i32
          %mul3A_322 = arith.constant 16 : i32
          %mul3A_323 = arith.muli %add3A_321, %mul3A_322 : i32
          %get3A_324 = arith.index_cast %mul3A_323 : i32 to index
          %get3A_325 = tpu.vector_load %arg16[%get3A_324] {strides = array<i32>} : memref<2048xf32, #tpu.memory_space<vmem>>, vector<16xf32>,
          %add3A_326 = arith.constant 48 : i32
          %add3A_327 = vector.broadcast %add3A_326 : i32 to vector<16xi32>
          %add3A_328 = arith.addi %and3A_2, %add3A_327 : vector<16xi32>
          %gather3A_329 = tpu.vector_load_idx %arg12[%add3A_328, %add3A_204] : memref<128x128xi32, #tpu.memory_space<vmem>>[vector<16xi32>, vector<16xi32>], vector<16xi32>,
          %bitcast3A_330 = vector.bitcast %gather3A_329 : vector<16xi32> to vector<32xbf16>
          %unpack3A_331 = tpu.unpack_subelements %bitcast3A_330, 0 {pack_format = #tpu.pack_format<interleaved>} : vector<32xbf16> -> vector<16xf32>
          %unpack3A_332 = tpu.unpack_subelements %bitcast3A_330, 1 {pack_format = #tpu.pack_format<interleaved>} : vector<32xbf16> -> vector<16xf32>
          %mul3A_333 = arith.mulf %get3A_325, %unpack3A_331 : vector<16xf32>
          %add3A_334 = arith.addf %add3A_315, %mul3A_333 : vector<16xf32>
          %mul3A_335 = arith.mulf %get3A_325, %unpack3A_332 : vector<16xf32>
          %add3A_336 = arith.addf %add3A_317, %mul3A_335 : vector<16xf32>
          %mul3A_337 = arith.constant 16 : i32
          %mul3A_338 = arith.muli %scan3A_188, %mul3A_337 : i32
          %add3A_339 = arith.constant 7 : i32
          %add3A_340 = arith.addi %mul3A_338, %add3A_339 : i32
          %mul3A_341 = arith.constant 16 : i32
          %mul3A_342 = arith.muli %add3A_340, %mul3A_341 : i32
          %get3A_343 = arith.index_cast %mul3A_342 : i32 to index
          %get3A_344 = tpu.vector_load %arg16[%get3A_343] {strides = array<i32>} : memref<2048xf32, #tpu.memory_space<vmem>>, vector<16xf32>,
          %add3A_345 = arith.constant 56 : i32
          %add3A_346 = vector.broadcast %add3A_345 : i32 to vector<16xi32>
          %add3A_347 = arith.addi %and3A_2, %add3A_346 : vector<16xi32>
          %gather3A_348 = tpu.vector_load_idx %arg12[%add3A_347, %add3A_204] : memref<128x128xi32, #tpu.memory_space<vmem>>[vector<16xi32>, vector<16xi32>], vector<16xi32>,
          %bitcast3A_349 = vector.bitcast %gather3A_348 : vector<16xi32> to vector<32xbf16>
          %unpack3A_350 = tpu.unpack_subelements %bitcast3A_349, 0 {pack_format = #tpu.pack_format<interleaved>} : vector<32xbf16> -> vector<16xf32>
          %unpack3A_351 = tpu.unpack_subelements %bitcast3A_349, 1 {pack_format = #tpu.pack_format<interleaved>} : vector<32xbf16> -> vector<16xf32>
          %mul3A_352 = arith.mulf %get3A_344, %unpack3A_350 : vector<16xf32>
          %add3A_353 = arith.addf %add3A_334, %mul3A_352 : vector<16xf32>
          %mul3A_354 = arith.mulf %get3A_344, %unpack3A_351 : vector<16xf32>
          %add3A_355 = arith.addf %add3A_336, %mul3A_354 : vector<16xf32>
          %mul3A_356 = arith.constant 16 : i32
          %mul3A_357 = arith.muli %scan3A_188, %mul3A_356 : i32
          %add3A_358 = arith.constant 8 : i32
          %add3A_359 = arith.addi %mul3A_357, %add3A_358 : i32
          %mul3A_360 = arith.constant 16 : i32
          %mul3A_361 = arith.muli %add3A_359, %mul3A_360 : i32
          %get3A_362 = arith.index_cast %mul3A_361 : i32 to index
          %get3A_363 = tpu.vector_load %arg16[%get3A_362] {strides = array<i32>} : memref<2048xf32, #tpu.memory_space<vmem>>, vector<16xf32>,
          %add3A_364 = arith.constant 64 : i32
          %add3A_365 = vector.broadcast %add3A_364 : i32 to vector<16xi32>
          %add3A_366 = arith.addi %and3A_2, %add3A_365 : vector<16xi32>
          %gather3A_367 = tpu.vector_load_idx %arg12[%add3A_366, %add3A_204] : memref<128x128xi32, #tpu.memory_space<vmem>>[vector<16xi32>, vector<16xi32>], vector<16xi32>,
          %bitcast3A_368 = vector.bitcast %gather3A_367 : vector<16xi32> to vector<32xbf16>
          %unpack3A_369 = tpu.unpack_subelements %bitcast3A_368, 0 {pack_format = #tpu.pack_format<interleaved>} : vector<32xbf16> -> vector<16xf32>
          %unpack3A_370 = tpu.unpack_subelements %bitcast3A_368, 1 {pack_format = #tpu.pack_format<interleaved>} : vector<32xbf16> -> vector<16xf32>
          %mul3A_371 = arith.mulf %get3A_363, %unpack3A_369 : vector<16xf32>
          %add3A_372 = arith.addf %add3A_353, %mul3A_371 : vector<16xf32>
          %mul3A_373 = arith.mulf %get3A_363, %unpack3A_370 : vector<16xf32>
          %add3A_374 = arith.addf %add3A_355, %mul3A_373 : vector<16xf32>
          %mul3A_375 = arith.constant 16 : i32
          %mul3A_376 = arith.muli %scan3A_188, %mul3A_375 : i32
          %add3A_377 = arith.constant 9 : i32
          %add3A_378 = arith.addi %mul3A_376, %add3A_377 : i32
          %mul3A_379 = arith.constant 16 : i32
          %mul3A_380 = arith.muli %add3A_378, %mul3A_379 : i32
          %get3A_381 = arith.index_cast %mul3A_380 : i32 to index
          %get3A_382 = tpu.vector_load %arg16[%get3A_381] {strides = array<i32>} : memref<2048xf32, #tpu.memory_space<vmem>>, vector<16xf32>,
          %add3A_383 = arith.constant 72 : i32
          %add3A_384 = vector.broadcast %add3A_383 : i32 to vector<16xi32>
          %add3A_385 = arith.addi %and3A_2, %add3A_384 : vector<16xi32>
          %gather3A_386 = tpu.vector_load_idx %arg12[%add3A_385, %add3A_204] : memref<128x128xi32, #tpu.memory_space<vmem>>[vector<16xi32>, vector<16xi32>], vector<16xi32>,
          %bitcast3A_387 = vector.bitcast %gather3A_386 : vector<16xi32> to vector<32xbf16>
          %unpack3A_388 = tpu.unpack_subelements %bitcast3A_387, 0 {pack_format = #tpu.pack_format<interleaved>} : vector<32xbf16> -> vector<16xf32>
          %unpack3A_389 = tpu.unpack_subelements %bitcast3A_387, 1 {pack_format = #tpu.pack_format<interleaved>} : vector<32xbf16> -> vector<16xf32>
          %mul3A_390 = arith.mulf %get3A_382, %unpack3A_388 : vector<16xf32>
          %add3A_391 = arith.addf %add3A_372, %mul3A_390 : vector<16xf32>
          %mul3A_392 = arith.mulf %get3A_382, %unpack3A_389 : vector<16xf32>
          %add3A_393 = arith.addf %add3A_374, %mul3A_392 : vector<16xf32>
          %mul3A_394 = arith.constant 16 : i32
          %mul3A_395 = arith.muli %scan3A_188, %mul3A_394 : i32
          %add3A_396 = arith.constant 10 : i32
          %add3A_397 = arith.addi %mul3A_395, %add3A_396 : i32
          %mul3A_398 = arith.constant 16 : i32
          %mul3A_399 = arith.muli %add3A_397, %mul3A_398 : i32
          %get3A_400 = arith.index_cast %mul3A_399 : i32 to index
          %get3A_401 = tpu.vector_load %arg16[%get3A_400] {strides = array<i32>} : memref<2048xf32, #tpu.memory_space<vmem>>, vector<16xf32>,
          %add3A_402 = arith.constant 80 : i32
          %add3A_403 = vector.broadcast %add3A_402 : i32 to vector<16xi32>
          %add3A_404 = arith.addi %and3A_2, %add3A_403 : vector<16xi32>
          %gather3A_405 = tpu.vector_load_idx %arg12[%add3A_404, %add3A_204] : memref<128x128xi32, #tpu.memory_space<vmem>>[vector<16xi32>, vector<16xi32>], vector<16xi32>,
          %bitcast3A_406 = vector.bitcast %gather3A_405 : vector<16xi32> to vector<32xbf16>
          %unpack3A_407 = tpu.unpack_subelements %bitcast3A_406, 0 {pack_format = #tpu.pack_format<interleaved>} : vector<32xbf16> -> vector<16xf32>
          %unpack3A_408 = tpu.unpack_subelements %bitcast3A_406, 1 {pack_format = #tpu.pack_format<interleaved>} : vector<32xbf16> -> vector<16xf32>
          %mul3A_409 = arith.mulf %get3A_401, %unpack3A_407 : vector<16xf32>
          %add3A_410 = arith.addf %add3A_391, %mul3A_409 : vector<16xf32>
          %mul3A_411 = arith.mulf %get3A_401, %unpack3A_408 : vector<16xf32>
          %add3A_412 = arith.addf %add3A_393, %mul3A_411 : vector<16xf32>
          %mul3A_413 = arith.constant 16 : i32
          %mul3A_414 = arith.muli %scan3A_188, %mul3A_413 : i32
          %add3A_415 = arith.constant 11 : i32
          %add3A_416 = arith.addi %mul3A_414, %add3A_415 : i32
          %mul3A_417 = arith.constant 16 : i32
          %mul3A_418 = arith.muli %add3A_416, %mul3A_417 : i32
          %get3A_419 = arith.index_cast %mul3A_418 : i32 to index
          %get3A_420 = tpu.vector_load %arg16[%get3A_419] {strides = array<i32>} : memref<2048xf32, #tpu.memory_space<vmem>>, vector<16xf32>,
          %add3A_421 = arith.constant 88 : i32
          %add3A_422 = vector.broadcast %add3A_421 : i32 to vector<16xi32>
          %add3A_423 = arith.addi %and3A_2, %add3A_422 : vector<16xi32>
          %gather3A_424 = tpu.vector_load_idx %arg12[%add3A_423, %add3A_204] : memref<128x128xi32, #tpu.memory_space<vmem>>[vector<16xi32>, vector<16xi32>], vector<16xi32>,
          %bitcast3A_425 = vector.bitcast %gather3A_424 : vector<16xi32> to vector<32xbf16>
          %unpack3A_426 = tpu.unpack_subelements %bitcast3A_425, 0 {pack_format = #tpu.pack_format<interleaved>} : vector<32xbf16> -> vector<16xf32>
          %unpack3A_427 = tpu.unpack_subelements %bitcast3A_425, 1 {pack_format = #tpu.pack_format<interleaved>} : vector<32xbf16> -> vector<16xf32>
          %mul3A_428 = arith.mulf %get3A_420, %unpack3A_426 : vector<16xf32>
          %add3A_429 = arith.addf %add3A_410, %mul3A_428 : vector<16xf32>
          %mul3A_430 = arith.mulf %get3A_420, %unpack3A_427 : vector<16xf32>
          %add3A_431 = arith.addf %add3A_412, %mul3A_430 : vector<16xf32>
          %mul3A_432 = arith.constant 16 : i32
          %mul3A_433 = arith.muli %scan3A_188, %mul3A_432 : i32
          %add3A_434 = arith.constant 12 : i32
          %add3A_435 = arith.addi %mul3A_433, %add3A_434 : i32
          %mul3A_436 = arith.constant 16 : i32
          %mul3A_437 = arith.muli %add3A_435, %mul3A_436 : i32
          %get3A_438 = arith.index_cast %mul3A_437 : i32 to index
          %get3A_439 = tpu.vector_load %arg16[%get3A_438] {strides = array<i32>} : memref<2048xf32, #tpu.memory_space<vmem>>, vector<16xf32>,
          %add3A_440 = arith.constant 96 : i32
          %add3A_441 = vector.broadcast %add3A_440 : i32 to vector<16xi32>
          %add3A_442 = arith.addi %and3A_2, %add3A_441 : vector<16xi32>
          %gather3A_443 = tpu.vector_load_idx %arg12[%add3A_442, %add3A_204] : memref<128x128xi32, #tpu.memory_space<vmem>>[vector<16xi32>, vector<16xi32>], vector<16xi32>,
          %bitcast3A_444 = vector.bitcast %gather3A_443 : vector<16xi32> to vector<32xbf16>
          %unpack3A_445 = tpu.unpack_subelements %bitcast3A_444, 0 {pack_format = #tpu.pack_format<interleaved>} : vector<32xbf16> -> vector<16xf32>
          %unpack3A_446 = tpu.unpack_subelements %bitcast3A_444, 1 {pack_format = #tpu.pack_format<interleaved>} : vector<32xbf16> -> vector<16xf32>
          %mul3A_447 = arith.mulf %get3A_439, %unpack3A_445 : vector<16xf32>
          %add3A_448 = arith.addf %add3A_429, %mul3A_447 : vector<16xf32>
          %mul3A_449 = arith.mulf %get3A_439, %unpack3A_446 : vector<16xf32>
          %add3A_450 = arith.addf %add3A_431, %mul3A_449 : vector<16xf32>
          %mul3A_451 = arith.constant 16 : i32
          %mul3A_452 = arith.muli %scan3A_188, %mul3A_451 : i32
          %add3A_453 = arith.constant 13 : i32
          %add3A_454 = arith.addi %mul3A_452, %add3A_453 : i32
          %mul3A_455 = arith.constant 16 : i32
          %mul3A_456 = arith.muli %add3A_454, %mul3A_455 : i32
          %get3A_457 = arith.index_cast %mul3A_456 : i32 to index
          %get3A_458 = tpu.vector_load %arg16[%get3A_457] {strides = array<i32>} : memref<2048xf32, #tpu.memory_space<vmem>>, vector<16xf32>,
          %add3A_459 = arith.constant 104 : i32
          %add3A_460 = vector.broadcast %add3A_459 : i32 to vector<16xi32>
          %add3A_461 = arith.addi %and3A_2, %add3A_460 : vector<16xi32>
          %gather3A_462 = tpu.vector_load_idx %arg12[%add3A_461, %add3A_204] : memref<128x128xi32, #tpu.memory_space<vmem>>[vector<16xi32>, vector<16xi32>], vector<16xi32>,
          %bitcast3A_463 = vector.bitcast %gather3A_462 : vector<16xi32> to vector<32xbf16>
          %unpack3A_464 = tpu.unpack_subelements %bitcast3A_463, 0 {pack_format = #tpu.pack_format<interleaved>} : vector<32xbf16> -> vector<16xf32>
          %unpack3A_465 = tpu.unpack_subelements %bitcast3A_463, 1 {pack_format = #tpu.pack_format<interleaved>} : vector<32xbf16> -> vector<16xf32>
          %mul3A_466 = arith.mulf %get3A_458, %unpack3A_464 : vector<16xf32>
          %add3A_467 = arith.addf %add3A_448, %mul3A_466 : vector<16xf32>
          %mul3A_468 = arith.mulf %get3A_458, %unpack3A_465 : vector<16xf32>
          %add3A_469 = arith.addf %add3A_450, %mul3A_468 : vector<16xf32>
          %mul3A_470 = arith.constant 16 : i32
          %mul3A_471 = arith.muli %scan3A_188, %mul3A_470 : i32
          %add3A_472 = arith.constant 14 : i32
          %add3A_473 = arith.addi %mul3A_471, %add3A_472 : i32
          %mul3A_474 = arith.constant 16 : i32
          %mul3A_475 = arith.muli %add3A_473, %mul3A_474 : i32
          %get3A_476 = arith.index_cast %mul3A_475 : i32 to index
          %get3A_477 = tpu.vector_load %arg16[%get3A_476] {strides = array<i32>} : memref<2048xf32, #tpu.memory_space<vmem>>, vector<16xf32>,
          %add3A_478 = arith.constant 112 : i32
          %add3A_479 = vector.broadcast %add3A_478 : i32 to vector<16xi32>
          %add3A_480 = arith.addi %and3A_2, %add3A_479 : vector<16xi32>
          %gather3A_481 = tpu.vector_load_idx %arg12[%add3A_480, %add3A_204] : memref<128x128xi32, #tpu.memory_space<vmem>>[vector<16xi32>, vector<16xi32>], vector<16xi32>,
          %bitcast3A_482 = vector.bitcast %gather3A_481 : vector<16xi32> to vector<32xbf16>
          %unpack3A_483 = tpu.unpack_subelements %bitcast3A_482, 0 {pack_format = #tpu.pack_format<interleaved>} : vector<32xbf16> -> vector<16xf32>
          %unpack3A_484 = tpu.unpack_subelements %bitcast3A_482, 1 {pack_format = #tpu.pack_format<interleaved>} : vector<32xbf16> -> vector<16xf32>
          %mul3A_485 = arith.mulf %get3A_477, %unpack3A_483 : vector<16xf32>
          %add3A_486 = arith.addf %add3A_467, %mul3A_485 : vector<16xf32>
          %mul3A_487 = arith.mulf %get3A_477, %unpack3A_484 : vector<16xf32>
          %add3A_488 = arith.addf %add3A_469, %mul3A_487 : vector<16xf32>
          %mul3A_489 = arith.constant 16 : i32
          %mul3A_490 = arith.muli %scan3A_188, %mul3A_489 : i32
          %add3A_491 = arith.constant 15 : i32
          %add3A_492 = arith.addi %mul3A_490, %add3A_491 : i32
          %mul3A_493 = arith.constant 16 : i32
          %mul3A_494 = arith.muli %add3A_492, %mul3A_493 : i32
          %get3A_495 = arith.index_cast %mul3A_494 : i32 to index
          %get3A_496 = tpu.vector_load %arg16[%get3A_495] {strides = array<i32>} : memref<2048xf32, #tpu.memory_space<vmem>>, vector<16xf32>,
          %add3A_497 = arith.constant 120 : i32
          %add3A_498 = vector.broadcast %add3A_497 : i32 to vector<16xi32>
          %add3A_499 = arith.addi %and3A_2, %add3A_498 : vector<16xi32>
          %gather3A_500 = tpu.vector_load_idx %arg12[%add3A_499, %add3A_204] : memref<128x128xi32, #tpu.memory_space<vmem>>[vector<16xi32>, vector<16xi32>], vector<16xi32>,
          %bitcast3A_501 = vector.bitcast %gather3A_500 : vector<16xi32> to vector<32xbf16>
          %unpack3A_502 = tpu.unpack_subelements %bitcast3A_501, 0 {pack_format = #tpu.pack_format<interleaved>} : vector<32xbf16> -> vector<16xf32>
          %unpack3A_503 = tpu.unpack_subelements %bitcast3A_501, 1 {pack_format = #tpu.pack_format<interleaved>} : vector<32xbf16> -> vector<16xf32>
          %mul3A_504 = arith.mulf %get3A_496, %unpack3A_502 : vector<16xf32>
          %add3A_505 = arith.addf %add3A_486, %mul3A_504 : vector<16xf32>
          %mul3A_506 = arith.mulf %get3A_496, %unpack3A_503 : vector<16xf32>
          %add3A_507 = arith.addf %add3A_488, %mul3A_506 : vector<16xf32>
          %mul3A_508 = arith.constant 2 : i32
          %mul3A_509 = vector.broadcast %mul3A_508 : i32 to vector<16xi32>
          %mul3A_510 = arith.muli %add3A_204, %mul3A_509 : vector<16xi32>
          tpu.vector_store_idx %arg15[%and3A_2, %mul3A_510], %add3A_505 : memref<8x256xf32, #tpu.memory_space<vmem>>[vector<16xi32>, vector<16xi32>], vector<16xf32>,
          %mul3A_511 = arith.constant 2 : i32
          %mul3A_512 = vector.broadcast %mul3A_511 : i32 to vector<16xi32>
          %mul3A_513 = arith.muli %add3A_204, %mul3A_512 : vector<16xi32>
          %add3A_514 = arith.constant 1 : i32
          %add3A_515 = vector.broadcast %add3A_514 : i32 to vector<16xi32>
          %add3A_516 = arith.addi %mul3A_513, %add3A_515 : vector<16xi32>
          tpu.vector_store_idx %arg15[%and3A_2, %add3A_516], %add3A_507 : memref<8x256xf32, #tpu.memory_space<vmem>>[vector<16xi32>, vector<16xi32>], vector<16xf32>,
        }
        %scan3A_194 = arith.constant 8 : i32
      }
      %scan3A_183 = arith.constant 8 : i32
      %dma_start3A_184 = arith.constant 0 : i32
      %dma_start3A_185 = tpu.memref_slice %arg6[%add3A_115, %dma_start3A_184] : memref<10240x256xf32, #tpu.memory_space<hbm>> -> memref<8x256xf32, #tpu.memory_space<hbm>>
      %dma_start3A_186 = arith.constant 0 : i32
      %dma_start3A_187 = tpu.memref_slice %arg6[%add3A_115, %dma_start3A_186] : memref<10240x256xf32, #tpu.memory_space<hbm>> -> memref<8x256xf32, #tpu.memory_space<hbm>>
      tpu.enqueue_dma source(%arg15 : memref<8x256xf32, #tpu.memory_space<vmem>>) target(%dma_start3A_187 : memref<8x256xf32, #tpu.memory_space<hbm>>) target_semaphore(%arg19 : memref<!tpu.dma_semaphore, #tpu.memory_space<semaphore_mem>>)
    }
    %scan3A_25 = arith.constant 20 : i32
    %dma_wait3A = arith.constant 0 : i32
    %dma_wait3A_26 = arith.constant 0 : i32
    %dma_wait3A_27 = tpu.memref_slice %arg6[%dma_wait3A, %dma_wait3A_26] : memref<10240x256xf32, #tpu.memory_space<hbm>> -> memref<8x256xf32, #tpu.memory_space<hbm>>
    %dma_wait3A_28 = arith.constant 0 : i32
    %dma_wait3A_29 = arith.constant 0 : i32
    %dma_wait3A_30 = tpu.memref_slice %arg6[%dma_wait3A_28, %dma_wait3A_29] : memref<10240x256xf32, #tpu.memory_space<hbm>> -> memref<8x256xf32, #tpu.memory_space<hbm>>
    tpu.wait_dma2 semaphore(%arg19 : memref<!tpu.dma_semaphore, #tpu.memory_space<semaphore_mem>>) src(%arg15 : memref<8x256xf32, #tpu.memory_space<vmem>>) dst(%dma_wait3A_30 : memref<8x256xf32, #tpu.memory_space<hbm>>)
    return
  }
}

</mosaic_0001>

<sc_bundles>
// kernel: kernel.3.cloned.1.call-start
scs
__scs_entry_jumppad:
0x0: {  	(pc) =	sbr.rel $0x88, $3  }
0x1: {  	(tag) =	ssettag $0x0;
	lr =	simm.s32 $0x1  }
0x2: {  	[smem:$0x3F9D] =	sst lr;
	_ =	strace $0xD0000000  }
0x3: {  	_ = 	snop  }
0x4: {  	_ = 	snop  }
0x5: {  	_ = 	snop  }
0x6: {  	_ = 	snop  }
0x7: {  	_ = 	snop  }
__scs_overlays_trampoline_lowered:
0x8: {  	[smem:$0x3FAC] =	sst s0  }
0x9: {  	[smem:$0x3FAD] =	sst s1  }
0xa: {  	[smem:$0x3FAE] =	sst s2  }
0xb: {  	[smem:$0x3FAF] =	sst s3  }
0xc: {  	[smem:$0x3FB0] =	sst s4  }
0xd: {  	[smem:$0x3FB1] =	sst s5  }
0xe: {  	[smem:$0x3FB2] =	sst s6  }
0xf: {  	[smem:$0x3FB3] =	sst s7  }
0x10: {  	[smem:$0x3FB4] =	sst s8  }
0x11: {  	[smem:$0x3FB5] =	sst s9;
	s0 =	simm.s32 @!p0 $0x0  }
0x12: {  	s1 =	sld [smem:$0x3F9B];
	s0 =	simm.s32 @p0 $0x1  }
0x13: {  	[smem:$0x3FB6] =	sst s0;
	s0 =	simm.s32 @!p1 $0x0  }
0x14: {  	s2 =	sld [smem:$0x3F9A];
	s0 =	simm.s32 @p1 $0x1  }
0x15: {  	[smem:$0x3FB7] =	sst s0;
	s0 =	simm.s32 @!p2 $0x0  }
0x16: {  	s3 =	sld [smem:$0x3FDB];
	s0 =	simm.s32 @p2 $0x1  }
0x17: {  	s4 =	simm.s32 $0x1BF5;
	[smem:$0x3FB9] =	sst s0  }
0x18: {  	s0 =	sld [smem:$0x3F9C];
	_ =	swait.ge [sflag:s4], $0x0  }
0x19: {  	s7 =	sld [smem:$0x3F9D]  }
0x1a: {  	s8 =	sadd.s32 $0xFFFFE003, lr  }
0x1b: {  	s9 =	sadd.s32 $0xFFFFFEF7, lr;
	s5 =	simm.s32 $0xFFFFFFFF;
	p2 =	slt.u32 s8, $0xFFFFF086  }
0x1c: {  	p1 =	slt.u32 s9, $0xF7A;
	s5 =	simm.s32 @!p2 $0x0  }
0x1d: {  	s5 =	simm.s32 @p1 $0x1;
	p0 =	seq.s32 s7, s2  }
0x1e: {  	s7 =	smul.u32 @!p0 $0xF7A, s2;
	p2 =	seq.s32 @!p0 s5, $0x0  }
0x1f: {  	s9 =	smul.u32 $0xF7A, s1;
	s8 =	simm.s32 @!p0 $0x1BF5;
	p2 =	por !p2, p0  }
0x20: {  	[sflag:s8] =	ssyncset.s32 @!p0 $0xFFFFF086;
	s6 =	sadd.s32 @!p0 s3, s7;
	s7 =	simm.s32 @!p0 $0x108  }
0x21: {  	s3 =	sadd.s32 s3, s9;
	s6 =	sadd.s32 @!p0 $0x88, s6;
	s7 =	simm.s32 @p2 $0x1082  }
0x22: {  	[simem:s7], [sflag:s8] =	dma.local @!p0 [hbm:s6], $0xF7A  }
0x23: {  	s9 =	sor.u32 $0xD0000000, s2;
	s6 =	simm.s32 $0x108;
	_ =	swait.ge @!p0 [sflag:s8], $0x0  }
0x24: {  	s3 =	sadd.s32 $0x88, s3;
	s6 =	simm.s32 @!p1 $0x1082;
	[sflag:s4] =	ssyncset.s32 $0xFFFFF086  }
0x25: {  	[simem:s6], [sflag:s4] =	dma.local [hbm:s3], $0xF7A  }
0x26: {  	[smem:$0x3F9D] =	sst s1;
	(tag) =	ssettag s2;
	_ =	strace s9  }
0x27: {  	s1 =	sld [smem:$0x3FAD]  }
0x28: {  	s2 =	sld [smem:$0x3FAE]  }
0x29: {  	s4 =	sld [smem:$0x3FB0]  }
0x2a: {  	p0 =	seq.s32 s5, $0x0;
	s5 =	sld [smem:$0x3FB1]  }
0x2b: {  	s6 =	sld [smem:$0x3FB2]  }
0x2c: {  	s7 =	sld [smem:$0x3FB3]  }
0x2d: {  	s3 =	simm.s32 $0x108;
	s8 =	sld [smem:$0x3FB4]  }
0x2e: {  	s3 =	simm.s32 @!p0 $0x1082;
	s9 =	sld [smem:$0x3FB5]  }
0x2f: {  	lr =	sadd.s32 s0, s3;
	s0 =	sld [smem:$0x3FAC]  }
0x30: {  	s3 =	sld [smem:$0x3FAF]  }
0x31: {  	[smem:$0x3FB8] =	sst s10  }
0x32: {  	s10 =	sld [smem:$0x3FB6];
	_ =	sdelay $0x3  }
0x33: {  	p0 =	seq.s32 s10, $0x1;
	s10 =	sld [smem:$0x3FB8];
	_ =	sdelay $0x3  }
0x34: {  	[smem:$0x3FB8] =	sst s10  }
0x35: {  	s10 =	sld [smem:$0x3FB7];
	_ =	sdelay $0x3  }
0x36: {  	p1 =	seq.s32 s10, $0x1;
	s10 =	sld [smem:$0x3FB8];
	_ =	sdelay $0x3  }
0x37: {  	[smem:$0x3FB8] =	sst s10  }
0x38: {  	s10 =	sld [smem:$0x3FB9]  }
0x39: {  	_ = 	snop;
	(pc) =	sbr.ind lr, $3  }
0x3a: {  	_ = 	snop  }
0x3b: {  	_ = 	snop  }
0x3c: {  	p2 =	seq.s32 s10, $0x1;
	s10 =	sld [smem:$0x3FB8]  }
0x3d: {  	_ =	shalt  }
0x3e: {  	_ =	shalt  }
0x3f: {  	_ =	shalt  }
0x40: {  	_ =	shalt  }
0x41: {  	_ =	shalt  }
0x42: {  	_ =	shalt  }
0x43: {  	_ =	shalt  }
0x44: {  	_ =	shalt  }
0x45: {  	_ =	shalt  }
0x46: {  	_ =	shalt  }
0x47: {  	_ =	shalt  }
0x48: {  	_ =	shalt  }
0x49: {  	_ =	shalt  }
0x4a: {  	_ =	shalt  }
0x4b: {  	_ =	shalt  }
0x4c: {  	_ =	shalt  }
0x4d: {  	_ =	shalt  }
0x4e: {  	_ =	shalt  }
0x4f: {  	_ =	shalt  }
0x50: {  	_ =	shalt  }
0x51: {  	_ =	shalt  }
0x52: {  	_ =	shalt  }
0x53: {  	_ =	shalt  }
0x54: {  	_ =	shalt  }
0x55: {  	_ =	shalt  }
0x56: {  	_ =	shalt  }
0x57: {  	_ =	shalt  }
0x58: {  	_ =	shalt  }
0x59: {  	_ =	shalt  }
0x5a: {  	_ =	shalt  }
0x5b: {  	_ =	shalt  }
0x5c: {  	_ =	shalt  }
0x5d: {  	_ =	shalt  }
0x5e: {  	_ =	shalt  }
0x5f: {  	_ =	shalt  }
0x60: {  	_ =	shalt  }
0x61: {  	_ =	shalt  }
0x62: {  	_ =	shalt  }
0x63: {  	_ =	shalt  }
0x64: {  	_ =	shalt  }
0x65: {  	_ =	shalt  }
0x66: {  	_ =	shalt  }
0x67: {  	_ =	shalt  }
0x68: {  	_ =	shalt  }
0x69: {  	_ =	shalt  }
0x6a: {  	_ =	shalt  }
0x6b: {  	_ =	shalt  }
0x6c: {  	_ =	shalt  }
0x6d: {  	_ =	shalt  }
0x6e: {  	_ =	shalt  }
0x6f: {  	_ =	shalt  }
0x70: {  	_ =	shalt  }
0x71: {  	_ =	shalt  }
0x72: {  	_ =	shalt  }
0x73: {  	_ =	shalt  }
0x74: {  	_ =	shalt  }
0x75: {  	_ =	shalt  }
0x76: {  	_ =	shalt  }
0x77: {  	_ =	shalt  }
0x78: {  	_ =	shalt  }
0x79: {  	_ =	shalt  }
0x7a: {  	_ =	shalt  }
0x7b: {  	_ =	shalt  }
0x7c: {  	_ =	shalt  }
0x7d: {  	_ =	shalt  }
0x7e: {  	_ =	shalt  }
0x7f: {  	_ =	shalt  }
0x80: {  	_ =	shalt  }
0x81: {  	_ =	shalt  }
0x82: {  	_ =	shalt  }
0x83: {  	_ =	shalt  }
0x84: {  	_ =	shalt  }
0x85: {  	_ =	shalt  }
0x86: {  	_ =	shalt  }
0x87: {  	_ =	shalt  }
.Lfunc_end0:
.L_simem_size_0:
called_computation_lowered:
.L_overlay_start_0:
0x88: {  	s2 =	sld [smem:$0x3FD9]  }
0x89: {  	s3 =	sld [smem:$0x3FFE];
	_ =	sdelay $0x1  }
0x8a: {  	s1 =	srdreg.scid  }
0x8b: {  	s0 =	sand.u32 $0x1, s1  }
0x8c: {  	s17 =	sshll.u32 s0, $0xA;
	s2 =	sadd.s32 s3, s2  }
0x8d: {  	s2 =	sadd.s32 s2, s17  }
0x8e: {  	[smem:$0x3FC4] =	sst s2  }
0x8f: {  	_ = 	snop  }
0x90: {  	s2 =	sld [smem:$0x3FD0];
	(tm) =	ssettm $0x1  }
0x91: {  	s18 =	sld [smem:$0x3FFB];
	_ =	sdelay $0x3  }
0x92: {  	_ =	strace s18  }
0x93: {  	s3 =	sld [smem:$0x3FFC];
	_ =	sdelay $0x3  }
0x94: {  	_ =	strace s3  }
0x95: {  	s3 =	sld [smem:$0x3FFD];
	_ =	sdelay $0x3  }
0x96: {  	_ =	strace s3  }
0x97: {  	_ =	strace $0x8FFFFFFF  }
0x98: {  	s19 =	sld [smem:$0x3FDB];
	_ =	sdelay $0x1  }
0x99: {  	s4 =	simm.s32 $_scs_section_size  }
0x9a: {  	s5 =	simm.s32 $_size__tile_overlayer_lowered;
	s6 =	simm.s32 $_tile_overlayer_lowered  }
0x9b: {  	s22 =	simm.s32 $0x1BFF;
	s21 =	sshll.u32 s6, $0x1;
	s3 =	sadd.s32 s4, s19  }
0x9c: {  	s7 =	simm.s32 $0x0;
	s20 =	sshll.u32 s5, $0x1;
	s5 =	sadd.s32 s21, s3  }
0x9d: {  	[timem:s7], [sflag:s22] =	dma.local [hbm:s5], s20  }
0x9e: {  	_ =	swait.ge [sflag:s22], s20  }
0x9f: {  	s4 =	ssub.s32 $0x0, s20;
	[sflag:s22] =	ssyncset.done $0x0  }
0xa0: {  	[sflag:s22] =	ssyncadd.s32 s4;
	_ =	sdelay $0x1  }
0xa1: {  	s23 =	simm.s32 $0x1B8B  }
0xa2: {  	_ =	swait.ge [sflag:s23], $0x1  }
0xa3: {  	[sflag:s23] =	ssyncset.done $0x0  }
0xa4: {  	s25 =	simm.s32 $0x1B8E;
	s24 =	sld [smem:$0x3FFE];
	[sflag:s23] =	ssyncadd.s32 $0xFFFFFFFF  }
0xa5: {  	s26 =	simm.s32 $execute0_lowered;
	[smem:$0x3FD2] =	sst s25  }
0xa6: {  	s5 =	sshll.u32 s26, $0x1;
	_ =	strace $0x80000046;
	[dreg:$0x1] =	wrdreg $0xFFFFFFFF  }
0xa7: {  	s28 =	simm.s32 $_size_execute0_lowered;
	s3 =	sadd.s32 s3, s5;
	[dreg:$0x0] =	wrdreg $0x0  }
0xa8: {  	s5 =	sshll.u32 s28, $0x1;
	[dreg:$0x2] =	wrdreg s3  }
0xa9: {  	[dreg:$0x3] =	wrdreg s5  }
0xaa: {  	[dreg:$0x4] =	wrdreg $0xC0  }
0xab: {  	_ =	task [dreg:s7], $0x5FFFF  }
0xac: {  	[dreg:$0x1] =	wrdreg $0xFFFFFFFF  }
0xad: {  	[dreg:$0x0] =	wrdreg $0x60  }
0xae: {  	[dreg:$0x2] =	wrdreg s2  }
0xaf: {  	[dreg:$0x3] =	wrdreg s24  }
0xb0: {  	[dreg:$0x4] =	wrdreg $0x0  }
0xb1: {  	[dreg:$0x5] =	wrdreg $0x9  }
0xb2: {  	_ =	task.clear_ibuf [dreg:s7], $0x6FFFF;
	_ =	strace $0x90000046  }
0xb3: {  	s29 =	simm.s32 $0x9;
	_ =	strace $0x80000048  }
0xb4: {  	_ =	swait.ge [sflag:s29], $0x1  }
0xb5: {  	[sflag:s29] =	ssyncadd.s32 $0xFFFFFFFF  }
0xb6: {  	_ =	strace $0x90000048  }
0xb7: {  	_ =	sfence  }
0xb8: {  	s30 =	sld [smem:$0x0];
	_ =	sdelay $0x2  }
0xb9: {  	s31 =	sshll.u32 s1, $0xD;
	s1 =	sshrl.u32 s1, $0x2  }
0xba: {  	s3 =	sand.u32 $0x4000, s31;
	s1 =	sadd.s32 s1, s30  }
0xbb: {  	s0 =	sor.u32 s3, s0;
	s1 =	sshll.u32 s1, $0x11  }
0xbc: {  	s0 =	sor.u32 s1, s0  }
0xbd: {  	s0 =	sadd.s32 $0x8F2B, s0  }
0xbe: {  	[sflag:s0] =	ssyncadd.remote.s32 $0x1  }
0xbf: {  	_ =	sfence.sel $0xFFFF  }
0xc0: {  	[dreg:$0x0] =	wrdreg $0xFFFFFFFF;
	(pc) =	sbr.abs _section_cstart, $3  }
0xc1: {  	[dreg:$0x1] =	wrdreg $0xFFFFFFFF  }
0xc2: {  	_ =	task.clear_ibuf [dreg:s7], $0x2FFFF;
	_ =	strace $0x9FFFFFFF  }
0xc3: {  	(tm) =	ssettm $0x7FFFFFFF  }
tec
execute0_lowered:
.L_overlay_start_1:
0x0: {  	(tag) =	ssettag $0x1  }
0x1: {  	s0 =	rddreg [dreg:$0x1]  }
0x2: {  	s2 =	rddreg [dreg:$0x2];
	s3 =	simm.s32 $0x0;
	s1 =	srdreg.scid  }
0x3: {  	s9 =	stileid.u32;
	s14 =	simm.s32 $0x13880;
	s15 =	simm.s32 $0x4  }
0x4: {  	s16 =	simm.s32 $0x80;
	s17 =	simm.s32 $0x15980;
	s18 =	simm.s32 $0x1D980  }
0x5: {  	s19 =	simm.s32 $0x13900;
	s20 =	simm.s32 $0x19980;
	s21 =	simm.s32 $0x1E180  }
0x6: {  	s22 =	simm.s32 $0x2;
	s23 =	simm.s32 $0x40;
	s24 =	simm.s32 $0x13980  }
0x7: {  	s28 =	simm.s32 $0x1F180;
	s29 =	simm.s32 $0x1E980;
	s31 =	simm.s32 $0x3  }
0x8: {  	[smem:$0x7FF] =	sst s3;
	s1 =	sand.u32 $0x1, s1;
	s5 =	sshll.u32 s9, $0x1  }
0x9: {  	v0 =	vlaneseq.u32;
	s4 =	sadd.s32 $0x6E00, s0;
	s7 =	sadd.s32 $0x1E00, s0;
	s10 =	sor.u32 s1, s5  }
0xa: {  	v3 =	vimm.s32 $0xFEDCBA98;
	v4 =	vimm.s32 $0x76543210;
	s8 =	sadd.s32 $0x7E000, s0;
	v2 =	vand.u32 $0x7, v0;
	s1 =	ssub.s32 $0x2, s1;
	s12 =	smul.u32 $0x2800, s10  }
0xb: {  	v5 =	vunpack.c.l.s4.s8 v3;
	v7 =	vunpack.c.l.s4.s8 v4;
	s5 =	sadd.s32 $0x2E000, s0;
	v1 =	vmul.u32 $0x100, v2;
	s6 =	smul.u32 $0x1400, s10;
	s11 =	sshrl.u32 s1, $0x1  }
0xc: {  	_ =	strace $0x80000047;
	v2 =	vmul.u32 $0x80, v2;
	s25 =	ssub.s32 s1, s11;
	s30 =	sadd.s32 s5, s12  }
0xd: {  	v9 =	vunpack.c.0.s8.s32 v5;
	v11 =	vunpack.c.0.s8.s32 v7;
	v3 =	vor.u32 $0x1, v1;
	s26 =	sshrl.u32 s6, $0x3;
	s0 =	smax.u32 s25, $0x1;
	[dreg:$0x5] =	wrdreg s30  }
0xe: {  	p0 =	sne.s32 s9, $0x0;
	v4 =	vor.u32 $0x400, v2;
	v5 =	vor.u32 $0x800, v2;
	v6 =	vor.u32 $0xC00, v2;
	s1 =	sadd.s32 s7, s26;
	[dreg:$0x6] =	wrdreg s0  }
0xf: {  	s11 =	smul.u32 $0x14000, s10;
	v7 =	vor.u32 $0x1000, v2;
	v8 =	vor.u32 $0x1400, v2;
	v12 =	vand.u32 $0xF, v9;
	s0 =	sshrl.u32 @!p0 s2, $0x3;
	[dreg:$0x4] =	wrdreg s1  }
0x10: {  	v10 =	vor.u32 $0x1C00, v2;
	s25 =	simm.s32 $0x1;
	v9 =	vor.u32 $0x1800, v2;
	v11 =	vcombine.low v12, v11;
	[dreg:$0x7] =	wrdreg s0;
	s1 =	simm.s32 $0x0  }
.LBB2_1:
0x11: {  	[dreg:$0x8] =	wrdreg s1  }
0x12: {  	s1 =	rddreg [dreg:$0x0]  }
0x13: {  	s0 =	simm.s32 @!p0 $0x1C04;
	s9 =	rddreg [dreg:$0x7]  }
0x14: {  	[spmem:s9], [sflag:s0] =	dma.local @!p0 [hbm:s1], $0x27100  }
0x15: {  	s0 =	simm.s32 @!p0 $0x4  }
0x16: {  	_ =	swait.ge @!p0 [sflag:s0], $0x27100  }
0x17: {  	[sflag:s0] =	ssyncset.done @!p0 $0x0  }
0x18: {  	[sflag:s0] =	ssyncadd.s32 @!p0 $0xFFFD8F00  }
0x19: {  	[bflag:$0x0] =	sbarrier.arrive $0xFFFF  }
0x1a: {  	s26 =	rddreg [dreg:$0x4]  }
0x1b: {  	[tilespmem:s14], [sflag:$0x4] =	stream.linear.gather [hbm4b:s26+s3], $0x80, $0x38;
	[tilespmem:$0x1F980] =	vst v63  }
0x1c: {  	_ =	swait.ge [sflag:s15], $0x80  }
0x1d: {  	[sflag:s15] =	ssyncset.done $0x0  }
0x1e: {  	[sflag:s15] =	ssyncadd.s32 $0xFFFFFF80  }
0x1f: {  	[tilespmem:s17], [sflag:$0x2] =	stream.indirect.gather [hbm4b:s4+s16], $0x80, s14, s16, $0xb8;
	[tilespmem:$0x1F980] =	vst v63  }
0x20: {  	s1 =	simm.s32 $0x0;
	s30 =	rddreg [dreg:$0x5]  }
0x21: {  	[tilespmem:s18], [sflag:$0x2] =	stream.linear.gather [hbm4b:s30+s3], $0x800, $0x38;
	[tilespmem:$0x1F980] =	vst v63  }
.LBB2_2:
0x22: {  	s9 =	sshllo.u32 s1, $0x1  }
0x23: {  	s0 =	sshll.u32 s9, $0x7  }
0x24: {  	s0 =	sadd.s32 s6, s0  }
0x25: {  	s0 =	sshrl.u32 s0, $0x3  }
0x26: {  	s10 =	sadd.s32 s7, s0;
	s0 =	simm.s32 $0x0  }
0x27: {  	[tilespmem:s19], [sflag:$0x4] =	stream.linear.gather [hbm4b:s10+s0], $0x80, $0x38;
	[tilespmem:$0x1F980] =	vst v63  }
0x28: {  	s9 =	sshll.u32 s9, $0xB;
	_ =	swait.ge [sflag:s15], $0x80  }
0x29: {  	s9 =	sadd.s32 s11, s9;
	[sflag:s15] =	ssyncset.done $0x0  }
0x2a: {  	s9 =	sshrl.u32 s9, $0x3;
	[sflag:s15] =	ssyncadd.s32 $0xFFFFFF80  }
0x2b: {  	[tilespmem:s20], [sflag:$0x2] =	stream.indirect.gather [hbm4b:s4+s16], $0x80, s19, s16, $0xb8;
	[tilespmem:$0x1F980] =	vst v63  }
0x2c: {  	s30 =	sadd.s32 s5, s9  }
0x2d: {  	[tilespmem:s21], [sflag:$0x2] =	stream.linear.gather [hbm4b:s30+s0], $0x800, $0x38;
	[tilespmem:$0x1F980] =	vst v63  }
0x2e: {  	_ =	swait.ge [sflag:s22], $0x4000  }
0x2f: {  	[sflag:s22] =	ssyncset.done $0x0  }
0x30: {  	[sflag:s22] =	ssyncadd.s32 $0xFFFFC000  }
0x31: {  	_ =	swait.ge [sflag:s22], $0x800  }
0x32: {  	[sflag:s22] =	ssyncset.done $0x0  }
0x33: {  	[sflag:s22] =	ssyncadd.s32 $0xFFFFF800  }
0x34: {  	[tilespmem:s24], [sflag:$0x1] =	stream.indirect.gather [spmem:s2], $0x80, s14, s23, $0xb8;
	[tilespmem:$0x1F980] =	vst v63  }
0x35: {  	_ =	swait.ge [sflag:s25], $0x2000  }
0x36: {  	[sflag:s25] =	ssyncset.done $0x0  }
0x37: {  	s12 =	simm.s32 $0x0;
	s10 =	sshll.u32 s1, $0x1;
	[sflag:s25] =	ssyncadd.s32 $0xFFFFE000  }
.LBB2_3:
0x38: {  	s13 =	sshll.u32 s12, $0x4;
	v12 =	vadd.s32 s0, v0  }
0x39: {  	v14 =	vmov s13;
	v13 =	vand.u32 $0xF, v12  }
0x3a: {  	v13 =	vor.u32 v14, v13  }
0x3b: {  	v12 =	vand.u32 $0x7, v12;
	v15 =	vand.u32 $0x78, v13  }
0x3c: {  	v12 =	vor.u32 v12, v15  }
0x3d: {  	v15 =	vor.u32 v4, v12  }
0x3e: {  	v16 =	vor.u32 v6, v12  }
0x3f: {  	v17 =	vor.u32 v2, v12  }
0x40: {  	v13 =	vshll.u32 v13, $0x1;
	v18 =	vor.u32 v5, v12  }
0x41: {  	v19 =	vor.u32 v1, v13  }
0x42: {  	v20 =	vor.u32 v9, v12;
	v15 =	vld.idx.msk [tilespmem:v15+s24+$0x0], $0xffff  }
0x43: {  	v22 =	vor.u32 v8, v12;
	v25 =	vld.idx.msk [tilespmem:v16+s24+$0x0], $0xffff  }
0x44: {  	v16 =	vor.u32 v3, v13;
	v17 =	vld.idx.msk [tilespmem:v17+s24+$0x0], $0xffff  }
0x45: {  	v21 =	vld.idx.msk [tilespmem:v18+s24+$0x0], $0xffff  }
0x46: {  	v13 =	vld.idx.msk [tilespmem:v19+s18+$0x0], $0xffff  }
0x47: {  	v19 =	vor.u32 v10, v12;
	v28 =	vld.idx.msk [tilespmem:v20+s24+$0x0], $0xffff  }
0x48: {  	v24 =	vor.u32 v7, v12;
	v18 =	vimm.f32 $0.0e+00;
	v27 =	vld.idx.msk [tilespmem:v22+s24+$0x0], $0xffff;
	v20 =	vimm.f32 $0.0e+00  }
0x49: {  	v22 =	vimm.f32 $0.0e+00;
	v30 =	vunpack.i.u.bf16.f32 v25;
	v12 =	vld.idx.msk [tilespmem:v16+s18+$0x0], $0xffff;
	v32 =	vunpack.i.l.bf16.f32 v17  }
0x4a: {  	v16 =	vunpack.i.l.bf16.f32 v15;
	v31 =	vunpack.i.u.bf16.f32 v15;
	v34 =	vunpack.i.u.bf16.f32 v21  }
0x4b: {  	v15 =	vunpack.i.l.bf16.f32 v21;
	v33 =	vunpack.i.u.bf16.f32 v17;
	v17 =	vimm.f32 $0.0e+00  }
0x4c: {  	v23 =	vld.idx.msk [tilespmem:v19+s24+$0x0], $0xffff;
	v19 =	vimm.f32 $0.0e+00;
	v21 =	vimm.f32 $0.0e+00;
	v26 =	vmul.f32 v16, v13  }
0x4d: {  	s13 =	simm.s32 $0x1;
	v24 =	vld.idx.msk [tilespmem:v24+s24+$0x0], $0xffff;
	v29 =	vmul.f32 v15, v13;
	v16 =	vimm.f32 $0.0e+00;
	v15 =	vimm.f32 $0.0e+00  }
.LBB2_4:
0x4e: {  	p1 =	sne.s32 s13, $0x7;
	v32 =	vmul.f32 v32, v13;
	v34 =	vmul.f32 v34, v12;
	v35 =	vunpack.i.l.bf16.f32 v25;
	s26 =	smov.u32 s13;
	s13 =	sadd.s32 $0x1, s13  }
0x4f: {  	v36 =	vmul.f32 v30, v12;
	v30 =	vunpack.i.u.bf16.f32 v28;
	v25 =	vadd.s32 s26, v0  }
0x50: {  	v33 =	vmul.f32 v33, v12;
	v30 =	vmul.f32 v30, v12;
	v37 =	vand.u32 $0xF, v25  }
0x51: {  	v31 =	vmul.f32 v31, v12;
	v28 =	vunpack.i.l.bf16.f32 v28;
	v37 =	vor.u32 v14, v37  }
0x52: {  	v39 =	vunpack.i.l.bf16.f32 v27;
	v25 =	vand.u32 $0x7, v25;
	v38 =	vand.u32 $0x78, v37  }
0x53: {  	v27 =	vunpack.i.u.bf16.f32 v27;
	v37 =	vshll.u32 v37, $0x1;
	v25 =	vor.u32 v25, v38  }
0x54: {  	v41 =	vunpack.i.l.bf16.f32 v24;
	v38 =	vor.u32 v2, v25;
	v40 =	vor.u32 v4, v25  }
0x55: {  	v44 =	vunpack.i.l.bf16.f32 v23;
	v42 =	vor.u32 v5, v25;
	v43 =	vor.u32 v6, v25  }
0x56: {  	v18 =	vadd.f32 v29, v18;
	v45 =	vor.u32 v7, v25;
	v46 =	vor.u32 v8, v25  }
0x57: {  	v20 =	vadd.f32 v26, v20;
	v29 =	vor.u32 v1, v37;
	v47 =	vor.u32 v10, v25  }
0x58: {  	v22 =	vadd.f32 v32, v22;
	v32 =	vmul.f32 v44, v13;
	v26 =	vor.u32 v9, v25  }
0x59: {  	v23 =	vunpack.i.u.bf16.f32 v23;
	v20 =	vadd.f32 v20, v31;
	v37 =	vor.u32 v3, v37;
	v40 =	vld.idx.msk [tilespmem:v40+s24+$0x0], $0xffff  }
0x5a: {  	v28 =	vmul.f32 v28, v13;
	v18 =	vadd.f32 v18, v34;
	v23 =	vmul.f32 v23, v12;
	v25 =	vld.idx.msk [tilespmem:v43+s24+$0x0], $0xffff  }
0x5b: {  	v31 =	vmul.f32 v39, v13;
	v22 =	vadd.f32 v22, v33;
	v33 =	vmul.f32 v27, v12;
	v38 =	vld.idx.msk [tilespmem:v38+s24+$0x0], $0xffff  }
0x5c: {  	v16 =	vadd.f32 v28, v16;
	v27 =	vmul.f32 v35, v13;
	v34 =	vmul.f32 v41, v13;
	v39 =	vld.idx.msk [tilespmem:v42+s24+$0x0], $0xffff  }
0x5d: {  	v24 =	vunpack.i.u.bf16.f32 v24;
	v17 =	vadd.f32 v31, v17;
	v15 =	vadd.f32 v32, v15;
	v13 =	vld.idx.msk [tilespmem:v29+s18+$0x0], $0xffff  }
0x5e: {  	v24 =	vmul.f32 v24, v12;
	v19 =	vadd.f32 v27, v19;
	v21 =	vadd.f32 v34, v21;
	v12 =	vld.idx.msk [tilespmem:v37+s18+$0x0], $0xffff  }
.Ltmp0:
0x5f: {  	v16 =	vadd.f32 v16, v30;
	v15 =	vadd.f32 v15, v23;
	v28 =	vld.idx.msk [tilespmem:v26+s24+$0x0], $0xffff;
	(pc) =	sbr.rel @p1 .LBB2_4-.Ltmp0, $4  }
0x60: {  	v17 =	vadd.f32 v17, v33;
	v19 =	vadd.f32 v19, v36;
	v30 =	vunpack.i.u.bf16.f32 v25;
	v27 =	vld.idx.msk [tilespmem:v46+s24+$0x0], $0xffff  }
0x61: {  	v21 =	vadd.f32 v21, v24;
	v26 =	vunpack.i.l.bf16.f32 v40;
	v32 =	vunpack.i.l.bf16.f32 v38;
	v23 =	vld.idx.msk [tilespmem:v47+s24+$0x0], $0xffff  }
0x62: {  	v31 =	vunpack.i.u.bf16.f32 v40;
	v34 =	vunpack.i.u.bf16.f32 v39;
	v29 =	vunpack.i.l.bf16.f32 v39;
	v24 =	vld.idx.msk [tilespmem:v45+s24+$0x0], $0xffff  }
0x63: {  	v33 =	vunpack.i.u.bf16.f32 v38;
	v26 =	vmul.f32 v26, v13;
	v29 =	vmul.f32 v29, v13  }
0x64: {  	v14 =	vmul.f32 v32, v13  }
0x65: {  	v50 =	vmul.f32 v34, v12;
	v30 =	vmul.f32 v30, v12;
	v51 =	vunpack.i.u.bf16.f32 v28  }
0x66: {  	v25 =	vunpack.i.l.bf16.f32 v25;
	v33 =	vmul.f32 v33, v12;
	v31 =	vmul.f32 v31, v12  }
0x67: {  	v52 =	vunpack.i.l.bf16.f32 v28;
	v34 =	vmul.f32 v51, v12;
	v35 =	vunpack.i.l.bf16.f32 v27  }
0x68: {  	v53 =	vunpack.i.u.bf16.f32 v27;
	v20 =	vadd.f32 v26, v20;
	v18 =	vadd.f32 v29, v18  }
0x69: {  	v25 =	vmul.f32 v25, v13;
	v59 =	vmul.f32 v52, v13;
	v54 =	vunpack.i.l.bf16.f32 v23  }
0x6a: {  	v14 =	vadd.f32 v14, v22;
	v57 =	vmul.f32 v35, v13;
	v60 =	vmul.f32 v53, v12  }
0x6b: {  	s13 =	sshll.u32 s12, $0x8;
	v61 =	vunpack.i.u.bf16.f32 v23;
	v36 =	vunpack.i.l.bf16.f32 v24;
	v20 =	vadd.f32 v20, v31  }
0x6c: {  	s13 =	sand.u32 $0x3FFFFF00, s13;
	v55 =	vmul.f32 v54, v13;
	v18 =	vadd.f32 v18, v50;
	v19 =	vadd.f32 v25, v19  }
0x6d: {  	v58 =	vunpack.i.u.bf16.f32 v24;
	v14 =	vadd.f32 v14, v33;
	v17 =	vadd.f32 v57, v17;
	[tilespmem:s13+$0x1F190] =	vst v20  }
0x6e: {  	s12 =	sadd.s32 $0x1, s12;
	v56 =	vmul.f32 v36, v13;
	v13 =	vadd.f32 v59, v16;
	v19 =	vadd.f32 v19, v30;
	[tilespmem:s13+$0x1F1A0] =	vst v18  }
0x6f: {  	p1 =	sne.s32 s12, $0x8;
	v63 =	vmul.f32 v61, v12;
	v15 =	vadd.f32 v55, v15;
	[tilespmem:s13+$0x1F180] =	vst v14;
	v14 =	vadd.f32 v17, v60  }
.Ltmp1:
0x70: {  	v24 =	vmul.f32 v58, v12;
	v21 =	vadd.f32 v56, v21;
	v13 =	vadd.f32 v13, v34;
	[tilespmem:s13+$0x1F1B0] =	vst v19;
	(pc) =	sbr.rel @p1 .LBB2_3-.Ltmp1, $4  }
0x71: {  	v12 =	vadd.f32 v15, v63;
	[tilespmem:s13+$0x1F1D0] =	vst v14  }
0x72: {  	v62 =	vadd.f32 v21, v24;
	[tilespmem:s13+$0x1F1E0] =	vst v13  }
0x73: {  	[tilespmem:s13+$0x1F1F0] =	vst v12  }
0x74: {  	[tilespmem:s13+$0x1F1C0] =	vst v62  }
0x75: {  	s0 =	simm.s32 $0x138C0  }
0x76: {  	[tilespmem:s24], [sflag:$0x1] =	stream.indirect.gather [spmem:s2], $0x80, s0, s23, $0xb8;
	[tilespmem:$0x1F980] =	vst v63  }
0x77: {  	_ =	swait.ge [sflag:s25], $0x2000  }
0x78: {  	[sflag:s25] =	ssyncset.done $0x0  }
0x79: {  	s12 =	simm.s32 $0x0;
	s0 =	simm.s32 $0x0;
	[sflag:s25] =	ssyncadd.s32 $0xFFFFE000  }
.LBB2_7:
0x7a: {  	s13 =	sshll.u32 s12, $0x4;
	v12 =	vadd.s32 s0, v0  }
0x7b: {  	v14 =	vmov s13;
	v13 =	vand.u32 $0xF, v12  }
0x7c: {  	v13 =	vor.u32 v14, v13  }
0x7d: {  	v12 =	vand.u32 $0x7, v12;
	v15 =	vand.u32 $0x78, v13  }
0x7e: {  	v12 =	vor.u32 v12, v15  }
0x7f: {  	v15 =	vor.u32 v4, v12  }
0x80: {  	v16 =	vor.u32 v6, v12  }
0x81: {  	v17 =	vor.u32 v2, v12  }
0x82: {  	v13 =	vshll.u32 v13, $0x1;
	v18 =	vor.u32 v5, v12  }
0x83: {  	v19 =	vor.u32 v1, v13  }
0x84: {  	v20 =	vor.u32 v9, v12;
	v15 =	vld.idx.msk [tilespmem:v15+s24+$0x0], $0xffff  }
0x85: {  	v22 =	vor.u32 v8, v12;
	v25 =	vld.idx.msk [tilespmem:v16+s24+$0x0], $0xffff  }
0x86: {  	v16 =	vor.u32 v3, v13;
	v17 =	vld.idx.msk [tilespmem:v17+s24+$0x0], $0xffff  }
0x87: {  	v21 =	vld.idx.msk [tilespmem:v18+s24+$0x0], $0xffff  }
0x88: {  	v13 =	vld.idx.msk [tilespmem:v19+s18+$0x0], $0xffff  }
0x89: {  	v19 =	vor.u32 v10, v12;
	v28 =	vld.idx.msk [tilespmem:v20+s24+$0x0], $0xffff  }
0x8a: {  	v24 =	vor.u32 v7, v12;
	v18 =	vimm.f32 $0.0e+00;
	v27 =	vld.idx.msk [tilespmem:v22+s24+$0x0], $0xffff;
	v20 =	vimm.f32 $0.0e+00  }
0x8b: {  	v22 =	vimm.f32 $0.0e+00;
	v30 =	vunpack.i.u.bf16.f32 v25;
	v12 =	vld.idx.msk [tilespmem:v16+s18+$0x0], $0xffff;
	v32 =	vunpack.i.l.bf16.f32 v17  }
0x8c: {  	v16 =	vunpack.i.l.bf16.f32 v15;
	v31 =	vunpack.i.u.bf16.f32 v15;
	v34 =	vunpack.i.u.bf16.f32 v21  }
0x8d: {  	v15 =	vunpack.i.l.bf16.f32 v21;
	v33 =	vunpack.i.u.bf16.f32 v17;
	v17 =	vimm.f32 $0.0e+00  }
0x8e: {  	v23 =	vld.idx.msk [tilespmem:v19+s24+$0x0], $0xffff;
	v19 =	vimm.f32 $0.0e+00;
	v21 =	vimm.f32 $0.0e+00;
	v26 =	vmul.f32 v16, v13  }
0x8f: {  	s13 =	simm.s32 $0x1;
	v24 =	vld.idx.msk [tilespmem:v24+s24+$0x0], $0xffff;
	v29 =	vmul.f32 v15, v13;
	v16 =	vimm.f32 $0.0e+00;
	v15 =	vimm.f32 $0.0e+00  }
.LBB2_8:
0x90: {  	p1 =	sne.s32 s13, $0x7;
	v32 =	vmul.f32 v32, v13;
	v34 =	vmul.f32 v34, v12;
	v35 =	vunpack.i.l.bf16.f32 v25;
	s26 =	smov.u32 s13;
	s13 =	sadd.s32 $0x1, s13  }
0x91: {  	v36 =	vmul.f32 v30, v12;
	v30 =	vunpack.i.u.bf16.f32 v28;
	v25 =	vadd.s32 s26, v0  }
0x92: {  	v33 =	vmul.f32 v33, v12;
	v30 =	vmul.f32 v30, v12;
	v37 =	vand.u32 $0xF, v25  }
0x93: {  	v31 =	vmul.f32 v31, v12;
	v28 =	vunpack.i.l.bf16.f32 v28;
	v37 =	vor.u32 v14, v37  }
0x94: {  	v39 =	vunpack.i.l.bf16.f32 v27;
	v25 =	vand.u32 $0x7, v25;
	v38 =	vand.u32 $0x78, v37  }
0x95: {  	v27 =	vunpack.i.u.bf16.f32 v27;
	v37 =	vshll.u32 v37, $0x1;
	v25 =	vor.u32 v25, v38  }
0x96: {  	v41 =	vunpack.i.l.bf16.f32 v24;
	v38 =	vor.u32 v2, v25;
	v40 =	vor.u32 v4, v25  }
0x97: {  	v44 =	vunpack.i.l.bf16.f32 v23;
	v42 =	vor.u32 v5, v25;
	v43 =	vor.u32 v6, v25  }
0x98: {  	v18 =	vadd.f32 v29, v18;
	v45 =	vor.u32 v7, v25;
	v46 =	vor.u32 v8, v25  }
0x99: {  	v20 =	vadd.f32 v26, v20;
	v29 =	vor.u32 v1, v37;
	v47 =	vor.u32 v10, v25  }
0x9a: {  	v22 =	vadd.f32 v32, v22;
	v32 =	vmul.f32 v44, v13;
	v26 =	vor.u32 v9, v25  }
0x9b: {  	v23 =	vunpack.i.u.bf16.f32 v23;
	v20 =	vadd.f32 v20, v31;
	v37 =	vor.u32 v3, v37;
	v40 =	vld.idx.msk [tilespmem:v40+s24+$0x0], $0xffff  }
0x9c: {  	v28 =	vmul.f32 v28, v13;
	v18 =	vadd.f32 v18, v34;
	v23 =	vmul.f32 v23, v12;
	v25 =	vld.idx.msk [tilespmem:v43+s24+$0x0], $0xffff  }
0x9d: {  	v31 =	vmul.f32 v39, v13;
	v22 =	vadd.f32 v22, v33;
	v33 =	vmul.f32 v27, v12;
	v38 =	vld.idx.msk [tilespmem:v38+s24+$0x0], $0xffff  }
0x9e: {  	v16 =	vadd.f32 v28, v16;
	v27 =	vmul.f32 v35, v13;
	v34 =	vmul.f32 v41, v13;
	v39 =	vld.idx.msk [tilespmem:v42+s24+$0x0], $0xffff  }
0x9f: {  	v24 =	vunpack.i.u.bf16.f32 v24;
	v17 =	vadd.f32 v31, v17;
	v15 =	vadd.f32 v32, v15;
	v13 =	vld.idx.msk [tilespmem:v29+s18+$0x0], $0xffff  }
0xa0: {  	v24 =	vmul.f32 v24, v12;
	v19 =	vadd.f32 v27, v19;
	v21 =	vadd.f32 v34, v21;
	v12 =	vld.idx.msk [tilespmem:v37+s18+$0x0], $0xffff  }
.Ltmp2:
0xa1: {  	v16 =	vadd.f32 v16, v30;
	v15 =	vadd.f32 v15, v23;
	v28 =	vld.idx.msk [tilespmem:v26+s24+$0x0], $0xffff;
	(pc) =	sbr.rel @p1 .LBB2_8-.Ltmp2, $4  }
0xa2: {  	v17 =	vadd.f32 v17, v33;
	v19 =	vadd.f32 v19, v36;
	v30 =	vunpack.i.u.bf16.f32 v25;
	v27 =	vld.idx.msk [tilespmem:v46+s24+$0x0], $0xffff  }
0xa3: {  	v21 =	vadd.f32 v21, v24;
	v26 =	vunpack.i.l.bf16.f32 v40;
	v32 =	vunpack.i.l.bf16.f32 v38;
	v23 =	vld.idx.msk [tilespmem:v47+s24+$0x0], $0xffff  }
0xa4: {  	v31 =	vunpack.i.u.bf16.f32 v40;
	v34 =	vunpack.i.u.bf16.f32 v39;
	v29 =	vunpack.i.l.bf16.f32 v39;
	v24 =	vld.idx.msk [tilespmem:v45+s24+$0x0], $0xffff  }
0xa5: {  	v33 =	vunpack.i.u.bf16.f32 v38;
	v26 =	vmul.f32 v26, v13;
	v29 =	vmul.f32 v29, v13  }
0xa6: {  	v14 =	vmul.f32 v32, v13  }
0xa7: {  	v50 =	vmul.f32 v34, v12;
	v30 =	vmul.f32 v30, v12;
	v51 =	vunpack.i.u.bf16.f32 v28  }
0xa8: {  	v25 =	vunpack.i.l.bf16.f32 v25;
	v33 =	vmul.f32 v33, v12;
	v31 =	vmul.f32 v31, v12  }
0xa9: {  	v52 =	vunpack.i.l.bf16.f32 v28;
	v34 =	vmul.f32 v51, v12;
	v35 =	vunpack.i.l.bf16.f32 v27  }
0xaa: {  	v53 =	vunpack.i.u.bf16.f32 v27;
	v20 =	vadd.f32 v26, v20;
	v18 =	vadd.f32 v29, v18  }
0xab: {  	v25 =	vmul.f32 v25, v13;
	v59 =	vmul.f32 v52, v13;
	v54 =	vunpack.i.l.bf16.f32 v23  }
0xac: {  	v14 =	vadd.f32 v14, v22;
	v57 =	vmul.f32 v35, v13;
	v60 =	vmul.f32 v53, v12  }
0xad: {  	s13 =	sshll.u32 s12, $0x8;
	v61 =	vunpack.i.u.bf16.f32 v23;
	v36 =	vunpack.i.l.bf16.f32 v24;
	v20 =	vadd.f32 v20, v31  }
0xae: {  	s13 =	sand.u32 $0x3FFFFF00, s13;
	v55 =	vmul.f32 v54, v13;
	v18 =	vadd.f32 v18, v50;
	v19 =	vadd.f32 v25, v19  }
0xaf: {  	v58 =	vunpack.i.u.bf16.f32 v24;
	v14 =	vadd.f32 v14, v33;
	v17 =	vadd.f32 v57, v17;
	[tilespmem:s13+$0x1F210] =	vst v20  }
0xb0: {  	s12 =	sadd.s32 $0x1, s12;
	v56 =	vmul.f32 v36, v13;
	v13 =	vadd.f32 v59, v16;
	v19 =	vadd.f32 v19, v30;
	[tilespmem:s13+$0x1F220] =	vst v18  }
0xb1: {  	p1 =	sne.s32 s12, $0x8;
	v63 =	vmul.f32 v61, v12;
	v15 =	vadd.f32 v55, v15;
	[tilespmem:s13+$0x1F200] =	vst v14;
	v14 =	vadd.f32 v17, v60  }
.Ltmp3:
0xb2: {  	v24 =	vmul.f32 v58, v12;
	v21 =	vadd.f32 v56, v21;
	v13 =	vadd.f32 v13, v34;
	[tilespmem:s13+$0x1F230] =	vst v19;
	(pc) =	sbr.rel @p1 .LBB2_7-.Ltmp3, $4  }
0xb3: {  	v12 =	vadd.f32 v15, v63;
	[tilespmem:s13+$0x1F250] =	vst v14  }
0xb4: {  	v62 =	vadd.f32 v21, v24;
	[tilespmem:s13+$0x1F260] =	vst v13  }
0xb5: {  	[tilespmem:s13+$0x1F270] =	vst v12  }
0xb6: {  	[tilespmem:s13+$0x1F240] =	vst v62  }
0xb7: {  	s0 =	simm.s32 $0x0  }
0xb8: {  	v12 =	vor.u32 s0, v11;
	_ =	sdelay $0x2  }
0xb9: {  	s12 =	simm.s32 $0x1F200  }
0xba: {  	v13 =	vld [tilespmem:s12+$0xFFFFFF80]  }
0xbb: {  	v12 =	vld.idx.msk [tilespmem:v12+s28+$0x0], $0xffff;
	_ =	sdelay $0x3  }
0xbc: {  	s13 =	simm.s32 $0x10  }
0xbd: {  	v12 =	vadd.f32 v12, v13;
	v13 =	vor.u32 s13, v11;
	_ =	sdelay $0x1  }
0xbe: {  	v12 =	vmul.f32 $1.767766920e-01, v12;
	_ =	sdelay $0x1  }
0xbf: {  	v14 =	vld [tilespmem:s12+$0xFFFFFF90];
	[tilespmem:s12+$0xFFFFFF80] =	vst v12  }
0xc0: {  	v13 =	vld.idx.msk [tilespmem:v13+s28+$0x0], $0xffff;
	_ =	sdelay $0x3  }
0xc1: {  	s26 =	simm.s32 $0x20  }
0xc2: {  	v13 =	vadd.f32 v13, v14;
	v14 =	vor.u32 s26, v11;
	_ =	sdelay $0x1  }
0xc3: {  	v13 =	vmul.f32 $1.767766920e-01, v13;
	_ =	sdelay $0x1  }
0xc4: {  	v15 =	vld [tilespmem:s12+$0xFFFFFFA0];
	[tilespmem:s12+$0xFFFFFF90] =	vst v13  }
0xc5: {  	v14 =	vld.idx.msk [tilespmem:v14+s28+$0x0], $0xffff;
	_ =	sdelay $0x3  }
0xc6: {  	s30 =	simm.s32 $0x30  }
0xc7: {  	v14 =	vadd.f32 v14, v15;
	v15 =	vor.u32 s30, v11;
	_ =	sdelay $0x1  }
0xc8: {  	v14 =	vmul.f32 $1.767766920e-01, v14;
	_ =	sdelay $0x1  }
0xc9: {  	v16 =	vld [tilespmem:s12+$0xFFFFFFB0];
	[tilespmem:s12+$0xFFFFFFA0] =	vst v14  }
0xca: {  	v15 =	vld.idx.msk [tilespmem:v15+s28+$0x0], $0xffff;
	_ =	sdelay $0x3  }
0xcb: {  	s13 =	simm.s32 $0x40  }
0xcc: {  	v15 =	vadd.f32 v15, v16;
	v16 =	vor.u32 s13, v11;
	_ =	sdelay $0x1  }
0xcd: {  	v15 =	vmul.f32 $1.767766920e-01, v15;
	_ =	sdelay $0x1  }
0xce: {  	v17 =	vld [tilespmem:s12+$0xFFFFFFC0];
	[tilespmem:s12+$0xFFFFFFB0] =	vst v15  }
0xcf: {  	v16 =	vld.idx.msk [tilespmem:v16+s28+$0x0], $0xffff;
	_ =	sdelay $0x3  }
0xd0: {  	s26 =	simm.s32 $0x50  }
0xd1: {  	v16 =	vadd.f32 v16, v17;
	v17 =	vor.u32 s26, v11;
	_ =	sdelay $0x1  }
0xd2: {  	v16 =	vmul.f32 $1.767766920e-01, v16;
	_ =	sdelay $0x1  }
0xd3: {  	v18 =	vld [tilespmem:s12+$0xFFFFFFD0];
	[tilespmem:s12+$0xFFFFFFC0] =	vst v16  }
0xd4: {  	v17 =	vld.idx.msk [tilespmem:v17+s28+$0x0], $0xffff;
	_ =	sdelay $0x3  }
0xd5: {  	s30 =	simm.s32 $0x60  }
0xd6: {  	v17 =	vadd.f32 v17, v18;
	v18 =	vor.u32 s30, v11;
	_ =	sdelay $0x1  }
0xd7: {  	v17 =	vmul.f32 $1.767766920e-01, v17;
	_ =	sdelay $0x1  }
0xd8: {  	v19 =	vld [tilespmem:s12+$0xFFFFFFE0];
	[tilespmem:s12+$0xFFFFFFD0] =	vst v17  }
0xd9: {  	v18 =	vld.idx.msk [tilespmem:v18+s28+$0x0], $0xffff;
	_ =	sdelay $0x3  }
0xda: {  	s13 =	simm.s32 $0x70  }
0xdb: {  	v18 =	vadd.f32 v18, v19;
	v19 =	vor.u32 s13, v11;
	_ =	sdelay $0x1  }
0xdc: {  	v18 =	vmul.f32 $1.767766920e-01, v18;
	_ =	sdelay $0x1  }
0xdd: {  	v20 =	vld [tilespmem:s12+$0xFFFFFFF0];
	[tilespmem:s12+$0xFFFFFFE0] =	vst v18  }
0xde: {  	v19 =	vld.idx.msk [tilespmem:v19+s28+$0x0], $0xffff;
	_ =	sdelay $0x3  }
0xdf: {  	s26 =	simm.s32 $0x80  }
0xe0: {  	v19 =	vadd.f32 v19, v20;
	v20 =	vor.u32 s26, v11;
	_ =	sdelay $0x1  }
0xe1: {  	v19 =	vmul.f32 $1.767766920e-01, v19;
	_ =	sdelay $0x1  }
0xe2: {  	v21 =	vld [tilespmem:s12+$0x0];
	[tilespmem:s12+$0xFFFFFFF0] =	vst v19  }
0xe3: {  	v20 =	vld.idx.msk [tilespmem:v20+s28+$0x0], $0xffff;
	_ =	sdelay $0x3  }
0xe4: {  	s30 =	simm.s32 $0x90  }
0xe5: {  	v20 =	vadd.f32 v20, v21;
	v21 =	vor.u32 s30, v11;
	_ =	sdelay $0x1  }
0xe6: {  	v20 =	vmul.f32 $1.767766920e-01, v20;
	_ =	sdelay $0x1  }
0xe7: {  	v22 =	vld [tilespmem:s12+$0x10];
	[tilespmem:s12+$0x0] =	vst v20  }
0xe8: {  	v21 =	vld.idx.msk [tilespmem:v21+s28+$0x0], $0xffff;
	_ =	sdelay $0x3  }
0xe9: {  	s13 =	simm.s32 $0xA0  }
0xea: {  	v21 =	vadd.f32 v21, v22;
	v22 =	vor.u32 s13, v11;
	_ =	sdelay $0x1  }
0xeb: {  	v21 =	vmul.f32 $1.767766920e-01, v21;
	_ =	sdelay $0x1  }
0xec: {  	v23 =	vld [tilespmem:s12+$0x20];
	[tilespmem:s12+$0x10] =	vst v21  }
0xed: {  	v22 =	vld.idx.msk [tilespmem:v22+s28+$0x0], $0xffff;
	_ =	sdelay $0x3  }
0xee: {  	s26 =	simm.s32 $0xB0  }
0xef: {  	v22 =	vadd.f32 v22, v23;
	v23 =	vor.u32 s26, v11;
	_ =	sdelay $0x1  }
0xf0: {  	v22 =	vmul.f32 $1.767766920e-01, v22;
	_ =	sdelay $0x1  }
0xf1: {  	v24 =	vld [tilespmem:s12+$0x30];
	[tilespmem:s12+$0x20] =	vst v22  }
0xf2: {  	v23 =	vld.idx.msk [tilespmem:v23+s28+$0x0], $0xffff;
	_ =	sdelay $0x3  }
0xf3: {  	s30 =	simm.s32 $0xC0  }
0xf4: {  	v23 =	vadd.f32 v23, v24;
	v24 =	vor.u32 s30, v11;
	_ =	sdelay $0x1  }
0xf5: {  	v23 =	vmul.f32 $1.767766920e-01, v23;
	_ =	sdelay $0x1  }
0xf6: {  	v25 =	vld [tilespmem:s12+$0x40];
	[tilespmem:s12+$0x30] =	vst v23  }
0xf7: {  	v24 =	vld.idx.msk [tilespmem:v24+s28+$0x0], $0xffff;
	_ =	sdelay $0x3  }
0xf8: {  	s13 =	simm.s32 $0xD0  }
0xf9: {  	v24 =	vadd.f32 v24, v25;
	v25 =	vor.u32 s13, v11;
	_ =	sdelay $0x1  }
0xfa: {  	v24 =	vmul.f32 $1.767766920e-01, v24;
	_ =	sdelay $0x1  }
0xfb: {  	v26 =	vld [tilespmem:s12+$0x50];
	[tilespmem:s12+$0x40] =	vst v24  }
0xfc: {  	v25 =	vld.idx.msk [tilespmem:v25+s28+$0x0], $0xffff;
	_ =	sdelay $0x3  }
0xfd: {  	s26 =	simm.s32 $0xE0  }
0xfe: {  	v25 =	vadd.f32 v25, v26;
	v26 =	vor.u32 s26, v11;
	_ =	sdelay $0x1  }
0xff: {  	v25 =	vmul.f32 $1.767766920e-01, v25;
	_ =	sdelay $0x1  }
0x100: {  	v27 =	vld [tilespmem:s12+$0x60];
	[tilespmem:s12+$0x50] =	vst v25  }
0x101: {  	v26 =	vld.idx.msk [tilespmem:v26+s28+$0x0], $0xffff;
	_ =	sdelay $0x3  }
0x102: {  	s30 =	simm.s32 $0xF0  }
0x103: {  	v28 =	vmax.f32 v12, v13;
	v26 =	vadd.f32 v26, v27;
	v27 =	vor.u32 s30, v11  }
0x104: {  	v28 =	vmax.f32 v28, v14  }
0x105: {  	v28 =	vmax.f32 v28, v15;
	v26 =	vmul.f32 $1.767766920e-01, v26  }
0x106: {  	v28 =	vmax.f32 v28, v16  }
0x107: {  	v29 =	vld [tilespmem:s12+$0x70];
	v28 =	vmax.f32 v28, v17;
	[tilespmem:s12+$0x60] =	vst v26  }
0x108: {  	v28 =	vmax.f32 v28, v18;
	v27 =	vld.idx.msk [tilespmem:v27+s28+$0x0], $0xffff  }
0x109: {  	v28 =	vmax.f32 v28, v19  }
0x10a: {  	v28 =	vmax.f32 v28, v20  }
0x10b: {  	v28 =	vmax.f32 v28, v21  }
0x10c: {  	v28 =	vmax.f32 v28, v22  }
0x10d: {  	v28 =	vmax.f32 v28, v23;
	v27 =	vadd.f32 v27, v29  }
0x10e: {  	v28 =	vmax.f32 v28, v24  }
0x10f: {  	v28 =	vmax.f32 v28, v25;
	v27 =	vmul.f32 $1.767766920e-01, v27  }
0x110: {  	v28 =	vmax.f32 v28, v26  }
0x111: {  	v28 =	vmax.f32 v28, v27  }
0x112: {  	v12 =	vsub.f32 v12, v28  }
0x113: {  	v13 =	vsub.f32 v13, v28  }
0x114: {  	v12 =	vmul.f32 $1.442695020e+00, v12  }
0x115: {  	v14 =	vsub.f32 v14, v28;
	v13 =	vmul.f32 $1.442695020e+00, v13  }
0x116: {  	(erf) = vpow2.f32 v12  }
0x117: {  	v14 =	vmul.f32 $1.442695020e+00, v14;
	v12 =	vsub.f32 v15, v28;
	(erf) = vpow2.f32 v13;
	_ =	sdelay $0x1  }
0x118: {  	v12 =	vmul.f32 $1.442695020e+00, v12;
	(erf) = vpow2.f32 v14  }
0x119: {  	v13 =	vsub.f32 v16, v28  }
0x11a: {  	v14 =	vsub.f32 v17, v28;
	(erf) = vpow2.f32 v12  }
0x11b: {  	v13 =	vmul.f32 $1.442695020e+00, v13;
	v12 =	vsub.f32 v18, v28  }
0x11c: {  	v14 =	vmul.f32 $1.442695020e+00, v14  }
0x11d: {  	(erf) = vpow2.f32 v13;
	v13 =	vsub.f32 v19, v28;
	v15 =	vmul.f32 $1.442695020e+00, v12  }
0x11e: {  	v29 =	vpop (erf)  }
0x11f: {  	v13 =	vmul.f32 $1.442695020e+00, v13;
	(erf) = vpow2.f32 v14;
	v12 =	vpop (erf)  }
0x120: {  	v14 =	vsub.f32 v20, v28;
	v16 =	vadd.f32 v12, v29  }
0x121: {  	(erf) = vpow2.f32 v15;
	v15 =	vpop (erf)  }
0x122: {  	v14 =	vmul.f32 $1.442695020e+00, v14;
	v16 =	vadd.f32 v16, v15  }
0x123: {  	(erf) = vpow2.f32 v13;
	v13 =	vpop (erf)  }
0x124: {  	v17 =	vsub.f32 v21, v28;
	v16 =	vadd.f32 v16, v13;
	_ =	sdelay $0x1  }
0x125: {  	v18 =	vsub.f32 v22, v28;
	v17 =	vmul.f32 $1.442695020e+00, v17;
	(erf) = vpow2.f32 v14;
	v14 =	vpop (erf)  }
0x126: {  	v20 =	vadd.f32 v16, v14  }
0x127: {  	v18 =	vmul.f32 $1.442695020e+00, v18;
	(erf) = vpow2.f32 v17;
	v16 =	vpop (erf)  }
0x128: {  	v19 =	vsub.f32 v23, v28;
	v20 =	vadd.f32 v20, v16  }
0x129: {  	(erf) = vpow2.f32 v18;
	v17 =	vpop (erf)  }
0x12a: {  	v21 =	vsub.f32 v24, v28;
	v19 =	vmul.f32 $1.442695020e+00, v19;
	v20 =	vadd.f32 v20, v17;
	_ =	sdelay $0x1  }
0x12b: {  	v21 =	vmul.f32 $1.442695020e+00, v21;
	(erf) = vpow2.f32 v19;
	v19 =	vsub.f32 v26, v28;
	v18 =	vpop (erf)  }
0x12c: {  	v22 =	vsub.f32 v25, v28;
	v23 =	vadd.f32 v20, v18  }
0x12d: {  	(erf) = vpow2.f32 v21;
	v19 =	vmul.f32 $1.442695020e+00, v19;
	v20 =	vpop (erf)  }
0x12e: {  	v24 =	vsub.f32 v27, v28;
	v22 =	vmul.f32 $1.442695020e+00, v22;
	v23 =	vadd.f32 v23, v20  }
0x12f: {  	v21 =	vpop (erf)  }
0x130: {  	(erf) = vpow2.f32 v22;
	v22 =	vmul.f32 $1.442695020e+00, v24;
	v23 =	vadd.f32 v23, v21  }
0x131: {  	(erf) = vpow2.f32 v19;
	v19 =	vpop (erf)  }
0x132: {  	(erf) = vpow2.f32 v22;
	v22 =	vadd.f32 v23, v19;
	_ =	sdelay $0x1  }
0x133: {  	v25 =	vpop (erf)  }
0x134: {  	v23 =	vadd.f32 v22, v25  }
0x135: {  	v22 =	vpop (erf)  }
0x136: {  	v23 =	vadd.f32 v23, v22;
	_ =	sdelay $0x1  }
0x137: {  	v26 =	vpop (erf)  }
0x138: {  	v24 =	vadd.f32 v23, v26  }
0x139: {  	v23 =	vpop (erf)  }
0x13a: {  	v24 =	vadd.f32 v24, v23  }
0x13b: {  	v28 =	vpop (erf)  }
0x13c: {  	v24 =	vadd.f32 v24, v28;
	_ =	sdelay $0x1  }
0x13d: {  	(erf) = vrcp.f32 v24;
	_ =	sdelay $0x8  }
0x13e: {  	v24 =	vpop (erf)  }
0x13f: {  	s0 =	simm.s32 $0x1F0;
	s13 =	simm.s32 $0x1F200;
	v27 =	vmul.f32 v24, v29;
	v28 =	vmul.f32 v24, v28  }
.LBB2_11:
0x140: {  	p1 =	sne.s32 s0, $0x7F0  }
0x141: {  	v15 =	vmul.f32 v24, v15;
	v26 =	vmul.f32 v24, v26;
	s12 =	sadd.s32 $0x100, s12;
	s26 =	smov.u32 s0;
	s0 =	sadd.s32 $0x100, s0  }
0x142: {  	v12 =	vmul.f32 v24, v12;
	v25 =	vmul.f32 v24, v25;
	[tilespmem:s13+$0x70] =	vst v28  }
0x143: {  	v13 =	vmul.f32 v24, v13;
	v21 =	vmul.f32 v24, v21;
	[tilespmem:s13+$0xFFFFFF80] =	vst v27  }
0x144: {  	v20 =	vmul.f32 v24, v20;
	v22 =	vmul.f32 v24, v22;
	[tilespmem:s13+$0x50] =	vst v26  }
0x145: {  	v14 =	vmul.f32 v24, v14;
	v16 =	vmul.f32 v24, v16;
	[tilespmem:s13+$0x30] =	vst v25  }
0x146: {  	v17 =	vmul.f32 v24, v17;
	v18 =	vmul.f32 v24, v18;
	[tilespmem:s13+$0x10] =	vst v21  }
0x147: {  	[tilespmem:s13+$0xFFFFFFA0] =	vst v15;
	v15 =	vmul.f32 v24, v19;
	v19 =	vmul.f32 v24, v23  }
0x148: {  	[tilespmem:s13+$0x0] =	vst v20  }
0x149: {  	[tilespmem:s13+$0xFFFFFFF0] =	vst v18  }
0x14a: {  	[tilespmem:s13+$0xFFFFFFE0] =	vst v17  }
0x14b: {  	[tilespmem:s13+$0xFFFFFFD0] =	vst v16  }
0x14c: {  	s30 =	sadd.s32 $0xFFFFFF10, s26;
	[tilespmem:s13+$0x60] =	vst v19  }
0x14d: {  	v16 =	vor.u32 s30, v11;
	[tilespmem:s13+$0xFFFFFF90] =	vst v12  }
0x14e: {  	[tilespmem:s13+$0x40] =	vst v22  }
0x14f: {  	[tilespmem:s13+$0xFFFFFFB0] =	vst v13  }
0x150: {  	[tilespmem:s13+$0xFFFFFFC0] =	vst v14  }
0x151: {  	[tilespmem:s13+$0x20] =	vst v15;
	s13 =	smov.u32 s12  }
0x152: {  	v12 =	vld.idx.msk [tilespmem:v16+s28+$0x0], $0xffff  }
0x153: {  	v13 =	vld [tilespmem:s12+$0xFFFFFF80];
	_ =	sdelay $0x3  }
0x154: {  	s30 =	sadd.s32 $0xFFFFFF20, s26  }
0x155: {  	v12 =	vadd.f32 v12, v13;
	v13 =	vor.u32 s30, v11;
	_ =	sdelay $0x1  }
0x156: {  	v12 =	vmul.f32 $1.767766920e-01, v12;
	_ =	sdelay $0x1  }
0x157: {  	[tilespmem:s12+$0xFFFFFF80] =	vst v12  }
0x158: {  	v13 =	vld.idx.msk [tilespmem:v13+s28+$0x0], $0xffff  }
0x159: {  	v14 =	vld [tilespmem:s12+$0xFFFFFF90];
	_ =	sdelay $0x3  }
0x15a: {  	s30 =	sadd.s32 $0xFFFFFF30, s26  }
0x15b: {  	v13 =	vadd.f32 v13, v14;
	v14 =	vor.u32 s30, v11;
	_ =	sdelay $0x1  }
0x15c: {  	v13 =	vmul.f32 $1.767766920e-01, v13;
	_ =	sdelay $0x1  }
0x15d: {  	[tilespmem:s12+$0xFFFFFF90] =	vst v13;
	v16 =	vmax.f32 v12, v13  }
0x15e: {  	v14 =	vld.idx.msk [tilespmem:v14+s28+$0x0], $0xffff  }
0x15f: {  	v15 =	vld [tilespmem:s12+$0xFFFFFFA0];
	_ =	sdelay $0x3  }
0x160: {  	s30 =	sadd.s32 $0xFFFFFF40, s26  }
0x161: {  	v14 =	vadd.f32 v14, v15;
	v15 =	vor.u32 s30, v11;
	_ =	sdelay $0x1  }
0x162: {  	v14 =	vmul.f32 $1.767766920e-01, v14;
	_ =	sdelay $0x1  }
0x163: {  	[tilespmem:s12+$0xFFFFFFA0] =	vst v14  }
0x164: {  	v15 =	vld.idx.msk [tilespmem:v15+s28+$0x0], $0xffff  }
0x165: {  	v17 =	vld [tilespmem:s12+$0xFFFFFFB0];
	_ =	sdelay $0x3  }
0x166: {  	s30 =	sadd.s32 $0xFFFFFF50, s26  }
0x167: {  	v15 =	vadd.f32 v15, v17;
	v17 =	vor.u32 s30, v11;
	_ =	sdelay $0x1  }
0x168: {  	v15 =	vmul.f32 $1.767766920e-01, v15;
	_ =	sdelay $0x1  }
0x169: {  	[tilespmem:s12+$0xFFFFFFB0] =	vst v15  }
0x16a: {  	v17 =	vld.idx.msk [tilespmem:v17+s28+$0x0], $0xffff  }
0x16b: {  	v18 =	vld [tilespmem:s12+$0xFFFFFFC0];
	_ =	sdelay $0x3  }
0x16c: {  	s30 =	sadd.s32 $0xFFFFFF60, s26  }
0x16d: {  	v17 =	vadd.f32 v17, v18;
	v18 =	vor.u32 s30, v11;
	_ =	sdelay $0x1  }
0x16e: {  	v17 =	vmul.f32 $1.767766920e-01, v17;
	_ =	sdelay $0x1  }
0x16f: {  	[tilespmem:s12+$0xFFFFFFC0] =	vst v17  }
0x170: {  	v18 =	vld.idx.msk [tilespmem:v18+s28+$0x0], $0xffff  }
0x171: {  	v19 =	vld [tilespmem:s12+$0xFFFFFFD0];
	_ =	sdelay $0x3  }
0x172: {  	s30 =	sadd.s32 $0xFFFFFF70, s26  }
0x173: {  	v18 =	vadd.f32 v18, v19;
	v19 =	vor.u32 s30, v11;
	_ =	sdelay $0x1  }
0x174: {  	v18 =	vmul.f32 $1.767766920e-01, v18;
	_ =	sdelay $0x1  }
0x175: {  	[tilespmem:s12+$0xFFFFFFD0] =	vst v18  }
0x176: {  	v19 =	vld.idx.msk [tilespmem:v19+s28+$0x0], $0xffff  }
0x177: {  	v20 =	vld [tilespmem:s12+$0xFFFFFFE0];
	_ =	sdelay $0x3  }
0x178: {  	s30 =	sadd.s32 $0xFFFFFF80, s26  }
0x179: {  	v19 =	vadd.f32 v19, v20;
	v20 =	vor.u32 s30, v11;
	_ =	sdelay $0x1  }
0x17a: {  	v19 =	vmul.f32 $1.767766920e-01, v19;
	_ =	sdelay $0x1  }
0x17b: {  	[tilespmem:s12+$0xFFFFFFE0] =	vst v19  }
0x17c: {  	v20 =	vld.idx.msk [tilespmem:v20+s28+$0x0], $0xffff  }
0x17d: {  	v21 =	vld [tilespmem:s12+$0xFFFFFFF0];
	_ =	sdelay $0x3  }
0x17e: {  	s30 =	sadd.s32 $0xFFFFFF90, s26  }
0x17f: {  	v20 =	vadd.f32 v20, v21;
	v21 =	vor.u32 s30, v11;
	_ =	sdelay $0x1  }
0x180: {  	v20 =	vmul.f32 $1.767766920e-01, v20;
	_ =	sdelay $0x1  }
0x181: {  	[tilespmem:s12+$0xFFFFFFF0] =	vst v20  }
0x182: {  	v21 =	vld.idx.msk [tilespmem:v21+s28+$0x0], $0xffff  }
0x183: {  	v22 =	vld [tilespmem:s12+$0x0];
	_ =	sdelay $0x3  }
0x184: {  	s30 =	sadd.s32 $0xFFFFFFA0, s26  }
0x185: {  	v21 =	vadd.f32 v21, v22;
	v22 =	vor.u32 s30, v11;
	_ =	sdelay $0x1  }
0x186: {  	v21 =	vmul.f32 $1.767766920e-01, v21;
	_ =	sdelay $0x1  }
0x187: {  	[tilespmem:s12+$0x0] =	vst v21  }
0x188: {  	v22 =	vld.idx.msk [tilespmem:v22+s28+$0x0], $0xffff  }
0x189: {  	v23 =	vld [tilespmem:s12+$0x10];
	_ =	sdelay $0x3  }
0x18a: {  	s30 =	sadd.s32 $0xFFFFFFB0, s26  }
0x18b: {  	v22 =	vadd.f32 v22, v23;
	v23 =	vor.u32 s30, v11;
	_ =	sdelay $0x1  }
0x18c: {  	v22 =	vmul.f32 $1.767766920e-01, v22;
	_ =	sdelay $0x1  }
0x18d: {  	[tilespmem:s12+$0x10] =	vst v22  }
0x18e: {  	v23 =	vld.idx.msk [tilespmem:v23+s28+$0x0], $0xffff  }
0x18f: {  	v24 =	vld [tilespmem:s12+$0x20];
	_ =	sdelay $0x3  }
0x190: {  	s30 =	sadd.s32 $0xFFFFFFC0, s26  }
0x191: {  	v23 =	vadd.f32 v23, v24;
	v24 =	vor.u32 s30, v11;
	_ =	sdelay $0x1  }
0x192: {  	v23 =	vmul.f32 $1.767766920e-01, v23;
	_ =	sdelay $0x1  }
0x193: {  	[tilespmem:s12+$0x20] =	vst v23  }
0x194: {  	v24 =	vld.idx.msk [tilespmem:v24+s28+$0x0], $0xffff  }
0x195: {  	v25 =	vld [tilespmem:s12+$0x30];
	_ =	sdelay $0x3  }
0x196: {  	s30 =	sadd.s32 $0xFFFFFFD0, s26  }
0x197: {  	v24 =	vadd.f32 v24, v25;
	v25 =	vor.u32 s30, v11;
	_ =	sdelay $0x1  }
0x198: {  	v24 =	vmul.f32 $1.767766920e-01, v24;
	_ =	sdelay $0x1  }
0x199: {  	[tilespmem:s12+$0x30] =	vst v24  }
0x19a: {  	v25 =	vld.idx.msk [tilespmem:v25+s28+$0x0], $0xffff  }
0x19b: {  	v26 =	vld [tilespmem:s12+$0x40];
	_ =	sdelay $0x3  }
0x19c: {  	s30 =	sadd.s32 $0xFFFFFFE0, s26  }
0x19d: {  	v25 =	vadd.f32 v25, v26;
	v26 =	vor.u32 s30, v11;
	_ =	sdelay $0x1  }
0x19e: {  	v25 =	vmul.f32 $1.767766920e-01, v25;
	_ =	sdelay $0x1  }
0x19f: {  	[tilespmem:s12+$0x40] =	vst v25  }
0x1a0: {  	v26 =	vld.idx.msk [tilespmem:v26+s28+$0x0], $0xffff  }
0x1a1: {  	v27 =	vld [tilespmem:s12+$0x50];
	_ =	sdelay $0x3  }
0x1a2: {  	s30 =	sadd.s32 $0xFFFFFFF0, s26  }
0x1a3: {  	v26 =	vadd.f32 v26, v27;
	v27 =	vor.u32 s30, v11;
	_ =	sdelay $0x1  }
0x1a4: {  	v26 =	vmul.f32 $1.767766920e-01, v26;
	_ =	sdelay $0x1  }
0x1a5: {  	[tilespmem:s12+$0x50] =	vst v26  }
0x1a6: {  	v27 =	vld.idx.msk [tilespmem:v27+s28+$0x0], $0xffff  }
0x1a7: {  	v28 =	vld [tilespmem:s12+$0x60];
	_ =	sdelay $0x4  }
0x1a8: {  	v27 =	vadd.f32 v27, v28;
	v28 =	vor.u32 s26, v11;
	_ =	sdelay $0x1  }
0x1a9: {  	v16 =	vmax.f32 v16, v14;
	v27 =	vmul.f32 $1.767766920e-01, v27  }
0x1aa: {  	v16 =	vmax.f32 v16, v15  }
0x1ab: {  	v16 =	vmax.f32 v16, v17;
	[tilespmem:s12+$0x60] =	vst v27  }
0x1ac: {  	v16 =	vmax.f32 v16, v18;
	v28 =	vld.idx.msk [tilespmem:v28+s28+$0x0], $0xffff  }
0x1ad: {  	v16 =	vmax.f32 v16, v19;
	v29 =	vld [tilespmem:s12+$0x70]  }
0x1ae: {  	v16 =	vmax.f32 v16, v20  }
0x1af: {  	v16 =	vmax.f32 v16, v21  }
0x1b0: {  	v16 =	vmax.f32 v16, v22  }
0x1b1: {  	v16 =	vmax.f32 v16, v23  }
0x1b2: {  	v16 =	vmax.f32 v16, v24;
	v28 =	vadd.f32 v28, v29  }
0x1b3: {  	v16 =	vmax.f32 v16, v25  }
0x1b4: {  	v16 =	vmax.f32 v16, v26;
	v28 =	vmul.f32 $1.767766920e-01, v28  }
0x1b5: {  	v16 =	vmax.f32 v16, v27  }
0x1b6: {  	v16 =	vmax.f32 v16, v28  }
0x1b7: {  	v12 =	vsub.f32 v12, v16;
	v13 =	vsub.f32 v13, v16  }
0x1b8: {  	v14 =	vsub.f32 v14, v16;
	v15 =	vsub.f32 v15, v16  }
0x1b9: {  	v17 =	vsub.f32 v17, v16;
	v12 =	vmul.f32 $1.442695020e+00, v12;
	v13 =	vmul.f32 $1.442695020e+00, v13  }
0x1ba: {  	v18 =	vsub.f32 v18, v16;
	v14 =	vmul.f32 $1.442695020e+00, v14;
	v15 =	vmul.f32 $1.442695020e+00, v15  }
0x1bb: {  	v19 =	vsub.f32 v19, v16;
	v17 =	vmul.f32 $1.442695020e+00, v17;
	(erf) = vpow2.f32 v12  }
0x1bc: {  	v12 =	vmul.f32 $1.442695020e+00, v18;
	v18 =	vsub.f32 v20, v16;
	(erf) = vpow2.f32 v13  }
0x1bd: {  	v20 =	vsub.f32 v22, v16;
	v13 =	vmul.f32 $1.442695020e+00, v19;
	v19 =	vsub.f32 v21, v16  }
0x1be: {  	v21 =	vsub.f32 v23, v16;
	v18 =	vmul.f32 $1.442695020e+00, v18;
	(erf) = vpow2.f32 v14  }
0x1bf: {  	v14 =	vmul.f32 $1.442695020e+00, v19;
	v19 =	vmul.f32 $1.442695020e+00, v20;
	v20 =	vsub.f32 v24, v16  }
0x1c0: {  	v22 =	vsub.f32 v25, v16;
	v21 =	vmul.f32 $1.442695020e+00, v21;
	(erf) = vpow2.f32 v15  }
0x1c1: {  	v23 =	vsub.f32 v27, v16;
	v20 =	vmul.f32 $1.442695020e+00, v20;
	v15 =	vsub.f32 v26, v16  }
0x1c2: {  	v22 =	vmul.f32 $1.442695020e+00, v22;
	v16 =	vsub.f32 v28, v16;
	(erf) = vpow2.f32 v17  }
0x1c3: {  	v23 =	vmul.f32 $1.442695020e+00, v23;
	v24 =	vmul.f32 $1.442695020e+00, v15  }
0x1c4: {  	v25 =	vmul.f32 $1.442695020e+00, v16;
	v27 =	vpop (erf);
	(erf) = vpow2.f32 v12  }
0x1c5: {  	v12 =	vpop (erf)  }
0x1c6: {  	v16 =	vadd.f32 v12, v27;
	(erf) = vpow2.f32 v13  }
0x1c7: {  	v15 =	vpop (erf)  }
0x1c8: {  	v16 =	vadd.f32 v16, v15;
	(erf) = vpow2.f32 v18  }
0x1c9: {  	v13 =	vpop (erf)  }
0x1ca: {  	v18 =	vadd.f32 v16, v13;
	(erf) = vpow2.f32 v14  }
0x1cb: {  	v14 =	vpop (erf)  }
0x1cc: {  	v26 =	vadd.f32 v18, v14;
	(erf) = vpow2.f32 v19  }
0x1cd: {  	v16 =	vpop (erf)  }
0x1ce: {  	v26 =	vadd.f32 v26, v16;
	(erf) = vpow2.f32 v21  }
0x1cf: {  	v17 =	vpop (erf)  }
0x1d0: {  	v19 =	vadd.f32 v26, v17;
	(erf) = vpow2.f32 v20  }
0x1d1: {  	v18 =	vpop (erf)  }
0x1d2: {  	v19 =	vadd.f32 v19, v18;
	(erf) = vpow2.f32 v22  }
0x1d3: {  	v20 =	vpop (erf)  }
0x1d4: {  	v26 =	vadd.f32 v19, v20;
	(erf) = vpow2.f32 v24  }
0x1d5: {  	v21 =	vpop (erf)  }
0x1d6: {  	v22 =	vadd.f32 v26, v21;
	(erf) = vpow2.f32 v23  }
0x1d7: {  	v19 =	vpop (erf);
	(erf) = vpow2.f32 v25  }
0x1d8: {  	v24 =	vadd.f32 v22, v19  }
0x1d9: {  	v25 =	vpop (erf)  }
0x1da: {  	v23 =	vadd.f32 v24, v25  }
0x1db: {  	v22 =	vpop (erf)  }
0x1dc: {  	v28 =	vadd.f32 v23, v22  }
0x1dd: {  	v26 =	vpop (erf)  }
0x1de: {  	v24 =	vadd.f32 v28, v26  }
0x1df: {  	v23 =	vpop (erf)  }
0x1e0: {  	v24 =	vadd.f32 v24, v23;
	v28 =	vpop (erf);
	_ =	sdelay $0x1  }
0x1e1: {  	v24 =	vadd.f32 v24, v28;
	_ =	sdelay $0x1  }
0x1e2: {  	(erf) = vrcp.f32 v24;
	_ =	sdelay $0x5  }
.Ltmp4:
0x1e3: {  	(pc) =	sbr.rel @p1 .LBB2_11-.Ltmp4, $3  }
0x1e4: {  	_ =	sdelay $0x1  }
0x1e5: {  	v24 =	vpop (erf)  }
0x1e6: {  	v27 =	vmul.f32 v24, v27;
	v28 =	vmul.f32 v24, v28  }
0x1e7: {  	_ = 	snop  }
0x1e8: {  	v26 =	vmul.f32 v24, v26;
	[tilespmem:s13+$0x70] =	vst v28  }
0x1e9: {  	v25 =	vmul.f32 v24, v25;
	[tilespmem:s13+$0xFFFFFF80] =	vst v27  }
0x1ea: {  	v21 =	vmul.f32 v24, v21;
	[tilespmem:s13+$0x50] =	vst v26  }
0x1eb: {  	v15 =	vmul.f32 v24, v15;
	[tilespmem:s13+$0x30] =	vst v25  }
0x1ec: {  	v20 =	vmul.f32 v24, v20;
	[tilespmem:s13+$0x10] =	vst v21  }
0x1ed: {  	v18 =	vmul.f32 v24, v18;
	[tilespmem:s13+$0xFFFFFFA0] =	vst v15  }
0x1ee: {  	v59 =	vmul.f32 v24, v17;
	[tilespmem:s13+$0x0] =	vst v20  }
0x1ef: {  	v16 =	vmul.f32 v24, v16;
	[tilespmem:s13+$0xFFFFFFF0] =	vst v18  }
0x1f0: {  	v60 =	vmul.f32 v24, v23;
	[tilespmem:s13+$0xFFFFFFE0] =	vst v59  }
0x1f1: {  	v12 =	vmul.f32 v24, v12;
	[tilespmem:s13+$0xFFFFFFD0] =	vst v16  }
0x1f2: {  	v61 =	vmul.f32 v24, v22;
	[tilespmem:s13+$0x60] =	vst v60  }
0x1f3: {  	v13 =	vmul.f32 v24, v13;
	[tilespmem:s13+$0xFFFFFF90] =	vst v12  }
0x1f4: {  	v62 =	vmul.f32 v24, v14;
	[tilespmem:s13+$0x40] =	vst v61  }
0x1f5: {  	v63 =	vmul.f32 v24, v19;
	[tilespmem:s13+$0xFFFFFFB0] =	vst v13  }
0x1f6: {  	p1 =	seq.s32 s1, $0x0;
	[tilespmem:s13+$0xFFFFFFC0] =	vst v62  }
0x1f7: {  	s0 =	simm.s32 @!p1 $0x3;
	[tilespmem:s13+$0x20] =	vst v63  }
0x1f8: {  	_ =	swait.ge @!p1 [sflag:s0], $0x800  }
0x1f9: {  	[sflag:s0] =	ssyncset.done @!p1 $0x0  }
0x1fa: {  	s12 =	simm.s32 $0x0;
	s13 =	simm.s32 $0x0;
	[sflag:s0] =	ssyncadd.s32 @!p1 $0xFFFFF800  }
.LBB2_13:
0x1fb: {  	s0 =	sshll.u32 s13, $0x4;
	v12 =	vadd.s32 s12, v0;
	v17 =	vor.u32 $0x3800, v2;
	v18 =	vor.u32 $0x3C00, v2  }
0x1fc: {  	s26 =	simm.s32 $0x1;
	v34 =	vmov s0;
	v13 =	vand.u32 $0xF, v12;
	v15 =	vand.u32 $0x7, v12  }
0x1fd: {  	v12 =	vor.u32 $0x2000, v2;
	v19 =	vadd.s32 s26, v0;
	v14 =	vor.u32 v34, v13  }
0x1fe: {  	v13 =	vor.u32 $0x2400, v2;
	v22 =	vand.u32 $0xF, v19;
	v24 =	vand.u32 $0x7, v19  }
0x1ff: {  	v19 =	vor.u32 $0x3400, v2;
	v16 =	vand.u32 $0x78, v14;
	v21 =	vshll.u32 v14, $0x1  }
0x200: {  	v14 =	vor.u32 $0x3000, v2;
	v22 =	vor.u32 v34, v22;
	v23 =	vor.u32 v15, v16  }
0x201: {  	v15 =	vor.u32 $0x2C00, v2;
	v16 =	vor.u32 $0x2800, v2;
	v20 =	vor.u32 v2, v23  }
0x202: {  	v38 =	vand.u32 $0x78, v22;
	v37 =	vor.u32 v6, v23;
	v26 =	vor.u32 v5, v23  }
0x203: {  	s30 =	sshll.u32 s13, $0x8;
	v25 =	vor.u32 v4, v23;
	v35 =	vor.u32 v7, v23;
	v33 =	vor.u32 v8, v23  }
0x204: {  	s0 =	sand.u32 $0x3FFFFF00, s30;
	v32 =	vor.u32 v9, v23;
	v31 =	vor.u32 v10, v23;
	v30 =	vor.u32 v12, v23  }
0x205: {  	v46 =	vld [tilespmem:s0+$0x1F180];
	v29 =	vor.u32 v13, v23;
	v28 =	vor.u32 v15, v23;
	v27 =	vor.u32 v14, v23  }
0x206: {  	v36 =	vor.u32 v18, v23;
	v39 =	vor.u32 v19, v23;
	v43 =	vor.u32 v16, v23;
	v45 =	vld.idx.msk [tilespmem:v20+s17+$0x0], $0xffff  }
0x207: {  	v20 =	vshll.u32 v22, $0x1;
	v22 =	vor.u32 v24, v38;
	v38 =	vor.u32 v17, v23;
	v44 =	vld.idx.msk [tilespmem:v26+s17+$0x0], $0xffff  }
0x208: {  	v48 =	vld.idx.msk [tilespmem:v25+s17+$0x0], $0xffff;
	v24 =	vor.u32 v2, v22;
	v42 =	vor.u32 v6, v22;
	v23 =	vor.u32 v4, v22  }
0x209: {  	s26 =	simm.s32 $0x2;
	v47 =	vld [tilespmem:s0+$0x1F190];
	v26 =	vmovc v12;
	v25 =	vor.u32 v5, v22;
	v41 =	vor.u32 v7, v22;
	v40 =	vor.u32 v8, v22  }
.LBB2_14:
0x20a: {  	p1 =	sne.s32 s26, $0x7;
	v49 =	vor.u32 v9, v22;
	v50 =	vor.u32 v10, v22;
	v51 =	vld.idx.msk [tilespmem:v37+s17+$0x0], $0xffff;
	v37 =	vmov v42;
	s30 =	smov.u32 s26;
	s26 =	sadd.s32 $0x1, s26  }
0x20b: {  	v42 =	vor.u32 v26, v22;
	v52 =	vor.u32 v13, v22;
	v53 =	vunpack.i.l.bf16.f32 v45;
	v26 =	vmovc v12;
	v54 =	vld [tilespmem:s0+$0x1F1A0]  }
0x20c: {  	v55 =	vor.u32 v15, v22;
	v56 =	vor.u32 v14, v22;
	v45 =	vunpack.i.u.bf16.f32 v45;
	v57 =	vld.idx.msk [tilespmem:v35+s17+$0x0], $0xffff;
	v35 =	vmovc v41  }
0x20d: {  	v45 =	vmul.f32 v45, v46;
	v41 =	vmul.f32 v53, v46;
	v46 =	vunpack.i.u.bf16.f32 v44;
	v53 =	vld [tilespmem:s0+$0x1F1B0]  }
0x20e: {  	v44 =	vunpack.i.l.bf16.f32 v44;
	v58 =	vunpack.i.u.bf16.f32 v48;
	v48 =	vunpack.i.l.bf16.f32 v48;
	v59 =	vld.idx.msk [tilespmem:v33+s17+$0x0], $0xffff;
	v33 =	vmovc v40  }
0x20f: {  	v40 =	vadd.f32 $0.0e+00, v41;
	v41 =	vmul.f32 v48, v47;
	v47 =	vmul.f32 v58, v47;
	v48 =	vld [tilespmem:s0+$0x1F1C0]  }
0x210: {  	v45 =	vadd.f32 $0.0e+00, v45;
	v58 =	vunpack.i.u.bf16.f32 v51;
	v44 =	vmul.f32 v44, v54;
	v60 =	vld.idx.msk [tilespmem:v32+s17+$0x0], $0xffff;
	v32 =	vmovc v49  }
0x211: {  	v40 =	vadd.f32 v41, v40;
	v41 =	vmul.f32 v46, v54;
	v46 =	vunpack.i.l.bf16.f32 v51;
	v49 =	vld.idx.msk [tilespmem:v31+s17+$0x0], $0xffff;
	v31 =	vmovc v50  }
0x212: {  	v45 =	vadd.f32 v47, v45;
	v46 =	vmul.f32 v46, v53;
	v47 =	vmul.f32 v58, v53;
	v50 =	vld [tilespmem:s0+$0x1F1D0]  }
0x213: {  	v51 =	vunpack.i.l.bf16.f32 v57;
	v40 =	vadd.f32 v44, v40;
	v44 =	vunpack.i.u.bf16.f32 v57;
	v53 =	vld.idx.msk [tilespmem:v30+s17+$0x0], $0xffff;
	v30 =	vmovc v42  }
0x214: {  	v41 =	vadd.f32 v41, v45;
	v42 =	vmul.f32 v51, v48;
	v44 =	vmul.f32 v44, v48;
	v45 =	vld [tilespmem:s0+$0x1F1E0]  }
0x215: {  	v40 =	vadd.f32 v46, v40;
	v46 =	vunpack.i.u.bf16.f32 v59;
	v48 =	vunpack.i.l.bf16.f32 v59;
	v51 =	vld.idx.msk [tilespmem:v29+s17+$0x0], $0xffff;
	v29 =	vmovc v52  }
0x216: {  	v41 =	vadd.f32 v47, v41;
	v47 =	vunpack.i.u.bf16.f32 v60;
	v52 =	vunpack.i.l.bf16.f32 v60;
	v54 =	vld [tilespmem:s0+$0x1F1F0]  }
0x217: {  	v40 =	vadd.f32 v42, v40;
	v42 =	vmul.f32 v48, v50;
	v48 =	vunpack.i.l.bf16.f32 v49;
	v43 =	vld.idx.msk [tilespmem:v43+s17+$0x0], $0xffff  }
0x218: {  	v41 =	vadd.f32 v44, v41;
	v44 =	vmul.f32 v46, v50;
	v46 =	vunpack.i.u.bf16.f32 v49;
	v49 =	vld [tilespmem:s0+$0x1F200]  }
0x219: {  	v50 =	vunpack.i.l.bf16.f32 v53;
	v40 =	vadd.f32 v42, v40;
	v42 =	vmul.f32 v52, v45;
	v52 =	vld.idx.msk [tilespmem:v28+s17+$0x0], $0xffff;
	v28 =	vmovc v55  }
0x21a: {  	v41 =	vadd.f32 v44, v41;
	v44 =	vmul.f32 v47, v45;
	v45 =	vunpack.i.u.bf16.f32 v53;
	v47 =	vld [tilespmem:s0+$0x1F210]  }
0x21b: {  	v40 =	vadd.f32 v42, v40;
	v42 =	vmul.f32 v48, v54;
	v48 =	vunpack.i.l.bf16.f32 v51;
	v53 =	vld.idx.msk [tilespmem:v27+s17+$0x0], $0xffff;
	v27 =	vmovc v56  }
0x21c: {  	v41 =	vadd.f32 v44, v41;
	v44 =	vmul.f32 v46, v54;
	v46 =	vunpack.i.u.bf16.f32 v51;
	v51 =	vld [tilespmem:s0+$0x1F220]  }
0x21d: {  	v40 =	vadd.f32 v42, v40;
	v42 =	vmul.f32 v50, v49;
	v50 =	vunpack.i.l.bf16.f32 v43;
	v39 =	vld.idx.msk [tilespmem:v39+s17+$0x0], $0xffff  }
0x21e: {  	v41 =	vadd.f32 v44, v41;
	v44 =	vmul.f32 v45, v49;
	v43 =	vunpack.i.u.bf16.f32 v43;
	v45 =	vld [tilespmem:s0+$0x1F230]  }
0x21f: {  	v40 =	vadd.f32 v42, v40;
	v42 =	vmul.f32 v48, v47;
	v48 =	vunpack.i.l.bf16.f32 v52;
	v38 =	vld.idx.msk [tilespmem:v38+s17+$0x0], $0xffff  }
0x220: {  	v41 =	vadd.f32 v44, v41;
	v44 =	vmul.f32 v46, v47;
	v46 =	vunpack.i.u.bf16.f32 v52;
	v47 =	vld [tilespmem:s0+$0x1F240]  }
0x221: {  	v49 =	vunpack.i.l.bf16.f32 v53;
	v40 =	vadd.f32 v42, v40;
	v42 =	vmul.f32 v50, v51;
	v36 =	vld.idx.msk [tilespmem:v36+s17+$0x0], $0xffff  }
0x222: {  	v41 =	vadd.f32 v44, v41;
	v43 =	vmul.f32 v43, v51;
	v44 =	vunpack.i.u.bf16.f32 v53;
	v50 =	vld [tilespmem:s0+$0x1F250]  }
0x223: {  	v40 =	vadd.f32 v42, v40;
	v42 =	vmul.f32 v48, v45;
	v48 =	vunpack.i.l.bf16.f32 v39  }
0x224: {  	v41 =	vadd.f32 v43, v41;
	v43 =	vmul.f32 v46, v45;
	v39 =	vunpack.i.u.bf16.f32 v39;
	v45 =	vld [tilespmem:s0+$0x1F260]  }
0x225: {  	v46 =	vunpack.i.l.bf16.f32 v38;
	v40 =	vadd.f32 v42, v40;
	v42 =	vmul.f32 v49, v47  }
0x226: {  	v38 =	vunpack.i.u.bf16.f32 v38;
	v41 =	vadd.f32 v43, v41;
	v43 =	vmul.f32 v44, v47;
	v44 =	vld [tilespmem:s0+$0x1F270]  }
0x227: {  	v47 =	vunpack.i.l.bf16.f32 v36;
	v40 =	vadd.f32 v42, v40;
	v42 =	vmul.f32 v48, v50  }
0x228: {  	v36 =	vunpack.i.u.bf16.f32 v36;
	v41 =	vadd.f32 v43, v41;
	v39 =	vmul.f32 v39, v50  }
0x229: {  	v40 =	vadd.f32 v42, v40;
	v42 =	vmul.f32 v46, v45  }
0x22a: {  	v39 =	vadd.f32 v39, v41;
	v38 =	vmul.f32 v38, v45;
	v41 =	vor.u32 v1, v21  }
0x22b: {  	v43 =	vor.u32 v3, v21;
	v21 =	vmovc v20;
	v40 =	vadd.f32 v42, v40;
	v42 =	vmul.f32 v47, v44  }
0x22c: {  	v20 =	vadd.f32 v38, v39;
	v36 =	vmul.f32 v36, v44  }
0x22d: {  	v38 =	vadd.f32 v42, v40  }
0x22e: {  	v39 =	vadd.s32 s30, v0;
	v20 =	vadd.f32 v36, v20  }
0x22f: {  	v36 =	vand.u32 $0xF, v39;
	[tilespmem:v41+s29+$0x0] =	vst.idx.msk $0xffff, v38  }
0x230: {  	v36 =	vor.u32 v34, v36;
	v38 =	vand.u32 $0x7, v39;
	[tilespmem:v43+s29+$0x0] =	vst.idx.msk $0xffff, v20  }
.Ltmp5:
0x231: {  	v39 =	vand.u32 $0x78, v36;
	v20 =	vshll.u32 v36, $0x1;
	v36 =	vor.u32 v18, v22;
	v45 =	vld.idx.msk [tilespmem:v24+s17+$0x0], $0xffff;
	(pc) =	sbr.rel @p1 .LBB2_14-.Ltmp5, $4  }
0x232: {  	v40 =	vor.u32 v38, v39;
	v39 =	vor.u32 v19, v22;
	v38 =	vor.u32 v17, v22;
	v46 =	vld [tilespmem:s0+$0x1F180]  }
0x233: {  	v43 =	vor.u32 v16, v22;
	v24 =	vor.u32 v2, v40;
	v42 =	vor.u32 v6, v40;
	v44 =	vld.idx.msk [tilespmem:v25+s17+$0x0], $0xffff  }
0x234: {  	v22 =	vmov v40;
	v25 =	vor.u32 v5, v40;
	v48 =	vld.idx.msk [tilespmem:v23+s17+$0x0], $0xffff;
	v23 =	vor.u32 v4, v40  }
0x235: {  	v41 =	vor.u32 v7, v22;
	v40 =	vor.u32 v8, v22;
	v47 =	vld [tilespmem:s0+$0x1F190]  }
0x236: {  	_ =	sdelay $0x2  }
0x237: {  	v34 =	vld [tilespmem:s0+$0x1F1A0]  }
0x238: {  	v37 =	vld.idx.msk [tilespmem:v37+s17+$0x0], $0xffff  }
0x239: {  	v49 =	vunpack.i.l.bf16.f32 v45;
	v60 =	vunpack.i.u.bf16.f32 v45;
	v61 =	vld [tilespmem:s0+$0x1F1B0]  }
0x23a: {  	v35 =	vld.idx.msk [tilespmem:v35+s17+$0x0], $0xffff;
	v49 =	vmul.f32 v49, v46;
	v45 =	vmul.f32 v60, v46  }
0x23b: {  	v52 =	vld [tilespmem:s0+$0x1F1C0];
	v50 =	vunpack.i.u.bf16.f32 v44;
	v63 =	vunpack.i.l.bf16.f32 v44;
	v62 =	vunpack.i.l.bf16.f32 v48  }
0x23c: {  	v32 =	vld.idx.msk [tilespmem:v32+s17+$0x0], $0xffff;
	v51 =	vunpack.i.u.bf16.f32 v48;
	v49 =	vadd.f32 $0.0e+00, v49;
	v48 =	vmul.f32 v62, v47  }
0x23d: {  	v33 =	vld.idx.msk [tilespmem:v33+s17+$0x0], $0xffff;
	v45 =	vadd.f32 $0.0e+00, v45;
	v55 =	vmul.f32 v51, v47;
	v44 =	vmul.f32 v63, v34  }
0x23e: {  	v57 =	vld [tilespmem:s0+$0x1F1D0];
	v56 =	vunpack.i.u.bf16.f32 v37;
	v37 =	vunpack.i.l.bf16.f32 v37;
	v48 =	vadd.f32 v48, v49  }
0x23f: {  	v31 =	vld.idx.msk [tilespmem:v31+s17+$0x0], $0xffff;
	v34 =	vmul.f32 v50, v34;
	v58 =	vunpack.i.l.bf16.f32 v35;
	v45 =	vadd.f32 v55, v45  }
0x240: {  	v30 =	vld.idx.msk [tilespmem:v30+s17+$0x0], $0xffff;
	v35 =	vunpack.i.u.bf16.f32 v35;
	v37 =	vmul.f32 v37, v61;
	v44 =	vadd.f32 v44, v48  }
0x241: {  	v60 =	vld [tilespmem:s0+$0x1F1E0];
	v62 =	vunpack.i.u.bf16.f32 v32;
	v46 =	vmul.f32 v56, v61;
	v34 =	vadd.f32 v34, v45  }
0x242: {  	v29 =	vld.idx.msk [tilespmem:v29+s17+$0x0], $0xffff;
	v59 =	vmul.f32 v58, v52;
	v35 =	vmul.f32 v35, v52;
	v37 =	vadd.f32 v37, v44  }
0x243: {  	v63 =	vld [tilespmem:s0+$0x1F1F0];
	v61 =	vunpack.i.u.bf16.f32 v33;
	v33 =	vunpack.i.l.bf16.f32 v33;
	v34 =	vadd.f32 v46, v34  }
0x244: {  	v43 =	vld.idx.msk [tilespmem:v43+s17+$0x0], $0xffff;
	v32 =	vunpack.i.l.bf16.f32 v32;
	v33 =	vmul.f32 v33, v57;
	v37 =	vadd.f32 v59, v37  }
0x245: {  	v50 =	vunpack.i.l.bf16.f32 v31;
	v52 =	vld [tilespmem:s0+$0x1F200];
	v51 =	vmul.f32 v61, v57;
	v34 =	vadd.f32 v35, v34  }
0x246: {  	v28 =	vld.idx.msk [tilespmem:v28+s17+$0x0], $0xffff;
	v31 =	vunpack.i.u.bf16.f32 v31;
	v32 =	vmul.f32 v32, v60;
	v33 =	vadd.f32 v33, v37  }
0x247: {  	v53 =	vunpack.i.l.bf16.f32 v30;
	v54 =	vmul.f32 v62, v60;
	v55 =	vld [tilespmem:s0+$0x1F210];
	v34 =	vadd.f32 v51, v34  }
0x248: {  	v27 =	vld.idx.msk [tilespmem:v27+s17+$0x0], $0xffff;
	v30 =	vunpack.i.u.bf16.f32 v30;
	v56 =	vmul.f32 v50, v63;
	v32 =	vadd.f32 v32, v33  }
0x249: {  	v58 =	vld [tilespmem:s0+$0x1F220];
	v60 =	vunpack.i.l.bf16.f32 v43;
	v31 =	vmul.f32 v31, v63;
	v34 =	vadd.f32 v54, v34  }
0x24a: {  	v38 =	vld.idx.msk [tilespmem:v38+s17+$0x0], $0xffff;
	v43 =	vunpack.i.u.bf16.f32 v43;
	v59 =	vmul.f32 v53, v52;
	v32 =	vadd.f32 v56, v32  }
0x24b: {  	v57 =	vunpack.i.l.bf16.f32 v29;
	v61 =	vld [tilespmem:s0+$0x1F230];
	v30 =	vmul.f32 v30, v52;
	v31 =	vadd.f32 v31, v34  }
0x24c: {  	v36 =	vld.idx.msk [tilespmem:v36+s17+$0x0], $0xffff;
	v29 =	vunpack.i.u.bf16.f32 v29;
	v62 =	vmul.f32 v57, v55;
	v32 =	vadd.f32 v59, v32  }
0x24d: {  	v48 =	vunpack.i.l.bf16.f32 v27;
	v46 =	vld [tilespmem:s0+$0x1F240];
	v29 =	vmul.f32 v29, v55;
	v30 =	vadd.f32 v30, v31  }
0x24e: {  	v39 =	vld.idx.msk [tilespmem:v39+s17+$0x0], $0xffff;
	v27 =	vunpack.i.u.bf16.f32 v27;
	v47 =	vmul.f32 v60, v58;
	v32 =	vadd.f32 v62, v32  }
0x24f: {  	v63 =	vunpack.i.l.bf16.f32 v28;
	v50 =	vld [tilespmem:s0+$0x1F250];
	v49 =	vmul.f32 v43, v58;
	v29 =	vadd.f32 v29, v30  }
0x250: {  	v28 =	vunpack.i.u.bf16.f32 v28;
	v51 =	vmul.f32 v63, v61;
	v32 =	vadd.f32 v47, v32  }
0x251: {  	v58 =	vunpack.i.u.bf16.f32 v38;
	v28 =	vmul.f32 v28, v61;
	v53 =	vld [tilespmem:s0+$0x1F260];
	v29 =	vadd.f32 v49, v29  }
0x252: {  	v60 =	vunpack.i.l.bf16.f32 v36;
	v55 =	vmul.f32 v48, v46;
	v32 =	vadd.f32 v51, v32  }
0x253: {  	v57 =	vld [tilespmem:s0+$0x1F270];
	v52 =	vunpack.i.l.bf16.f32 v39;
	v27 =	vmul.f32 v27, v46;
	v28 =	vadd.f32 v28, v29  }
0x254: {  	v54 =	vunpack.i.u.bf16.f32 v39;
	v59 =	vmul.f32 v52, v50;
	v32 =	vadd.f32 v55, v32  }
0x255: {  	v61 =	vmul.f32 v54, v50;
	v56 =	vunpack.i.l.bf16.f32 v38;
	v27 =	vadd.f32 v27, v28  }
0x256: {  	v37 =	vor.u32 v1, v21;
	v63 =	vmul.f32 v56, v53;
	v32 =	vadd.f32 v59, v32  }
0x257: {  	v62 =	vunpack.i.u.bf16.f32 v36;
	v36 =	vmul.f32 v58, v53;
	v27 =	vadd.f32 v61, v27  }
0x258: {  	v44 =	vor.u32 v3, v21;
	v43 =	vmul.f32 v60, v57;
	v39 =	vadd.f32 v63, v32  }
0x259: {  	v45 =	vmul.f32 v62, v57;
	v27 =	vadd.f32 v36, v27  }
0x25a: {  	v46 =	vadd.f32 v43, v39  }
0x25b: {  	v27 =	vadd.f32 v45, v27  }
0x25c: {  	[tilespmem:v37+s29+$0x0] =	vst.idx.msk $0xffff, v46  }
0x25d: {  	[tilespmem:v44+s29+$0x0] =	vst.idx.msk $0xffff, v27  }
0x25e: {  	v21 =	vld.idx.msk [tilespmem:v24+s17+$0x0], $0xffff  }
0x25f: {  	v47 =	vld [tilespmem:s0+$0x1F180]  }
0x260: {  	v25 =	vld.idx.msk [tilespmem:v25+s17+$0x0], $0xffff  }
0x261: {  	v23 =	vld.idx.msk [tilespmem:v23+s17+$0x0], $0xffff  }
0x262: {  	v26 =	vor.u32 v26, v22;
	v48 =	vor.u32 v9, v22;
	v51 =	vld [tilespmem:s0+$0x1F190]  }
0x263: {  	v33 =	vor.u32 v18, v22;
	v34 =	vor.u32 v19, v22;
	v50 =	vor.u32 v13, v22;
	v52 =	vld [tilespmem:s0+$0x1F1A0]  }
0x264: {  	v30 =	vor.u32 v15, v22;
	v49 =	vor.u32 v10, v22;
	v55 =	vor.u32 v16, v22;
	v53 =	vld.idx.msk [tilespmem:v42+s17+$0x0], $0xffff  }
0x265: {  	v32 =	vor.u32 v14, v22;
	v36 =	vor.u32 v17, v22;
	v56 =	vld [tilespmem:s0+$0x1F1B0];
	v54 =	vunpack.i.l.bf16.f32 v21  }
0x266: {  	v57 =	vld.idx.msk [tilespmem:v41+s17+$0x0], $0xffff;
	v21 =	vunpack.i.u.bf16.f32 v21;
	v58 =	vunpack.i.u.bf16.f32 v25;
	v38 =	vmul.f32 v54, v47  }
0x267: {  	v60 =	vld [tilespmem:s0+$0x1F1C0];
	v59 =	vunpack.i.u.bf16.f32 v23;
	v23 =	vunpack.i.l.bf16.f32 v23;
	v21 =	vmul.f32 v21, v47  }
0x268: {  	v40 =	vld.idx.msk [tilespmem:v40+s17+$0x0], $0xffff;
	v25 =	vunpack.i.l.bf16.f32 v25;
	v23 =	vmul.f32 v23, v51;
	v38 =	vadd.f32 $0.0e+00, v38  }
0x269: {  	v27 =	vld.idx.msk [tilespmem:v48+s17+$0x0], $0xffff;
	v61 =	vunpack.i.u.bf16.f32 v53;
	v31 =	vmul.f32 v59, v51;
	v21 =	vadd.f32 $0.0e+00, v21  }
0x26a: {  	v63 =	vld [tilespmem:s0+$0x1F1D0];
	v37 =	vunpack.i.l.bf16.f32 v53;
	v25 =	vmul.f32 v25, v52;
	v23 =	vadd.f32 v23, v38  }
0x26b: {  	v28 =	vld.idx.msk [tilespmem:v49+s17+$0x0], $0xffff;
	v42 =	vunpack.i.l.bf16.f32 v57;
	v35 =	vmul.f32 v58, v52;
	v21 =	vadd.f32 v31, v21  }
0x26c: {  	v29 =	vld.idx.msk [tilespmem:v50+s17+$0x0], $0xffff;
	v44 =	vunpack.i.u.bf16.f32 v57;
	v62 =	vmul.f32 v37, v56;
	v23 =	vadd.f32 v25, v23  }
0x26d: {  	v45 =	vld [tilespmem:s0+$0x1F1E0];
	v46 =	vunpack.i.u.bf16.f32 v40;
	v24 =	vmul.f32 v61, v56;
	v21 =	vadd.f32 v35, v21  }
0x26e: {  	v26 =	vld.idx.msk [tilespmem:v26+s17+$0x0], $0xffff;
	v48 =	vunpack.i.u.bf16.f32 v27;
	v25 =	vmul.f32 v42, v60;
	v23 =	vadd.f32 v62, v23  }
0x26f: {  	v49 =	vld [tilespmem:s0+$0x1F1F0];
	v47 =	vunpack.i.l.bf16.f32 v40;
	v38 =	vmul.f32 v44, v60;
	v21 =	vadd.f32 v24, v21  }
0x270: {  	v22 =	vld.idx.msk [tilespmem:v55+s17+$0x0], $0xffff;
	v27 =	vunpack.i.l.bf16.f32 v27;
	v50 =	vmul.f32 v47, v63;
	v23 =	vadd.f32 v25, v23  }
0x271: {  	v57 =	vunpack.i.l.bf16.f32 v29;
	v52 =	vld [tilespmem:s0+$0x1F200];
	v31 =	vmul.f32 v46, v63;
	v21 =	vadd.f32 v38, v21  }
0x272: {  	v32 =	vld.idx.msk [tilespmem:v32+s17+$0x0], $0xffff;
	v29 =	vunpack.i.u.bf16.f32 v29;
	v53 =	vmul.f32 v27, v45;
	v23 =	vadd.f32 v50, v23  }
0x273: {  	v55 =	vld [tilespmem:s0+$0x1F210];
	v51 =	vunpack.i.l.bf16.f32 v28;
	v24 =	vmul.f32 v48, v45;
	v21 =	vadd.f32 v31, v21  }
0x274: {  	v28 =	vunpack.i.u.bf16.f32 v28;
	v56 =	vmul.f32 v51, v49;
	v23 =	vadd.f32 v53, v23  }
0x275: {  	v54 =	vunpack.i.l.bf16.f32 v26;
	v59 =	vld [tilespmem:s0+$0x1F220];
	v58 =	vmul.f32 v28, v49;
	v21 =	vadd.f32 v24, v21  }
0x276: {  	v30 =	vld.idx.msk [tilespmem:v30+s17+$0x0], $0xffff;
	v26 =	vunpack.i.u.bf16.f32 v26;
	v60 =	vmul.f32 v54, v52;
	v23 =	vadd.f32 v56, v23  }
0x277: {  	v43 =	vunpack.i.l.bf16.f32 v32;
	v63 =	vld [tilespmem:s0+$0x1F230];
	v62 =	vmul.f32 v26, v52;
	v21 =	vadd.f32 v58, v21  }
0x278: {  	v34 =	vld.idx.msk [tilespmem:v34+s17+$0x0], $0xffff;
	v32 =	vunpack.i.u.bf16.f32 v32;
	v37 =	vmul.f32 v57, v55;
	v23 =	vadd.f32 v60, v23  }
0x279: {  	v61 =	vunpack.i.l.bf16.f32 v22;
	v39 =	vmul.f32 v29, v55;
	v40 =	vld [tilespmem:s0+$0x1F240];
	v21 =	vadd.f32 v62, v21  }
0x27a: {  	v22 =	vunpack.i.u.bf16.f32 v22;
	v42 =	vmul.f32 v61, v59;
	v23 =	vadd.f32 v37, v23  }
0x27b: {  	v44 =	vld [tilespmem:s0+$0x1F250];
	v22 =	vmul.f32 v22, v59;
	v38 =	vunpack.i.l.bf16.f32 v30;
	v21 =	vadd.f32 v39, v21  }
0x27c: {  	v41 =	vld.idx.msk [tilespmem:v36+s17+$0x0], $0xffff;
	v30 =	vunpack.i.u.bf16.f32 v30;
	v46 =	vmul.f32 v38, v63;
	v23 =	vadd.f32 v42, v23  }
0x27d: {  	v47 =	vunpack.i.l.bf16.f32 v34;
	v49 =	vld [tilespmem:s0+$0x1F260];
	v48 =	vmul.f32 v30, v63;
	v21 =	vadd.f32 v22, v21  }
0x27e: {  	v51 =	vmul.f32 v43, v40;
	v61 =	vor.u32 v1, v20;
	v45 =	vld.idx.msk [tilespmem:v33+s17+$0x0], $0xffff;
	v23 =	vadd.f32 v46, v23  }
0x27f: {  	v54 =	vld [tilespmem:s0+$0x1F270];
	v20 =	vor.u32 v3, v20;
	v53 =	vmul.f32 v32, v40;
	v21 =	vadd.f32 v48, v21  }
0x280: {  	v55 =	vmul.f32 v47, v44;
	v50 =	vunpack.i.u.bf16.f32 v34;
	v23 =	vadd.f32 v51, v23  }
0x281: {  	v52 =	vunpack.i.l.bf16.f32 v41;
	v57 =	vmul.f32 v50, v44;
	v21 =	vadd.f32 v53, v21  }
0x282: {  	v59 =	vmul.f32 v52, v49;
	v31 =	vunpack.i.u.bf16.f32 v41;
	v23 =	vadd.f32 v55, v23  }
0x283: {  	s13 =	sadd.s32 $0x1, s13;
	v56 =	vunpack.i.l.bf16.f32 v45;
	v60 =	vmul.f32 v31, v49;
	v21 =	vadd.f32 v57, v21  }
0x284: {  	p1 =	sne.s32 s13, $0x8;
	v58 =	vunpack.i.u.bf16.f32 v45;
	v62 =	vmul.f32 v56, v54;
	v23 =	vadd.f32 v59, v23  }
.Ltmp6:
0x285: {  	v63 =	vmul.f32 v58, v54;
	v21 =	vadd.f32 v60, v21;
	(pc) =	sbr.rel @p1 .LBB2_13-.Ltmp6, $4  }
0x286: {  	v23 =	vadd.f32 v62, v23  }
0x287: {  	v21 =	vadd.f32 v63, v21  }
0x288: {  	[tilespmem:v61+s29+$0x0] =	vst.idx.msk $0xffff, v23  }
0x289: {  	[tilespmem:v20+s29+$0x0] =	vst.idx.msk $0xffff, v21  }
0x28a: {  	s0 =	sshll.u32 s1, $0xC  }
0x28b: {  	s0 =	sadd.s32 s11, s0  }
0x28c: {  	s0 =	sshrl.u32 s0, $0x3  }
0x28d: {  	p1 =	seq.s32 s1, $0x13;
	s0 =	sadd.s32 s8, s0  }
0x28e: {  	[hbm4b:s0+s3] =	stream.linear.scatter [tilespmem:s29], [sflag:$0x3], $0x800, $0x38;
	[tilespmem:$0x1F980] =	vst v63  }
0x28f: {  	s0 =	sadd.s32 @!p1 $0x2, s10  }
0x290: {  	s10 =	sshll.u32 @!p1 s0, $0x7  }
0x291: {  	s10 =	sadd.s32 @!p1 s6, s10  }
0x292: {  	s10 =	sshrl.u32 @!p1 s10, $0x3  }
0x293: {  	s12 =	simm.s32 @!p1 $0x0;
	s13 =	simm.s32 @!p1 $0x13880;
	s10 =	sadd.s32 @!p1 s7, s10  }
0x294: {  	[tilespmem:s13], [sflag:$0x4] =	stream.linear.gather @!p1 [hbm4b:s10+s12], $0x80, $0x38;
	[tilespmem:$0x1F980] =	vst v63  }
0x295: {  	s10 =	simm.s32 @!p1 $0x4  }
0x296: {  	s0 =	sshll.u32 @!p1 s0, $0xB;
	_ =	swait.ge @!p1 [sflag:s10], $0x80  }
0x297: {  	s26 =	simm.s32 @!p1 $0x15980;
	s0 =	sadd.s32 @!p1 s11, s0;
	[sflag:s10] =	ssyncset.done @!p1 $0x0  }
0x298: {  	s0 =	sshrl.u32 @!p1 s0, $0x3;
	[sflag:s10] =	ssyncadd.s32 @!p1 $0xFFFFFF80;
	s10 =	simm.s32 @!p1 $0x80  }
0x299: {  	[tilespmem:s26], [sflag:$0x2] =	stream.indirect.gather @!p1 [hbm4b:s4+s10], $0x80, s13, s10, $0xb8;
	[tilespmem:$0x1F980] =	vst v63  }
0x29a: {  	s0 =	sadd.s32 @!p1 s5, s0;
	s10 =	simm.s32 @!p1 $0x1D980  }
0x29b: {  	[tilespmem:s10], [sflag:$0x2] =	stream.linear.gather @!p1 [hbm4b:s0+s12], $0x800, $0x38;
	[tilespmem:$0x1F980] =	vst v63  }
0x29c: {  	_ =	swait.ge [sflag:s22], $0x4000  }
0x29d: {  	[sflag:s22] =	ssyncset.done $0x0  }
0x29e: {  	[sflag:s22] =	ssyncadd.s32 $0xFFFFC000  }
0x29f: {  	_ =	swait.ge [sflag:s22], $0x800  }
0x2a0: {  	[sflag:s22] =	ssyncset.done $0x0  }
0x2a1: {  	[sflag:s22] =	ssyncadd.s32 $0xFFFFF800  }
0x2a2: {  	[tilespmem:s24], [sflag:$0x1] =	stream.indirect.gather [spmem:s2], $0x80, s19, s23, $0xb8;
	[tilespmem:$0x1F980] =	vst v63  }
0x2a3: {  	_ =	swait.ge [sflag:s25], $0x2000  }
0x2a4: {  	[sflag:s25] =	ssyncset.done $0x0  }
0x2a5: {  	s0 =	simm.s32 $0x0;
	s10 =	simm.s32 $0x0;
	[sflag:s25] =	ssyncadd.s32 $0xFFFFE000  }
.LBB2_17:
0x2a6: {  	s12 =	sshll.u32 s10, $0x4;
	v20 =	vadd.s32 s0, v0  }
0x2a7: {  	v22 =	vmov s12;
	v21 =	vand.u32 $0xF, v20  }
0x2a8: {  	v21 =	vor.u32 v22, v21  }
0x2a9: {  	v20 =	vand.u32 $0x7, v20;
	v23 =	vand.u32 $0x78, v21  }
0x2aa: {  	v20 =	vor.u32 v20, v23  }
0x2ab: {  	v23 =	vor.u32 v4, v20  }
0x2ac: {  	v24 =	vor.u32 v6, v20  }
0x2ad: {  	v25 =	vor.u32 v2, v20  }
0x2ae: {  	v21 =	vshll.u32 v21, $0x1;
	v26 =	vor.u32 v5, v20  }
0x2af: {  	v27 =	vor.u32 v1, v21  }
0x2b0: {  	v28 =	vor.u32 v9, v20;
	v23 =	vld.idx.msk [tilespmem:v23+s24+$0x0], $0xffff  }
0x2b1: {  	v30 =	vor.u32 v8, v20;
	v33 =	vld.idx.msk [tilespmem:v24+s24+$0x0], $0xffff  }
0x2b2: {  	v24 =	vor.u32 v3, v21;
	v25 =	vld.idx.msk [tilespmem:v25+s24+$0x0], $0xffff  }
0x2b3: {  	v29 =	vld.idx.msk [tilespmem:v26+s24+$0x0], $0xffff  }
0x2b4: {  	v21 =	vld.idx.msk [tilespmem:v27+s21+$0x0], $0xffff  }
0x2b5: {  	v27 =	vor.u32 v10, v20;
	v36 =	vld.idx.msk [tilespmem:v28+s24+$0x0], $0xffff  }
0x2b6: {  	v32 =	vor.u32 v7, v20;
	v26 =	vimm.f32 $0.0e+00;
	v35 =	vld.idx.msk [tilespmem:v30+s24+$0x0], $0xffff;
	v28 =	vimm.f32 $0.0e+00  }
0x2b7: {  	v30 =	vimm.f32 $0.0e+00;
	v38 =	vunpack.i.u.bf16.f32 v33;
	v20 =	vld.idx.msk [tilespmem:v24+s21+$0x0], $0xffff;
	v40 =	vunpack.i.l.bf16.f32 v25  }
0x2b8: {  	v24 =	vunpack.i.l.bf16.f32 v23;
	v39 =	vunpack.i.u.bf16.f32 v23;
	v42 =	vunpack.i.u.bf16.f32 v29  }
0x2b9: {  	v23 =	vunpack.i.l.bf16.f32 v29;
	v41 =	vunpack.i.u.bf16.f32 v25;
	v25 =	vimm.f32 $0.0e+00  }
0x2ba: {  	v31 =	vld.idx.msk [tilespmem:v27+s24+$0x0], $0xffff;
	v27 =	vimm.f32 $0.0e+00;
	v29 =	vimm.f32 $0.0e+00;
	v34 =	vmul.f32 v24, v21  }
0x2bb: {  	s12 =	simm.s32 $0x1;
	v32 =	vld.idx.msk [tilespmem:v32+s24+$0x0], $0xffff;
	v37 =	vmul.f32 v23, v21;
	v24 =	vimm.f32 $0.0e+00;
	v23 =	vimm.f32 $0.0e+00  }
.LBB2_18:
0x2bc: {  	p1 =	sne.s32 s12, $0x7;
	v40 =	vmul.f32 v40, v21;
	v42 =	vmul.f32 v42, v20;
	v43 =	vunpack.i.l.bf16.f32 v33;
	s13 =	smov.u32 s12;
	s12 =	sadd.s32 $0x1, s12  }
0x2bd: {  	v44 =	vmul.f32 v38, v20;
	v38 =	vunpack.i.u.bf16.f32 v36;
	v33 =	vadd.s32 s13, v0  }
0x2be: {  	v41 =	vmul.f32 v41, v20;
	v38 =	vmul.f32 v38, v20;
	v45 =	vand.u32 $0xF, v33  }
0x2bf: {  	v39 =	vmul.f32 v39, v20;
	v36 =	vunpack.i.l.bf16.f32 v36;
	v45 =	vor.u32 v22, v45  }
0x2c0: {  	v47 =	vunpack.i.l.bf16.f32 v35;
	v33 =	vand.u32 $0x7, v33;
	v46 =	vand.u32 $0x78, v45  }
0x2c1: {  	v35 =	vunpack.i.u.bf16.f32 v35;
	v45 =	vshll.u32 v45, $0x1;
	v33 =	vor.u32 v33, v46  }
0x2c2: {  	v49 =	vunpack.i.l.bf16.f32 v32;
	v46 =	vor.u32 v2, v33;
	v48 =	vor.u32 v4, v33  }
0x2c3: {  	v52 =	vunpack.i.l.bf16.f32 v31;
	v50 =	vor.u32 v5, v33;
	v51 =	vor.u32 v6, v33  }
0x2c4: {  	v26 =	vadd.f32 v37, v26;
	v53 =	vor.u32 v7, v33;
	v54 =	vor.u32 v8, v33  }
0x2c5: {  	v28 =	vadd.f32 v34, v28;
	v37 =	vor.u32 v1, v45;
	v55 =	vor.u32 v10, v33  }
0x2c6: {  	v30 =	vadd.f32 v40, v30;
	v40 =	vmul.f32 v52, v21;
	v34 =	vor.u32 v9, v33  }
0x2c7: {  	v31 =	vunpack.i.u.bf16.f32 v31;
	v28 =	vadd.f32 v28, v39;
	v45 =	vor.u32 v3, v45;
	v48 =	vld.idx.msk [tilespmem:v48+s24+$0x0], $0xffff  }
0x2c8: {  	v36 =	vmul.f32 v36, v21;
	v26 =	vadd.f32 v26, v42;
	v31 =	vmul.f32 v31, v20;
	v33 =	vld.idx.msk [tilespmem:v51+s24+$0x0], $0xffff  }
0x2c9: {  	v39 =	vmul.f32 v47, v21;
	v30 =	vadd.f32 v30, v41;
	v41 =	vmul.f32 v35, v20;
	v46 =	vld.idx.msk [tilespmem:v46+s24+$0x0], $0xffff  }
0x2ca: {  	v24 =	vadd.f32 v36, v24;
	v35 =	vmul.f32 v43, v21;
	v42 =	vmul.f32 v49, v21;
	v47 =	vld.idx.msk [tilespmem:v50+s24+$0x0], $0xffff  }
0x2cb: {  	v32 =	vunpack.i.u.bf16.f32 v32;
	v25 =	vadd.f32 v39, v25;
	v23 =	vadd.f32 v40, v23;
	v21 =	vld.idx.msk [tilespmem:v37+s21+$0x0], $0xffff  }
0x2cc: {  	v32 =	vmul.f32 v32, v20;
	v27 =	vadd.f32 v35, v27;
	v29 =	vadd.f32 v42, v29;
	v20 =	vld.idx.msk [tilespmem:v45+s21+$0x0], $0xffff  }
.Ltmp7:
0x2cd: {  	v24 =	vadd.f32 v24, v38;
	v23 =	vadd.f32 v23, v31;
	v36 =	vld.idx.msk [tilespmem:v34+s24+$0x0], $0xffff;
	(pc) =	sbr.rel @p1 .LBB2_18-.Ltmp7, $4  }
0x2ce: {  	v25 =	vadd.f32 v25, v41;
	v27 =	vadd.f32 v27, v44;
	v38 =	vunpack.i.u.bf16.f32 v33;
	v35 =	vld.idx.msk [tilespmem:v54+s24+$0x0], $0xffff  }
0x2cf: {  	v29 =	vadd.f32 v29, v32;
	v34 =	vunpack.i.l.bf16.f32 v48;
	v40 =	vunpack.i.l.bf16.f32 v46;
	v31 =	vld.idx.msk [tilespmem:v55+s24+$0x0], $0xffff  }
0x2d0: {  	v39 =	vunpack.i.u.bf16.f32 v48;
	v42 =	vunpack.i.u.bf16.f32 v47;
	v37 =	vunpack.i.l.bf16.f32 v47;
	v32 =	vld.idx.msk [tilespmem:v53+s24+$0x0], $0xffff  }
0x2d1: {  	v41 =	vunpack.i.u.bf16.f32 v46;
	v34 =	vmul.f32 v34, v21;
	v37 =	vmul.f32 v37, v21  }
0x2d2: {  	v22 =	vmul.f32 v40, v21;
	v51 =	vmul.f32 v42, v20  }
0x2d3: {  	v38 =	vmul.f32 v38, v20;
	v52 =	vunpack.i.u.bf16.f32 v36;
	v33 =	vunpack.i.l.bf16.f32 v33  }
0x2d4: {  	v41 =	vmul.f32 v41, v20;
	v39 =	vmul.f32 v39, v20;
	v53 =	vunpack.i.l.bf16.f32 v36  }
0x2d5: {  	v42 =	vmul.f32 v52, v20;
	v43 =	vunpack.i.l.bf16.f32 v35;
	v54 =	vunpack.i.u.bf16.f32 v35  }
0x2d6: {  	v28 =	vadd.f32 v34, v28;
	v26 =	vadd.f32 v37, v26;
	v33 =	vmul.f32 v33, v21  }
0x2d7: {  	v60 =	vmul.f32 v53, v21;
	v55 =	vunpack.i.l.bf16.f32 v31;
	v22 =	vadd.f32 v22, v30  }
0x2d8: {  	v58 =	vmul.f32 v43, v21;
	v61 =	vmul.f32 v54, v20;
	v62 =	vunpack.i.u.bf16.f32 v31  }
0x2d9: {  	s12 =	sshll.u32 s10, $0x8;
	v44 =	vunpack.i.l.bf16.f32 v32;
	v56 =	vmul.f32 v55, v21;
	v28 =	vadd.f32 v28, v39  }
0x2da: {  	s12 =	sand.u32 $0x3FFFFF00, s12;
	v26 =	vadd.f32 v26, v51;
	v59 =	vunpack.i.u.bf16.f32 v32;
	v27 =	vadd.f32 v33, v27  }
0x2db: {  	v22 =	vadd.f32 v22, v41;
	v57 =	vmul.f32 v44, v21;
	v25 =	vadd.f32 v58, v25;
	[tilespmem:s12+$0x1F190] =	vst v28  }
0x2dc: {  	s10 =	sadd.s32 $0x1, s10;
	v32 =	vmul.f32 v59, v20;
	v21 =	vadd.f32 v60, v24;
	v27 =	vadd.f32 v27, v38;
	[tilespmem:s12+$0x1F1A0] =	vst v26  }
0x2dd: {  	p1 =	sne.s32 s10, $0x8;
	v20 =	vmul.f32 v62, v20;
	v23 =	vadd.f32 v56, v23;
	[tilespmem:s12+$0x1F180] =	vst v22;
	v22 =	vadd.f32 v25, v61  }
.Ltmp8:
0x2de: {  	v29 =	vadd.f32 v57, v29;
	v21 =	vadd.f32 v21, v42;
	[tilespmem:s12+$0x1F1B0] =	vst v27;
	(pc) =	sbr.rel @p1 .LBB2_17-.Ltmp8, $4  }
0x2df: {  	v20 =	vadd.f32 v23, v20;
	[tilespmem:s12+$0x1F1D0] =	vst v22  }
0x2e0: {  	v63 =	vadd.f32 v29, v32;
	[tilespmem:s12+$0x1F1E0] =	vst v21  }
0x2e1: {  	[tilespmem:s12+$0x1F1F0] =	vst v20  }
0x2e2: {  	[tilespmem:s12+$0x1F1C0] =	vst v63  }
0x2e3: {  	s0 =	simm.s32 $0x13940  }
0x2e4: {  	[tilespmem:s24], [sflag:$0x1] =	stream.indirect.gather [spmem:s2], $0x80, s0, s23, $0xb8;
	[tilespmem:$0x1F980] =	vst v63  }
0x2e5: {  	_ =	swait.ge [sflag:s25], $0x2000  }
0x2e6: {  	[sflag:s25] =	ssyncset.done $0x0  }
0x2e7: {  	s10 =	simm.s32 $0x0;
	s0 =	simm.s32 $0x0;
	[sflag:s25] =	ssyncadd.s32 $0xFFFFE000  }
.LBB2_21:
0x2e8: {  	s12 =	sshll.u32 s10, $0x4;
	v20 =	vadd.s32 s0, v0  }
0x2e9: {  	v22 =	vmov s12;
	v21 =	vand.u32 $0xF, v20  }
0x2ea: {  	v21 =	vor.u32 v22, v21  }
0x2eb: {  	v20 =	vand.u32 $0x7, v20;
	v23 =	vand.u32 $0x78, v21  }
0x2ec: {  	v20 =	vor.u32 v20, v23  }
0x2ed: {  	v23 =	vor.u32 v4, v20  }
0x2ee: {  	v24 =	vor.u32 v6, v20  }
0x2ef: {  	v25 =	vor.u32 v2, v20  }
0x2f0: {  	v21 =	vshll.u32 v21, $0x1;
	v26 =	vor.u32 v5, v20  }
0x2f1: {  	v27 =	vor.u32 v1, v21  }
0x2f2: {  	v28 =	vor.u32 v9, v20;
	v23 =	vld.idx.msk [tilespmem:v23+s24+$0x0], $0xffff  }
0x2f3: {  	v30 =	vor.u32 v8, v20;
	v33 =	vld.idx.msk [tilespmem:v24+s24+$0x0], $0xffff  }
0x2f4: {  	v24 =	vor.u32 v3, v21;
	v25 =	vld.idx.msk [tilespmem:v25+s24+$0x0], $0xffff  }
0x2f5: {  	v29 =	vld.idx.msk [tilespmem:v26+s24+$0x0], $0xffff  }
0x2f6: {  	v21 =	vld.idx.msk [tilespmem:v27+s21+$0x0], $0xffff  }
0x2f7: {  	v27 =	vor.u32 v10, v20;
	v36 =	vld.idx.msk [tilespmem:v28+s24+$0x0], $0xffff  }
0x2f8: {  	v32 =	vor.u32 v7, v20;
	v26 =	vimm.f32 $0.0e+00;
	v35 =	vld.idx.msk [tilespmem:v30+s24+$0x0], $0xffff;
	v28 =	vimm.f32 $0.0e+00  }
0x2f9: {  	v30 =	vimm.f32 $0.0e+00;
	v38 =	vunpack.i.u.bf16.f32 v33;
	v20 =	vld.idx.msk [tilespmem:v24+s21+$0x0], $0xffff;
	v40 =	vunpack.i.l.bf16.f32 v25  }
0x2fa: {  	v24 =	vunpack.i.l.bf16.f32 v23;
	v39 =	vunpack.i.u.bf16.f32 v23;
	v42 =	vunpack.i.u.bf16.f32 v29  }
0x2fb: {  	v23 =	vunpack.i.l.bf16.f32 v29;
	v41 =	vunpack.i.u.bf16.f32 v25;
	v25 =	vimm.f32 $0.0e+00  }
0x2fc: {  	v31 =	vld.idx.msk [tilespmem:v27+s24+$0x0], $0xffff;
	v27 =	vimm.f32 $0.0e+00;
	v29 =	vimm.f32 $0.0e+00;
	v34 =	vmul.f32 v24, v21  }
0x2fd: {  	s12 =	simm.s32 $0x1;
	v32 =	vld.idx.msk [tilespmem:v32+s24+$0x0], $0xffff;
	v37 =	vmul.f32 v23, v21;
	v24 =	vimm.f32 $0.0e+00;
	v23 =	vimm.f32 $0.0e+00  }
.LBB2_22:
0x2fe: {  	p1 =	sne.s32 s12, $0x7;
	v40 =	vmul.f32 v40, v21;
	v42 =	vmul.f32 v42, v20;
	v43 =	vunpack.i.l.bf16.f32 v33;
	s13 =	smov.u32 s12;
	s12 =	sadd.s32 $0x1, s12  }
0x2ff: {  	v44 =	vmul.f32 v38, v20;
	v38 =	vunpack.i.u.bf16.f32 v36;
	v33 =	vadd.s32 s13, v0  }
0x300: {  	v41 =	vmul.f32 v41, v20;
	v38 =	vmul.f32 v38, v20;
	v45 =	vand.u32 $0xF, v33  }
0x301: {  	v39 =	vmul.f32 v39, v20;
	v36 =	vunpack.i.l.bf16.f32 v36;
	v45 =	vor.u32 v22, v45  }
0x302: {  	v47 =	vunpack.i.l.bf16.f32 v35;
	v33 =	vand.u32 $0x7, v33;
	v46 =	vand.u32 $0x78, v45  }
0x303: {  	v35 =	vunpack.i.u.bf16.f32 v35;
	v45 =	vshll.u32 v45, $0x1;
	v33 =	vor.u32 v33, v46  }
0x304: {  	v49 =	vunpack.i.l.bf16.f32 v32;
	v46 =	vor.u32 v2, v33;
	v48 =	vor.u32 v4, v33  }
0x305: {  	v52 =	vunpack.i.l.bf16.f32 v31;
	v50 =	vor.u32 v5, v33;
	v51 =	vor.u32 v6, v33  }
0x306: {  	v26 =	vadd.f32 v37, v26;
	v53 =	vor.u32 v7, v33;
	v54 =	vor.u32 v8, v33  }
0x307: {  	v28 =	vadd.f32 v34, v28;
	v37 =	vor.u32 v1, v45;
	v55 =	vor.u32 v10, v33  }
0x308: {  	v30 =	vadd.f32 v40, v30;
	v40 =	vmul.f32 v52, v21;
	v34 =	vor.u32 v9, v33  }
0x309: {  	v31 =	vunpack.i.u.bf16.f32 v31;
	v28 =	vadd.f32 v28, v39;
	v45 =	vor.u32 v3, v45;
	v48 =	vld.idx.msk [tilespmem:v48+s24+$0x0], $0xffff  }
0x30a: {  	v36 =	vmul.f32 v36, v21;
	v26 =	vadd.f32 v26, v42;
	v31 =	vmul.f32 v31, v20;
	v33 =	vld.idx.msk [tilespmem:v51+s24+$0x0], $0xffff  }
0x30b: {  	v39 =	vmul.f32 v47, v21;
	v30 =	vadd.f32 v30, v41;
	v41 =	vmul.f32 v35, v20;
	v46 =	vld.idx.msk [tilespmem:v46+s24+$0x0], $0xffff  }
0x30c: {  	v24 =	vadd.f32 v36, v24;
	v35 =	vmul.f32 v43, v21;
	v42 =	vmul.f32 v49, v21;
	v47 =	vld.idx.msk [tilespmem:v50+s24+$0x0], $0xffff  }
0x30d: {  	v32 =	vunpack.i.u.bf16.f32 v32;
	v25 =	vadd.f32 v39, v25;
	v23 =	vadd.f32 v40, v23;
	v21 =	vld.idx.msk [tilespmem:v37+s21+$0x0], $0xffff  }
0x30e: {  	v32 =	vmul.f32 v32, v20;
	v27 =	vadd.f32 v35, v27;
	v29 =	vadd.f32 v42, v29;
	v20 =	vld.idx.msk [tilespmem:v45+s21+$0x0], $0xffff  }
.Ltmp9:
0x30f: {  	v24 =	vadd.f32 v24, v38;
	v23 =	vadd.f32 v23, v31;
	v36 =	vld.idx.msk [tilespmem:v34+s24+$0x0], $0xffff;
	(pc) =	sbr.rel @p1 .LBB2_22-.Ltmp9, $4  }
0x310: {  	v25 =	vadd.f32 v25, v41;
	v27 =	vadd.f32 v27, v44;
	v38 =	vunpack.i.u.bf16.f32 v33;
	v35 =	vld.idx.msk [tilespmem:v54+s24+$0x0], $0xffff  }
0x311: {  	v29 =	vadd.f32 v29, v32;
	v34 =	vunpack.i.l.bf16.f32 v48;
	v40 =	vunpack.i.l.bf16.f32 v46;
	v31 =	vld.idx.msk [tilespmem:v55+s24+$0x0], $0xffff  }
0x312: {  	v39 =	vunpack.i.u.bf16.f32 v48;
	v42 =	vunpack.i.u.bf16.f32 v47;
	v37 =	vunpack.i.l.bf16.f32 v47;
	v32 =	vld.idx.msk [tilespmem:v53+s24+$0x0], $0xffff  }
0x313: {  	v41 =	vunpack.i.u.bf16.f32 v46;
	v34 =	vmul.f32 v34, v21;
	v37 =	vmul.f32 v37, v21  }
0x314: {  	v22 =	vmul.f32 v40, v21;
	v51 =	vmul.f32 v42, v20  }
0x315: {  	v38 =	vmul.f32 v38, v20;
	v52 =	vunpack.i.u.bf16.f32 v36;
	v33 =	vunpack.i.l.bf16.f32 v33  }
0x316: {  	v41 =	vmul.f32 v41, v20;
	v39 =	vmul.f32 v39, v20;
	v53 =	vunpack.i.l.bf16.f32 v36  }
0x317: {  	v42 =	vmul.f32 v52, v20;
	v43 =	vunpack.i.l.bf16.f32 v35;
	v54 =	vunpack.i.u.bf16.f32 v35  }
0x318: {  	v28 =	vadd.f32 v34, v28;
	v26 =	vadd.f32 v37, v26;
	v33 =	vmul.f32 v33, v21  }
0x319: {  	v60 =	vmul.f32 v53, v21;
	v55 =	vunpack.i.l.bf16.f32 v31;
	v22 =	vadd.f32 v22, v30  }
0x31a: {  	v58 =	vmul.f32 v43, v21;
	v61 =	vmul.f32 v54, v20;
	v62 =	vunpack.i.u.bf16.f32 v31  }
0x31b: {  	s12 =	sshll.u32 s10, $0x8;
	v44 =	vunpack.i.l.bf16.f32 v32;
	v56 =	vmul.f32 v55, v21;
	v28 =	vadd.f32 v28, v39  }
0x31c: {  	s12 =	sand.u32 $0x3FFFFF00, s12;
	v26 =	vadd.f32 v26, v51;
	v59 =	vunpack.i.u.bf16.f32 v32;
	v27 =	vadd.f32 v33, v27  }
0x31d: {  	v22 =	vadd.f32 v22, v41;
	v57 =	vmul.f32 v44, v21;
	v25 =	vadd.f32 v58, v25;
	[tilespmem:s12+$0x1F210] =	vst v28  }
0x31e: {  	s10 =	sadd.s32 $0x1, s10;
	v32 =	vmul.f32 v59, v20;
	v21 =	vadd.f32 v60, v24;
	v27 =	vadd.f32 v27, v38;
	[tilespmem:s12+$0x1F220] =	vst v26  }
0x31f: {  	p1 =	sne.s32 s10, $0x8;
	v20 =	vmul.f32 v62, v20;
	v23 =	vadd.f32 v56, v23;
	[tilespmem:s12+$0x1F200] =	vst v22;
	v22 =	vadd.f32 v25, v61  }
.Ltmp10:
0x320: {  	v29 =	vadd.f32 v57, v29;
	v21 =	vadd.f32 v21, v42;
	[tilespmem:s12+$0x1F230] =	vst v27;
	(pc) =	sbr.rel @p1 .LBB2_21-.Ltmp10, $4  }
0x321: {  	v20 =	vadd.f32 v23, v20;
	[tilespmem:s12+$0x1F250] =	vst v22  }
0x322: {  	v63 =	vadd.f32 v29, v32;
	[tilespmem:s12+$0x1F260] =	vst v21  }
0x323: {  	[tilespmem:s12+$0x1F270] =	vst v20  }
0x324: {  	[tilespmem:s12+$0x1F240] =	vst v63  }
0x325: {  	s0 =	simm.s32 $0x0  }
0x326: {  	v20 =	vor.u32 s0, v11;
	_ =	sdelay $0x2  }
0x327: {  	s10 =	simm.s32 $0x1F200  }
0x328: {  	v21 =	vld [tilespmem:s10+$0xFFFFFF80]  }
0x329: {  	v20 =	vld.idx.msk [tilespmem:v20+s28+$0x0], $0xffff;
	_ =	sdelay $0x3  }
0x32a: {  	s13 =	simm.s32 $0x10  }
0x32b: {  	v20 =	vadd.f32 v20, v21;
	v21 =	vor.u32 s13, v11;
	_ =	sdelay $0x1  }
0x32c: {  	v20 =	vmul.f32 $1.767766920e-01, v20;
	_ =	sdelay $0x1  }
0x32d: {  	v22 =	vld [tilespmem:s10+$0xFFFFFF90];
	[tilespmem:s10+$0xFFFFFF80] =	vst v20  }
0x32e: {  	v21 =	vld.idx.msk [tilespmem:v21+s28+$0x0], $0xffff;
	_ =	sdelay $0x3  }
0x32f: {  	s26 =	simm.s32 $0x20  }
0x330: {  	v21 =	vadd.f32 v21, v22;
	v22 =	vor.u32 s26, v11;
	_ =	sdelay $0x1  }
0x331: {  	v21 =	vmul.f32 $1.767766920e-01, v21;
	_ =	sdelay $0x1  }
0x332: {  	v23 =	vld [tilespmem:s10+$0xFFFFFFA0];
	[tilespmem:s10+$0xFFFFFF90] =	vst v21  }
0x333: {  	v22 =	vld.idx.msk [tilespmem:v22+s28+$0x0], $0xffff;
	_ =	sdelay $0x3  }
0x334: {  	s30 =	simm.s32 $0x30  }
0x335: {  	v22 =	vadd.f32 v22, v23;
	v23 =	vor.u32 s30, v11;
	_ =	sdelay $0x1  }
0x336: {  	v22 =	vmul.f32 $1.767766920e-01, v22;
	_ =	sdelay $0x1  }
0x337: {  	v24 =	vld [tilespmem:s10+$0xFFFFFFB0];
	[tilespmem:s10+$0xFFFFFFA0] =	vst v22  }
0x338: {  	v23 =	vld.idx.msk [tilespmem:v23+s28+$0x0], $0xffff;
	_ =	sdelay $0x3  }
0x339: {  	s12 =	simm.s32 $0x40  }
0x33a: {  	v23 =	vadd.f32 v23, v24;
	v24 =	vor.u32 s12, v11;
	_ =	sdelay $0x1  }
0x33b: {  	v23 =	vmul.f32 $1.767766920e-01, v23;
	_ =	sdelay $0x1  }
0x33c: {  	v25 =	vld [tilespmem:s10+$0xFFFFFFC0];
	[tilespmem:s10+$0xFFFFFFB0] =	vst v23  }
0x33d: {  	v24 =	vld.idx.msk [tilespmem:v24+s28+$0x0], $0xffff;
	_ =	sdelay $0x3  }
0x33e: {  	s13 =	simm.s32 $0x50  }
0x33f: {  	v24 =	vadd.f32 v24, v25;
	v25 =	vor.u32 s13, v11;
	_ =	sdelay $0x1  }
0x340: {  	v24 =	vmul.f32 $1.767766920e-01, v24;
	_ =	sdelay $0x1  }
0x341: {  	v26 =	vld [tilespmem:s10+$0xFFFFFFD0];
	[tilespmem:s10+$0xFFFFFFC0] =	vst v24  }
0x342: {  	v25 =	vld.idx.msk [tilespmem:v25+s28+$0x0], $0xffff;
	_ =	sdelay $0x3  }
0x343: {  	s26 =	simm.s32 $0x60  }
0x344: {  	v25 =	vadd.f32 v25, v26;
	v26 =	vor.u32 s26, v11;
	_ =	sdelay $0x1  }
0x345: {  	v25 =	vmul.f32 $1.767766920e-01, v25;
	_ =	sdelay $0x1  }
0x346: {  	v27 =	vld [tilespmem:s10+$0xFFFFFFE0];
	[tilespmem:s10+$0xFFFFFFD0] =	vst v25  }
0x347: {  	v26 =	vld.idx.msk [tilespmem:v26+s28+$0x0], $0xffff;
	_ =	sdelay $0x3  }
0x348: {  	s30 =	simm.s32 $0x70  }
0x349: {  	v26 =	vadd.f32 v26, v27;
	v27 =	vor.u32 s30, v11;
	_ =	sdelay $0x1  }
0x34a: {  	v26 =	vmul.f32 $1.767766920e-01, v26;
	_ =	sdelay $0x1  }
0x34b: {  	v28 =	vld [tilespmem:s10+$0xFFFFFFF0];
	[tilespmem:s10+$0xFFFFFFE0] =	vst v26  }
0x34c: {  	v27 =	vld.idx.msk [tilespmem:v27+s28+$0x0], $0xffff;
	_ =	sdelay $0x3  }
0x34d: {  	s12 =	simm.s32 $0x80  }
0x34e: {  	v27 =	vadd.f32 v27, v28;
	v28 =	vor.u32 s12, v11;
	_ =	sdelay $0x1  }
0x34f: {  	v27 =	vmul.f32 $1.767766920e-01, v27;
	_ =	sdelay $0x1  }
0x350: {  	v29 =	vld [tilespmem:s10+$0x0];
	[tilespmem:s10+$0xFFFFFFF0] =	vst v27  }
0x351: {  	v28 =	vld.idx.msk [tilespmem:v28+s28+$0x0], $0xffff;
	_ =	sdelay $0x3  }
0x352: {  	s13 =	simm.s32 $0x90  }
0x353: {  	v28 =	vadd.f32 v28, v29;
	v29 =	vor.u32 s13, v11;
	_ =	sdelay $0x1  }
0x354: {  	v28 =	vmul.f32 $1.767766920e-01, v28;
	_ =	sdelay $0x1  }
0x355: {  	v30 =	vld [tilespmem:s10+$0x10];
	[tilespmem:s10+$0x0] =	vst v28  }
0x356: {  	v29 =	vld.idx.msk [tilespmem:v29+s28+$0x0], $0xffff;
	_ =	sdelay $0x3  }
0x357: {  	s26 =	simm.s32 $0xA0  }
0x358: {  	v29 =	vadd.f32 v29, v30;
	v30 =	vor.u32 s26, v11;
	_ =	sdelay $0x1  }
0x359: {  	v29 =	vmul.f32 $1.767766920e-01, v29;
	_ =	sdelay $0x1  }
0x35a: {  	v31 =	vld [tilespmem:s10+$0x20];
	[tilespmem:s10+$0x10] =	vst v29  }
0x35b: {  	v30 =	vld.idx.msk [tilespmem:v30+s28+$0x0], $0xffff;
	_ =	sdelay $0x3  }
0x35c: {  	s30 =	simm.s32 $0xB0  }
0x35d: {  	v30 =	vadd.f32 v30, v31;
	v31 =	vor.u32 s30, v11;
	_ =	sdelay $0x1  }
0x35e: {  	v30 =	vmul.f32 $1.767766920e-01, v30;
	_ =	sdelay $0x1  }
0x35f: {  	v32 =	vld [tilespmem:s10+$0x30];
	[tilespmem:s10+$0x20] =	vst v30  }
0x360: {  	v31 =	vld.idx.msk [tilespmem:v31+s28+$0x0], $0xffff;
	_ =	sdelay $0x3  }
0x361: {  	s12 =	simm.s32 $0xC0  }
0x362: {  	v56 =	vor.u32 s12, v11;
	v31 =	vadd.f32 v31, v32;
	_ =	sdelay $0x1  }
0x363: {  	v31 =	vmul.f32 $1.767766920e-01, v31;
	_ =	sdelay $0x1  }
0x364: {  	v33 =	vld [tilespmem:s10+$0x40];
	[tilespmem:s10+$0x30] =	vst v31  }
0x365: {  	v32 =	vld.idx.msk [tilespmem:v56+s28+$0x0], $0xffff;
	_ =	sdelay $0x3  }
0x366: {  	s13 =	simm.s32 $0xD0  }
0x367: {  	v57 =	vor.u32 s13, v11;
	v32 =	vadd.f32 v32, v33;
	_ =	sdelay $0x1  }
0x368: {  	v32 =	vmul.f32 $1.767766920e-01, v32;
	_ =	sdelay $0x1  }
0x369: {  	v34 =	vld [tilespmem:s10+$0x50];
	[tilespmem:s10+$0x40] =	vst v32  }
0x36a: {  	v33 =	vld.idx.msk [tilespmem:v57+s28+$0x0], $0xffff;
	_ =	sdelay $0x3  }
0x36b: {  	s26 =	simm.s32 $0xE0  }
0x36c: {  	v58 =	vor.u32 s26, v11;
	v33 =	vadd.f32 v33, v34;
	_ =	sdelay $0x1  }
0x36d: {  	v33 =	vmul.f32 $1.767766920e-01, v33;
	_ =	sdelay $0x1  }
0x36e: {  	v35 =	vld [tilespmem:s10+$0x60];
	[tilespmem:s10+$0x50] =	vst v33  }
0x36f: {  	v34 =	vld.idx.msk [tilespmem:v58+s28+$0x0], $0xffff;
	_ =	sdelay $0x3  }
0x370: {  	s30 =	simm.s32 $0xF0  }
0x371: {  	v36 =	vmax.f32 v20, v21;
	v59 =	vor.u32 s30, v11;
	v34 =	vadd.f32 v34, v35  }
0x372: {  	v36 =	vmax.f32 v36, v22  }
0x373: {  	v36 =	vmax.f32 v36, v23;
	v34 =	vmul.f32 $1.767766920e-01, v34  }
0x374: {  	v36 =	vmax.f32 v36, v24  }
0x375: {  	v37 =	vld [tilespmem:s10+$0x70];
	v36 =	vmax.f32 v36, v25;
	[tilespmem:s10+$0x60] =	vst v34  }
0x376: {  	v36 =	vmax.f32 v36, v26;
	v35 =	vld.idx.msk [tilespmem:v59+s28+$0x0], $0xffff  }
0x377: {  	v36 =	vmax.f32 v36, v27  }
0x378: {  	v36 =	vmax.f32 v36, v28  }
0x379: {  	v36 =	vmax.f32 v36, v29  }
0x37a: {  	v36 =	vmax.f32 v36, v30  }
0x37b: {  	v36 =	vmax.f32 v36, v31;
	v35 =	vadd.f32 v35, v37  }
0x37c: {  	v36 =	vmax.f32 v36, v32  }
0x37d: {  	v36 =	vmax.f32 v36, v33;
	v35 =	vmul.f32 $1.767766920e-01, v35  }
0x37e: {  	v36 =	vmax.f32 v36, v34  }
0x37f: {  	v36 =	vmax.f32 v36, v35  }
0x380: {  	v20 =	vsub.f32 v20, v36  }
0x381: {  	v21 =	vsub.f32 v21, v36  }
0x382: {  	v20 =	vmul.f32 $1.442695020e+00, v20  }
0x383: {  	v22 =	vsub.f32 v22, v36;
	v21 =	vmul.f32 $1.442695020e+00, v21  }
0x384: {  	(erf) = vpow2.f32 v20  }
0x385: {  	v22 =	vmul.f32 $1.442695020e+00, v22;
	v20 =	vsub.f32 v23, v36;
	(erf) = vpow2.f32 v21;
	_ =	sdelay $0x1  }
0x386: {  	v20 =	vmul.f32 $1.442695020e+00, v20;
	(erf) = vpow2.f32 v22  }
0x387: {  	v21 =	vsub.f32 v24, v36  }
0x388: {  	v22 =	vsub.f32 v25, v36;
	(erf) = vpow2.f32 v20  }
0x389: {  	v21 =	vmul.f32 $1.442695020e+00, v21;
	v20 =	vsub.f32 v26, v36  }
0x38a: {  	v22 =	vmul.f32 $1.442695020e+00, v22  }
0x38b: {  	(erf) = vpow2.f32 v21;
	v21 =	vsub.f32 v27, v36;
	v23 =	vmul.f32 $1.442695020e+00, v20  }
0x38c: {  	v60 =	vpop (erf)  }
0x38d: {  	v21 =	vmul.f32 $1.442695020e+00, v21;
	(erf) = vpow2.f32 v22;
	v20 =	vpop (erf)  }
0x38e: {  	v22 =	vsub.f32 v28, v36;
	v24 =	vadd.f32 v20, v60  }
0x38f: {  	(erf) = vpow2.f32 v23;
	v23 =	vpop (erf)  }
0x390: {  	v22 =	vmul.f32 $1.442695020e+00, v22;
	v24 =	vadd.f32 v24, v23  }
0x391: {  	(erf) = vpow2.f32 v21;
	v21 =	vpop (erf)  }
0x392: {  	v25 =	vsub.f32 v29, v36;
	v24 =	vadd.f32 v24, v21;
	_ =	sdelay $0x1  }
0x393: {  	v26 =	vsub.f32 v30, v36;
	v25 =	vmul.f32 $1.442695020e+00, v25;
	(erf) = vpow2.f32 v22;
	v22 =	vpop (erf)  }
0x394: {  	v28 =	vadd.f32 v24, v22  }
0x395: {  	v26 =	vmul.f32 $1.442695020e+00, v26;
	(erf) = vpow2.f32 v25;
	v24 =	vpop (erf)  }
0x396: {  	v27 =	vsub.f32 v31, v36;
	v28 =	vadd.f32 v28, v24  }
0x397: {  	(erf) = vpow2.f32 v26;
	v25 =	vpop (erf)  }
0x398: {  	v29 =	vsub.f32 v32, v36;
	v27 =	vmul.f32 $1.442695020e+00, v27;
	v28 =	vadd.f32 v28, v25;
	_ =	sdelay $0x1  }
0x399: {  	v29 =	vmul.f32 $1.442695020e+00, v29;
	(erf) = vpow2.f32 v27;
	v27 =	vsub.f32 v34, v36;
	v26 =	vpop (erf)  }
0x39a: {  	v30 =	vsub.f32 v33, v36;
	v31 =	vadd.f32 v28, v26  }
0x39b: {  	(erf) = vpow2.f32 v29;
	v27 =	vmul.f32 $1.442695020e+00, v27;
	v28 =	vpop (erf)  }
0x39c: {  	v61 =	vsub.f32 v35, v36;
	v30 =	vmul.f32 $1.442695020e+00, v30;
	v31 =	vadd.f32 v31, v28  }
0x39d: {  	v29 =	vpop (erf)  }
0x39e: {  	(erf) = vpow2.f32 v30;
	v30 =	vmul.f32 $1.442695020e+00, v61;
	v31 =	vadd.f32 v31, v29  }
0x39f: {  	(erf) = vpow2.f32 v27;
	v27 =	vpop (erf)  }
0x3a0: {  	(erf) = vpow2.f32 v30;
	v30 =	vadd.f32 v31, v27;
	_ =	sdelay $0x1  }
0x3a1: {  	v33 =	vpop (erf)  }
0x3a2: {  	v31 =	vadd.f32 v30, v33  }
0x3a3: {  	v30 =	vpop (erf)  }
0x3a4: {  	v31 =	vadd.f32 v31, v30;
	_ =	sdelay $0x1  }
0x3a5: {  	v34 =	vpop (erf)  }
0x3a6: {  	v62 =	vadd.f32 v31, v34  }
0x3a7: {  	v31 =	vpop (erf)  }
0x3a8: {  	v32 =	vadd.f32 v62, v31  }
0x3a9: {  	v63 =	vpop (erf)  }
0x3aa: {  	v32 =	vadd.f32 v32, v63;
	_ =	sdelay $0x1  }
0x3ab: {  	(erf) = vrcp.f32 v32;
	_ =	sdelay $0x8  }
0x3ac: {  	v32 =	vpop (erf)  }
0x3ad: {  	s0 =	simm.s32 $0x1F0;
	s12 =	simm.s32 $0x1F200;
	v35 =	vmul.f32 v32, v60;
	v36 =	vmul.f32 v32, v63  }
.LBB2_25:
0x3ae: {  	p1 =	sne.s32 s0, $0x7F0  }
0x3af: {  	v23 =	vmul.f32 v32, v23;
	v34 =	vmul.f32 v32, v34;
	s10 =	sadd.s32 $0x100, s10;
	s13 =	smov.u32 s0;
	s0 =	sadd.s32 $0x100, s0  }
0x3b0: {  	v20 =	vmul.f32 v32, v20;
	v33 =	vmul.f32 v32, v33;
	[tilespmem:s12+$0x70] =	vst v36  }
0x3b1: {  	v21 =	vmul.f32 v32, v21;
	v29 =	vmul.f32 v32, v29;
	[tilespmem:s12+$0xFFFFFF80] =	vst v35  }
0x3b2: {  	v28 =	vmul.f32 v32, v28;
	v30 =	vmul.f32 v32, v30;
	[tilespmem:s12+$0x50] =	vst v34  }
0x3b3: {  	v22 =	vmul.f32 v32, v22;
	v24 =	vmul.f32 v32, v24;
	[tilespmem:s12+$0x30] =	vst v33  }
0x3b4: {  	v25 =	vmul.f32 v32, v25;
	v26 =	vmul.f32 v32, v26;
	[tilespmem:s12+$0x10] =	vst v29  }
0x3b5: {  	[tilespmem:s12+$0xFFFFFFA0] =	vst v23;
	v23 =	vmul.f32 v32, v27;
	v27 =	vmul.f32 v32, v31  }
0x3b6: {  	[tilespmem:s12+$0x0] =	vst v28  }
0x3b7: {  	[tilespmem:s12+$0xFFFFFFF0] =	vst v26  }
0x3b8: {  	[tilespmem:s12+$0xFFFFFFE0] =	vst v25  }
0x3b9: {  	[tilespmem:s12+$0xFFFFFFD0] =	vst v24  }
0x3ba: {  	s26 =	sadd.s32 $0xFFFFFF10, s13;
	[tilespmem:s12+$0x60] =	vst v27  }
0x3bb: {  	v24 =	vor.u32 s26, v11;
	[tilespmem:s12+$0xFFFFFF90] =	vst v20  }
0x3bc: {  	[tilespmem:s12+$0x40] =	vst v30  }
0x3bd: {  	[tilespmem:s12+$0xFFFFFFB0] =	vst v21  }
0x3be: {  	[tilespmem:s12+$0xFFFFFFC0] =	vst v22  }
0x3bf: {  	[tilespmem:s12+$0x20] =	vst v23;
	s12 =	smov.u32 s10  }
0x3c0: {  	v20 =	vld.idx.msk [tilespmem:v24+s28+$0x0], $0xffff  }
0x3c1: {  	v21 =	vld [tilespmem:s10+$0xFFFFFF80];
	_ =	sdelay $0x3  }
0x3c2: {  	s26 =	sadd.s32 $0xFFFFFF20, s13  }
0x3c3: {  	v20 =	vadd.f32 v20, v21;
	v21 =	vor.u32 s26, v11;
	_ =	sdelay $0x1  }
0x3c4: {  	v20 =	vmul.f32 $1.767766920e-01, v20;
	_ =	sdelay $0x1  }
0x3c5: {  	[tilespmem:s10+$0xFFFFFF80] =	vst v20  }
0x3c6: {  	v21 =	vld.idx.msk [tilespmem:v21+s28+$0x0], $0xffff  }
0x3c7: {  	v22 =	vld [tilespmem:s10+$0xFFFFFF90];
	_ =	sdelay $0x3  }
0x3c8: {  	s26 =	sadd.s32 $0xFFFFFF30, s13  }
0x3c9: {  	v21 =	vadd.f32 v21, v22;
	v22 =	vor.u32 s26, v11;
	_ =	sdelay $0x1  }
0x3ca: {  	v21 =	vmul.f32 $1.767766920e-01, v21;
	_ =	sdelay $0x1  }
0x3cb: {  	[tilespmem:s10+$0xFFFFFF90] =	vst v21;
	v24 =	vmax.f32 v20, v21  }
0x3cc: {  	v22 =	vld.idx.msk [tilespmem:v22+s28+$0x0], $0xffff  }
0x3cd: {  	v23 =	vld [tilespmem:s10+$0xFFFFFFA0];
	_ =	sdelay $0x3  }
0x3ce: {  	s26 =	sadd.s32 $0xFFFFFF40, s13  }
0x3cf: {  	v22 =	vadd.f32 v22, v23;
	v23 =	vor.u32 s26, v11;
	_ =	sdelay $0x1  }
0x3d0: {  	v22 =	vmul.f32 $1.767766920e-01, v22;
	_ =	sdelay $0x1  }
0x3d1: {  	[tilespmem:s10+$0xFFFFFFA0] =	vst v22  }
0x3d2: {  	v23 =	vld.idx.msk [tilespmem:v23+s28+$0x0], $0xffff  }
0x3d3: {  	v25 =	vld [tilespmem:s10+$0xFFFFFFB0];
	_ =	sdelay $0x3  }
0x3d4: {  	s26 =	sadd.s32 $0xFFFFFF50, s13  }
0x3d5: {  	v23 =	vadd.f32 v23, v25;
	v25 =	vor.u32 s26, v11;
	_ =	sdelay $0x1  }
0x3d6: {  	v23 =	vmul.f32 $1.767766920e-01, v23;
	_ =	sdelay $0x1  }
0x3d7: {  	[tilespmem:s10+$0xFFFFFFB0] =	vst v23  }
0x3d8: {  	v25 =	vld.idx.msk [tilespmem:v25+s28+$0x0], $0xffff  }
0x3d9: {  	v26 =	vld [tilespmem:s10+$0xFFFFFFC0];
	_ =	sdelay $0x3  }
0x3da: {  	s26 =	sadd.s32 $0xFFFFFF60, s13  }
0x3db: {  	v25 =	vadd.f32 v25, v26;
	v26 =	vor.u32 s26, v11;
	_ =	sdelay $0x1  }
0x3dc: {  	v25 =	vmul.f32 $1.767766920e-01, v25;
	_ =	sdelay $0x1  }
0x3dd: {  	[tilespmem:s10+$0xFFFFFFC0] =	vst v25  }
0x3de: {  	v26 =	vld.idx.msk [tilespmem:v26+s28+$0x0], $0xffff  }
0x3df: {  	v27 =	vld [tilespmem:s10+$0xFFFFFFD0];
	_ =	sdelay $0x3  }
0x3e0: {  	s26 =	sadd.s32 $0xFFFFFF70, s13  }
0x3e1: {  	v26 =	vadd.f32 v26, v27;
	v27 =	vor.u32 s26, v11;
	_ =	sdelay $0x1  }
0x3e2: {  	v26 =	vmul.f32 $1.767766920e-01, v26;
	_ =	sdelay $0x1  }
0x3e3: {  	[tilespmem:s10+$0xFFFFFFD0] =	vst v26  }
0x3e4: {  	v27 =	vld.idx.msk [tilespmem:v27+s28+$0x0], $0xffff  }
0x3e5: {  	v28 =	vld [tilespmem:s10+$0xFFFFFFE0];
	_ =	sdelay $0x3  }
0x3e6: {  	s26 =	sadd.s32 $0xFFFFFF80, s13  }
0x3e7: {  	v27 =	vadd.f32 v27, v28;
	v28 =	vor.u32 s26, v11;
	_ =	sdelay $0x1  }
0x3e8: {  	v27 =	vmul.f32 $1.767766920e-01, v27;
	_ =	sdelay $0x1  }
0x3e9: {  	[tilespmem:s10+$0xFFFFFFE0] =	vst v27  }
0x3ea: {  	v28 =	vld.idx.msk [tilespmem:v28+s28+$0x0], $0xffff  }
0x3eb: {  	v29 =	vld [tilespmem:s10+$0xFFFFFFF0];
	_ =	sdelay $0x3  }
0x3ec: {  	s26 =	sadd.s32 $0xFFFFFF90, s13  }
0x3ed: {  	v28 =	vadd.f32 v28, v29;
	v29 =	vor.u32 s26, v11;
	_ =	sdelay $0x1  }
0x3ee: {  	v28 =	vmul.f32 $1.767766920e-01, v28;
	_ =	sdelay $0x1  }
0x3ef: {  	[tilespmem:s10+$0xFFFFFFF0] =	vst v28  }
0x3f0: {  	v29 =	vld.idx.msk [tilespmem:v29+s28+$0x0], $0xffff  }
0x3f1: {  	v30 =	vld [tilespmem:s10+$0x0];
	_ =	sdelay $0x3  }
0x3f2: {  	s26 =	sadd.s32 $0xFFFFFFA0, s13  }
0x3f3: {  	v29 =	vadd.f32 v29, v30;
	v30 =	vor.u32 s26, v11;
	_ =	sdelay $0x1  }
0x3f4: {  	v29 =	vmul.f32 $1.767766920e-01, v29;
	_ =	sdelay $0x1  }
0x3f5: {  	[tilespmem:s10+$0x0] =	vst v29  }
0x3f6: {  	v30 =	vld.idx.msk [tilespmem:v30+s28+$0x0], $0xffff  }
0x3f7: {  	v31 =	vld [tilespmem:s10+$0x10];
	_ =	sdelay $0x3  }
0x3f8: {  	s26 =	sadd.s32 $0xFFFFFFB0, s13  }
0x3f9: {  	v30 =	vadd.f32 v30, v31;
	v31 =	vor.u32 s26, v11;
	_ =	sdelay $0x1  }
0x3fa: {  	v30 =	vmul.f32 $1.767766920e-01, v30;
	_ =	sdelay $0x1  }
0x3fb: {  	[tilespmem:s10+$0x10] =	vst v30  }
0x3fc: {  	v31 =	vld.idx.msk [tilespmem:v31+s28+$0x0], $0xffff  }
0x3fd: {  	v32 =	vld [tilespmem:s10+$0x20];
	_ =	sdelay $0x3  }
0x3fe: {  	s26 =	sadd.s32 $0xFFFFFFC0, s13  }
0x3ff: {  	v31 =	vadd.f32 v31, v32;
	v32 =	vor.u32 s26, v11;
	_ =	sdelay $0x1  }
0x400: {  	v31 =	vmul.f32 $1.767766920e-01, v31;
	_ =	sdelay $0x1  }
0x401: {  	[tilespmem:s10+$0x20] =	vst v31  }
0x402: {  	v32 =	vld.idx.msk [tilespmem:v32+s28+$0x0], $0xffff  }
0x403: {  	v33 =	vld [tilespmem:s10+$0x30];
	_ =	sdelay $0x3  }
0x404: {  	s26 =	sadd.s32 $0xFFFFFFD0, s13  }
0x405: {  	v32 =	vadd.f32 v32, v33;
	v33 =	vor.u32 s26, v11;
	_ =	sdelay $0x1  }
0x406: {  	v32 =	vmul.f32 $1.767766920e-01, v32;
	_ =	sdelay $0x1  }
0x407: {  	[tilespmem:s10+$0x30] =	vst v32  }
0x408: {  	v33 =	vld.idx.msk [tilespmem:v33+s28+$0x0], $0xffff  }
0x409: {  	v34 =	vld [tilespmem:s10+$0x40];
	_ =	sdelay $0x3  }
0x40a: {  	s26 =	sadd.s32 $0xFFFFFFE0, s13  }
0x40b: {  	v33 =	vadd.f32 v33, v34;
	v34 =	vor.u32 s26, v11;
	_ =	sdelay $0x1  }
0x40c: {  	v33 =	vmul.f32 $1.767766920e-01, v33;
	_ =	sdelay $0x1  }
0x40d: {  	[tilespmem:s10+$0x40] =	vst v33  }
0x40e: {  	v34 =	vld.idx.msk [tilespmem:v34+s28+$0x0], $0xffff  }
0x40f: {  	v35 =	vld [tilespmem:s10+$0x50];
	_ =	sdelay $0x3  }
0x410: {  	s26 =	sadd.s32 $0xFFFFFFF0, s13  }
0x411: {  	v34 =	vadd.f32 v34, v35;
	v35 =	vor.u32 s26, v11;
	_ =	sdelay $0x1  }
0x412: {  	v34 =	vmul.f32 $1.767766920e-01, v34;
	_ =	sdelay $0x1  }
0x413: {  	[tilespmem:s10+$0x50] =	vst v34  }
0x414: {  	v35 =	vld.idx.msk [tilespmem:v35+s28+$0x0], $0xffff  }
0x415: {  	v36 =	vld [tilespmem:s10+$0x60];
	_ =	sdelay $0x4  }
0x416: {  	v35 =	vadd.f32 v35, v36;
	v36 =	vor.u32 s13, v11;
	_ =	sdelay $0x1  }
0x417: {  	v24 =	vmax.f32 v24, v22;
	v35 =	vmul.f32 $1.767766920e-01, v35  }
0x418: {  	v24 =	vmax.f32 v24, v23  }
0x419: {  	v24 =	vmax.f32 v24, v25;
	[tilespmem:s10+$0x60] =	vst v35  }
0x41a: {  	v24 =	vmax.f32 v24, v26;
	v36 =	vld.idx.msk [tilespmem:v36+s28+$0x0], $0xffff  }
0x41b: {  	v24 =	vmax.f32 v24, v27;
	v37 =	vld [tilespmem:s10+$0x70]  }
0x41c: {  	v24 =	vmax.f32 v24, v28  }
0x41d: {  	v24 =	vmax.f32 v24, v29  }
0x41e: {  	v24 =	vmax.f32 v24, v30  }
0x41f: {  	v24 =	vmax.f32 v24, v31  }
0x420: {  	v24 =	vmax.f32 v24, v32;
	v36 =	vadd.f32 v36, v37  }
0x421: {  	v24 =	vmax.f32 v24, v33  }
0x422: {  	v24 =	vmax.f32 v24, v34;
	v36 =	vmul.f32 $1.767766920e-01, v36  }
0x423: {  	v24 =	vmax.f32 v24, v35  }
0x424: {  	v24 =	vmax.f32 v24, v36  }
0x425: {  	v20 =	vsub.f32 v20, v24;
	v21 =	vsub.f32 v21, v24  }
0x426: {  	v22 =	vsub.f32 v22, v24;
	v23 =	vsub.f32 v23, v24  }
0x427: {  	v25 =	vsub.f32 v25, v24;
	v20 =	vmul.f32 $1.442695020e+00, v20;
	v21 =	vmul.f32 $1.442695020e+00, v21  }
0x428: {  	v26 =	vsub.f32 v26, v24;
	v22 =	vmul.f32 $1.442695020e+00, v22;
	v23 =	vmul.f32 $1.442695020e+00, v23  }
0x429: {  	v27 =	vsub.f32 v27, v24;
	v25 =	vmul.f32 $1.442695020e+00, v25;
	(erf) = vpow2.f32 v20  }
0x42a: {  	v20 =	vmul.f32 $1.442695020e+00, v26;
	v26 =	vsub.f32 v28, v24;
	(erf) = vpow2.f32 v21  }
0x42b: {  	v28 =	vsub.f32 v30, v24;
	v21 =	vmul.f32 $1.442695020e+00, v27;
	v27 =	vsub.f32 v29, v24  }
0x42c: {  	v29 =	vsub.f32 v31, v24;
	v26 =	vmul.f32 $1.442695020e+00, v26;
	(erf) = vpow2.f32 v22  }
0x42d: {  	v22 =	vmul.f32 $1.442695020e+00, v27;
	v27 =	vmul.f32 $1.442695020e+00, v28;
	v28 =	vsub.f32 v32, v24  }
0x42e: {  	v30 =	vsub.f32 v33, v24;
	v29 =	vmul.f32 $1.442695020e+00, v29;
	(erf) = vpow2.f32 v23  }
0x42f: {  	v31 =	vsub.f32 v35, v24;
	v28 =	vmul.f32 $1.442695020e+00, v28;
	v23 =	vsub.f32 v34, v24  }
0x430: {  	v30 =	vmul.f32 $1.442695020e+00, v30;
	v24 =	vsub.f32 v36, v24;
	(erf) = vpow2.f32 v25  }
0x431: {  	v31 =	vmul.f32 $1.442695020e+00, v31;
	v32 =	vmul.f32 $1.442695020e+00, v23  }
0x432: {  	v33 =	vmul.f32 $1.442695020e+00, v24;
	v35 =	vpop (erf);
	(erf) = vpow2.f32 v20  }
0x433: {  	v20 =	vpop (erf)  }
0x434: {  	v24 =	vadd.f32 v20, v35;
	(erf) = vpow2.f32 v21  }
0x435: {  	v23 =	vpop (erf)  }
0x436: {  	v24 =	vadd.f32 v24, v23;
	(erf) = vpow2.f32 v26  }
0x437: {  	v21 =	vpop (erf)  }
0x438: {  	v26 =	vadd.f32 v24, v21;
	(erf) = vpow2.f32 v22  }
0x439: {  	v22 =	vpop (erf)  }
0x43a: {  	v34 =	vadd.f32 v26, v22;
	(erf) = vpow2.f32 v27  }
0x43b: {  	v24 =	vpop (erf)  }
0x43c: {  	v34 =	vadd.f32 v34, v24;
	(erf) = vpow2.f32 v29  }
0x43d: {  	v25 =	vpop (erf)  }
0x43e: {  	v27 =	vadd.f32 v34, v25;
	(erf) = vpow2.f32 v28  }
0x43f: {  	v26 =	vpop (erf)  }
0x440: {  	v27 =	vadd.f32 v27, v26;
	(erf) = vpow2.f32 v30  }
0x441: {  	v28 =	vpop (erf)  }
0x442: {  	v34 =	vadd.f32 v27, v28;
	(erf) = vpow2.f32 v32  }
0x443: {  	v29 =	vpop (erf)  }
0x444: {  	v30 =	vadd.f32 v34, v29;
	(erf) = vpow2.f32 v31  }
0x445: {  	v27 =	vpop (erf);
	(erf) = vpow2.f32 v33  }
0x446: {  	v32 =	vadd.f32 v30, v27  }
0x447: {  	v33 =	vpop (erf)  }
0x448: {  	v31 =	vadd.f32 v32, v33  }
0x449: {  	v30 =	vpop (erf)  }
0x44a: {  	v36 =	vadd.f32 v31, v30  }
0x44b: {  	v34 =	vpop (erf)  }
0x44c: {  	v32 =	vadd.f32 v36, v34  }
0x44d: {  	v31 =	vpop (erf)  }
0x44e: {  	v32 =	vadd.f32 v32, v31;
	v36 =	vpop (erf);
	_ =	sdelay $0x1  }
0x44f: {  	v32 =	vadd.f32 v32, v36;
	_ =	sdelay $0x1  }
0x450: {  	(erf) = vrcp.f32 v32;
	_ =	sdelay $0x5  }
.Ltmp11:
0x451: {  	(pc) =	sbr.rel @p1 .LBB2_25-.Ltmp11, $3  }
0x452: {  	_ =	sdelay $0x1  }
0x453: {  	v32 =	vpop (erf)  }
0x454: {  	v35 =	vmul.f32 v32, v35;
	v36 =	vmul.f32 v32, v36  }
0x455: {  	_ = 	snop  }
0x456: {  	v34 =	vmul.f32 v32, v34;
	[tilespmem:s12+$0x70] =	vst v36  }
0x457: {  	v33 =	vmul.f32 v32, v33;
	[tilespmem:s12+$0xFFFFFF80] =	vst v35  }
0x458: {  	v29 =	vmul.f32 v32, v29;
	[tilespmem:s12+$0x50] =	vst v34  }
0x459: {  	v23 =	vmul.f32 v32, v23;
	[tilespmem:s12+$0x30] =	vst v33  }
0x45a: {  	v28 =	vmul.f32 v32, v28;
	[tilespmem:s12+$0x10] =	vst v29  }
0x45b: {  	v26 =	vmul.f32 v32, v26;
	[tilespmem:s12+$0xFFFFFFA0] =	vst v23  }
0x45c: {  	v60 =	vmul.f32 v32, v25;
	[tilespmem:s12+$0x0] =	vst v28  }
0x45d: {  	v24 =	vmul.f32 v32, v24;
	[tilespmem:s12+$0xFFFFFFF0] =	vst v26  }
0x45e: {  	v61 =	vmul.f32 v32, v31;
	[tilespmem:s12+$0xFFFFFFE0] =	vst v60  }
0x45f: {  	v20 =	vmul.f32 v32, v20;
	[tilespmem:s12+$0xFFFFFFD0] =	vst v24  }
0x460: {  	v62 =	vmul.f32 v32, v30;
	[tilespmem:s12+$0x60] =	vst v61  }
0x461: {  	v21 =	vmul.f32 v32, v21;
	[tilespmem:s12+$0xFFFFFF90] =	vst v20  }
0x462: {  	v63 =	vmul.f32 v32, v27;
	[tilespmem:s12+$0x40] =	vst v62  }
0x463: {  	v20 =	vmul.f32 v32, v22;
	[tilespmem:s12+$0xFFFFFFB0] =	vst v21  }
0x464: {  	[tilespmem:s12+$0x20] =	vst v63  }
0x465: {  	[tilespmem:s12+$0xFFFFFFC0] =	vst v20  }
0x466: {  	_ =	swait.ge [sflag:s31], $0x800  }
0x467: {  	[sflag:s31] =	ssyncset.done $0x0  }
0x468: {  	s10 =	simm.s32 $0x0;
	s12 =	simm.s32 $0x0;
	[sflag:s31] =	ssyncadd.s32 $0xFFFFF800  }
.LBB2_27:
0x469: {  	s0 =	sshll.u32 s12, $0x4;
	v20 =	vadd.s32 s10, v0  }
0x46a: {  	s26 =	simm.s32 $0x1;
	v33 =	vmov s0;
	v21 =	vand.u32 $0xF, v20  }
0x46b: {  	v23 =	vadd.s32 s26, v0;
	v21 =	vor.u32 v33, v21  }
0x46c: {  	v20 =	vand.u32 $0x7, v20;
	v24 =	vand.u32 $0xF, v23;
	v22 =	vand.u32 $0x78, v21  }
0x46d: {  	v23 =	vand.u32 $0x7, v23;
	v24 =	vor.u32 v33, v24;
	v35 =	vor.u32 v20, v22  }
0x46e: {  	v21 =	vshll.u32 v21, $0x1;
	v25 =	vand.u32 $0x78, v24;
	v20 =	vor.u32 v2, v35  }
0x46f: {  	v37 =	vor.u32 v6, v35;
	v36 =	vor.u32 v4, v35;
	v22 =	vor.u32 v5, v35  }
0x470: {  	s30 =	sshll.u32 s12, $0x8;
	v34 =	vor.u32 v7, v35;
	v32 =	vor.u32 v8, v35;
	v31 =	vor.u32 v9, v35  }
0x471: {  	s0 =	sand.u32 $0x3FFFFF00, s30;
	v30 =	vor.u32 v10, v35;
	v29 =	vor.u32 v12, v35;
	v28 =	vor.u32 v13, v35  }
0x472: {  	v45 =	vld [tilespmem:s0+$0x1F180];
	v27 =	vor.u32 v15, v35;
	v26 =	vor.u32 v14, v35;
	v39 =	vor.u32 v23, v25  }
0x473: {  	v25 =	vor.u32 v17, v35;
	v23 =	vor.u32 v2, v39;
	v41 =	vor.u32 v6, v39;
	v43 =	vld.idx.msk [tilespmem:v20+s20+$0x0], $0xffff  }
0x474: {  	v40 =	vor.u32 v7, v39;
	v38 =	vor.u32 v8, v39;
	v20 =	vshll.u32 v24, $0x1;
	v42 =	vld.idx.msk [tilespmem:v22+s20+$0x0], $0xffff  }
0x475: {  	s13 =	simm.s32 $0x2;
	v22 =	vor.u32 v4, v39;
	v24 =	vor.u32 v5, v39;
	v44 =	vld.idx.msk [tilespmem:v36+s20+$0x0], $0xffff;
	v36 =	vor.u32 v18, v35  }
.LBB2_28:
0x476: {  	p1 =	sne.s32 s13, $0x7;
	v46 =	vor.u32 v9, v39;
	v47 =	vor.u32 v10, v39;
	v48 =	vld [tilespmem:s0+$0x1F190];
	v49 =	vor.u32 v19, v35;
	s26 =	smov.u32 s13;
	s13 =	sadd.s32 $0x1, s13  }
0x477: {  	v50 =	vor.u32 v12, v39;
	v51 =	vor.u32 v13, v39;
	v53 =	vor.u32 v16, v35;
	v52 =	vld.idx.msk [tilespmem:v37+s20+$0x0], $0xffff  }
0x478: {  	v54 =	vor.u32 v15, v39;
	v55 =	vor.u32 v14, v39;
	v35 =	vmovc v39;
	v56 =	vunpack.i.u.bf16.f32 v43;
	v37 =	vmovc v41;
	v57 =	vld [tilespmem:s0+$0x1F1A0]  }
0x479: {  	v39 =	vor.u32 v17, v35;
	v41 =	vunpack.i.l.bf16.f32 v43;
	v43 =	vunpack.i.u.bf16.f32 v42;
	v58 =	vld.idx.msk [tilespmem:v34+s20+$0x0], $0xffff;
	v34 =	vmovc v40  }
0x47a: {  	v40 =	vmul.f32 v41, v45;
	v41 =	vmul.f32 v56, v45;
	v45 =	vunpack.i.l.bf16.f32 v44;
	v56 =	vld [tilespmem:s0+$0x1F1B0]  }
0x47b: {  	v42 =	vunpack.i.l.bf16.f32 v42;
	v44 =	vunpack.i.u.bf16.f32 v44;
	v45 =	vmul.f32 v45, v48;
	v59 =	vld.idx.msk [tilespmem:v32+s20+$0x0], $0xffff;
	v32 =	vmovc v38  }
0x47c: {  	v38 =	vadd.f32 $0.0e+00, v40;
	v40 =	vadd.f32 $0.0e+00, v41;
	v41 =	vmul.f32 v44, v48;
	v44 =	vld [tilespmem:s0+$0x1F1C0]  }
0x47d: {  	v48 =	vunpack.i.u.bf16.f32 v52;
	v52 =	vunpack.i.l.bf16.f32 v52;
	v43 =	vmul.f32 v43, v57;
	v60 =	vld.idx.msk [tilespmem:v31+s20+$0x0], $0xffff;
	v31 =	vmovc v46  }
0x47e: {  	v38 =	vadd.f32 v45, v38;
	v40 =	vadd.f32 v41, v40;
	v41 =	vmul.f32 v42, v57;
	v42 =	vld [tilespmem:s0+$0x1F1D0]  }
0x47f: {  	v46 =	vunpack.i.u.bf16.f32 v58;
	v45 =	vmul.f32 v48, v56;
	v48 =	vunpack.i.l.bf16.f32 v58;
	v57 =	vld.idx.msk [tilespmem:v30+s20+$0x0], $0xffff;
	v30 =	vmovc v47  }
0x480: {  	v38 =	vadd.f32 v41, v38;
	v40 =	vadd.f32 v43, v40;
	v41 =	vmul.f32 v52, v56;
	v43 =	vld [tilespmem:s0+$0x1F1E0]  }
0x481: {  	v47 =	vunpack.i.u.bf16.f32 v59;
	v52 =	vunpack.i.l.bf16.f32 v59;
	v46 =	vmul.f32 v46, v44;
	v56 =	vld.idx.msk [tilespmem:v29+s20+$0x0], $0xffff;
	v29 =	vmovc v50  }
0x482: {  	v38 =	vadd.f32 v41, v38;
	v40 =	vadd.f32 v45, v40;
	v41 =	vmul.f32 v48, v44;
	v44 =	vld [tilespmem:s0+$0x1F1F0]  }
0x483: {  	v48 =	vunpack.i.l.bf16.f32 v60;
	v45 =	vmul.f32 v47, v42;
	v47 =	vunpack.i.u.bf16.f32 v60;
	v50 =	vld.idx.msk [tilespmem:v28+s20+$0x0], $0xffff;
	v28 =	vmovc v51  }
0x484: {  	v38 =	vadd.f32 v41, v38;
	v40 =	vadd.f32 v46, v40;
	v41 =	vmul.f32 v52, v42;
	v42 =	vld [tilespmem:s0+$0x1F200]  }
0x485: {  	v51 =	vunpack.i.l.bf16.f32 v57;
	v46 =	vmul.f32 v47, v43;
	v47 =	vunpack.i.u.bf16.f32 v57;
	v52 =	vld.idx.msk [tilespmem:v53+s20+$0x0], $0xffff  }
0x486: {  	v38 =	vadd.f32 v41, v38;
	v40 =	vadd.f32 v45, v40;
	v41 =	vmul.f32 v48, v43;
	v43 =	vld [tilespmem:s0+$0x1F210]  }
0x487: {  	v48 =	vunpack.i.l.bf16.f32 v56;
	v45 =	vmul.f32 v47, v44;
	v47 =	vunpack.i.u.bf16.f32 v56;
	v53 =	vld.idx.msk [tilespmem:v27+s20+$0x0], $0xffff;
	v27 =	vmovc v54  }
0x488: {  	v38 =	vadd.f32 v41, v38;
	v40 =	vadd.f32 v46, v40;
	v41 =	vmul.f32 v51, v44;
	v44 =	vld [tilespmem:s0+$0x1F220]  }
0x489: {  	v46 =	vmul.f32 v47, v42;
	v47 =	vunpack.i.u.bf16.f32 v50;
	v50 =	vunpack.i.l.bf16.f32 v50;
	v51 =	vld.idx.msk [tilespmem:v26+s20+$0x0], $0xffff;
	v26 =	vmovc v55  }
0x48a: {  	v38 =	vadd.f32 v41, v38;
	v40 =	vadd.f32 v45, v40;
	v41 =	vmul.f32 v48, v42;
	v42 =	vld [tilespmem:s0+$0x1F230]  }
0x48b: {  	v48 =	vunpack.i.l.bf16.f32 v52;
	v45 =	vmul.f32 v47, v43;
	v47 =	vunpack.i.u.bf16.f32 v52;
	v49 =	vld.idx.msk [tilespmem:v49+s20+$0x0], $0xffff  }
0x48c: {  	v38 =	vadd.f32 v41, v38;
	v40 =	vadd.f32 v46, v40;
	v41 =	vmul.f32 v50, v43;
	v43 =	vld [tilespmem:s0+$0x1F240]  }
0x48d: {  	v50 =	vunpack.i.l.bf16.f32 v53;
	v46 =	vmul.f32 v47, v44;
	v47 =	vunpack.i.u.bf16.f32 v53;
	v52 =	vld.idx.msk [tilespmem:v25+s20+$0x0], $0xffff;
	v25 =	vmovc v39  }
0x48e: {  	v38 =	vadd.f32 v41, v38;
	v39 =	vadd.f32 v45, v40;
	v40 =	vmul.f32 v48, v44;
	v41 =	vld [tilespmem:s0+$0x1F250]  }
0x48f: {  	v45 =	vunpack.i.u.bf16.f32 v51;
	v44 =	vmul.f32 v47, v42;
	v47 =	vunpack.i.l.bf16.f32 v51;
	v36 =	vld.idx.msk [tilespmem:v36+s20+$0x0], $0xffff  }
0x490: {  	v38 =	vadd.f32 v40, v38;
	v39 =	vadd.f32 v46, v39;
	v40 =	vmul.f32 v50, v42;
	v42 =	vld [tilespmem:s0+$0x1F260]  }
0x491: {  	v46 =	vunpack.i.u.bf16.f32 v49;
	v48 =	vunpack.i.l.bf16.f32 v49;
	v45 =	vmul.f32 v45, v43  }
0x492: {  	v38 =	vadd.f32 v40, v38;
	v39 =	vadd.f32 v44, v39;
	v40 =	vmul.f32 v47, v43;
	v43 =	vld [tilespmem:s0+$0x1F270]  }
0x493: {  	v47 =	vunpack.i.l.bf16.f32 v52;
	v44 =	vmul.f32 v46, v41;
	v46 =	vunpack.i.u.bf16.f32 v52  }
0x494: {  	v38 =	vadd.f32 v40, v38;
	v39 =	vadd.f32 v45, v39;
	v40 =	vmul.f32 v48, v41  }
0x495: {  	v45 =	vunpack.i.u.bf16.f32 v36;
	v36 =	vunpack.i.l.bf16.f32 v36;
	v41 =	vmul.f32 v46, v42  }
0x496: {  	v38 =	vadd.f32 v40, v38;
	v39 =	vadd.f32 v44, v39;
	v40 =	vmul.f32 v47, v42  }
0x497: {  	v42 =	vor.u32 v1, v21;
	v44 =	vor.u32 v3, v21;
	v21 =	vmovc v20;
	v36 =	vmul.f32 v36, v43  }
0x498: {  	v20 =	vadd.f32 v40, v38;
	v38 =	vadd.f32 v41, v39;
	v39 =	vmul.f32 v45, v43;
	_ =	sdelay $0x1  }
0x499: {  	v40 =	vadd.s32 s26, v0;
	v20 =	vadd.f32 v36, v20;
	v36 =	vadd.f32 v39, v38  }
0x49a: {  	v38 =	vand.u32 $0xF, v40  }
0x49b: {  	v39 =	vand.u32 $0x7, v40;
	v38 =	vor.u32 v33, v38;
	[tilespmem:v42+s29+$0x0] =	vst.idx.msk $0xffff, v20  }
.Ltmp12:
0x49c: {  	v40 =	vand.u32 $0x78, v38;
	v20 =	vshll.u32 v38, $0x1;
	[tilespmem:v44+s29+$0x0] =	vst.idx.msk $0xffff, v36;
	(pc) =	sbr.rel @p1 .LBB2_28-.Ltmp12, $4  }
0x49d: {  	v39 =	vor.u32 v39, v40;
	v43 =	vld.idx.msk [tilespmem:v23+s20+$0x0], $0xffff  }
0x49e: {  	v23 =	vor.u32 v2, v39;
	v41 =	vor.u32 v6, v39;
	v42 =	vld.idx.msk [tilespmem:v24+s20+$0x0], $0xffff  }
0x49f: {  	v24 =	vor.u32 v5, v39;
	v44 =	vld.idx.msk [tilespmem:v22+s20+$0x0], $0xffff;
	v22 =	vor.u32 v4, v39  }
0x4a0: {  	v36 =	vor.u32 v18, v35;
	v40 =	vor.u32 v7, v39;
	v38 =	vor.u32 v8, v39;
	v45 =	vld [tilespmem:s0+$0x1F180]  }
0x4a1: {  	_ =	sdelay $0x1  }
0x4a2: {  	v33 =	vld [tilespmem:s0+$0x1F190]  }
0x4a3: {  	v46 =	vld [tilespmem:s0+$0x1F1A0]  }
0x4a4: {  	v47 =	vor.u32 v19, v35;
	v37 =	vld.idx.msk [tilespmem:v37+s20+$0x0], $0xffff;
	v35 =	vor.u32 v16, v35;
	v48 =	vunpack.i.l.bf16.f32 v43  }
0x4a5: {  	v34 =	vld.idx.msk [tilespmem:v34+s20+$0x0], $0xffff;
	v55 =	vunpack.i.u.bf16.f32 v43;
	v49 =	vunpack.i.u.bf16.f32 v42;
	v48 =	vmul.f32 v48, v45  }
0x4a6: {  	v50 =	vld [tilespmem:s0+$0x1F1B0];
	v58 =	vunpack.i.l.bf16.f32 v42;
	v56 =	vunpack.i.l.bf16.f32 v44;
	v43 =	vmul.f32 v55, v45  }
0x4a7: {  	v32 =	vld.idx.msk [tilespmem:v32+s20+$0x0], $0xffff;
	v57 =	vunpack.i.u.bf16.f32 v44;
	v45 =	vmul.f32 v56, v33;
	v48 =	vadd.f32 $0.0e+00, v48  }
0x4a8: {  	v51 =	vld [tilespmem:s0+$0x1F1C0];
	v33 =	vmul.f32 v57, v33;
	v59 =	vmul.f32 v49, v46;
	v43 =	vadd.f32 $0.0e+00, v43  }
0x4a9: {  	v31 =	vld.idx.msk [tilespmem:v31+s20+$0x0], $0xffff;
	v60 =	vunpack.i.u.bf16.f32 v37;
	v42 =	vmul.f32 v58, v46;
	v45 =	vadd.f32 v45, v48  }
0x4aa: {  	v61 =	vld [tilespmem:s0+$0x1F1D0];
	v37 =	vunpack.i.l.bf16.f32 v37;
	v63 =	vunpack.i.u.bf16.f32 v34;
	v33 =	vadd.f32 v33, v43  }
0x4ab: {  	v30 =	vld.idx.msk [tilespmem:v30+s20+$0x0], $0xffff;
	v34 =	vunpack.i.l.bf16.f32 v34;
	v37 =	vmul.f32 v37, v50;
	v42 =	vadd.f32 v42, v45  }
0x4ac: {  	v52 =	vld [tilespmem:s0+$0x1F1E0];
	v54 =	vunpack.i.u.bf16.f32 v32;
	v62 =	vmul.f32 v60, v50;
	v33 =	vadd.f32 v59, v33  }
0x4ad: {  	v29 =	vld.idx.msk [tilespmem:v29+s20+$0x0], $0xffff;
	v32 =	vunpack.i.l.bf16.f32 v32;
	v34 =	vmul.f32 v34, v51;
	v37 =	vadd.f32 v37, v42  }
0x4ae: {  	v55 =	vld [tilespmem:s0+$0x1F1F0];
	v57 =	vunpack.i.u.bf16.f32 v31;
	v53 =	vmul.f32 v63, v51;
	v33 =	vadd.f32 v62, v33  }
0x4af: {  	v28 =	vld.idx.msk [tilespmem:v28+s20+$0x0], $0xffff;
	v31 =	vunpack.i.l.bf16.f32 v31;
	v32 =	vmul.f32 v32, v61;
	v34 =	vadd.f32 v34, v37  }
0x4b0: {  	v58 =	vld [tilespmem:s0+$0x1F200];
	v56 =	vmul.f32 v54, v61;
	v60 =	vunpack.i.u.bf16.f32 v30;
	v33 =	vadd.f32 v53, v33  }
0x4b1: {  	v27 =	vld.idx.msk [tilespmem:v27+s20+$0x0], $0xffff;
	v31 =	vmul.f32 v31, v52;
	v30 =	vunpack.i.l.bf16.f32 v30;
	v32 =	vadd.f32 v32, v34  }
0x4b2: {  	v61 =	vld [tilespmem:s0+$0x1F210];
	v63 =	vunpack.i.u.bf16.f32 v29;
	v59 =	vmul.f32 v57, v52;
	v33 =	vadd.f32 v56, v33  }
0x4b3: {  	v35 =	vld.idx.msk [tilespmem:v35+s20+$0x0], $0xffff;
	v29 =	vunpack.i.l.bf16.f32 v29;
	v30 =	vmul.f32 v30, v55;
	v31 =	vadd.f32 v31, v32  }
0x4b4: {  	v50 =	vunpack.i.u.bf16.f32 v28;
	v48 =	vld [tilespmem:s0+$0x1F220];
	v62 =	vmul.f32 v60, v55;
	v33 =	vadd.f32 v59, v33  }
0x4b5: {  	v51 =	vld [tilespmem:s0+$0x1F230];
	v28 =	vunpack.i.l.bf16.f32 v28;
	v29 =	vmul.f32 v29, v58;
	v30 =	vadd.f32 v30, v31  }
0x4b6: {  	v25 =	vld.idx.msk [tilespmem:v25+s20+$0x0], $0xffff;
	v49 =	vmul.f32 v63, v58;
	v58 =	vunpack.i.u.bf16.f32 v27;
	v33 =	vadd.f32 v62, v33  }
0x4b7: {  	v26 =	vld.idx.msk [tilespmem:v26+s20+$0x0], $0xffff;
	v27 =	vunpack.i.l.bf16.f32 v27;
	v28 =	vmul.f32 v28, v61;
	v29 =	vadd.f32 v29, v30  }
0x4b8: {  	v54 =	vld [tilespmem:s0+$0x1F240];
	v52 =	vmul.f32 v50, v61;
	v55 =	vunpack.i.l.bf16.f32 v35;
	v33 =	vadd.f32 v49, v33  }
0x4b9: {  	v53 =	vunpack.i.u.bf16.f32 v35;
	v56 =	vld.idx.msk [tilespmem:v47+s20+$0x0], $0xffff;
	v59 =	vmul.f32 v55, v48;
	v28 =	vadd.f32 v28, v29  }
0x4ba: {  	v61 =	vmul.f32 v58, v51;
	v60 =	vld [tilespmem:s0+$0x1F250];
	v57 =	vmul.f32 v53, v48;
	v33 =	vadd.f32 v52, v33  }
0x4bb: {  	v63 =	vld [tilespmem:s0+$0x1F260];
	v27 =	vmul.f32 v27, v51;
	v50 =	vunpack.i.u.bf16.f32 v25;
	v28 =	vadd.f32 v59, v28  }
0x4bc: {  	v43 =	vld.idx.msk [tilespmem:v36+s20+$0x0], $0xffff;
	v62 =	vunpack.i.u.bf16.f32 v26;
	v26 =	vunpack.i.l.bf16.f32 v26;
	v33 =	vadd.f32 v57, v33  }
0x4bd: {  	v25 =	vunpack.i.l.bf16.f32 v25;
	v26 =	vmul.f32 v26, v54;
	v27 =	vadd.f32 v27, v28  }
0x4be: {  	v48 =	vld [tilespmem:s0+$0x1F270];
	v44 =	vmul.f32 v62, v54;
	v46 =	vunpack.i.l.bf16.f32 v56;
	v47 =	vadd.f32 v61, v33  }
0x4bf: {  	v45 =	vunpack.i.u.bf16.f32 v56;
	v51 =	vmul.f32 v46, v60;
	v26 =	vadd.f32 v26, v27  }
0x4c0: {  	v53 =	vmul.f32 v50, v63;
	v49 =	vmul.f32 v45, v60;
	v52 =	vadd.f32 v44, v47  }
0x4c1: {  	v25 =	vmul.f32 v25, v63;
	v55 =	vunpack.i.l.bf16.f32 v43;
	v26 =	vadd.f32 v51, v26  }
0x4c2: {  	v54 =	vunpack.i.u.bf16.f32 v43;
	v56 =	vor.u32 v1, v21;
	v28 =	vadd.f32 v49, v52  }
0x4c3: {  	v57 =	vor.u32 v3, v21;
	v27 =	vmul.f32 v55, v48;
	v25 =	vadd.f32 v25, v26  }
0x4c4: {  	v59 =	vmul.f32 v54, v48;
	v58 =	vadd.f32 v53, v28  }
0x4c5: {  	v25 =	vadd.f32 v27, v25  }
0x4c6: {  	v26 =	vadd.f32 v59, v58  }
0x4c7: {  	[tilespmem:v56+s29+$0x0] =	vst.idx.msk $0xffff, v25  }
0x4c8: {  	[tilespmem:v57+s29+$0x0] =	vst.idx.msk $0xffff, v26  }
0x4c9: {  	v21 =	vld.idx.msk [tilespmem:v23+s20+$0x0], $0xffff  }
0x4ca: {  	v60 =	vld.idx.msk [tilespmem:v24+s20+$0x0], $0xffff  }
0x4cb: {  	v61 =	vld [tilespmem:s0+$0x1F180]  }
0x4cc: {  	v22 =	vld.idx.msk [tilespmem:v22+s20+$0x0], $0xffff  }
0x4cd: {  	v35 =	vor.u32 v19, v39;
	v37 =	vor.u32 v16, v39;
	v45 =	vld [tilespmem:s0+$0x1F190]  }
0x4ce: {  	v63 =	vor.u32 v10, v39;
	v32 =	vor.u32 v17, v39;
	v62 =	vor.u32 v9, v39;
	v46 =	vld [tilespmem:s0+$0x1F1A0]  }
0x4cf: {  	v31 =	vor.u32 v14, v39;
	v29 =	vor.u32 v15, v39;
	v33 =	vor.u32 v18, v39;
	v47 =	vld.idx.msk [tilespmem:v41+s20+$0x0], $0xffff  }
0x4d0: {  	v28 =	vor.u32 v13, v39;
	v27 =	vor.u32 v12, v39;
	v50 =	vld [tilespmem:s0+$0x1F1B0];
	v48 =	vunpack.i.l.bf16.f32 v21  }
0x4d1: {  	v40 =	vld.idx.msk [tilespmem:v40+s20+$0x0], $0xffff;
	v21 =	vunpack.i.u.bf16.f32 v21;
	v49 =	vunpack.i.u.bf16.f32 v60;
	v39 =	vmul.f32 v48, v61  }
0x4d2: {  	v52 =	vld [tilespmem:s0+$0x1F1C0];
	v51 =	vunpack.i.l.bf16.f32 v22;
	v22 =	vunpack.i.u.bf16.f32 v22;
	v21 =	vmul.f32 v21, v61  }
0x4d3: {  	v25 =	vld.idx.msk [tilespmem:v62+s20+$0x0], $0xffff;
	v23 =	vunpack.i.l.bf16.f32 v60;
	v24 =	vmul.f32 v51, v45;
	v39 =	vadd.f32 $0.0e+00, v39  }
0x4d4: {  	v38 =	vld.idx.msk [tilespmem:v38+s20+$0x0], $0xffff;
	v54 =	vunpack.i.u.bf16.f32 v47;
	v22 =	vmul.f32 v22, v45;
	v21 =	vadd.f32 $0.0e+00, v21  }
0x4d5: {  	v55 =	vld [tilespmem:s0+$0x1F1D0];
	v36 =	vunpack.i.l.bf16.f32 v47;
	v23 =	vmul.f32 v23, v46;
	v24 =	vadd.f32 v24, v39  }
0x4d6: {  	v59 =	vld [tilespmem:s0+$0x1F1E0];
	v57 =	vunpack.i.u.bf16.f32 v40;
	v53 =	vmul.f32 v49, v46;
	v21 =	vadd.f32 v22, v21  }
0x4d7: {  	v29 =	vld.idx.msk [tilespmem:v29+s20+$0x0], $0xffff;
	v40 =	vunpack.i.l.bf16.f32 v40;
	v58 =	vmul.f32 v36, v50;
	v23 =	vadd.f32 v23, v24  }
0x4d8: {  	v26 =	vld.idx.msk [tilespmem:v63+s20+$0x0], $0xffff;
	v44 =	vunpack.i.u.bf16.f32 v25;
	v56 =	vmul.f32 v54, v50;
	v21 =	vadd.f32 v53, v21  }
0x4d9: {  	v63 =	vld [tilespmem:s0+$0x1F1F0];
	v60 =	vmul.f32 v57, v52;
	v62 =	vmul.f32 v40, v52;
	v23 =	vadd.f32 v58, v23  }
0x4da: {  	v28 =	vld.idx.msk [tilespmem:v28+s20+$0x0], $0xffff;
	v61 =	vunpack.i.u.bf16.f32 v38;
	v38 =	vunpack.i.l.bf16.f32 v38;
	v21 =	vadd.f32 v56, v21  }
0x4db: {  	v27 =	vld.idx.msk [tilespmem:v27+s20+$0x0], $0xffff;
	v25 =	vunpack.i.l.bf16.f32 v25;
	v45 =	vmul.f32 v38, v55;
	v23 =	vadd.f32 v62, v23  }
0x4dc: {  	v42 =	vunpack.i.l.bf16.f32 v29;
	v46 =	vld [tilespmem:s0+$0x1F200];
	v43 =	vmul.f32 v61, v55;
	v21 =	vadd.f32 v60, v21  }
0x4dd: {  	v31 =	vld.idx.msk [tilespmem:v31+s20+$0x0], $0xffff;
	v47 =	vmul.f32 v44, v59;
	v49 =	vmul.f32 v25, v59;
	v23 =	vadd.f32 v45, v23  }
0x4de: {  	v48 =	vunpack.i.u.bf16.f32 v26;
	v50 =	vld [tilespmem:s0+$0x1F210];
	v26 =	vunpack.i.l.bf16.f32 v26;
	v21 =	vadd.f32 v43, v21  }
0x4df: {  	v51 =	vld.idx.msk [tilespmem:v37+s20+$0x0], $0xffff;
	v52 =	vmul.f32 v48, v63;
	v54 =	vmul.f32 v26, v63;
	v23 =	vadd.f32 v49, v23  }
0x4e0: {  	v55 =	vld [tilespmem:s0+$0x1F220];
	v53 =	vunpack.i.u.bf16.f32 v27;
	v27 =	vunpack.i.l.bf16.f32 v27;
	v21 =	vadd.f32 v47, v21  }
0x4e1: {  	v35 =	vld.idx.msk [tilespmem:v35+s20+$0x0], $0xffff;
	v57 =	vunpack.i.u.bf16.f32 v28;
	v58 =	vmul.f32 v27, v46;
	v23 =	vadd.f32 v54, v23  }
0x4e2: {  	v59 =	vld [tilespmem:s0+$0x1F230];
	v28 =	vunpack.i.l.bf16.f32 v28;
	v56 =	vmul.f32 v53, v46;
	v21 =	vadd.f32 v52, v21  }
0x4e3: {  	v41 =	vld [tilespmem:s0+$0x1F250];
	v48 =	vunpack.i.l.bf16.f32 v31;
	v62 =	vmul.f32 v28, v50;
	v23 =	vadd.f32 v58, v23  }
0x4e4: {  	v63 =	vld [tilespmem:s0+$0x1F240];
	v37 =	vunpack.i.l.bf16.f32 v51;
	v60 =	vmul.f32 v57, v50;
	v21 =	vadd.f32 v56, v21  }
0x4e5: {  	v61 =	vunpack.i.u.bf16.f32 v51;
	v40 =	vmul.f32 v37, v55;
	v23 =	vadd.f32 v62, v23  }
0x4e6: {  	v39 =	vunpack.i.u.bf16.f32 v29;
	v38 =	vmul.f32 v61, v55;
	v21 =	vadd.f32 v60, v21  }
0x4e7: {  	v51 =	vunpack.i.u.bf16.f32 v35;
	v46 =	vmul.f32 v42, v59;
	v43 =	vld.idx.msk [tilespmem:v32+s20+$0x0], $0xffff;
	v23 =	vadd.f32 v40, v23  }
0x4e8: {  	v44 =	vmul.f32 v39, v59;
	v55 =	vmul.f32 v51, v41;
	v47 =	vld [tilespmem:s0+$0x1F260];
	v21 =	vadd.f32 v38, v21  }
0x4e9: {  	v45 =	vunpack.i.u.bf16.f32 v31;
	v49 =	vld.idx.msk [tilespmem:v33+s20+$0x0], $0xffff;
	v52 =	vmul.f32 v48, v63;
	v23 =	vadd.f32 v46, v23  }
0x4ea: {  	v53 =	vunpack.i.l.bf16.f32 v35;
	v50 =	vmul.f32 v45, v63;
	v54 =	vld [tilespmem:s0+$0x1F270];
	v21 =	vadd.f32 v44, v21  }
0x4eb: {  	v57 =	vmul.f32 v53, v41;
	v63 =	vor.u32 v1, v20;
	v23 =	vadd.f32 v52, v23  }
0x4ec: {  	v20 =	vor.u32 v3, v20;
	v58 =	vunpack.i.l.bf16.f32 v43;
	v21 =	vadd.f32 v50, v21  }
0x4ed: {  	v56 =	vunpack.i.u.bf16.f32 v43;
	v61 =	vmul.f32 v58, v47;
	v23 =	vadd.f32 v57, v23  }
0x4ee: {  	s12 =	sadd.s32 $0x1, s12;
	v59 =	vmul.f32 v56, v47;
	v62 =	vunpack.i.l.bf16.f32 v49;
	v21 =	vadd.f32 v55, v21  }
0x4ef: {  	p1 =	sne.s32 s12, $0x8;
	v60 =	vunpack.i.u.bf16.f32 v49;
	v25 =	vmul.f32 v62, v54;
	v23 =	vadd.f32 v61, v23  }
.Ltmp13:
0x4f0: {  	v22 =	vmul.f32 v60, v54;
	v21 =	vadd.f32 v59, v21;
	(pc) =	sbr.rel @p1 .LBB2_27-.Ltmp13, $4  }
0x4f1: {  	v23 =	vadd.f32 v25, v23  }
0x4f2: {  	v21 =	vadd.f32 v22, v21  }
0x4f3: {  	[tilespmem:v63+s29+$0x0] =	vst.idx.msk $0xffff, v23  }
0x4f4: {  	[tilespmem:v20+s29+$0x0] =	vst.idx.msk $0xffff, v21  }
0x4f5: {  	s1 =	sadd.s32 $0x1, s1  }
0x4f6: {  	p1 =	sne.s32 s1, $0x14  }
.Ltmp14:
0x4f7: {  	_ = 	snop;
	(pc) =	sbr.rel @p1 .LBB2_2-.Ltmp14, $3  }
0x4f8: {  	_ =	sdelay $0x1  }
0x4f9: {  	s0 =	sadd.s32 s8, s9  }
0x4fa: {  	[hbm4b:s0+s3] =	stream.linear.scatter [tilespmem:s29], [sflag:$0x3], $0x800, $0x38;
	[tilespmem:$0x1F980] =	vst v63  }
0x4fb: {  	_ =	swait.ge [sflag:s31], $0x800  }
0x4fc: {  	s1 =	rddreg [dreg:$0x8]  }
0x4fd: {  	s0 =	rddreg [dreg:$0x6];
	s1 =	sadd.s32 $0x1, s1  }
0x4fe: {  	p1 =	sne.s32 s1, s0  }
.Ltmp15:
0x4ff: {  	_ = 	snop;
	(pc) =	sbr.rel @p1 .LBB2_1-.Ltmp15, $3  }
0x500: {  	_ =	sdelay $0x1  }
0x501: {  	[sflag:s31] =	ssyncset.done $0x0  }
0x502: {  	[sflag:s31] =	ssyncadd.s32 $0xFFFFF800  }
0x503: {  	_ =	sfence.sel $0x180000  }
0x504: {  	[bflag:$0x0] =	sbarrier.arrive $0xFFFF  }
0x505: {  	_ =	strace $0x90000047  }
0x506: {  	[bflag:$0x2] =	sbarrier.arrive $0xFFFF  }
0x507: {  	s0 =	rddreg [dreg:$0x3]  }
0x508: {  	s0 =	sadd.s32 @!p0 $0x100000, s0  }
0x509: {  	[sflag:s0] =	ssyncadd.tile.s32 @!p0 $0x1;
	_ =	shalt  }
.Lfunc_end2:
_tile_overlayer_lowered:
.L_overlay_start_2:
0x50a: {  	(tag) =	ssettag $0x2  }
0x50b: {  	s0 =	rddreg [dreg:$0x0];
	s2 =	stileid.u32  }
0x50c: {  	s1 =	rddreg [dreg:$0x1];
	p0 =	sne.s32 s2, $0x0  }
0x50d: {  	s3 =	rddreg [dreg:$0x2];
	[bflag:$0x3] =	sbarrier.arrive $0xFFFF;
	s2 =	simm.s32 @!p0 $0x1C04  }
0x50e: {  	[timem:s3], [sflag:s2] =	dma.local @!p0 [hbm:s0], s1  }
0x50f: {  	s0 =	simm.s32 @!p0 $0x4  }
0x510: {  	_ =	swait.ge @!p0 [sflag:s0], s1  }
0x511: {  	s1 =	ssub.s32 @!p0 $0x0, s1;
	[sflag:s0] =	ssyncset.done @!p0 $0x0  }
0x512: {  	[sflag:s0] =	ssyncadd.s32 @!p0 s1  }
0x513: {  	[bflag:$0x3] =	sbarrier.arrive $0xFFFF  }
0x514: {  	_ =	shalt  }

</sc_bundles>
